<compile_context>
chip_gen: v7x
topology: tpu7x:2x2x1
jax: 0.10.2.dev20260603
libtpu: 0.0.44.dev20260713+nightly
codegen_flags: <defaults>
</compile_context>

<pallas_src>
import functools

import jax
import jax.numpy as jnp
from jax import lax
from jax.experimental import pallas as pl
from jax.experimental.pallas import tpu as pltpu
from jax.experimental.pallas import tpu_sc as plsc

B = 16
FD = 24
N = FD * FD * FD
NCH = 108
TOPK = 60
PAD = 64
THRESHOLD = 0.15
NMS_TH = 0.05
NMS_TOPK = 20
STRIDE = 4.0
NBLK = N // 16
NG = NBLK // 16
NROW = NCH * PAD // 128
NEG = float("-inf")


def _worker(b, cls_hbm, shape_hbm, off_hbm, out_hbm, sv, bm, bm2, topn,
            tops, topns, prow, dist, oidx, offg, rowd, outv, loa, hia, vola, sem):
    i16 = jnp.arange(16, dtype=jnp.int32)
    zf = jnp.zeros((16,), jnp.float32)

    pltpu.sync_copy(cls_hbm.at[b], sv)

    for v in range(4):
        topn[pl.ds(v * 16, 16)] = jnp.zeros((16,), jnp.int32)
        tops[pl.ds(v * 16, 16)] = jnp.full((16,), NEG, jnp.float32)
        bm2[pl.ds(v * 16, 16)] = jnp.full((16,), NEG, jnp.float32)

    def bm_tail(j, _):
        bm[pl.ds(NBLK + j * 16, 16)] = jnp.full((16,), NEG, jnp.float32)
        return 0
    lax.fori_loop(0, (1024 - NBLK) // 16, bm_tail, 0)

    def bm_row(g, _):
        base = g * 256
        acc = jnp.full((16,), NEG, jnp.float32)
        for k in range(16):
            acc = jnp.maximum(acc, plsc.load_gather(sv, [base + i16 * 16 + k]))
        bm[pl.ds(g * 16, 16)] = acc
        return 0
    lax.fori_loop(0, NG, bm_row, 0)

    def bm2_row(r, _):
        acc = jnp.full((16,), NEG, jnp.float32)
        for k in range(16):
            acc = jnp.maximum(
                acc, plsc.load_gather(bm, [(r * 16 + i16) * 16 + k]))
        bm2[pl.ds(r * 16, 16)] = acc
        return 0
    lax.fori_loop(0, 4, bm2_row, 0)

    def topk_body(k, _):
        v0 = bm2[pl.ds(0, 16)]
        v1 = bm2[pl.ds(16, 16)]
        v2 = bm2[pl.ds(32, 16)]
        v3 = bm2[pl.ds(48, 16)]
        m = jnp.max(jnp.maximum(jnp.maximum(v0, v1), jnp.maximum(v2, v3)))
        c0 = jnp.min(jnp.where(v0 >= m, i16, 64))
        c1 = jnp.min(jnp.where(v1 >= m, i16 + 16, 64))
        c2 = jnp.min(jnp.where(v2 >= m, i16 + 32, 64))
        c3 = jnp.min(jnp.where(v3 >= m, i16 + 48, 64))
        i2 = jnp.minimum(jnp.minimum(c0, c1), jnp.minimum(c2, c3))
        row = bm[pl.ds(i2 * 16, 16)]
        l1 = jnp.min(jnp.where(row >= m, i16, 16))
        blk = i2 * 16 + l1
        srow = sv[pl.ds(blk * 16, 16)]
        l0 = jnp.min(jnp.where(srow >= m, i16, 16))
        n = blk * 16 + l0
        kk = jnp.full((16,), k, jnp.int32)
        lane0 = i16 == 0
        plsc.store_scatter(topn, [kk], jnp.full((16,), n, jnp.int32),
                           mask=lane0)
        topns[k] = n
        plsc.store_scatter(tops, [kk], jnp.full((16,), m, jnp.float32),
                           mask=lane0)
        ns = jnp.where(i16 == l0, NEG, srow)
        sv[pl.ds(blk * 16, 16)] = ns
        nrow = jnp.where(i16 == l1, jnp.max(ns), row)
        bm[pl.ds(i2 * 16, 16)] = nrow
        nb2 = jnp.max(nrow)
        q = i2 >> 4
        l2 = i2 & 15
        vq = bm2[pl.ds(q * 16, 16)]
        bm2[pl.ds(q * 16, 16)] = jnp.where(i16 == l2, nb2, vq)
        return 0
    lax.fori_loop(0, TOPK, topk_body, 0)

    for j in range(TOPK, PAD):
        topns[j] = 0
    for v in range(4):
        nv = topn[pl.ds(v * 16, 16)]
        prow[pl.ds(v * 16, 16)] = (v * 16 + i16) * 8 + (nv & 7)

    obase = b * 3 * N
    for v in range(16):
        f = v * 16 + i16
        d = f >> 6
        p = f & 63
        nv = plsc.load_gather(topn, [p])
        ok = f < 192
        oidx[pl.ds(v * 16, 16)] = jnp.where(ok, obase + d * N + nv, 0)

    bbase = b * N

    def fire(j, _):
        r0 = pl.multiple_of(bbase + ((topns[j] >> 3) << 3), 8)
        pltpu.async_copy(shape_hbm.at[pl.ds(r0, 8), :],
                         dist.at[pl.ds(j * 8, 8), :], sem)
        return 0
    lax.fori_loop(0, PAD, fire, 0)
    for h in range(2):
        pltpu.async_copy(off_hbm.at[oidx.at[pl.ds(h * 128, 128)]],
                         offg.at[pl.ds(h * 128, 128)], sem)

    def drain(j, _):
        r0 = pl.multiple_of(bbase + ((topns[j] >> 3) << 3), 8)
        pltpu.make_async_copy(shape_hbm.at[pl.ds(r0, 8), :],
                              dist.at[pl.ds(j * 8, 8), :], sem).wait()
        return 0
    lax.fori_loop(0, PAD, drain, 0)
    for h in range(2):
        pltpu.make_async_copy(off_hbm.at[oidx.at[pl.ds(h * 128, 128)]],
                              offg.at[pl.ds(h * 128, 128)], sem).wait()

    s_nms = []
    for v in range(4):
        n = topn[pl.ds(v * 16, 16)]
        logit = tops[pl.ds(v * 16, 16)]
        score = 1.0 / (1.0 + jnp.exp(-logit))
        az = (n // 576).astype(jnp.float32)
        rem = n - (n // 576) * 576
        ay = (rem // 24).astype(jnp.float32)
        ax = (rem - (rem // 24) * 24).astype(jnp.float32)
        ctr = []
        for d, a in enumerate((az, ay, ax)):
            off = offg[pl.ds(d * 64 + v * 16, 16)]
            ctr.append((a + off) * STRIDE)
        szs = []
        for d in range(3):
            pvec = prow[pl.ds(v * 16, 16)]

            def mx_body(kk, m):
                x = plsc.load_gather(
                    dist, [pvec, jnp.full((16,), d * 36 + kk, jnp.int32)])
                return jnp.maximum(m, x)
            m = lax.fori_loop(0, 36, mx_body, jnp.full((16,), NEG,
                                                       jnp.float32))

            def sm_body(kk, c):
                s, a = c
                x = plsc.load_gather(
                    dist, [pvec, jnp.full((16,), d * 36 + kk, jnp.int32)])
                e = jnp.exp(x - m)
                return s + e, a + e * kk.astype(jnp.float32)
            s, a = lax.fori_loop(0, 36, sm_body, (zf, zf))
            szs.append(a / s * STRIDE)
        half = [x * 0.5 for x in szs]
        lo = [c - h for c, h in zip(ctr, half)]
        hi = [c + h for c, h in zip(ctr, half)]
        vol = szs[0] * szs[1] * szs[2]
        for d in range(3):
            loa[pl.ds(d * 64 + v * 16, 16)] = lo[d]
            hia[pl.ds(d * 64 + v * 16, 16)] = hi[d]
        vola[pl.ds(v * 16, 16)] = vol
        rowbase = (v * 16 + i16) * 16
        comps = [jnp.ones((16,), jnp.float32), score,
                 ctr[0], ctr[1], ctr[2], szs[0], szs[1], szs[2],
                 lo[0], lo[1], lo[2], hi[0], hi[1], hi[2], vol]
        for p, val in enumerate(comps):
            plsc.store_scatter(rowd, [rowbase + p], val)
        s_nms.append(jnp.where(score > THRESHOLD, score, NEG))

    def pre(j, _):
        outv[pl.ds(j * 16, 16)] = jnp.full((16,), -1.0, jnp.float32)
        return 0
    lax.fori_loop(0, 30, pre, 0)

    def nms_body(k, s):
        s0, s1, s2, s3 = s
        m = jnp.max(jnp.maximum(jnp.maximum(s0, s1), jnp.maximum(s2, s3)))
        ok = m > NEG
        c0 = jnp.min(jnp.where(s0 >= m, i16, 64))
        c1 = jnp.min(jnp.where(s1 >= m, i16 + 16, 64))
        c2 = jnp.min(jnp.where(s2 >= m, i16 + 32, 64))
        c3 = jnp.min(jnp.where(s3 >= m, i16 + 48, 64))
        i = jnp.minimum(jnp.minimum(c0, c1), jnp.minimum(c2, c3))
        rowvec = rowd[pl.ds(i * 16, 16)]

        def ext(p):
            return jnp.max(jnp.where(i16 == p, rowvec, NEG))
        lo_i = [ext(8), ext(9), ext(10)]
        hi_i = [ext(11), ext(12), ext(13)]
        vol_i = ext(14)
        oks = jnp.full((16,), ok)
        out = []
        for j, sj in enumerate((s0, s1, s2, s3)):
            inter = jnp.ones((16,), jnp.float32)
            for d in range(3):
                lod = loa[pl.ds(d * 64 + j * 16, 16)]
                hid = hia[pl.ds(d * 64 + j * 16, 16)]
                iw = jnp.maximum(jnp.minimum(hi_i[d], hid)
                                 - jnp.maximum(lo_i[d], lod), 0.0)
                inter = inter * iw
            volj = vola[pl.ds(j * 16, 16)]
            iou = inter / (vol_i + volj - inter + 1e-8)
            supp = jnp.logical_or(iou > NMS_TH, (i16 + j * 16) == i)
            s_sup = jnp.where(supp, NEG, sj)
            out.append(jnp.where(oks, s_sup, sj))
        row8 = jnp.where(jnp.logical_and(i16 < 8, oks), rowvec, -1.0)
        plsc.store_scatter(outv, [k * 8 + i16], row8, mask=i16 < 8)
        return tuple(out)
    lax.fori_loop(0, NMS_TOPK, nms_body, tuple(s_nms))

    pltpu.sync_copy(outv, out_hbm.at[b])


def _sc_body(cls_hbm, shape_hbm, off_hbm, out_hbm, sv, bm, bm2, topn, tops,
             topns, prow, dist, oidx, offg, rowd, outv, loa, hia, vola,
             sem):
    wid = lax.axis_index("s") * 2 + lax.axis_index("c")

    @pl.when(wid < B)
    def _():
        _worker(wid, cls_hbm, shape_hbm, off_hbm, out_hbm, sv, bm, bm2,
                topn, tops, topns, prow, dist, oidx, offg, rowd, outv, loa,
                hia, vola, sem)


@jax.jit
def kernel(Cls, Shape, Offset):
    mesh = plsc.VectorSubcoreMesh(core_axis_name="c", subcore_axis_name="s")
    f = functools.partial(
        pl.kernel, mesh=mesh,
        compiler_params=pltpu.CompilerParams(needs_layout_passes=False),
        out_type=jax.ShapeDtypeStruct((B, TOPK * 8), jnp.float32),
        scratch_types=[
            pltpu.VMEM((N,), jnp.float32),
            pltpu.VMEM((1024,), jnp.float32),
            pltpu.VMEM((64,), jnp.float32),
            pltpu.VMEM((64,), jnp.int32),
            pltpu.VMEM((64,), jnp.float32),
            pltpu.SMEM((PAD,), jnp.int32),
            pltpu.VMEM((PAD,), jnp.int32),
            pltpu.VMEM((PAD * 8, NCH), jnp.float32),
            pltpu.VMEM((256,), jnp.int32),
            pltpu.VMEM((256,), jnp.float32),
            pltpu.VMEM((1024,), jnp.float32),
            pltpu.VMEM((TOPK * 8,), jnp.float32),
            pltpu.VMEM((192,), jnp.float32),
            pltpu.VMEM((192,), jnp.float32),
            pltpu.VMEM((64,), jnp.float32),
            pltpu.SemaphoreType.DMA,
        ],
    )(_sc_body)
    out = f(Cls.reshape(B, N),
            Shape.transpose(0, 2, 3, 4, 1).reshape(B * N, NCH),
            Offset.reshape(-1))
    return out.reshape(B, TOPK, 8)

# --- scband reference (transcript-rebuilt; emitter-appended) ---
"""Pipeline reference for scband-detection-postprocess-6700148982189 (READ-ONLY COPY).

The authoritative reference and input builder live on the scoring server;
editing this copy changes nothing except your own understanding.
"""

import jax, jax.numpy as jnp
import numpy as np

TOPK = 60
THRESHOLD = 0.15
NMS_TH = 0.05
NMS_TOPK = 20
CROP = [96, 96, 96]
MAX_REG = 35


def make_anchors(feat_shape, crop_size, offset=0.0):
    _, _, d, h, w = feat_shape
    sz = jnp.arange(d, dtype=jnp.float32) + offset
    sy = jnp.arange(h, dtype=jnp.float32) + offset
    sx = jnp.arange(w, dtype=jnp.float32) + offset
    zz, yy, xx = jnp.meshgrid(sz, sy, sx, indexing='ij')
    anchor_points = jnp.stack([zz, yy, xx], axis=-1).reshape(-1, 3)
    stride = float(crop_size[0]) / d
    stride_tensor = jnp.full((d * h * w, 1), stride, dtype=jnp.float32)
    return anchor_points, stride_tensor


def project(dist):
    b, n, c = dist.shape
    reg_max = c // 3 - 1
    x = jax.nn.softmax(dist.reshape(b, n, 3, reg_max + 1), axis=-1)
    proj = jnp.arange(reg_max + 1, dtype=jnp.float32)
    return (x * proj).sum(-1)


def bbox_decode(anchor_points, pred_offsets, pred_shapes, stride_tensor):
    centers = (anchor_points[None] + pred_offsets) * stride_tensor[None]
    sizes = pred_shapes * stride_tensor[None]
    return jnp.concatenate([centers, sizes], axis=-1)


def iou3d(box, boxes):
    lo1 = box[:3] - box[3:] / 2.0
    hi1 = box[:3] + box[3:] / 2.0
    lo2 = boxes[:, :3] - boxes[:, 3:] / 2.0
    hi2 = boxes[:, :3] + boxes[:, 3:] / 2.0
    inter = np.prod(np.clip(np.minimum(hi1, hi2) - np.maximum(lo1, lo2), 0.0, None), axis=1)
    v1 = np.prod(box[3:])
    v2 = np.prod(boxes[:, 3:], axis=1)
    return inter / (v1 + v2 - inter + 1e-8)


def nms_3D(dets, overlap, top_k):
    # dets: numpy [n, 7] = (score, z, y, x, d, h, w)
    order = np.argsort(-dets[:, 0])
    keep = []
    while order.size > 0 and len(keep) < top_k:
        i = int(order[0])
        keep.append(i)
        if order.size == 1:
            break
        rest = order[1:]
        ious = iou3d(dets[i, 1:], dets[rest, 1:])
        order = rest[ious <= overlap]
    return np.array(keep, dtype=np.int64)


def iou3d_jnp(box, boxes):
    lo1 = box[:3] - box[3:] / 2.0
    hi1 = box[:3] + box[3:] / 2.0
    lo2 = boxes[:, :3] - boxes[:, 3:] / 2.0
    hi2 = boxes[:, :3] + boxes[:, 3:] / 2.0
    inter = jnp.prod(jnp.clip(jnp.minimum(hi1, hi2) - jnp.maximum(lo1, lo2), 0.0, None), axis=1)
    v1 = jnp.prod(box[3:])
    v2 = jnp.prod(boxes[:, 3:], axis=1)
    return inter / (v1 + v2 - inter + 1e-8)


def setup_inputs(seed: int = 0) -> dict:
    key = jax.random.key(seed)
    k1, k2, k3 = jax.random.split(key, 3)
    B, fd = 16, 24
    Cls = jax.random.normal(k1, (B, 1, fd, fd, fd), dtype=jnp.float32)
    Shape = jax.random.normal(k2, (B, 3 * (MAX_REG + 1), fd, fd, fd), dtype=jnp.float32)
    Offset = jax.random.normal(k3, (B, 3, fd, fd, fd), dtype=jnp.float32)
    return {"Cls": Cls, "Shape": Shape, "Offset": Offset}


def reference(Cls, Shape, Offset):
    B = Cls.shape[0]
    anchor_points, stride_tensor = make_anchors(Cls.shape, CROP, 0.0)
    pred_scores = jax.nn.sigmoid(Cls.reshape(B, 1, -1).transpose(0, 2, 1))  # [B, N, 1]
    dist = Shape.reshape(B, 3 * (MAX_REG + 1), -1).transpose(0, 2, 1)        # [B, N, 108]
    pred_shapes = project(dist)                                              # [B, N, 3]
    pred_offsets = Offset.reshape(B, 3, -1).transpose(0, 2, 1)               # [B, N, 3]
    pred_bboxes = bbox_decode(anchor_points, pred_offsets, pred_shapes, stride_tensor)  # [B, N, 6]
    topk_scores, topk_indices = jax.lax.top_k(pred_scores[..., 0], TOPK)

    def _per_sample(ts_j, ti_j, bb_j):
        boxes = bb_j[ti_j]                                   # [TOPK, 6]
        valid = ts_j > THRESHOLD
        s0 = jnp.where(valid, ts_j, -jnp.inf)
        keep_idx0 = jnp.zeros((NMS_TOPK,), dtype=jnp.int32)
        keep_ok0 = jnp.zeros((NMS_TOPK,), dtype=bool)

        def body(k, carry):
            s_cur, keep_idx, keep_ok = carry
            i = jnp.argmax(s_cur).astype(jnp.int32)
            ok = s_cur[i] > -jnp.inf
            ious = iou3d_jnp(boxes[i], boxes)
            s_sup = jnp.where(ious > NMS_TH, -jnp.inf, s_cur).at[i].set(-jnp.inf)
            s_next = jnp.where(ok, s_sup, s_cur)
            keep_idx = keep_idx.at[k].set(i)
            keep_ok = keep_ok.at[k].set(ok)
            return (s_next, keep_idx, keep_ok)

        _, keep_idx, keep_ok = jax.lax.fori_loop(0, NMS_TOPK, body, (s0, keep_idx0, keep_ok0))
        rows = jnp.concatenate(
            [jnp.ones((NMS_TOPK, 1), dtype=jnp.float32), ts_j[keep_idx][:, None], boxes[keep_idx]],
            axis=1,
        )
        rows = jnp.where(keep_ok[:, None], rows, jnp.float32(-1.0))
        out = jnp.full((TOPK, 8), -1.0, dtype=jnp.float32)
        return out.at[:NMS_TOPK].set(rows)

    dets = jax.vmap(_per_sample)(topk_scores, topk_indices, pred_bboxes)
    return dets

if __name__ == "__main__":
    import jax
    _d = setup_inputs()
    print(jax.jit(kernel)(*tuple(_d.values())))

</pallas_src>

<mosaic_0001>
#map = affine_map<(d0, d1) -> (0, 0)>
#map1 = affine_map<(d0, d1) -> (0)>
module attributes {stable_mosaic.version = 14 : i64} {
  func.func @_sc_body(%arg0: i32, %arg1: i32, %arg2: memref<16x13824xf32, #tpu.memory_space<hbm>>, %arg3: memref<221184x108xf32, #tpu.memory_space<hbm>>, %arg4: memref<663552xf32, #tpu.memory_space<hbm>>, %arg5: memref<16x480xf32, #tpu.memory_space<hbm>>, %arg6: memref<13824xf32, #tpu.memory_space<vmem>>, %arg7: memref<1024xf32, #tpu.memory_space<vmem>>, %arg8: memref<64xf32, #tpu.memory_space<vmem>>, %arg9: memref<64xi32, #tpu.memory_space<vmem>>, %arg10: memref<64xf32, #tpu.memory_space<vmem>>, %arg11: memref<64xi32, #tpu.memory_space<smem>>, %arg12: memref<64xi32, #tpu.memory_space<vmem>>, %arg13: memref<512x108xf32, #tpu.memory_space<vmem>>, %arg14: memref<256xi32, #tpu.memory_space<vmem>>, %arg15: memref<256xf32, #tpu.memory_space<vmem>>, %arg16: memref<1024xf32, #tpu.memory_space<vmem>>, %arg17: memref<480xf32, #tpu.memory_space<vmem>>, %arg18: memref<192xf32, #tpu.memory_space<vmem>>, %arg19: memref<192xf32, #tpu.memory_space<vmem>>, %arg20: memref<64xf32, #tpu.memory_space<vmem>>, %arg21: memref<!tpu.dma_semaphore, #tpu.memory_space<semaphore_mem>>) attributes {dimension_semantics = [#tpu.dimension_semantics<core_parallel>, #tpu.dimension_semantics<subcore_parallel>], iteration_bounds = array<i64: 2, 16>, scalar_prefetch = 0 : i64, scratch_operands = 16 : i64, tpu.core_type = #tpu.core_type<sc_vector_subcore>, window_params = [{transform_indices = #map}, {transform_indices = #map}, {transform_indices = #map1}, {transform_indices = #map}]} {
    %mul3A = arith.constant 2 : i32
    %mul3A_0 = arith.muli %arg1, %mul3A : i32
    %add3A = arith.addi %mul3A_0, %arg0 : i32
    %lt3A = arith.constant 16 : i32
    %lt3A_1 = arith.cmpi slt, %add3A, %lt3A : i32
    %convert_element_type3A = arith.extui %lt3A_1 : i1 to i32
    %cond3A = arith.constant 0 : i32
    %cond3A_2 = arith.cmpi ne, %convert_element_type3A, %cond3A : i32
    scf.if %cond3A_2 {
      %iota3A = tpu.iota {dimensions = array<i32: 0>} : vector<16xi32>
      %broadcast_in_dim3A = arith.constant 0.000000e+00 : f32
      %broadcast_in_dim3A_3 = vector.broadcast %broadcast_in_dim3A : f32 to vector<16xf32>
      "tpu.region"() ({
        %run_scoped3A = tpu.sem_alloc : memref<!tpu.dma_semaphore, #tpu.memory_space<semaphore_mem>>
        %dma_start3A_1843 = arith.constant 0 : i32
        %dma_start3A_1844 = tpu.memref_slice %arg2[%add3A, %dma_start3A_1843] : memref<16x13824xf32, #tpu.memory_space<hbm>> -> memref<1x13824xf32, #tpu.memory_space<hbm>>
        %dma_start3A_1845 = tpu.memref_squeeze %dma_start3A_1844 : memref<1x13824xf32, #tpu.memory_space<hbm>> -> memref<13824xf32, #tpu.memory_space<hbm>>
        %dma_start3A_1846 = arith.constant 0 : i32
        %dma_start3A_1847 = tpu.memref_slice %arg2[%add3A, %dma_start3A_1846] : memref<16x13824xf32, #tpu.memory_space<hbm>> -> memref<1x13824xf32, #tpu.memory_space<hbm>>
        %dma_start3A_1848 = tpu.memref_squeeze %dma_start3A_1847 : memref<1x13824xf32, #tpu.memory_space<hbm>> -> memref<13824xf32, #tpu.memory_space<hbm>>
        tpu.enqueue_dma source(%dma_start3A_1848 : memref<13824xf32, #tpu.memory_space<hbm>>) target(%arg6 : memref<13824xf32, #tpu.memory_space<vmem>>) target_semaphore(%run_scoped3A : memref<!tpu.dma_semaphore, #tpu.memory_space<semaphore_mem>>)
        %dma_wait3A_1849 = arith.constant 0 : i32
        %dma_wait3A_1850 = tpu.memref_slice %arg2[%add3A, %dma_wait3A_1849] : memref<16x13824xf32, #tpu.memory_space<hbm>> -> memref<1x13824xf32, #tpu.memory_space<hbm>>
        %dma_wait3A_1851 = tpu.memref_squeeze %dma_wait3A_1850 : memref<1x13824xf32, #tpu.memory_space<hbm>> -> memref<13824xf32, #tpu.memory_space<hbm>>
        %dma_wait3A_1852 = arith.constant 0 : i32
        %dma_wait3A_1853 = tpu.memref_slice %arg2[%add3A, %dma_wait3A_1852] : memref<16x13824xf32, #tpu.memory_space<hbm>> -> memref<1x13824xf32, #tpu.memory_space<hbm>>
        %dma_wait3A_1854 = tpu.memref_squeeze %dma_wait3A_1853 : memref<1x13824xf32, #tpu.memory_space<hbm>> -> memref<13824xf32, #tpu.memory_space<hbm>>
        tpu.wait_dma2 semaphore(%run_scoped3A : memref<!tpu.dma_semaphore, #tpu.memory_space<semaphore_mem>>) src(%dma_wait3A_1854 : memref<13824xf32, #tpu.memory_space<hbm>>) dst(%arg6 : memref<13824xf32, #tpu.memory_space<vmem>>)
        tpu.yield
      }) : () -> ()
      %broadcast_in_dim3A_4 = arith.constant 0 : i32
      %broadcast_in_dim3A_5 = vector.broadcast %broadcast_in_dim3A_4 : i32 to vector<16xi32>
      %swap3A = arith.constant 0 : index
      %swap3A_6 = tpu.vector_load %arg9[%swap3A] {strides = array<i32>} : memref<64xi32, #tpu.memory_space<vmem>>, vector<16xi32>,
      tpu.vector_store %arg9[%swap3A], %broadcast_in_dim3A_5 {strides = array<i32>} : memref<64xi32, #tpu.memory_space<vmem>>, vector<16xi32>,
      %broadcast_in_dim3A_7 = arith.constant 0xFF800000 : f32
      %broadcast_in_dim3A_8 = vector.broadcast %broadcast_in_dim3A_7 : f32 to vector<16xf32>
      %swap3A_9 = arith.constant 0 : index
      %swap3A_10 = tpu.vector_load %arg10[%swap3A_9] {strides = array<i32>} : memref<64xf32, #tpu.memory_space<vmem>>, vector<16xf32>,
      tpu.vector_store %arg10[%swap3A_9], %broadcast_in_dim3A_8 {strides = array<i32>} : memref<64xf32, #tpu.memory_space<vmem>>, vector<16xf32>,
      %broadcast_in_dim3A_11 = arith.constant 0xFF800000 : f32
      %broadcast_in_dim3A_12 = vector.broadcast %broadcast_in_dim3A_11 : f32 to vector<16xf32>
      %swap3A_13 = arith.constant 0 : index
      %swap3A_14 = tpu.vector_load %arg8[%swap3A_13] {strides = array<i32>} : memref<64xf32, #tpu.memory_space<vmem>>, vector<16xf32>,
      tpu.vector_store %arg8[%swap3A_13], %broadcast_in_dim3A_12 {strides = array<i32>} : memref<64xf32, #tpu.memory_space<vmem>>, vector<16xf32>,
      %broadcast_in_dim3A_15 = arith.constant 0 : i32
      %broadcast_in_dim3A_16 = vector.broadcast %broadcast_in_dim3A_15 : i32 to vector<16xi32>
      %swap3A_17 = arith.constant 16 : index
      %swap3A_18 = tpu.vector_load %arg9[%swap3A_17] {strides = array<i32>} : memref<64xi32, #tpu.memory_space<vmem>>, vector<16xi32>,
      tpu.vector_store %arg9[%swap3A_17], %broadcast_in_dim3A_16 {strides = array<i32>} : memref<64xi32, #tpu.memory_space<vmem>>, vector<16xi32>,
      %broadcast_in_dim3A_19 = arith.constant 0xFF800000 : f32
      %broadcast_in_dim3A_20 = vector.broadcast %broadcast_in_dim3A_19 : f32 to vector<16xf32>
      %swap3A_21 = arith.constant 16 : index
      %swap3A_22 = tpu.vector_load %arg10[%swap3A_21] {strides = array<i32>} : memref<64xf32, #tpu.memory_space<vmem>>, vector<16xf32>,
      tpu.vector_store %arg10[%swap3A_21], %broadcast_in_dim3A_20 {strides = array<i32>} : memref<64xf32, #tpu.memory_space<vmem>>, vector<16xf32>,
      %broadcast_in_dim3A_23 = arith.constant 0xFF800000 : f32
      %broadcast_in_dim3A_24 = vector.broadcast %broadcast_in_dim3A_23 : f32 to vector<16xf32>
      %swap3A_25 = arith.constant 16 : index
      %swap3A_26 = tpu.vector_load %arg8[%swap3A_25] {strides = array<i32>} : memref<64xf32, #tpu.memory_space<vmem>>, vector<16xf32>,
      tpu.vector_store %arg8[%swap3A_25], %broadcast_in_dim3A_24 {strides = array<i32>} : memref<64xf32, #tpu.memory_space<vmem>>, vector<16xf32>,
      %broadcast_in_dim3A_27 = arith.constant 0 : i32
      %broadcast_in_dim3A_28 = vector.broadcast %broadcast_in_dim3A_27 : i32 to vector<16xi32>
      %swap3A_29 = arith.constant 32 : index
      %swap3A_30 = tpu.vector_load %arg9[%swap3A_29] {strides = array<i32>} : memref<64xi32, #tpu.memory_space<vmem>>, vector<16xi32>,
      tpu.vector_store %arg9[%swap3A_29], %broadcast_in_dim3A_28 {strides = array<i32>} : memref<64xi32, #tpu.memory_space<vmem>>, vector<16xi32>,
      %broadcast_in_dim3A_31 = arith.constant 0xFF800000 : f32
      %broadcast_in_dim3A_32 = vector.broadcast %broadcast_in_dim3A_31 : f32 to vector<16xf32>
      %swap3A_33 = arith.constant 32 : index
      %swap3A_34 = tpu.vector_load %arg10[%swap3A_33] {strides = array<i32>} : memref<64xf32, #tpu.memory_space<vmem>>, vector<16xf32>,
      tpu.vector_store %arg10[%swap3A_33], %broadcast_in_dim3A_32 {strides = array<i32>} : memref<64xf32, #tpu.memory_space<vmem>>, vector<16xf32>,
      %broadcast_in_dim3A_35 = arith.constant 0xFF800000 : f32
      %broadcast_in_dim3A_36 = vector.broadcast %broadcast_in_dim3A_35 : f32 to vector<16xf32>
      %swap3A_37 = arith.constant 32 : index
      %swap3A_38 = tpu.vector_load %arg8[%swap3A_37] {strides = array<i32>} : memref<64xf32, #tpu.memory_space<vmem>>, vector<16xf32>,
      tpu.vector_store %arg8[%swap3A_37], %broadcast_in_dim3A_36 {strides = array<i32>} : memref<64xf32, #tpu.memory_space<vmem>>, vector<16xf32>,
      %broadcast_in_dim3A_39 = arith.constant 0 : i32
      %broadcast_in_dim3A_40 = vector.broadcast %broadcast_in_dim3A_39 : i32 to vector<16xi32>
      %swap3A_41 = arith.constant 48 : index
      %swap3A_42 = tpu.vector_load %arg9[%swap3A_41] {strides = array<i32>} : memref<64xi32, #tpu.memory_space<vmem>>, vector<16xi32>,
      tpu.vector_store %arg9[%swap3A_41], %broadcast_in_dim3A_40 {strides = array<i32>} : memref<64xi32, #tpu.memory_space<vmem>>, vector<16xi32>,
      %broadcast_in_dim3A_43 = arith.constant 0xFF800000 : f32
      %broadcast_in_dim3A_44 = vector.broadcast %broadcast_in_dim3A_43 : f32 to vector<16xf32>
      %swap3A_45 = arith.constant 48 : index
      %swap3A_46 = tpu.vector_load %arg10[%swap3A_45] {strides = array<i32>} : memref<64xf32, #tpu.memory_space<vmem>>, vector<16xf32>,
      tpu.vector_store %arg10[%swap3A_45], %broadcast_in_dim3A_44 {strides = array<i32>} : memref<64xf32, #tpu.memory_space<vmem>>, vector<16xf32>,
      %broadcast_in_dim3A_47 = arith.constant 0xFF800000 : f32
      %broadcast_in_dim3A_48 = vector.broadcast %broadcast_in_dim3A_47 : f32 to vector<16xf32>
      %swap3A_49 = arith.constant 48 : index
      %swap3A_50 = tpu.vector_load %arg8[%swap3A_49] {strides = array<i32>} : memref<64xf32, #tpu.memory_space<vmem>>, vector<16xf32>,
      tpu.vector_store %arg8[%swap3A_49], %broadcast_in_dim3A_48 {strides = array<i32>} : memref<64xf32, #tpu.memory_space<vmem>>, vector<16xf32>,
      %scan3A = arith.constant 0 : i32
      %scan3A_51 = arith.constant 0 : i32
      %scan3A_52 = arith.constant 10 : i32
      %scan3A_53 = arith.addi %scan3A_51, %scan3A_52 : i32
      %scan3A_54 = arith.constant 1 : i32
      %scan3A_55 = scf.for %scan3A_1843 = %scan3A_51 to %scan3A_53 step %scan3A_54 iter_args(%scan3A_1844 = %scan3A) -> (i32)  : i32 {
        %broadcast_in_dim3A_1845 = arith.constant 0xFF800000 : f32
        %broadcast_in_dim3A_1846 = vector.broadcast %broadcast_in_dim3A_1845 : f32 to vector<16xf32>
        %mul3A_1847 = arith.constant 16 : i32
        %mul3A_1848 = arith.muli %scan3A_1843, %mul3A_1847 : i32
        %add3A_1849 = arith.constant 864 : i32
        %add3A_1850 = arith.addi %add3A_1849, %mul3A_1848 : i32
        %swap3A_1851 = arith.index_cast %add3A_1850 : i32 to index
        %swap3A_1852 = tpu.vector_load %arg7[%swap3A_1851] {strides = array<i32>} : memref<1024xf32, #tpu.memory_space<vmem>>, vector<16xf32>,
        tpu.vector_store %arg7[%swap3A_1851], %broadcast_in_dim3A_1846 {strides = array<i32>} : memref<1024xf32, #tpu.memory_space<vmem>>, vector<16xf32>,
        %scan3A_1853 = arith.constant 0 : i32
        scf.yield %scan3A_1853 : i32
      }
      %scan3A_56 = arith.constant 10 : i32
      %scan3A_57 = arith.constant 0 : i32
      %scan3A_58 = arith.constant 0 : i32
      %scan3A_59 = arith.constant 54 : i32
      %scan3A_60 = arith.addi %scan3A_58, %scan3A_59 : i32
      %scan3A_61 = arith.constant 1 : i32
      %scan3A_62 = scf.for %scan3A_1843 = %scan3A_58 to %scan3A_60 step %scan3A_61 iter_args(%scan3A_1844 = %scan3A_57) -> (i32)  : i32 {
        %mul3A_1845 = arith.constant 256 : i32
        %mul3A_1846 = arith.muli %scan3A_1843, %mul3A_1845 : i32
        %broadcast_in_dim3A_1847 = arith.constant 0xFF800000 : f32
        %broadcast_in_dim3A_1848 = vector.broadcast %broadcast_in_dim3A_1847 : f32 to vector<16xf32>
        %mul3A_1849 = arith.constant 16 : i32
        %mul3A_1850 = vector.broadcast %mul3A_1849 : i32 to vector<16xi32>
        %mul3A_1851 = arith.muli %iota3A, %mul3A_1850 : vector<16xi32>
        %add3A_1852 = vector.broadcast %mul3A_1846 : i32 to vector<16xi32>
        %add3A_1853 = arith.addi %add3A_1852, %mul3A_1851 : vector<16xi32>
        %add3A_1854 = arith.constant 0 : i32
        %add3A_1855 = vector.broadcast %add3A_1854 : i32 to vector<16xi32>
        %add3A_1856 = arith.addi %add3A_1853, %add3A_1855 : vector<16xi32>
        %gather3A_1857 = tpu.vector_load_idx %arg6[%add3A_1856] : memref<13824xf32, #tpu.memory_space<vmem>>[vector<16xi32>], vector<16xf32>,
        %max3A = arith.maximumf %broadcast_in_dim3A_1848, %gather3A_1857 : vector<16xf32>
        %mul3A_1858 = arith.constant 16 : i32
        %mul3A_1859 = vector.broadcast %mul3A_1858 : i32 to vector<16xi32>
        %mul3A_1860 = arith.muli %iota3A, %mul3A_1859 : vector<16xi32>
        %add3A_1861 = vector.broadcast %mul3A_1846 : i32 to vector<16xi32>
        %add3A_1862 = arith.addi %add3A_1861, %mul3A_1860 : vector<16xi32>
        %add3A_1863 = arith.constant 1 : i32
        %add3A_1864 = vector.broadcast %add3A_1863 : i32 to vector<16xi32>
        %add3A_1865 = arith.addi %add3A_1862, %add3A_1864 : vector<16xi32>
        %gather3A_1866 = tpu.vector_load_idx %arg6[%add3A_1865] : memref<13824xf32, #tpu.memory_space<vmem>>[vector<16xi32>], vector<16xf32>,
        %max3A_1867 = arith.maximumf %max3A, %gather3A_1866 : vector<16xf32>
        %mul3A_1868 = arith.constant 16 : i32
        %mul3A_1869 = vector.broadcast %mul3A_1868 : i32 to vector<16xi32>
        %mul3A_1870 = arith.muli %iota3A, %mul3A_1869 : vector<16xi32>
        %add3A_1871 = vector.broadcast %mul3A_1846 : i32 to vector<16xi32>
        %add3A_1872 = arith.addi %add3A_1871, %mul3A_1870 : vector<16xi32>
        %add3A_1873 = arith.constant 2 : i32
        %add3A_1874 = vector.broadcast %add3A_1873 : i32 to vector<16xi32>
        %add3A_1875 = arith.addi %add3A_1872, %add3A_1874 : vector<16xi32>
        %gather3A_1876 = tpu.vector_load_idx %arg6[%add3A_1875] : memref<13824xf32, #tpu.memory_space<vmem>>[vector<16xi32>], vector<16xf32>,
        %max3A_1877 = arith.maximumf %max3A_1867, %gather3A_1876 : vector<16xf32>
        %mul3A_1878 = arith.constant 16 : i32
        %mul3A_1879 = vector.broadcast %mul3A_1878 : i32 to vector<16xi32>
        %mul3A_1880 = arith.muli %iota3A, %mul3A_1879 : vector<16xi32>
        %add3A_1881 = vector.broadcast %mul3A_1846 : i32 to vector<16xi32>
        %add3A_1882 = arith.addi %add3A_1881, %mul3A_1880 : vector<16xi32>
        %add3A_1883 = arith.constant 3 : i32
        %add3A_1884 = vector.broadcast %add3A_1883 : i32 to vector<16xi32>
        %add3A_1885 = arith.addi %add3A_1882, %add3A_1884 : vector<16xi32>
        %gather3A_1886 = tpu.vector_load_idx %arg6[%add3A_1885] : memref<13824xf32, #tpu.memory_space<vmem>>[vector<16xi32>], vector<16xf32>,
        %max3A_1887 = arith.maximumf %max3A_1877, %gather3A_1886 : vector<16xf32>
        %mul3A_1888 = arith.constant 16 : i32
        %mul3A_1889 = vector.broadcast %mul3A_1888 : i32 to vector<16xi32>
        %mul3A_1890 = arith.muli %iota3A, %mul3A_1889 : vector<16xi32>
        %add3A_1891 = vector.broadcast %mul3A_1846 : i32 to vector<16xi32>
        %add3A_1892 = arith.addi %add3A_1891, %mul3A_1890 : vector<16xi32>
        %add3A_1893 = arith.constant 4 : i32
        %add3A_1894 = vector.broadcast %add3A_1893 : i32 to vector<16xi32>
        %add3A_1895 = arith.addi %add3A_1892, %add3A_1894 : vector<16xi32>
        %gather3A_1896 = tpu.vector_load_idx %arg6[%add3A_1895] : memref<13824xf32, #tpu.memory_space<vmem>>[vector<16xi32>], vector<16xf32>,
        %max3A_1897 = arith.maximumf %max3A_1887, %gather3A_1896 : vector<16xf32>
        %mul3A_1898 = arith.constant 16 : i32
        %mul3A_1899 = vector.broadcast %mul3A_1898 : i32 to vector<16xi32>
        %mul3A_1900 = arith.muli %iota3A, %mul3A_1899 : vector<16xi32>
        %add3A_1901 = vector.broadcast %mul3A_1846 : i32 to vector<16xi32>
        %add3A_1902 = arith.addi %add3A_1901, %mul3A_1900 : vector<16xi32>
        %add3A_1903 = arith.constant 5 : i32
        %add3A_1904 = vector.broadcast %add3A_1903 : i32 to vector<16xi32>
        %add3A_1905 = arith.addi %add3A_1902, %add3A_1904 : vector<16xi32>
        %gather3A_1906 = tpu.vector_load_idx %arg6[%add3A_1905] : memref<13824xf32, #tpu.memory_space<vmem>>[vector<16xi32>], vector<16xf32>,
        %max3A_1907 = arith.maximumf %max3A_1897, %gather3A_1906 : vector<16xf32>
        %mul3A_1908 = arith.constant 16 : i32
        %mul3A_1909 = vector.broadcast %mul3A_1908 : i32 to vector<16xi32>
        %mul3A_1910 = arith.muli %iota3A, %mul3A_1909 : vector<16xi32>
        %add3A_1911 = vector.broadcast %mul3A_1846 : i32 to vector<16xi32>
        %add3A_1912 = arith.addi %add3A_1911, %mul3A_1910 : vector<16xi32>
        %add3A_1913 = arith.constant 6 : i32
        %add3A_1914 = vector.broadcast %add3A_1913 : i32 to vector<16xi32>
        %add3A_1915 = arith.addi %add3A_1912, %add3A_1914 : vector<16xi32>
        %gather3A_1916 = tpu.vector_load_idx %arg6[%add3A_1915] : memref<13824xf32, #tpu.memory_space<vmem>>[vector<16xi32>], vector<16xf32>,
        %max3A_1917 = arith.maximumf %max3A_1907, %gather3A_1916 : vector<16xf32>
        %mul3A_1918 = arith.constant 16 : i32
        %mul3A_1919 = vector.broadcast %mul3A_1918 : i32 to vector<16xi32>
        %mul3A_1920 = arith.muli %iota3A, %mul3A_1919 : vector<16xi32>
        %add3A_1921 = vector.broadcast %mul3A_1846 : i32 to vector<16xi32>
        %add3A_1922 = arith.addi %add3A_1921, %mul3A_1920 : vector<16xi32>
        %add3A_1923 = arith.constant 7 : i32
        %add3A_1924 = vector.broadcast %add3A_1923 : i32 to vector<16xi32>
        %add3A_1925 = arith.addi %add3A_1922, %add3A_1924 : vector<16xi32>
        %gather3A_1926 = tpu.vector_load_idx %arg6[%add3A_1925] : memref<13824xf32, #tpu.memory_space<vmem>>[vector<16xi32>], vector<16xf32>,
        %max3A_1927 = arith.maximumf %max3A_1917, %gather3A_1926 : vector<16xf32>
        %mul3A_1928 = arith.constant 16 : i32
        %mul3A_1929 = vector.broadcast %mul3A_1928 : i32 to vector<16xi32>
        %mul3A_1930 = arith.muli %iota3A, %mul3A_1929 : vector<16xi32>
        %add3A_1931 = vector.broadcast %mul3A_1846 : i32 to vector<16xi32>
        %add3A_1932 = arith.addi %add3A_1931, %mul3A_1930 : vector<16xi32>
        %add3A_1933 = arith.constant 8 : i32
        %add3A_1934 = vector.broadcast %add3A_1933 : i32 to vector<16xi32>
        %add3A_1935 = arith.addi %add3A_1932, %add3A_1934 : vector<16xi32>
        %gather3A_1936 = tpu.vector_load_idx %arg6[%add3A_1935] : memref<13824xf32, #tpu.memory_space<vmem>>[vector<16xi32>], vector<16xf32>,
        %max3A_1937 = arith.maximumf %max3A_1927, %gather3A_1936 : vector<16xf32>
        %mul3A_1938 = arith.constant 16 : i32
        %mul3A_1939 = vector.broadcast %mul3A_1938 : i32 to vector<16xi32>
        %mul3A_1940 = arith.muli %iota3A, %mul3A_1939 : vector<16xi32>
        %add3A_1941 = vector.broadcast %mul3A_1846 : i32 to vector<16xi32>
        %add3A_1942 = arith.addi %add3A_1941, %mul3A_1940 : vector<16xi32>
        %add3A_1943 = arith.constant 9 : i32
        %add3A_1944 = vector.broadcast %add3A_1943 : i32 to vector<16xi32>
        %add3A_1945 = arith.addi %add3A_1942, %add3A_1944 : vector<16xi32>
        %gather3A_1946 = tpu.vector_load_idx %arg6[%add3A_1945] : memref<13824xf32, #tpu.memory_space<vmem>>[vector<16xi32>], vector<16xf32>,
        %max3A_1947 = arith.maximumf %max3A_1937, %gather3A_1946 : vector<16xf32>
        %mul3A_1948 = arith.constant 16 : i32
        %mul3A_1949 = vector.broadcast %mul3A_1948 : i32 to vector<16xi32>
        %mul3A_1950 = arith.muli %iota3A, %mul3A_1949 : vector<16xi32>
        %add3A_1951 = vector.broadcast %mul3A_1846 : i32 to vector<16xi32>
        %add3A_1952 = arith.addi %add3A_1951, %mul3A_1950 : vector<16xi32>
        %add3A_1953 = arith.constant 10 : i32
        %add3A_1954 = vector.broadcast %add3A_1953 : i32 to vector<16xi32>
        %add3A_1955 = arith.addi %add3A_1952, %add3A_1954 : vector<16xi32>
        %gather3A_1956 = tpu.vector_load_idx %arg6[%add3A_1955] : memref<13824xf32, #tpu.memory_space<vmem>>[vector<16xi32>], vector<16xf32>,
        %max3A_1957 = arith.maximumf %max3A_1947, %gather3A_1956 : vector<16xf32>
        %mul3A_1958 = arith.constant 16 : i32
        %mul3A_1959 = vector.broadcast %mul3A_1958 : i32 to vector<16xi32>
        %mul3A_1960 = arith.muli %iota3A, %mul3A_1959 : vector<16xi32>
        %add3A_1961 = vector.broadcast %mul3A_1846 : i32 to vector<16xi32>
        %add3A_1962 = arith.addi %add3A_1961, %mul3A_1960 : vector<16xi32>
        %add3A_1963 = arith.constant 11 : i32
        %add3A_1964 = vector.broadcast %add3A_1963 : i32 to vector<16xi32>
        %add3A_1965 = arith.addi %add3A_1962, %add3A_1964 : vector<16xi32>
        %gather3A_1966 = tpu.vector_load_idx %arg6[%add3A_1965] : memref<13824xf32, #tpu.memory_space<vmem>>[vector<16xi32>], vector<16xf32>,
        %max3A_1967 = arith.maximumf %max3A_1957, %gather3A_1966 : vector<16xf32>
        %mul3A_1968 = arith.constant 16 : i32
        %mul3A_1969 = vector.broadcast %mul3A_1968 : i32 to vector<16xi32>
        %mul3A_1970 = arith.muli %iota3A, %mul3A_1969 : vector<16xi32>
        %add3A_1971 = vector.broadcast %mul3A_1846 : i32 to vector<16xi32>
        %add3A_1972 = arith.addi %add3A_1971, %mul3A_1970 : vector<16xi32>
        %add3A_1973 = arith.constant 12 : i32
        %add3A_1974 = vector.broadcast %add3A_1973 : i32 to vector<16xi32>
        %add3A_1975 = arith.addi %add3A_1972, %add3A_1974 : vector<16xi32>
        %gather3A_1976 = tpu.vector_load_idx %arg6[%add3A_1975] : memref<13824xf32, #tpu.memory_space<vmem>>[vector<16xi32>], vector<16xf32>,
        %max3A_1977 = arith.maximumf %max3A_1967, %gather3A_1976 : vector<16xf32>
        %mul3A_1978 = arith.constant 16 : i32
        %mul3A_1979 = vector.broadcast %mul3A_1978 : i32 to vector<16xi32>
        %mul3A_1980 = arith.muli %iota3A, %mul3A_1979 : vector<16xi32>
        %add3A_1981 = vector.broadcast %mul3A_1846 : i32 to vector<16xi32>
        %add3A_1982 = arith.addi %add3A_1981, %mul3A_1980 : vector<16xi32>
        %add3A_1983 = arith.constant 13 : i32
        %add3A_1984 = vector.broadcast %add3A_1983 : i32 to vector<16xi32>
        %add3A_1985 = arith.addi %add3A_1982, %add3A_1984 : vector<16xi32>
        %gather3A_1986 = tpu.vector_load_idx %arg6[%add3A_1985] : memref<13824xf32, #tpu.memory_space<vmem>>[vector<16xi32>], vector<16xf32>,
        %max3A_1987 = arith.maximumf %max3A_1977, %gather3A_1986 : vector<16xf32>
        %mul3A_1988 = arith.constant 16 : i32
        %mul3A_1989 = vector.broadcast %mul3A_1988 : i32 to vector<16xi32>
        %mul3A_1990 = arith.muli %iota3A, %mul3A_1989 : vector<16xi32>
        %add3A_1991 = vector.broadcast %mul3A_1846 : i32 to vector<16xi32>
        %add3A_1992 = arith.addi %add3A_1991, %mul3A_1990 : vector<16xi32>
        %add3A_1993 = arith.constant 14 : i32
        %add3A_1994 = vector.broadcast %add3A_1993 : i32 to vector<16xi32>
        %add3A_1995 = arith.addi %add3A_1992, %add3A_1994 : vector<16xi32>
        %gather3A_1996 = tpu.vector_load_idx %arg6[%add3A_1995] : memref<13824xf32, #tpu.memory_space<vmem>>[vector<16xi32>], vector<16xf32>,
        %max3A_1997 = arith.maximumf %max3A_1987, %gather3A_1996 : vector<16xf32>
        %mul3A_1998 = arith.constant 16 : i32
        %mul3A_1999 = vector.broadcast %mul3A_1998 : i32 to vector<16xi32>
        %mul3A_2000 = arith.muli %iota3A, %mul3A_1999 : vector<16xi32>
        %add3A_2001 = vector.broadcast %mul3A_1846 : i32 to vector<16xi32>
        %add3A_2002 = arith.addi %add3A_2001, %mul3A_2000 : vector<16xi32>
        %add3A_2003 = arith.constant 15 : i32
        %add3A_2004 = vector.broadcast %add3A_2003 : i32 to vector<16xi32>
        %add3A_2005 = arith.addi %add3A_2002, %add3A_2004 : vector<16xi32>
        %gather3A_2006 = tpu.vector_load_idx %arg6[%add3A_2005] : memref<13824xf32, #tpu.memory_space<vmem>>[vector<16xi32>], vector<16xf32>,
        %max3A_2007 = arith.maximumf %max3A_1997, %gather3A_2006 : vector<16xf32>
        %mul3A_2008 = arith.constant 16 : i32
        %mul3A_2009 = arith.muli %scan3A_1843, %mul3A_2008 : i32
        %swap3A_2010 = arith.index_cast %mul3A_2009 : i32 to index
        %swap3A_2011 = tpu.vector_load %arg7[%swap3A_2010] {strides = array<i32>} : memref<1024xf32, #tpu.memory_space<vmem>>, vector<16xf32>,
        tpu.vector_store %arg7[%swap3A_2010], %max3A_2007 {strides = array<i32>} : memref<1024xf32, #tpu.memory_space<vmem>>, vector<16xf32>,
        %scan3A_2012 = arith.constant 0 : i32
        scf.yield %scan3A_2012 : i32
      }
      %scan3A_63 = arith.constant 54 : i32
      %scan3A_64 = arith.constant 0 : i32
      %scan3A_65 = arith.constant 0 : i32
      %scan3A_66 = arith.constant 4 : i32
      %scan3A_67 = arith.addi %scan3A_65, %scan3A_66 : i32
      %scan3A_68 = arith.constant 1 : i32
      %scan3A_69 = scf.for %scan3A_1843 = %scan3A_65 to %scan3A_67 step %scan3A_68 iter_args(%scan3A_1844 = %scan3A_64) -> (i32)  : i32 {
        %broadcast_in_dim3A_1845 = arith.constant 0xFF800000 : f32
        %broadcast_in_dim3A_1846 = vector.broadcast %broadcast_in_dim3A_1845 : f32 to vector<16xf32>
        %mul3A_1847 = arith.constant 16 : i32
        %mul3A_1848 = arith.muli %scan3A_1843, %mul3A_1847 : i32
        %add3A_1849 = vector.broadcast %mul3A_1848 : i32 to vector<16xi32>
        %add3A_1850 = arith.addi %add3A_1849, %iota3A : vector<16xi32>
        %mul3A_1851 = arith.constant 16 : i32
        %mul3A_1852 = vector.broadcast %mul3A_1851 : i32 to vector<16xi32>
        %mul3A_1853 = arith.muli %add3A_1850, %mul3A_1852 : vector<16xi32>
        %add3A_1854 = arith.constant 0 : i32
        %add3A_1855 = vector.broadcast %add3A_1854 : i32 to vector<16xi32>
        %add3A_1856 = arith.addi %mul3A_1853, %add3A_1855 : vector<16xi32>
        %gather3A_1857 = tpu.vector_load_idx %arg7[%add3A_1856] : memref<1024xf32, #tpu.memory_space<vmem>>[vector<16xi32>], vector<16xf32>,
        %max3A = arith.maximumf %broadcast_in_dim3A_1846, %gather3A_1857 : vector<16xf32>
        %mul3A_1858 = arith.constant 16 : i32
        %mul3A_1859 = arith.muli %scan3A_1843, %mul3A_1858 : i32
        %add3A_1860 = vector.broadcast %mul3A_1859 : i32 to vector<16xi32>
        %add3A_1861 = arith.addi %add3A_1860, %iota3A : vector<16xi32>
        %mul3A_1862 = arith.constant 16 : i32
        %mul3A_1863 = vector.broadcast %mul3A_1862 : i32 to vector<16xi32>
        %mul3A_1864 = arith.muli %add3A_1861, %mul3A_1863 : vector<16xi32>
        %add3A_1865 = arith.constant 1 : i32
        %add3A_1866 = vector.broadcast %add3A_1865 : i32 to vector<16xi32>
        %add3A_1867 = arith.addi %mul3A_1864, %add3A_1866 : vector<16xi32>
        %gather3A_1868 = tpu.vector_load_idx %arg7[%add3A_1867] : memref<1024xf32, #tpu.memory_space<vmem>>[vector<16xi32>], vector<16xf32>,
        %max3A_1869 = arith.maximumf %max3A, %gather3A_1868 : vector<16xf32>
        %mul3A_1870 = arith.constant 16 : i32
        %mul3A_1871 = arith.muli %scan3A_1843, %mul3A_1870 : i32
        %add3A_1872 = vector.broadcast %mul3A_1871 : i32 to vector<16xi32>
        %add3A_1873 = arith.addi %add3A_1872, %iota3A : vector<16xi32>
        %mul3A_1874 = arith.constant 16 : i32
        %mul3A_1875 = vector.broadcast %mul3A_1874 : i32 to vector<16xi32>
        %mul3A_1876 = arith.muli %add3A_1873, %mul3A_1875 : vector<16xi32>
        %add3A_1877 = arith.constant 2 : i32
        %add3A_1878 = vector.broadcast %add3A_1877 : i32 to vector<16xi32>
        %add3A_1879 = arith.addi %mul3A_1876, %add3A_1878 : vector<16xi32>
        %gather3A_1880 = tpu.vector_load_idx %arg7[%add3A_1879] : memref<1024xf32, #tpu.memory_space<vmem>>[vector<16xi32>], vector<16xf32>,
        %max3A_1881 = arith.maximumf %max3A_1869, %gather3A_1880 : vector<16xf32>
        %mul3A_1882 = arith.constant 16 : i32
        %mul3A_1883 = arith.muli %scan3A_1843, %mul3A_1882 : i32
        %add3A_1884 = vector.broadcast %mul3A_1883 : i32 to vector<16xi32>
        %add3A_1885 = arith.addi %add3A_1884, %iota3A : vector<16xi32>
        %mul3A_1886 = arith.constant 16 : i32
        %mul3A_1887 = vector.broadcast %mul3A_1886 : i32 to vector<16xi32>
        %mul3A_1888 = arith.muli %add3A_1885, %mul3A_1887 : vector<16xi32>
        %add3A_1889 = arith.constant 3 : i32
        %add3A_1890 = vector.broadcast %add3A_1889 : i32 to vector<16xi32>
        %add3A_1891 = arith.addi %mul3A_1888, %add3A_1890 : vector<16xi32>
        %gather3A_1892 = tpu.vector_load_idx %arg7[%add3A_1891] : memref<1024xf32, #tpu.memory_space<vmem>>[vector<16xi32>], vector<16xf32>,
        %max3A_1893 = arith.maximumf %max3A_1881, %gather3A_1892 : vector<16xf32>
        %mul3A_1894 = arith.constant 16 : i32
        %mul3A_1895 = arith.muli %scan3A_1843, %mul3A_1894 : i32
        %add3A_1896 = vector.broadcast %mul3A_1895 : i32 to vector<16xi32>
        %add3A_1897 = arith.addi %add3A_1896, %iota3A : vector<16xi32>
        %mul3A_1898 = arith.constant 16 : i32
        %mul3A_1899 = vector.broadcast %mul3A_1898 : i32 to vector<16xi32>
        %mul3A_1900 = arith.muli %add3A_1897, %mul3A_1899 : vector<16xi32>
        %add3A_1901 = arith.constant 4 : i32
        %add3A_1902 = vector.broadcast %add3A_1901 : i32 to vector<16xi32>
        %add3A_1903 = arith.addi %mul3A_1900, %add3A_1902 : vector<16xi32>
        %gather3A_1904 = tpu.vector_load_idx %arg7[%add3A_1903] : memref<1024xf32, #tpu.memory_space<vmem>>[vector<16xi32>], vector<16xf32>,
        %max3A_1905 = arith.maximumf %max3A_1893, %gather3A_1904 : vector<16xf32>
        %mul3A_1906 = arith.constant 16 : i32
        %mul3A_1907 = arith.muli %scan3A_1843, %mul3A_1906 : i32
        %add3A_1908 = vector.broadcast %mul3A_1907 : i32 to vector<16xi32>
        %add3A_1909 = arith.addi %add3A_1908, %iota3A : vector<16xi32>
        %mul3A_1910 = arith.constant 16 : i32
        %mul3A_1911 = vector.broadcast %mul3A_1910 : i32 to vector<16xi32>
        %mul3A_1912 = arith.muli %add3A_1909, %mul3A_1911 : vector<16xi32>
        %add3A_1913 = arith.constant 5 : i32
        %add3A_1914 = vector.broadcast %add3A_1913 : i32 to vector<16xi32>
        %add3A_1915 = arith.addi %mul3A_1912, %add3A_1914 : vector<16xi32>
        %gather3A_1916 = tpu.vector_load_idx %arg7[%add3A_1915] : memref<1024xf32, #tpu.memory_space<vmem>>[vector<16xi32>], vector<16xf32>,
        %max3A_1917 = arith.maximumf %max3A_1905, %gather3A_1916 : vector<16xf32>
        %mul3A_1918 = arith.constant 16 : i32
        %mul3A_1919 = arith.muli %scan3A_1843, %mul3A_1918 : i32
        %add3A_1920 = vector.broadcast %mul3A_1919 : i32 to vector<16xi32>
        %add3A_1921 = arith.addi %add3A_1920, %iota3A : vector<16xi32>
        %mul3A_1922 = arith.constant 16 : i32
        %mul3A_1923 = vector.broadcast %mul3A_1922 : i32 to vector<16xi32>
        %mul3A_1924 = arith.muli %add3A_1921, %mul3A_1923 : vector<16xi32>
        %add3A_1925 = arith.constant 6 : i32
        %add3A_1926 = vector.broadcast %add3A_1925 : i32 to vector<16xi32>
        %add3A_1927 = arith.addi %mul3A_1924, %add3A_1926 : vector<16xi32>
        %gather3A_1928 = tpu.vector_load_idx %arg7[%add3A_1927] : memref<1024xf32, #tpu.memory_space<vmem>>[vector<16xi32>], vector<16xf32>,
        %max3A_1929 = arith.maximumf %max3A_1917, %gather3A_1928 : vector<16xf32>
        %mul3A_1930 = arith.constant 16 : i32
        %mul3A_1931 = arith.muli %scan3A_1843, %mul3A_1930 : i32
        %add3A_1932 = vector.broadcast %mul3A_1931 : i32 to vector<16xi32>
        %add3A_1933 = arith.addi %add3A_1932, %iota3A : vector<16xi32>
        %mul3A_1934 = arith.constant 16 : i32
        %mul3A_1935 = vector.broadcast %mul3A_1934 : i32 to vector<16xi32>
        %mul3A_1936 = arith.muli %add3A_1933, %mul3A_1935 : vector<16xi32>
        %add3A_1937 = arith.constant 7 : i32
        %add3A_1938 = vector.broadcast %add3A_1937 : i32 to vector<16xi32>
        %add3A_1939 = arith.addi %mul3A_1936, %add3A_1938 : vector<16xi32>
        %gather3A_1940 = tpu.vector_load_idx %arg7[%add3A_1939] : memref<1024xf32, #tpu.memory_space<vmem>>[vector<16xi32>], vector<16xf32>,
        %max3A_1941 = arith.maximumf %max3A_1929, %gather3A_1940 : vector<16xf32>
        %mul3A_1942 = arith.constant 16 : i32
        %mul3A_1943 = arith.muli %scan3A_1843, %mul3A_1942 : i32
        %add3A_1944 = vector.broadcast %mul3A_1943 : i32 to vector<16xi32>
        %add3A_1945 = arith.addi %add3A_1944, %iota3A : vector<16xi32>
        %mul3A_1946 = arith.constant 16 : i32
        %mul3A_1947 = vector.broadcast %mul3A_1946 : i32 to vector<16xi32>
        %mul3A_1948 = arith.muli %add3A_1945, %mul3A_1947 : vector<16xi32>
        %add3A_1949 = arith.constant 8 : i32
        %add3A_1950 = vector.broadcast %add3A_1949 : i32 to vector<16xi32>
        %add3A_1951 = arith.addi %mul3A_1948, %add3A_1950 : vector<16xi32>
        %gather3A_1952 = tpu.vector_load_idx %arg7[%add3A_1951] : memref<1024xf32, #tpu.memory_space<vmem>>[vector<16xi32>], vector<16xf32>,
        %max3A_1953 = arith.maximumf %max3A_1941, %gather3A_1952 : vector<16xf32>
        %mul3A_1954 = arith.constant 16 : i32
        %mul3A_1955 = arith.muli %scan3A_1843, %mul3A_1954 : i32
        %add3A_1956 = vector.broadcast %mul3A_1955 : i32 to vector<16xi32>
        %add3A_1957 = arith.addi %add3A_1956, %iota3A : vector<16xi32>
        %mul3A_1958 = arith.constant 16 : i32
        %mul3A_1959 = vector.broadcast %mul3A_1958 : i32 to vector<16xi32>
        %mul3A_1960 = arith.muli %add3A_1957, %mul3A_1959 : vector<16xi32>
        %add3A_1961 = arith.constant 9 : i32
        %add3A_1962 = vector.broadcast %add3A_1961 : i32 to vector<16xi32>
        %add3A_1963 = arith.addi %mul3A_1960, %add3A_1962 : vector<16xi32>
        %gather3A_1964 = tpu.vector_load_idx %arg7[%add3A_1963] : memref<1024xf32, #tpu.memory_space<vmem>>[vector<16xi32>], vector<16xf32>,
        %max3A_1965 = arith.maximumf %max3A_1953, %gather3A_1964 : vector<16xf32>
        %mul3A_1966 = arith.constant 16 : i32
        %mul3A_1967 = arith.muli %scan3A_1843, %mul3A_1966 : i32
        %add3A_1968 = vector.broadcast %mul3A_1967 : i32 to vector<16xi32>
        %add3A_1969 = arith.addi %add3A_1968, %iota3A : vector<16xi32>
        %mul3A_1970 = arith.constant 16 : i32
        %mul3A_1971 = vector.broadcast %mul3A_1970 : i32 to vector<16xi32>
        %mul3A_1972 = arith.muli %add3A_1969, %mul3A_1971 : vector<16xi32>
        %add3A_1973 = arith.constant 10 : i32
        %add3A_1974 = vector.broadcast %add3A_1973 : i32 to vector<16xi32>
        %add3A_1975 = arith.addi %mul3A_1972, %add3A_1974 : vector<16xi32>
        %gather3A_1976 = tpu.vector_load_idx %arg7[%add3A_1975] : memref<1024xf32, #tpu.memory_space<vmem>>[vector<16xi32>], vector<16xf32>,
        %max3A_1977 = arith.maximumf %max3A_1965, %gather3A_1976 : vector<16xf32>
        %mul3A_1978 = arith.constant 16 : i32
        %mul3A_1979 = arith.muli %scan3A_1843, %mul3A_1978 : i32
        %add3A_1980 = vector.broadcast %mul3A_1979 : i32 to vector<16xi32>
        %add3A_1981 = arith.addi %add3A_1980, %iota3A : vector<16xi32>
        %mul3A_1982 = arith.constant 16 : i32
        %mul3A_1983 = vector.broadcast %mul3A_1982 : i32 to vector<16xi32>
        %mul3A_1984 = arith.muli %add3A_1981, %mul3A_1983 : vector<16xi32>
        %add3A_1985 = arith.constant 11 : i32
        %add3A_1986 = vector.broadcast %add3A_1985 : i32 to vector<16xi32>
        %add3A_1987 = arith.addi %mul3A_1984, %add3A_1986 : vector<16xi32>
        %gather3A_1988 = tpu.vector_load_idx %arg7[%add3A_1987] : memref<1024xf32, #tpu.memory_space<vmem>>[vector<16xi32>], vector<16xf32>,
        %max3A_1989 = arith.maximumf %max3A_1977, %gather3A_1988 : vector<16xf32>
        %mul3A_1990 = arith.constant 16 : i32
        %mul3A_1991 = arith.muli %scan3A_1843, %mul3A_1990 : i32
        %add3A_1992 = vector.broadcast %mul3A_1991 : i32 to vector<16xi32>
        %add3A_1993 = arith.addi %add3A_1992, %iota3A : vector<16xi32>
        %mul3A_1994 = arith.constant 16 : i32
        %mul3A_1995 = vector.broadcast %mul3A_1994 : i32 to vector<16xi32>
        %mul3A_1996 = arith.muli %add3A_1993, %mul3A_1995 : vector<16xi32>
        %add3A_1997 = arith.constant 12 : i32
        %add3A_1998 = vector.broadcast %add3A_1997 : i32 to vector<16xi32>
        %add3A_1999 = arith.addi %mul3A_1996, %add3A_1998 : vector<16xi32>
        %gather3A_2000 = tpu.vector_load_idx %arg7[%add3A_1999] : memref<1024xf32, #tpu.memory_space<vmem>>[vector<16xi32>], vector<16xf32>,
        %max3A_2001 = arith.maximumf %max3A_1989, %gather3A_2000 : vector<16xf32>
        %mul3A_2002 = arith.constant 16 : i32
        %mul3A_2003 = arith.muli %scan3A_1843, %mul3A_2002 : i32
        %add3A_2004 = vector.broadcast %mul3A_2003 : i32 to vector<16xi32>
        %add3A_2005 = arith.addi %add3A_2004, %iota3A : vector<16xi32>
        %mul3A_2006 = arith.constant 16 : i32
        %mul3A_2007 = vector.broadcast %mul3A_2006 : i32 to vector<16xi32>
        %mul3A_2008 = arith.muli %add3A_2005, %mul3A_2007 : vector<16xi32>
        %add3A_2009 = arith.constant 13 : i32
        %add3A_2010 = vector.broadcast %add3A_2009 : i32 to vector<16xi32>
        %add3A_2011 = arith.addi %mul3A_2008, %add3A_2010 : vector<16xi32>
        %gather3A_2012 = tpu.vector_load_idx %arg7[%add3A_2011] : memref<1024xf32, #tpu.memory_space<vmem>>[vector<16xi32>], vector<16xf32>,
        %max3A_2013 = arith.maximumf %max3A_2001, %gather3A_2012 : vector<16xf32>
        %mul3A_2014 = arith.constant 16 : i32
        %mul3A_2015 = arith.muli %scan3A_1843, %mul3A_2014 : i32
        %add3A_2016 = vector.broadcast %mul3A_2015 : i32 to vector<16xi32>
        %add3A_2017 = arith.addi %add3A_2016, %iota3A : vector<16xi32>
        %mul3A_2018 = arith.constant 16 : i32
        %mul3A_2019 = vector.broadcast %mul3A_2018 : i32 to vector<16xi32>
        %mul3A_2020 = arith.muli %add3A_2017, %mul3A_2019 : vector<16xi32>
        %add3A_2021 = arith.constant 14 : i32
        %add3A_2022 = vector.broadcast %add3A_2021 : i32 to vector<16xi32>
        %add3A_2023 = arith.addi %mul3A_2020, %add3A_2022 : vector<16xi32>
        %gather3A_2024 = tpu.vector_load_idx %arg7[%add3A_2023] : memref<1024xf32, #tpu.memory_space<vmem>>[vector<16xi32>], vector<16xf32>,
        %max3A_2025 = arith.maximumf %max3A_2013, %gather3A_2024 : vector<16xf32>
        %mul3A_2026 = arith.constant 16 : i32
        %mul3A_2027 = arith.muli %scan3A_1843, %mul3A_2026 : i32
        %add3A_2028 = vector.broadcast %mul3A_2027 : i32 to vector<16xi32>
        %add3A_2029 = arith.addi %add3A_2028, %iota3A : vector<16xi32>
        %mul3A_2030 = arith.constant 16 : i32
        %mul3A_2031 = vector.broadcast %mul3A_2030 : i32 to vector<16xi32>
        %mul3A_2032 = arith.muli %add3A_2029, %mul3A_2031 : vector<16xi32>
        %add3A_2033 = arith.constant 15 : i32
        %add3A_2034 = vector.broadcast %add3A_2033 : i32 to vector<16xi32>
        %add3A_2035 = arith.addi %mul3A_2032, %add3A_2034 : vector<16xi32>
        %gather3A_2036 = tpu.vector_load_idx %arg7[%add3A_2035] : memref<1024xf32, #tpu.memory_space<vmem>>[vector<16xi32>], vector<16xf32>,
        %max3A_2037 = arith.maximumf %max3A_2025, %gather3A_2036 : vector<16xf32>
        %mul3A_2038 = arith.constant 16 : i32
        %mul3A_2039 = arith.muli %scan3A_1843, %mul3A_2038 : i32
        %swap3A_2040 = arith.index_cast %mul3A_2039 : i32 to index
        %swap3A_2041 = tpu.vector_load %arg8[%swap3A_2040] {strides = array<i32>} : memref<64xf32, #tpu.memory_space<vmem>>, vector<16xf32>,
        tpu.vector_store %arg8[%swap3A_2040], %max3A_2037 {strides = array<i32>} : memref<64xf32, #tpu.memory_space<vmem>>, vector<16xf32>,
        %scan3A_2042 = arith.constant 0 : i32
        scf.yield %scan3A_2042 : i32
      }
      %scan3A_70 = arith.constant 4 : i32
      %scan3A_71 = arith.constant 0 : i32
      %scan3A_72 = arith.constant 0 : i32
      %scan3A_73 = arith.constant 60 : i32
      %scan3A_74 = arith.addi %scan3A_72, %scan3A_73 : i32
      %scan3A_75 = arith.constant 1 : i32
      %scan3A_76 = scf.for %scan3A_1843 = %scan3A_72 to %scan3A_74 step %scan3A_75 iter_args(%scan3A_1844 = %scan3A_71) -> (i32)  : i32 {
        %get3A_1845 = arith.constant 0 : index
        %get3A_1846 = tpu.vector_load %arg8[%get3A_1845] {strides = array<i32>} : memref<64xf32, #tpu.memory_space<vmem>>, vector<16xf32>,
        %get3A_1847 = arith.constant 16 : index
        %get3A_1848 = tpu.vector_load %arg8[%get3A_1847] {strides = array<i32>} : memref<64xf32, #tpu.memory_space<vmem>>, vector<16xf32>,
        %get3A_1849 = arith.constant 32 : index
        %get3A_1850 = tpu.vector_load %arg8[%get3A_1849] {strides = array<i32>} : memref<64xf32, #tpu.memory_space<vmem>>, vector<16xf32>,
        %get3A_1851 = arith.constant 48 : index
        %get3A_1852 = tpu.vector_load %arg8[%get3A_1851] {strides = array<i32>} : memref<64xf32, #tpu.memory_space<vmem>>, vector<16xf32>,
        %max3A = arith.maximumf %get3A_1846, %get3A_1848 : vector<16xf32>
        %max3A_1853 = arith.maximumf %get3A_1850, %get3A_1852 : vector<16xf32>
        %max3A_1854 = arith.maximumf %max3A, %max3A_1853 : vector<16xf32>
        %reduce_max3A = arith.constant true
        %reduce_max3A_1855 = vector.broadcast %reduce_max3A : i1 to vector<16xi1>
        %reduce_max3A_1856 = tpu.scan <max>, %max3A_1854 masked %reduce_max3A_1855 : vector<16xf32>, vector<16xi1> -> vector<16xf32>
        %reduce_max3A_1857 = vector.extract %reduce_max3A_1856[15] : f32 from vector<16xf32>
        %ge3A = vector.broadcast %reduce_max3A_1857 : f32 to vector<16xf32>
        %ge3A_1858 = arith.cmpf oge, %get3A_1846, %ge3A : vector<16xf32>
        %jit3A_1859 = arith.constant 64 : i32
        %broadcast_in_dim3A_1860 = vector.broadcast %jit3A_1859 : i32 to vector<16xi32>
        %select_n3A_1861 = arith.select %ge3A_1858, %iota3A, %broadcast_in_dim3A_1860 : vector<16xi1>, vector<16xi32>
        %reduce_min3A = arith.constant true
        %reduce_min3A_1862 = vector.broadcast %reduce_min3A : i1 to vector<16xi1>
        %reduce_min3A_1863 = arith.constant -2147483648 : i32
        %reduce_min3A_1864 = vector.broadcast %reduce_min3A_1863 : i32 to vector<16xi32>
        %reduce_min3A_1865 = arith.xori %select_n3A_1861, %reduce_min3A_1864 : vector<16xi32>
        %reduce_min3A_1866 = tpu.scan <min>, %reduce_min3A_1865 masked %reduce_min3A_1862 : vector<16xi32>, vector<16xi1> -> vector<16xi32>
        %reduce_min3A_1867 = arith.xori %reduce_min3A_1866, %reduce_min3A_1864 : vector<16xi32>
        %reduce_min3A_1868 = vector.extract %reduce_min3A_1867[15] : i32 from vector<16xi32>
        %ge3A_1869 = vector.broadcast %reduce_max3A_1857 : f32 to vector<16xf32>
        %ge3A_1870 = arith.cmpf oge, %get3A_1848, %ge3A_1869 : vector<16xf32>
        %add3A_1871 = arith.constant 16 : i32
        %add3A_1872 = vector.broadcast %add3A_1871 : i32 to vector<16xi32>
        %add3A_1873 = arith.addi %iota3A, %add3A_1872 : vector<16xi32>
        %jit3A_1874 = arith.constant 64 : i32
        %broadcast_in_dim3A_1875 = vector.broadcast %jit3A_1874 : i32 to vector<16xi32>
        %select_n3A_1876 = arith.select %ge3A_1870, %add3A_1873, %broadcast_in_dim3A_1875 : vector<16xi1>, vector<16xi32>
        %reduce_min3A_1877 = arith.constant true
        %reduce_min3A_1878 = vector.broadcast %reduce_min3A_1877 : i1 to vector<16xi1>
        %reduce_min3A_1879 = arith.constant -2147483648 : i32
        %reduce_min3A_1880 = vector.broadcast %reduce_min3A_1879 : i32 to vector<16xi32>
        %reduce_min3A_1881 = arith.xori %select_n3A_1876, %reduce_min3A_1880 : vector<16xi32>
        %reduce_min3A_1882 = tpu.scan <min>, %reduce_min3A_1881 masked %reduce_min3A_1878 : vector<16xi32>, vector<16xi1> -> vector<16xi32>
        %reduce_min3A_1883 = arith.xori %reduce_min3A_1882, %reduce_min3A_1880 : vector<16xi32>
        %reduce_min3A_1884 = vector.extract %reduce_min3A_1883[15] : i32 from vector<16xi32>
        %ge3A_1885 = vector.broadcast %reduce_max3A_1857 : f32 to vector<16xf32>
        %ge3A_1886 = arith.cmpf oge, %get3A_1850, %ge3A_1885 : vector<16xf32>
        %add3A_1887 = arith.constant 32 : i32
        %add3A_1888 = vector.broadcast %add3A_1887 : i32 to vector<16xi32>
        %add3A_1889 = arith.addi %iota3A, %add3A_1888 : vector<16xi32>
        %jit3A_1890 = arith.constant 64 : i32
        %broadcast_in_dim3A_1891 = vector.broadcast %jit3A_1890 : i32 to vector<16xi32>
        %select_n3A_1892 = arith.select %ge3A_1886, %add3A_1889, %broadcast_in_dim3A_1891 : vector<16xi1>, vector<16xi32>
        %reduce_min3A_1893 = arith.constant true
        %reduce_min3A_1894 = vector.broadcast %reduce_min3A_1893 : i1 to vector<16xi1>
        %reduce_min3A_1895 = arith.constant -2147483648 : i32
        %reduce_min3A_1896 = vector.broadcast %reduce_min3A_1895 : i32 to vector<16xi32>
        %reduce_min3A_1897 = arith.xori %select_n3A_1892, %reduce_min3A_1896 : vector<16xi32>
        %reduce_min3A_1898 = tpu.scan <min>, %reduce_min3A_1897 masked %reduce_min3A_1894 : vector<16xi32>, vector<16xi1> -> vector<16xi32>
        %reduce_min3A_1899 = arith.xori %reduce_min3A_1898, %reduce_min3A_1896 : vector<16xi32>
        %reduce_min3A_1900 = vector.extract %reduce_min3A_1899[15] : i32 from vector<16xi32>
        %ge3A_1901 = vector.broadcast %reduce_max3A_1857 : f32 to vector<16xf32>
        %ge3A_1902 = arith.cmpf oge, %get3A_1852, %ge3A_1901 : vector<16xf32>
        %add3A_1903 = arith.constant 48 : i32
        %add3A_1904 = vector.broadcast %add3A_1903 : i32 to vector<16xi32>
        %add3A_1905 = arith.addi %iota3A, %add3A_1904 : vector<16xi32>
        %jit3A_1906 = arith.constant 64 : i32
        %broadcast_in_dim3A_1907 = vector.broadcast %jit3A_1906 : i32 to vector<16xi32>
        %select_n3A_1908 = arith.select %ge3A_1902, %add3A_1905, %broadcast_in_dim3A_1907 : vector<16xi1>, vector<16xi32>
        %reduce_min3A_1909 = arith.constant true
        %reduce_min3A_1910 = vector.broadcast %reduce_min3A_1909 : i1 to vector<16xi1>
        %reduce_min3A_1911 = arith.constant -2147483648 : i32
        %reduce_min3A_1912 = vector.broadcast %reduce_min3A_1911 : i32 to vector<16xi32>
        %reduce_min3A_1913 = arith.xori %select_n3A_1908, %reduce_min3A_1912 : vector<16xi32>
        %reduce_min3A_1914 = tpu.scan <min>, %reduce_min3A_1913 masked %reduce_min3A_1910 : vector<16xi32>, vector<16xi1> -> vector<16xi32>
        %reduce_min3A_1915 = arith.xori %reduce_min3A_1914, %reduce_min3A_1912 : vector<16xi32>
        %reduce_min3A_1916 = vector.extract %reduce_min3A_1915[15] : i32 from vector<16xi32>
        %min3A = arith.minsi %reduce_min3A_1868, %reduce_min3A_1884 : i32
        %min3A_1917 = arith.minsi %reduce_min3A_1900, %reduce_min3A_1916 : i32
        %min3A_1918 = arith.minsi %min3A, %min3A_1917 : i32
        %mul3A_1919 = arith.constant 16 : i32
        %mul3A_1920 = arith.muli %min3A_1918, %mul3A_1919 : i32
        %get3A_1921 = arith.index_cast %mul3A_1920 : i32 to index
        %get3A_1922 = tpu.vector_load %arg7[%get3A_1921] {strides = array<i32>} : memref<1024xf32, #tpu.memory_space<vmem>>, vector<16xf32>,
        %ge3A_1923 = vector.broadcast %reduce_max3A_1857 : f32 to vector<16xf32>
        %ge3A_1924 = arith.cmpf oge, %get3A_1922, %ge3A_1923 : vector<16xf32>
        %jit3A_1925 = arith.constant 16 : i32
        %broadcast_in_dim3A_1926 = vector.broadcast %jit3A_1925 : i32 to vector<16xi32>
        %select_n3A_1927 = arith.select %ge3A_1924, %iota3A, %broadcast_in_dim3A_1926 : vector<16xi1>, vector<16xi32>
        %reduce_min3A_1928 = arith.constant true
        %reduce_min3A_1929 = vector.broadcast %reduce_min3A_1928 : i1 to vector<16xi1>
        %reduce_min3A_1930 = arith.constant -2147483648 : i32
        %reduce_min3A_1931 = vector.broadcast %reduce_min3A_1930 : i32 to vector<16xi32>
        %reduce_min3A_1932 = arith.xori %select_n3A_1927, %reduce_min3A_1931 : vector<16xi32>
        %reduce_min3A_1933 = tpu.scan <min>, %reduce_min3A_1932 masked %reduce_min3A_1929 : vector<16xi32>, vector<16xi1> -> vector<16xi32>
        %reduce_min3A_1934 = arith.xori %reduce_min3A_1933, %reduce_min3A_1931 : vector<16xi32>
        %reduce_min3A_1935 = vector.extract %reduce_min3A_1934[15] : i32 from vector<16xi32>
        %mul3A_1936 = arith.constant 16 : i32
        %mul3A_1937 = arith.muli %min3A_1918, %mul3A_1936 : i32
        %add3A_1938 = arith.addi %mul3A_1937, %reduce_min3A_1935 : i32
        %mul3A_1939 = arith.constant 16 : i32
        %mul3A_1940 = arith.muli %add3A_1938, %mul3A_1939 : i32
        %get3A_1941 = arith.index_cast %mul3A_1940 : i32 to index
        %get3A_1942 = tpu.vector_load %arg6[%get3A_1941] {strides = array<i32>} : memref<13824xf32, #tpu.memory_space<vmem>>, vector<16xf32>,
        %ge3A_1943 = vector.broadcast %reduce_max3A_1857 : f32 to vector<16xf32>
        %ge3A_1944 = arith.cmpf oge, %get3A_1942, %ge3A_1943 : vector<16xf32>
        %jit3A_1945 = arith.constant 16 : i32
        %broadcast_in_dim3A_1946 = vector.broadcast %jit3A_1945 : i32 to vector<16xi32>
        %select_n3A_1947 = arith.select %ge3A_1944, %iota3A, %broadcast_in_dim3A_1946 : vector<16xi1>, vector<16xi32>
        %reduce_min3A_1948 = arith.constant true
        %reduce_min3A_1949 = vector.broadcast %reduce_min3A_1948 : i1 to vector<16xi1>
        %reduce_min3A_1950 = arith.constant -2147483648 : i32
        %reduce_min3A_1951 = vector.broadcast %reduce_min3A_1950 : i32 to vector<16xi32>
        %reduce_min3A_1952 = arith.xori %select_n3A_1947, %reduce_min3A_1951 : vector<16xi32>
        %reduce_min3A_1953 = tpu.scan <min>, %reduce_min3A_1952 masked %reduce_min3A_1949 : vector<16xi32>, vector<16xi1> -> vector<16xi32>
        %reduce_min3A_1954 = arith.xori %reduce_min3A_1953, %reduce_min3A_1951 : vector<16xi32>
        %reduce_min3A_1955 = vector.extract %reduce_min3A_1954[15] : i32 from vector<16xi32>
        %mul3A_1956 = arith.constant 16 : i32
        %mul3A_1957 = arith.muli %add3A_1938, %mul3A_1956 : i32
        %add3A_1958 = arith.addi %mul3A_1957, %reduce_min3A_1955 : i32
        %broadcast_in_dim3A_1959 = vector.broadcast %scan3A_1843 : i32 to vector<16xi32>
        %eq3A = arith.constant 0 : i32
        %eq3A_1960 = vector.broadcast %eq3A : i32 to vector<16xi32>
        %eq3A_1961 = arith.cmpi eq, %iota3A, %eq3A_1960 : vector<16xi32>
        %broadcast_in_dim3A_1962 = vector.broadcast %add3A_1958 : i32 to vector<16xi32>
        tpu.vector_store_idx %arg9[%broadcast_in_dim3A_1959], %broadcast_in_dim3A_1962 masked %eq3A_1961 : memref<64xi32, #tpu.memory_space<vmem>>[vector<16xi32>], vector<16xi32>, vector<16xi1>
        %swap3A_1963 = arith.index_cast %scan3A_1843 : i32 to index
        %swap3A_1964 = memref.load %arg11[%swap3A_1963] : memref<64xi32, #tpu.memory_space<smem>>
        memref.store %add3A_1958, %arg11[%swap3A_1963] : memref<64xi32, #tpu.memory_space<smem>>
        %broadcast_in_dim3A_1965 = vector.broadcast %reduce_max3A_1857 : f32 to vector<16xf32>
        tpu.vector_store_idx %arg10[%broadcast_in_dim3A_1959], %broadcast_in_dim3A_1965 masked %eq3A_1961 : memref<64xf32, #tpu.memory_space<vmem>>[vector<16xi32>], vector<16xf32>, vector<16xi1>
        %eq3A_1966 = vector.broadcast %reduce_min3A_1955 : i32 to vector<16xi32>
        %eq3A_1967 = arith.cmpi eq, %iota3A, %eq3A_1966 : vector<16xi32>
        %jit3A_1968 = arith.constant 0xFF800000 : f32
        %broadcast_in_dim3A_1969 = vector.broadcast %jit3A_1968 : f32 to vector<16xf32>
        %select_n3A_1970 = arith.select %eq3A_1967, %broadcast_in_dim3A_1969, %get3A_1942 : vector<16xi1>, vector<16xf32>
        %mul3A_1971 = arith.constant 16 : i32
        %mul3A_1972 = arith.muli %add3A_1938, %mul3A_1971 : i32
        %swap3A_1973 = arith.index_cast %mul3A_1972 : i32 to index
        %swap3A_1974 = tpu.vector_load %arg6[%swap3A_1973] {strides = array<i32>} : memref<13824xf32, #tpu.memory_space<vmem>>, vector<16xf32>,
        tpu.vector_store %arg6[%swap3A_1973], %select_n3A_1970 {strides = array<i32>} : memref<13824xf32, #tpu.memory_space<vmem>>, vector<16xf32>,
        %eq3A_1975 = vector.broadcast %reduce_min3A_1935 : i32 to vector<16xi32>
        %eq3A_1976 = arith.cmpi eq, %iota3A, %eq3A_1975 : vector<16xi32>
        %reduce_max3A_1977 = arith.constant true
        %reduce_max3A_1978 = vector.broadcast %reduce_max3A_1977 : i1 to vector<16xi1>
        %reduce_max3A_1979 = tpu.scan <max>, %select_n3A_1970 masked %reduce_max3A_1978 : vector<16xf32>, vector<16xi1> -> vector<16xf32>
        %reduce_max3A_1980 = vector.extract %reduce_max3A_1979[15] : f32 from vector<16xf32>
        %broadcast_in_dim3A_1981 = vector.broadcast %reduce_max3A_1980 : f32 to vector<16xf32>
        %select_n3A_1982 = arith.select %eq3A_1976, %broadcast_in_dim3A_1981, %get3A_1922 : vector<16xi1>, vector<16xf32>
        %mul3A_1983 = arith.constant 16 : i32
        %mul3A_1984 = arith.muli %min3A_1918, %mul3A_1983 : i32
        %swap3A_1985 = arith.index_cast %mul3A_1984 : i32 to index
        %swap3A_1986 = tpu.vector_load %arg7[%swap3A_1985] {strides = array<i32>} : memref<1024xf32, #tpu.memory_space<vmem>>, vector<16xf32>,
        tpu.vector_store %arg7[%swap3A_1985], %select_n3A_1982 {strides = array<i32>} : memref<1024xf32, #tpu.memory_space<vmem>>, vector<16xf32>,
        %reduce_max3A_1987 = arith.constant true
        %reduce_max3A_1988 = vector.broadcast %reduce_max3A_1987 : i1 to vector<16xi1>
        %reduce_max3A_1989 = tpu.scan <max>, %select_n3A_1982 masked %reduce_max3A_1988 : vector<16xf32>, vector<16xi1> -> vector<16xf32>
        %reduce_max3A_1990 = vector.extract %reduce_max3A_1989[15] : f32 from vector<16xf32>
        %shift_right_arithmetic3A_1991 = arith.constant 4 : i32
        %shift_right_arithmetic3A_1992 = arith.shrsi %min3A_1918, %shift_right_arithmetic3A_1991 : i32
        %and3A_1993 = arith.constant 15 : i32
        %and3A_1994 = arith.andi %min3A_1918, %and3A_1993 : i32
        %mul3A_1995 = arith.constant 16 : i32
        %mul3A_1996 = arith.muli %shift_right_arithmetic3A_1992, %mul3A_1995 : i32
        %get3A_1997 = arith.index_cast %mul3A_1996 : i32 to index
        %get3A_1998 = tpu.vector_load %arg8[%get3A_1997] {strides = array<i32>} : memref<64xf32, #tpu.memory_space<vmem>>, vector<16xf32>,
        %eq3A_1999 = vector.broadcast %and3A_1994 : i32 to vector<16xi32>
        %eq3A_2000 = arith.cmpi eq, %iota3A, %eq3A_1999 : vector<16xi32>
        %broadcast_in_dim3A_2001 = vector.broadcast %reduce_max3A_1990 : f32 to vector<16xf32>
        %select_n3A_2002 = arith.select %eq3A_2000, %broadcast_in_dim3A_2001, %get3A_1998 : vector<16xi1>, vector<16xf32>
        %mul3A_2003 = arith.constant 16 : i32
        %mul3A_2004 = arith.muli %shift_right_arithmetic3A_1992, %mul3A_2003 : i32
        %swap3A_2005 = arith.index_cast %mul3A_2004 : i32 to index
        %swap3A_2006 = tpu.vector_load %arg8[%swap3A_2005] {strides = array<i32>} : memref<64xf32, #tpu.memory_space<vmem>>, vector<16xf32>,
        tpu.vector_store %arg8[%swap3A_2005], %select_n3A_2002 {strides = array<i32>} : memref<64xf32, #tpu.memory_space<vmem>>, vector<16xf32>,
        %scan3A_2007 = arith.constant 0 : i32
        scf.yield %scan3A_2007 : i32
      }
      %scan3A_77 = arith.constant 60 : i32
      %swap3A_78 = arith.constant 0 : i32
      %swap3A_79 = arith.constant 60 : i32
      %swap3A_80 = arith.index_cast %swap3A_79 : i32 to index
      %swap3A_81 = memref.load %arg11[%swap3A_80] : memref<64xi32, #tpu.memory_space<smem>>
      memref.store %swap3A_78, %arg11[%swap3A_80] : memref<64xi32, #tpu.memory_space<smem>>
      %swap3A_82 = arith.constant 0 : i32
      %swap3A_83 = arith.constant 61 : i32
      %swap3A_84 = arith.index_cast %swap3A_83 : i32 to index
      %swap3A_85 = memref.load %arg11[%swap3A_84] : memref<64xi32, #tpu.memory_space<smem>>
      memref.store %swap3A_82, %arg11[%swap3A_84] : memref<64xi32, #tpu.memory_space<smem>>
      %swap3A_86 = arith.constant 0 : i32
      %swap3A_87 = arith.constant 62 : i32
      %swap3A_88 = arith.index_cast %swap3A_87 : i32 to index
      %swap3A_89 = memref.load %arg11[%swap3A_88] : memref<64xi32, #tpu.memory_space<smem>>
      memref.store %swap3A_86, %arg11[%swap3A_88] : memref<64xi32, #tpu.memory_space<smem>>
      %swap3A_90 = arith.constant 0 : i32
      %swap3A_91 = arith.constant 63 : i32
      %swap3A_92 = arith.index_cast %swap3A_91 : i32 to index
      %swap3A_93 = memref.load %arg11[%swap3A_92] : memref<64xi32, #tpu.memory_space<smem>>
      memref.store %swap3A_90, %arg11[%swap3A_92] : memref<64xi32, #tpu.memory_space<smem>>
      %get3A = arith.constant 0 : index
      %get3A_94 = tpu.vector_load %arg9[%get3A] {strides = array<i32>} : memref<64xi32, #tpu.memory_space<vmem>>, vector<16xi32>,
      %add3A_95 = arith.constant 0 : i32
      %add3A_96 = vector.broadcast %add3A_95 : i32 to vector<16xi32>
      %add3A_97 = arith.addi %add3A_96, %iota3A : vector<16xi32>
      %mul3A_98 = arith.constant 8 : i32
      %mul3A_99 = vector.broadcast %mul3A_98 : i32 to vector<16xi32>
      %mul3A_100 = arith.muli %add3A_97, %mul3A_99 : vector<16xi32>
      %and3A = arith.constant 7 : i32
      %and3A_101 = vector.broadcast %and3A : i32 to vector<16xi32>
      %and3A_102 = arith.andi %get3A_94, %and3A_101 : vector<16xi32>
      %add3A_103 = arith.addi %mul3A_100, %and3A_102 : vector<16xi32>
      %swap3A_104 = arith.constant 0 : index
      %swap3A_105 = tpu.vector_load %arg12[%swap3A_104] {strides = array<i32>} : memref<64xi32, #tpu.memory_space<vmem>>, vector<16xi32>,
      tpu.vector_store %arg12[%swap3A_104], %add3A_103 {strides = array<i32>} : memref<64xi32, #tpu.memory_space<vmem>>, vector<16xi32>,
      %get3A_106 = arith.constant 16 : index
      %get3A_107 = tpu.vector_load %arg9[%get3A_106] {strides = array<i32>} : memref<64xi32, #tpu.memory_space<vmem>>, vector<16xi32>,
      %add3A_108 = arith.constant 16 : i32
      %add3A_109 = vector.broadcast %add3A_108 : i32 to vector<16xi32>
      %add3A_110 = arith.addi %add3A_109, %iota3A : vector<16xi32>
      %mul3A_111 = arith.constant 8 : i32
      %mul3A_112 = vector.broadcast %mul3A_111 : i32 to vector<16xi32>
      %mul3A_113 = arith.muli %add3A_110, %mul3A_112 : vector<16xi32>
      %and3A_114 = arith.constant 7 : i32
      %and3A_115 = vector.broadcast %and3A_114 : i32 to vector<16xi32>
      %and3A_116 = arith.andi %get3A_107, %and3A_115 : vector<16xi32>
      %add3A_117 = arith.addi %mul3A_113, %and3A_116 : vector<16xi32>
      %swap3A_118 = arith.constant 16 : index
      %swap3A_119 = tpu.vector_load %arg12[%swap3A_118] {strides = array<i32>} : memref<64xi32, #tpu.memory_space<vmem>>, vector<16xi32>,
      tpu.vector_store %arg12[%swap3A_118], %add3A_117 {strides = array<i32>} : memref<64xi32, #tpu.memory_space<vmem>>, vector<16xi32>,
      %get3A_120 = arith.constant 32 : index
      %get3A_121 = tpu.vector_load %arg9[%get3A_120] {strides = array<i32>} : memref<64xi32, #tpu.memory_space<vmem>>, vector<16xi32>,
      %add3A_122 = arith.constant 32 : i32
      %add3A_123 = vector.broadcast %add3A_122 : i32 to vector<16xi32>
      %add3A_124 = arith.addi %add3A_123, %iota3A : vector<16xi32>
      %mul3A_125 = arith.constant 8 : i32
      %mul3A_126 = vector.broadcast %mul3A_125 : i32 to vector<16xi32>
      %mul3A_127 = arith.muli %add3A_124, %mul3A_126 : vector<16xi32>
      %and3A_128 = arith.constant 7 : i32
      %and3A_129 = vector.broadcast %and3A_128 : i32 to vector<16xi32>
      %and3A_130 = arith.andi %get3A_121, %and3A_129 : vector<16xi32>
      %add3A_131 = arith.addi %mul3A_127, %and3A_130 : vector<16xi32>
      %swap3A_132 = arith.constant 32 : index
      %swap3A_133 = tpu.vector_load %arg12[%swap3A_132] {strides = array<i32>} : memref<64xi32, #tpu.memory_space<vmem>>, vector<16xi32>,
      tpu.vector_store %arg12[%swap3A_132], %add3A_131 {strides = array<i32>} : memref<64xi32, #tpu.memory_space<vmem>>, vector<16xi32>,
      %get3A_134 = arith.constant 48 : index
      %get3A_135 = tpu.vector_load %arg9[%get3A_134] {strides = array<i32>} : memref<64xi32, #tpu.memory_space<vmem>>, vector<16xi32>,
      %add3A_136 = arith.constant 48 : i32
      %add3A_137 = vector.broadcast %add3A_136 : i32 to vector<16xi32>
      %add3A_138 = arith.addi %add3A_137, %iota3A : vector<16xi32>
      %mul3A_139 = arith.constant 8 : i32
      %mul3A_140 = vector.broadcast %mul3A_139 : i32 to vector<16xi32>
      %mul3A_141 = arith.muli %add3A_138, %mul3A_140 : vector<16xi32>
      %and3A_142 = arith.constant 7 : i32
      %and3A_143 = vector.broadcast %and3A_142 : i32 to vector<16xi32>
      %and3A_144 = arith.andi %get3A_135, %and3A_143 : vector<16xi32>
      %add3A_145 = arith.addi %mul3A_141, %and3A_144 : vector<16xi32>
      %swap3A_146 = arith.constant 48 : index
      %swap3A_147 = tpu.vector_load %arg12[%swap3A_146] {strides = array<i32>} : memref<64xi32, #tpu.memory_space<vmem>>, vector<16xi32>,
      tpu.vector_store %arg12[%swap3A_146], %add3A_145 {strides = array<i32>} : memref<64xi32, #tpu.memory_space<vmem>>, vector<16xi32>,
      %mul3A_148 = arith.constant 3 : i32
      %mul3A_149 = arith.muli %add3A, %mul3A_148 : i32
      %mul3A_150 = arith.constant 13824 : i32
      %mul3A_151 = arith.muli %mul3A_149, %mul3A_150 : i32
      %add3A_152 = arith.constant 0 : i32
      %add3A_153 = vector.broadcast %add3A_152 : i32 to vector<16xi32>
      %add3A_154 = arith.addi %add3A_153, %iota3A : vector<16xi32>
      %shift_right_arithmetic3A = arith.constant 6 : i32
      %shift_right_arithmetic3A_155 = vector.broadcast %shift_right_arithmetic3A : i32 to vector<16xi32>
      %shift_right_arithmetic3A_156 = arith.shrsi %add3A_154, %shift_right_arithmetic3A_155 : vector<16xi32>
      %and3A_157 = arith.constant 63 : i32
      %and3A_158 = vector.broadcast %and3A_157 : i32 to vector<16xi32>
      %and3A_159 = arith.andi %add3A_154, %and3A_158 : vector<16xi32>
      %gather3A = tpu.vector_load_idx %arg9[%and3A_159] : memref<64xi32, #tpu.memory_space<vmem>>[vector<16xi32>], vector<16xi32>,
      %lt3A_160 = arith.constant 192 : i32
      %lt3A_161 = vector.broadcast %lt3A_160 : i32 to vector<16xi32>
      %lt3A_162 = arith.cmpi slt, %add3A_154, %lt3A_161 : vector<16xi32>
      %mul3A_163 = arith.constant 13824 : i32
      %mul3A_164 = vector.broadcast %mul3A_163 : i32 to vector<16xi32>
      %mul3A_165 = arith.muli %shift_right_arithmetic3A_156, %mul3A_164 : vector<16xi32>
      %add3A_166 = vector.broadcast %mul3A_151 : i32 to vector<16xi32>
      %add3A_167 = arith.addi %add3A_166, %mul3A_165 : vector<16xi32>
      %add3A_168 = arith.addi %add3A_167, %gather3A : vector<16xi32>
      %jit3A = arith.constant 0 : i32
      %broadcast_in_dim3A_169 = vector.broadcast %jit3A : i32 to vector<16xi32>
      %select_n3A = arith.select %lt3A_162, %add3A_168, %broadcast_in_dim3A_169 : vector<16xi1>, vector<16xi32>
      %swap3A_170 = arith.constant 0 : index
      %swap3A_171 = tpu.vector_load %arg14[%swap3A_170] {strides = array<i32>} : memref<256xi32, #tpu.memory_space<vmem>>, vector<16xi32>,
      tpu.vector_store %arg14[%swap3A_170], %select_n3A {strides = array<i32>} : memref<256xi32, #tpu.memory_space<vmem>>, vector<16xi32>,
      %add3A_172 = arith.constant 16 : i32
      %add3A_173 = vector.broadcast %add3A_172 : i32 to vector<16xi32>
      %add3A_174 = arith.addi %add3A_173, %iota3A : vector<16xi32>
      %shift_right_arithmetic3A_175 = arith.constant 6 : i32
      %shift_right_arithmetic3A_176 = vector.broadcast %shift_right_arithmetic3A_175 : i32 to vector<16xi32>
      %shift_right_arithmetic3A_177 = arith.shrsi %add3A_174, %shift_right_arithmetic3A_176 : vector<16xi32>
      %and3A_178 = arith.constant 63 : i32
      %and3A_179 = vector.broadcast %and3A_178 : i32 to vector<16xi32>
      %and3A_180 = arith.andi %add3A_174, %and3A_179 : vector<16xi32>
      %gather3A_181 = tpu.vector_load_idx %arg9[%and3A_180] : memref<64xi32, #tpu.memory_space<vmem>>[vector<16xi32>], vector<16xi32>,
      %lt3A_182 = arith.constant 192 : i32
      %lt3A_183 = vector.broadcast %lt3A_182 : i32 to vector<16xi32>
      %lt3A_184 = arith.cmpi slt, %add3A_174, %lt3A_183 : vector<16xi32>
      %mul3A_185 = arith.constant 13824 : i32
      %mul3A_186 = vector.broadcast %mul3A_185 : i32 to vector<16xi32>
      %mul3A_187 = arith.muli %shift_right_arithmetic3A_177, %mul3A_186 : vector<16xi32>
      %add3A_188 = vector.broadcast %mul3A_151 : i32 to vector<16xi32>
      %add3A_189 = arith.addi %add3A_188, %mul3A_187 : vector<16xi32>
      %add3A_190 = arith.addi %add3A_189, %gather3A_181 : vector<16xi32>
      %jit3A_191 = arith.constant 0 : i32
      %broadcast_in_dim3A_192 = vector.broadcast %jit3A_191 : i32 to vector<16xi32>
      %select_n3A_193 = arith.select %lt3A_184, %add3A_190, %broadcast_in_dim3A_192 : vector<16xi1>, vector<16xi32>
      %swap3A_194 = arith.constant 16 : index
      %swap3A_195 = tpu.vector_load %arg14[%swap3A_194] {strides = array<i32>} : memref<256xi32, #tpu.memory_space<vmem>>, vector<16xi32>,
      tpu.vector_store %arg14[%swap3A_194], %select_n3A_193 {strides = array<i32>} : memref<256xi32, #tpu.memory_space<vmem>>, vector<16xi32>,
      %add3A_196 = arith.constant 32 : i32
      %add3A_197 = vector.broadcast %add3A_196 : i32 to vector<16xi32>
      %add3A_198 = arith.addi %add3A_197, %iota3A : vector<16xi32>
      %shift_right_arithmetic3A_199 = arith.constant 6 : i32
      %shift_right_arithmetic3A_200 = vector.broadcast %shift_right_arithmetic3A_199 : i32 to vector<16xi32>
      %shift_right_arithmetic3A_201 = arith.shrsi %add3A_198, %shift_right_arithmetic3A_200 : vector<16xi32>
      %and3A_202 = arith.constant 63 : i32
      %and3A_203 = vector.broadcast %and3A_202 : i32 to vector<16xi32>
      %and3A_204 = arith.andi %add3A_198, %and3A_203 : vector<16xi32>
      %gather3A_205 = tpu.vector_load_idx %arg9[%and3A_204] : memref<64xi32, #tpu.memory_space<vmem>>[vector<16xi32>], vector<16xi32>,
      %lt3A_206 = arith.constant 192 : i32
      %lt3A_207 = vector.broadcast %lt3A_206 : i32 to vector<16xi32>
      %lt3A_208 = arith.cmpi slt, %add3A_198, %lt3A_207 : vector<16xi32>
      %mul3A_209 = arith.constant 13824 : i32
      %mul3A_210 = vector.broadcast %mul3A_209 : i32 to vector<16xi32>
      %mul3A_211 = arith.muli %shift_right_arithmetic3A_201, %mul3A_210 : vector<16xi32>
      %add3A_212 = vector.broadcast %mul3A_151 : i32 to vector<16xi32>
      %add3A_213 = arith.addi %add3A_212, %mul3A_211 : vector<16xi32>
      %add3A_214 = arith.addi %add3A_213, %gather3A_205 : vector<16xi32>
      %jit3A_215 = arith.constant 0 : i32
      %broadcast_in_dim3A_216 = vector.broadcast %jit3A_215 : i32 to vector<16xi32>
      %select_n3A_217 = arith.select %lt3A_208, %add3A_214, %broadcast_in_dim3A_216 : vector<16xi1>, vector<16xi32>
      %swap3A_218 = arith.constant 32 : index
      %swap3A_219 = tpu.vector_load %arg14[%swap3A_218] {strides = array<i32>} : memref<256xi32, #tpu.memory_space<vmem>>, vector<16xi32>,
      tpu.vector_store %arg14[%swap3A_218], %select_n3A_217 {strides = array<i32>} : memref<256xi32, #tpu.memory_space<vmem>>, vector<16xi32>,
      %add3A_220 = arith.constant 48 : i32
      %add3A_221 = vector.broadcast %add3A_220 : i32 to vector<16xi32>
      %add3A_222 = arith.addi %add3A_221, %iota3A : vector<16xi32>
      %shift_right_arithmetic3A_223 = arith.constant 6 : i32
      %shift_right_arithmetic3A_224 = vector.broadcast %shift_right_arithmetic3A_223 : i32 to vector<16xi32>
      %shift_right_arithmetic3A_225 = arith.shrsi %add3A_222, %shift_right_arithmetic3A_224 : vector<16xi32>
      %and3A_226 = arith.constant 63 : i32
      %and3A_227 = vector.broadcast %and3A_226 : i32 to vector<16xi32>
      %and3A_228 = arith.andi %add3A_222, %and3A_227 : vector<16xi32>
      %gather3A_229 = tpu.vector_load_idx %arg9[%and3A_228] : memref<64xi32, #tpu.memory_space<vmem>>[vector<16xi32>], vector<16xi32>,
      %lt3A_230 = arith.constant 192 : i32
      %lt3A_231 = vector.broadcast %lt3A_230 : i32 to vector<16xi32>
      %lt3A_232 = arith.cmpi slt, %add3A_222, %lt3A_231 : vector<16xi32>
      %mul3A_233 = arith.constant 13824 : i32
      %mul3A_234 = vector.broadcast %mul3A_233 : i32 to vector<16xi32>
      %mul3A_235 = arith.muli %shift_right_arithmetic3A_225, %mul3A_234 : vector<16xi32>
      %add3A_236 = vector.broadcast %mul3A_151 : i32 to vector<16xi32>
      %add3A_237 = arith.addi %add3A_236, %mul3A_235 : vector<16xi32>
      %add3A_238 = arith.addi %add3A_237, %gather3A_229 : vector<16xi32>
      %jit3A_239 = arith.constant 0 : i32
      %broadcast_in_dim3A_240 = vector.broadcast %jit3A_239 : i32 to vector<16xi32>
      %select_n3A_241 = arith.select %lt3A_232, %add3A_238, %broadcast_in_dim3A_240 : vector<16xi1>, vector<16xi32>
      %swap3A_242 = arith.constant 48 : index
      %swap3A_243 = tpu.vector_load %arg14[%swap3A_242] {strides = array<i32>} : memref<256xi32, #tpu.memory_space<vmem>>, vector<16xi32>,
      tpu.vector_store %arg14[%swap3A_242], %select_n3A_241 {strides = array<i32>} : memref<256xi32, #tpu.memory_space<vmem>>, vector<16xi32>,
      %add3A_244 = arith.constant 64 : i32
      %add3A_245 = vector.broadcast %add3A_244 : i32 to vector<16xi32>
      %add3A_246 = arith.addi %add3A_245, %iota3A : vector<16xi32>
      %shift_right_arithmetic3A_247 = arith.constant 6 : i32
      %shift_right_arithmetic3A_248 = vector.broadcast %shift_right_arithmetic3A_247 : i32 to vector<16xi32>
      %shift_right_arithmetic3A_249 = arith.shrsi %add3A_246, %shift_right_arithmetic3A_248 : vector<16xi32>
      %and3A_250 = arith.constant 63 : i32
      %and3A_251 = vector.broadcast %and3A_250 : i32 to vector<16xi32>
      %and3A_252 = arith.andi %add3A_246, %and3A_251 : vector<16xi32>
      %gather3A_253 = tpu.vector_load_idx %arg9[%and3A_252] : memref<64xi32, #tpu.memory_space<vmem>>[vector<16xi32>], vector<16xi32>,
      %lt3A_254 = arith.constant 192 : i32
      %lt3A_255 = vector.broadcast %lt3A_254 : i32 to vector<16xi32>
      %lt3A_256 = arith.cmpi slt, %add3A_246, %lt3A_255 : vector<16xi32>
      %mul3A_257 = arith.constant 13824 : i32
      %mul3A_258 = vector.broadcast %mul3A_257 : i32 to vector<16xi32>
      %mul3A_259 = arith.muli %shift_right_arithmetic3A_249, %mul3A_258 : vector<16xi32>
      %add3A_260 = vector.broadcast %mul3A_151 : i32 to vector<16xi32>
      %add3A_261 = arith.addi %add3A_260, %mul3A_259 : vector<16xi32>
      %add3A_262 = arith.addi %add3A_261, %gather3A_253 : vector<16xi32>
      %jit3A_263 = arith.constant 0 : i32
      %broadcast_in_dim3A_264 = vector.broadcast %jit3A_263 : i32 to vector<16xi32>
      %select_n3A_265 = arith.select %lt3A_256, %add3A_262, %broadcast_in_dim3A_264 : vector<16xi1>, vector<16xi32>
      %swap3A_266 = arith.constant 64 : index
      %swap3A_267 = tpu.vector_load %arg14[%swap3A_266] {strides = array<i32>} : memref<256xi32, #tpu.memory_space<vmem>>, vector<16xi32>,
      tpu.vector_store %arg14[%swap3A_266], %select_n3A_265 {strides = array<i32>} : memref<256xi32, #tpu.memory_space<vmem>>, vector<16xi32>,
      %add3A_268 = arith.constant 80 : i32
      %add3A_269 = vector.broadcast %add3A_268 : i32 to vector<16xi32>
      %add3A_270 = arith.addi %add3A_269, %iota3A : vector<16xi32>
      %shift_right_arithmetic3A_271 = arith.constant 6 : i32
      %shift_right_arithmetic3A_272 = vector.broadcast %shift_right_arithmetic3A_271 : i32 to vector<16xi32>
      %shift_right_arithmetic3A_273 = arith.shrsi %add3A_270, %shift_right_arithmetic3A_272 : vector<16xi32>
      %and3A_274 = arith.constant 63 : i32
      %and3A_275 = vector.broadcast %and3A_274 : i32 to vector<16xi32>
      %and3A_276 = arith.andi %add3A_270, %and3A_275 : vector<16xi32>
      %gather3A_277 = tpu.vector_load_idx %arg9[%and3A_276] : memref<64xi32, #tpu.memory_space<vmem>>[vector<16xi32>], vector<16xi32>,
      %lt3A_278 = arith.constant 192 : i32
      %lt3A_279 = vector.broadcast %lt3A_278 : i32 to vector<16xi32>
      %lt3A_280 = arith.cmpi slt, %add3A_270, %lt3A_279 : vector<16xi32>
      %mul3A_281 = arith.constant 13824 : i32
      %mul3A_282 = vector.broadcast %mul3A_281 : i32 to vector<16xi32>
      %mul3A_283 = arith.muli %shift_right_arithmetic3A_273, %mul3A_282 : vector<16xi32>
      %add3A_284 = vector.broadcast %mul3A_151 : i32 to vector<16xi32>
      %add3A_285 = arith.addi %add3A_284, %mul3A_283 : vector<16xi32>
      %add3A_286 = arith.addi %add3A_285, %gather3A_277 : vector<16xi32>
      %jit3A_287 = arith.constant 0 : i32
      %broadcast_in_dim3A_288 = vector.broadcast %jit3A_287 : i32 to vector<16xi32>
      %select_n3A_289 = arith.select %lt3A_280, %add3A_286, %broadcast_in_dim3A_288 : vector<16xi1>, vector<16xi32>
      %swap3A_290 = arith.constant 80 : index
      %swap3A_291 = tpu.vector_load %arg14[%swap3A_290] {strides = array<i32>} : memref<256xi32, #tpu.memory_space<vmem>>, vector<16xi32>,
      tpu.vector_store %arg14[%swap3A_290], %select_n3A_289 {strides = array<i32>} : memref<256xi32, #tpu.memory_space<vmem>>, vector<16xi32>,
      %add3A_292 = arith.constant 96 : i32
      %add3A_293 = vector.broadcast %add3A_292 : i32 to vector<16xi32>
      %add3A_294 = arith.addi %add3A_293, %iota3A : vector<16xi32>
      %shift_right_arithmetic3A_295 = arith.constant 6 : i32
      %shift_right_arithmetic3A_296 = vector.broadcast %shift_right_arithmetic3A_295 : i32 to vector<16xi32>
      %shift_right_arithmetic3A_297 = arith.shrsi %add3A_294, %shift_right_arithmetic3A_296 : vector<16xi32>
      %and3A_298 = arith.constant 63 : i32
      %and3A_299 = vector.broadcast %and3A_298 : i32 to vector<16xi32>
      %and3A_300 = arith.andi %add3A_294, %and3A_299 : vector<16xi32>
      %gather3A_301 = tpu.vector_load_idx %arg9[%and3A_300] : memref<64xi32, #tpu.memory_space<vmem>>[vector<16xi32>], vector<16xi32>,
      %lt3A_302 = arith.constant 192 : i32
      %lt3A_303 = vector.broadcast %lt3A_302 : i32 to vector<16xi32>
      %lt3A_304 = arith.cmpi slt, %add3A_294, %lt3A_303 : vector<16xi32>
      %mul3A_305 = arith.constant 13824 : i32
      %mul3A_306 = vector.broadcast %mul3A_305 : i32 to vector<16xi32>
      %mul3A_307 = arith.muli %shift_right_arithmetic3A_297, %mul3A_306 : vector<16xi32>
      %add3A_308 = vector.broadcast %mul3A_151 : i32 to vector<16xi32>
      %add3A_309 = arith.addi %add3A_308, %mul3A_307 : vector<16xi32>
      %add3A_310 = arith.addi %add3A_309, %gather3A_301 : vector<16xi32>
      %jit3A_311 = arith.constant 0 : i32
      %broadcast_in_dim3A_312 = vector.broadcast %jit3A_311 : i32 to vector<16xi32>
      %select_n3A_313 = arith.select %lt3A_304, %add3A_310, %broadcast_in_dim3A_312 : vector<16xi1>, vector<16xi32>
      %swap3A_314 = arith.constant 96 : index
      %swap3A_315 = tpu.vector_load %arg14[%swap3A_314] {strides = array<i32>} : memref<256xi32, #tpu.memory_space<vmem>>, vector<16xi32>,
      tpu.vector_store %arg14[%swap3A_314], %select_n3A_313 {strides = array<i32>} : memref<256xi32, #tpu.memory_space<vmem>>, vector<16xi32>,
      %add3A_316 = arith.constant 112 : i32
      %add3A_317 = vector.broadcast %add3A_316 : i32 to vector<16xi32>
      %add3A_318 = arith.addi %add3A_317, %iota3A : vector<16xi32>
      %shift_right_arithmetic3A_319 = arith.constant 6 : i32
      %shift_right_arithmetic3A_320 = vector.broadcast %shift_right_arithmetic3A_319 : i32 to vector<16xi32>
      %shift_right_arithmetic3A_321 = arith.shrsi %add3A_318, %shift_right_arithmetic3A_320 : vector<16xi32>
      %and3A_322 = arith.constant 63 : i32
      %and3A_323 = vector.broadcast %and3A_322 : i32 to vector<16xi32>
      %and3A_324 = arith.andi %add3A_318, %and3A_323 : vector<16xi32>
      %gather3A_325 = tpu.vector_load_idx %arg9[%and3A_324] : memref<64xi32, #tpu.memory_space<vmem>>[vector<16xi32>], vector<16xi32>,
      %lt3A_326 = arith.constant 192 : i32
      %lt3A_327 = vector.broadcast %lt3A_326 : i32 to vector<16xi32>
      %lt3A_328 = arith.cmpi slt, %add3A_318, %lt3A_327 : vector<16xi32>
      %mul3A_329 = arith.constant 13824 : i32
      %mul3A_330 = vector.broadcast %mul3A_329 : i32 to vector<16xi32>
      %mul3A_331 = arith.muli %shift_right_arithmetic3A_321, %mul3A_330 : vector<16xi32>
      %add3A_332 = vector.broadcast %mul3A_151 : i32 to vector<16xi32>
      %add3A_333 = arith.addi %add3A_332, %mul3A_331 : vector<16xi32>
      %add3A_334 = arith.addi %add3A_333, %gather3A_325 : vector<16xi32>
      %jit3A_335 = arith.constant 0 : i32
      %broadcast_in_dim3A_336 = vector.broadcast %jit3A_335 : i32 to vector<16xi32>
      %select_n3A_337 = arith.select %lt3A_328, %add3A_334, %broadcast_in_dim3A_336 : vector<16xi1>, vector<16xi32>
      %swap3A_338 = arith.constant 112 : index
      %swap3A_339 = tpu.vector_load %arg14[%swap3A_338] {strides = array<i32>} : memref<256xi32, #tpu.memory_space<vmem>>, vector<16xi32>,
      tpu.vector_store %arg14[%swap3A_338], %select_n3A_337 {strides = array<i32>} : memref<256xi32, #tpu.memory_space<vmem>>, vector<16xi32>,
      %add3A_340 = arith.constant 128 : i32
      %add3A_341 = vector.broadcast %add3A_340 : i32 to vector<16xi32>
      %add3A_342 = arith.addi %add3A_341, %iota3A : vector<16xi32>
      %shift_right_arithmetic3A_343 = arith.constant 6 : i32
      %shift_right_arithmetic3A_344 = vector.broadcast %shift_right_arithmetic3A_343 : i32 to vector<16xi32>
      %shift_right_arithmetic3A_345 = arith.shrsi %add3A_342, %shift_right_arithmetic3A_344 : vector<16xi32>
      %and3A_346 = arith.constant 63 : i32
      %and3A_347 = vector.broadcast %and3A_346 : i32 to vector<16xi32>
      %and3A_348 = arith.andi %add3A_342, %and3A_347 : vector<16xi32>
      %gather3A_349 = tpu.vector_load_idx %arg9[%and3A_348] : memref<64xi32, #tpu.memory_space<vmem>>[vector<16xi32>], vector<16xi32>,
      %lt3A_350 = arith.constant 192 : i32
      %lt3A_351 = vector.broadcast %lt3A_350 : i32 to vector<16xi32>
      %lt3A_352 = arith.cmpi slt, %add3A_342, %lt3A_351 : vector<16xi32>
      %mul3A_353 = arith.constant 13824 : i32
      %mul3A_354 = vector.broadcast %mul3A_353 : i32 to vector<16xi32>
      %mul3A_355 = arith.muli %shift_right_arithmetic3A_345, %mul3A_354 : vector<16xi32>
      %add3A_356 = vector.broadcast %mul3A_151 : i32 to vector<16xi32>
      %add3A_357 = arith.addi %add3A_356, %mul3A_355 : vector<16xi32>
      %add3A_358 = arith.addi %add3A_357, %gather3A_349 : vector<16xi32>
      %jit3A_359 = arith.constant 0 : i32
      %broadcast_in_dim3A_360 = vector.broadcast %jit3A_359 : i32 to vector<16xi32>
      %select_n3A_361 = arith.select %lt3A_352, %add3A_358, %broadcast_in_dim3A_360 : vector<16xi1>, vector<16xi32>
      %swap3A_362 = arith.constant 128 : index
      %swap3A_363 = tpu.vector_load %arg14[%swap3A_362] {strides = array<i32>} : memref<256xi32, #tpu.memory_space<vmem>>, vector<16xi32>,
      tpu.vector_store %arg14[%swap3A_362], %select_n3A_361 {strides = array<i32>} : memref<256xi32, #tpu.memory_space<vmem>>, vector<16xi32>,
      %add3A_364 = arith.constant 144 : i32
      %add3A_365 = vector.broadcast %add3A_364 : i32 to vector<16xi32>
      %add3A_366 = arith.addi %add3A_365, %iota3A : vector<16xi32>
      %shift_right_arithmetic3A_367 = arith.constant 6 : i32
      %shift_right_arithmetic3A_368 = vector.broadcast %shift_right_arithmetic3A_367 : i32 to vector<16xi32>
      %shift_right_arithmetic3A_369 = arith.shrsi %add3A_366, %shift_right_arithmetic3A_368 : vector<16xi32>
      %and3A_370 = arith.constant 63 : i32
      %and3A_371 = vector.broadcast %and3A_370 : i32 to vector<16xi32>
      %and3A_372 = arith.andi %add3A_366, %and3A_371 : vector<16xi32>
      %gather3A_373 = tpu.vector_load_idx %arg9[%and3A_372] : memref<64xi32, #tpu.memory_space<vmem>>[vector<16xi32>], vector<16xi32>,
      %lt3A_374 = arith.constant 192 : i32
      %lt3A_375 = vector.broadcast %lt3A_374 : i32 to vector<16xi32>
      %lt3A_376 = arith.cmpi slt, %add3A_366, %lt3A_375 : vector<16xi32>
      %mul3A_377 = arith.constant 13824 : i32
      %mul3A_378 = vector.broadcast %mul3A_377 : i32 to vector<16xi32>
      %mul3A_379 = arith.muli %shift_right_arithmetic3A_369, %mul3A_378 : vector<16xi32>
      %add3A_380 = vector.broadcast %mul3A_151 : i32 to vector<16xi32>
      %add3A_381 = arith.addi %add3A_380, %mul3A_379 : vector<16xi32>
      %add3A_382 = arith.addi %add3A_381, %gather3A_373 : vector<16xi32>
      %jit3A_383 = arith.constant 0 : i32
      %broadcast_in_dim3A_384 = vector.broadcast %jit3A_383 : i32 to vector<16xi32>
      %select_n3A_385 = arith.select %lt3A_376, %add3A_382, %broadcast_in_dim3A_384 : vector<16xi1>, vector<16xi32>
      %swap3A_386 = arith.constant 144 : index
      %swap3A_387 = tpu.vector_load %arg14[%swap3A_386] {strides = array<i32>} : memref<256xi32, #tpu.memory_space<vmem>>, vector<16xi32>,
      tpu.vector_store %arg14[%swap3A_386], %select_n3A_385 {strides = array<i32>} : memref<256xi32, #tpu.memory_space<vmem>>, vector<16xi32>,
      %add3A_388 = arith.constant 160 : i32
      %add3A_389 = vector.broadcast %add3A_388 : i32 to vector<16xi32>
      %add3A_390 = arith.addi %add3A_389, %iota3A : vector<16xi32>
      %shift_right_arithmetic3A_391 = arith.constant 6 : i32
      %shift_right_arithmetic3A_392 = vector.broadcast %shift_right_arithmetic3A_391 : i32 to vector<16xi32>
      %shift_right_arithmetic3A_393 = arith.shrsi %add3A_390, %shift_right_arithmetic3A_392 : vector<16xi32>
      %and3A_394 = arith.constant 63 : i32
      %and3A_395 = vector.broadcast %and3A_394 : i32 to vector<16xi32>
      %and3A_396 = arith.andi %add3A_390, %and3A_395 : vector<16xi32>
      %gather3A_397 = tpu.vector_load_idx %arg9[%and3A_396] : memref<64xi32, #tpu.memory_space<vmem>>[vector<16xi32>], vector<16xi32>,
      %lt3A_398 = arith.constant 192 : i32
      %lt3A_399 = vector.broadcast %lt3A_398 : i32 to vector<16xi32>
      %lt3A_400 = arith.cmpi slt, %add3A_390, %lt3A_399 : vector<16xi32>
      %mul3A_401 = arith.constant 13824 : i32
      %mul3A_402 = vector.broadcast %mul3A_401 : i32 to vector<16xi32>
      %mul3A_403 = arith.muli %shift_right_arithmetic3A_393, %mul3A_402 : vector<16xi32>
      %add3A_404 = vector.broadcast %mul3A_151 : i32 to vector<16xi32>
      %add3A_405 = arith.addi %add3A_404, %mul3A_403 : vector<16xi32>
      %add3A_406 = arith.addi %add3A_405, %gather3A_397 : vector<16xi32>
      %jit3A_407 = arith.constant 0 : i32
      %broadcast_in_dim3A_408 = vector.broadcast %jit3A_407 : i32 to vector<16xi32>
      %select_n3A_409 = arith.select %lt3A_400, %add3A_406, %broadcast_in_dim3A_408 : vector<16xi1>, vector<16xi32>
      %swap3A_410 = arith.constant 160 : index
      %swap3A_411 = tpu.vector_load %arg14[%swap3A_410] {strides = array<i32>} : memref<256xi32, #tpu.memory_space<vmem>>, vector<16xi32>,
      tpu.vector_store %arg14[%swap3A_410], %select_n3A_409 {strides = array<i32>} : memref<256xi32, #tpu.memory_space<vmem>>, vector<16xi32>,
      %add3A_412 = arith.constant 176 : i32
      %add3A_413 = vector.broadcast %add3A_412 : i32 to vector<16xi32>
      %add3A_414 = arith.addi %add3A_413, %iota3A : vector<16xi32>
      %shift_right_arithmetic3A_415 = arith.constant 6 : i32
      %shift_right_arithmetic3A_416 = vector.broadcast %shift_right_arithmetic3A_415 : i32 to vector<16xi32>
      %shift_right_arithmetic3A_417 = arith.shrsi %add3A_414, %shift_right_arithmetic3A_416 : vector<16xi32>
      %and3A_418 = arith.constant 63 : i32
      %and3A_419 = vector.broadcast %and3A_418 : i32 to vector<16xi32>
      %and3A_420 = arith.andi %add3A_414, %and3A_419 : vector<16xi32>
      %gather3A_421 = tpu.vector_load_idx %arg9[%and3A_420] : memref<64xi32, #tpu.memory_space<vmem>>[vector<16xi32>], vector<16xi32>,
      %lt3A_422 = arith.constant 192 : i32
      %lt3A_423 = vector.broadcast %lt3A_422 : i32 to vector<16xi32>
      %lt3A_424 = arith.cmpi slt, %add3A_414, %lt3A_423 : vector<16xi32>
      %mul3A_425 = arith.constant 13824 : i32
      %mul3A_426 = vector.broadcast %mul3A_425 : i32 to vector<16xi32>
      %mul3A_427 = arith.muli %shift_right_arithmetic3A_417, %mul3A_426 : vector<16xi32>
      %add3A_428 = vector.broadcast %mul3A_151 : i32 to vector<16xi32>
      %add3A_429 = arith.addi %add3A_428, %mul3A_427 : vector<16xi32>
      %add3A_430 = arith.addi %add3A_429, %gather3A_421 : vector<16xi32>
      %jit3A_431 = arith.constant 0 : i32
      %broadcast_in_dim3A_432 = vector.broadcast %jit3A_431 : i32 to vector<16xi32>
      %select_n3A_433 = arith.select %lt3A_424, %add3A_430, %broadcast_in_dim3A_432 : vector<16xi1>, vector<16xi32>
      %swap3A_434 = arith.constant 176 : index
      %swap3A_435 = tpu.vector_load %arg14[%swap3A_434] {strides = array<i32>} : memref<256xi32, #tpu.memory_space<vmem>>, vector<16xi32>,
      tpu.vector_store %arg14[%swap3A_434], %select_n3A_433 {strides = array<i32>} : memref<256xi32, #tpu.memory_space<vmem>>, vector<16xi32>,
      %add3A_436 = arith.constant 192 : i32
      %add3A_437 = vector.broadcast %add3A_436 : i32 to vector<16xi32>
      %add3A_438 = arith.addi %add3A_437, %iota3A : vector<16xi32>
      %shift_right_arithmetic3A_439 = arith.constant 6 : i32
      %shift_right_arithmetic3A_440 = vector.broadcast %shift_right_arithmetic3A_439 : i32 to vector<16xi32>
      %shift_right_arithmetic3A_441 = arith.shrsi %add3A_438, %shift_right_arithmetic3A_440 : vector<16xi32>
      %and3A_442 = arith.constant 63 : i32
      %and3A_443 = vector.broadcast %and3A_442 : i32 to vector<16xi32>
      %and3A_444 = arith.andi %add3A_438, %and3A_443 : vector<16xi32>
      %gather3A_445 = tpu.vector_load_idx %arg9[%and3A_444] : memref<64xi32, #tpu.memory_space<vmem>>[vector<16xi32>], vector<16xi32>,
      %lt3A_446 = arith.constant 192 : i32
      %lt3A_447 = vector.broadcast %lt3A_446 : i32 to vector<16xi32>
      %lt3A_448 = arith.cmpi slt, %add3A_438, %lt3A_447 : vector<16xi32>
      %mul3A_449 = arith.constant 13824 : i32
      %mul3A_450 = vector.broadcast %mul3A_449 : i32 to vector<16xi32>
      %mul3A_451 = arith.muli %shift_right_arithmetic3A_441, %mul3A_450 : vector<16xi32>
      %add3A_452 = vector.broadcast %mul3A_151 : i32 to vector<16xi32>
      %add3A_453 = arith.addi %add3A_452, %mul3A_451 : vector<16xi32>
      %add3A_454 = arith.addi %add3A_453, %gather3A_445 : vector<16xi32>
      %jit3A_455 = arith.constant 0 : i32
      %broadcast_in_dim3A_456 = vector.broadcast %jit3A_455 : i32 to vector<16xi32>
      %select_n3A_457 = arith.select %lt3A_448, %add3A_454, %broadcast_in_dim3A_456 : vector<16xi1>, vector<16xi32>
      %swap3A_458 = arith.constant 192 : index
      %swap3A_459 = tpu.vector_load %arg14[%swap3A_458] {strides = array<i32>} : memref<256xi32, #tpu.memory_space<vmem>>, vector<16xi32>,
      tpu.vector_store %arg14[%swap3A_458], %select_n3A_457 {strides = array<i32>} : memref<256xi32, #tpu.memory_space<vmem>>, vector<16xi32>,
      %add3A_460 = arith.constant 208 : i32
      %add3A_461 = vector.broadcast %add3A_460 : i32 to vector<16xi32>
      %add3A_462 = arith.addi %add3A_461, %iota3A : vector<16xi32>
      %shift_right_arithmetic3A_463 = arith.constant 6 : i32
      %shift_right_arithmetic3A_464 = vector.broadcast %shift_right_arithmetic3A_463 : i32 to vector<16xi32>
      %shift_right_arithmetic3A_465 = arith.shrsi %add3A_462, %shift_right_arithmetic3A_464 : vector<16xi32>
      %and3A_466 = arith.constant 63 : i32
      %and3A_467 = vector.broadcast %and3A_466 : i32 to vector<16xi32>
      %and3A_468 = arith.andi %add3A_462, %and3A_467 : vector<16xi32>
      %gather3A_469 = tpu.vector_load_idx %arg9[%and3A_468] : memref<64xi32, #tpu.memory_space<vmem>>[vector<16xi32>], vector<16xi32>,
      %lt3A_470 = arith.constant 192 : i32
      %lt3A_471 = vector.broadcast %lt3A_470 : i32 to vector<16xi32>
      %lt3A_472 = arith.cmpi slt, %add3A_462, %lt3A_471 : vector<16xi32>
      %mul3A_473 = arith.constant 13824 : i32
      %mul3A_474 = vector.broadcast %mul3A_473 : i32 to vector<16xi32>
      %mul3A_475 = arith.muli %shift_right_arithmetic3A_465, %mul3A_474 : vector<16xi32>
      %add3A_476 = vector.broadcast %mul3A_151 : i32 to vector<16xi32>
      %add3A_477 = arith.addi %add3A_476, %mul3A_475 : vector<16xi32>
      %add3A_478 = arith.addi %add3A_477, %gather3A_469 : vector<16xi32>
      %jit3A_479 = arith.constant 0 : i32
      %broadcast_in_dim3A_480 = vector.broadcast %jit3A_479 : i32 to vector<16xi32>
      %select_n3A_481 = arith.select %lt3A_472, %add3A_478, %broadcast_in_dim3A_480 : vector<16xi1>, vector<16xi32>
      %swap3A_482 = arith.constant 208 : index
      %swap3A_483 = tpu.vector_load %arg14[%swap3A_482] {strides = array<i32>} : memref<256xi32, #tpu.memory_space<vmem>>, vector<16xi32>,
      tpu.vector_store %arg14[%swap3A_482], %select_n3A_481 {strides = array<i32>} : memref<256xi32, #tpu.memory_space<vmem>>, vector<16xi32>,
      %add3A_484 = arith.constant 224 : i32
      %add3A_485 = vector.broadcast %add3A_484 : i32 to vector<16xi32>
      %add3A_486 = arith.addi %add3A_485, %iota3A : vector<16xi32>
      %shift_right_arithmetic3A_487 = arith.constant 6 : i32
      %shift_right_arithmetic3A_488 = vector.broadcast %shift_right_arithmetic3A_487 : i32 to vector<16xi32>
      %shift_right_arithmetic3A_489 = arith.shrsi %add3A_486, %shift_right_arithmetic3A_488 : vector<16xi32>
      %and3A_490 = arith.constant 63 : i32
      %and3A_491 = vector.broadcast %and3A_490 : i32 to vector<16xi32>
      %and3A_492 = arith.andi %add3A_486, %and3A_491 : vector<16xi32>
      %gather3A_493 = tpu.vector_load_idx %arg9[%and3A_492] : memref<64xi32, #tpu.memory_space<vmem>>[vector<16xi32>], vector<16xi32>,
      %lt3A_494 = arith.constant 192 : i32
      %lt3A_495 = vector.broadcast %lt3A_494 : i32 to vector<16xi32>
      %lt3A_496 = arith.cmpi slt, %add3A_486, %lt3A_495 : vector<16xi32>
      %mul3A_497 = arith.constant 13824 : i32
      %mul3A_498 = vector.broadcast %mul3A_497 : i32 to vector<16xi32>
      %mul3A_499 = arith.muli %shift_right_arithmetic3A_489, %mul3A_498 : vector<16xi32>
      %add3A_500 = vector.broadcast %mul3A_151 : i32 to vector<16xi32>
      %add3A_501 = arith.addi %add3A_500, %mul3A_499 : vector<16xi32>
      %add3A_502 = arith.addi %add3A_501, %gather3A_493 : vector<16xi32>
      %jit3A_503 = arith.constant 0 : i32
      %broadcast_in_dim3A_504 = vector.broadcast %jit3A_503 : i32 to vector<16xi32>
      %select_n3A_505 = arith.select %lt3A_496, %add3A_502, %broadcast_in_dim3A_504 : vector<16xi1>, vector<16xi32>
      %swap3A_506 = arith.constant 224 : index
      %swap3A_507 = tpu.vector_load %arg14[%swap3A_506] {strides = array<i32>} : memref<256xi32, #tpu.memory_space<vmem>>, vector<16xi32>,
      tpu.vector_store %arg14[%swap3A_506], %select_n3A_505 {strides = array<i32>} : memref<256xi32, #tpu.memory_space<vmem>>, vector<16xi32>,
      %add3A_508 = arith.constant 240 : i32
      %add3A_509 = vector.broadcast %add3A_508 : i32 to vector<16xi32>
      %add3A_510 = arith.addi %add3A_509, %iota3A : vector<16xi32>
      %shift_right_arithmetic3A_511 = arith.constant 6 : i32
      %shift_right_arithmetic3A_512 = vector.broadcast %shift_right_arithmetic3A_511 : i32 to vector<16xi32>
      %shift_right_arithmetic3A_513 = arith.shrsi %add3A_510, %shift_right_arithmetic3A_512 : vector<16xi32>
      %and3A_514 = arith.constant 63 : i32
      %and3A_515 = vector.broadcast %and3A_514 : i32 to vector<16xi32>
      %and3A_516 = arith.andi %add3A_510, %and3A_515 : vector<16xi32>
      %gather3A_517 = tpu.vector_load_idx %arg9[%and3A_516] : memref<64xi32, #tpu.memory_space<vmem>>[vector<16xi32>], vector<16xi32>,
      %lt3A_518 = arith.constant 192 : i32
      %lt3A_519 = vector.broadcast %lt3A_518 : i32 to vector<16xi32>
      %lt3A_520 = arith.cmpi slt, %add3A_510, %lt3A_519 : vector<16xi32>
      %mul3A_521 = arith.constant 13824 : i32
      %mul3A_522 = vector.broadcast %mul3A_521 : i32 to vector<16xi32>
      %mul3A_523 = arith.muli %shift_right_arithmetic3A_513, %mul3A_522 : vector<16xi32>
      %add3A_524 = vector.broadcast %mul3A_151 : i32 to vector<16xi32>
      %add3A_525 = arith.addi %add3A_524, %mul3A_523 : vector<16xi32>
      %add3A_526 = arith.addi %add3A_525, %gather3A_517 : vector<16xi32>
      %jit3A_527 = arith.constant 0 : i32
      %broadcast_in_dim3A_528 = vector.broadcast %jit3A_527 : i32 to vector<16xi32>
      %select_n3A_529 = arith.select %lt3A_520, %add3A_526, %broadcast_in_dim3A_528 : vector<16xi1>, vector<16xi32>
      %swap3A_530 = arith.constant 240 : index
      %swap3A_531 = tpu.vector_load %arg14[%swap3A_530] {strides = array<i32>} : memref<256xi32, #tpu.memory_space<vmem>>, vector<16xi32>,
      tpu.vector_store %arg14[%swap3A_530], %select_n3A_529 {strides = array<i32>} : memref<256xi32, #tpu.memory_space<vmem>>, vector<16xi32>,
      %mul3A_532 = arith.constant 13824 : i32
      %mul3A_533 = arith.muli %add3A, %mul3A_532 : i32
      %scan3A_534 = arith.constant 0 : i32
      %scan3A_535 = arith.constant 0 : i32
      %scan3A_536 = arith.constant 64 : i32
      %scan3A_537 = arith.addi %scan3A_535, %scan3A_536 : i32
      %scan3A_538 = arith.constant 1 : i32
      %scan3A_539 = scf.for %scan3A_1843 = %scan3A_535 to %scan3A_537 step %scan3A_538 iter_args(%scan3A_1844 = %scan3A_534) -> (i32)  : i32 {
        %get3A_1845 = arith.index_cast %scan3A_1843 : i32 to index
        %get3A_1846 = memref.load %arg11[%get3A_1845] : memref<64xi32, #tpu.memory_space<smem>>
        %shift_right_arithmetic3A_1847 = arith.constant 3 : i32
        %shift_right_arithmetic3A_1848 = arith.shrsi %get3A_1846, %shift_right_arithmetic3A_1847 : i32
        %shift_left3A = arith.constant 3 : i32
        %shift_left3A_1849 = arith.shli %shift_right_arithmetic3A_1848, %shift_left3A : i32
        %add3A_1850 = arith.addi %mul3A_533, %shift_left3A_1849 : i32
        %multiple_of3A = tpu.assume_multiple %add3A_1850, 8 : i32
        %mul3A_1851 = arith.constant 8 : i32
        %mul3A_1852 = arith.muli %scan3A_1843, %mul3A_1851 : i32
        %dma_start3A_1853 = arith.constant 0 : i32
        %dma_start3A_1854 = tpu.memref_slice %arg13[%mul3A_1852, %dma_start3A_1853] : memref<512x108xf32, #tpu.memory_space<vmem>> -> memref<8x108xf32, #tpu.memory_space<vmem>>
        %dma_start3A_1855 = arith.constant 0 : i32
        %dma_start3A_1856 = tpu.memref_slice %arg3[%multiple_of3A, %dma_start3A_1855] : memref<221184x108xf32, #tpu.memory_space<hbm>> -> memref<8x108xf32, #tpu.memory_space<hbm>>
        %dma_start3A_1857 = arith.constant 0 : i32
        %dma_start3A_1858 = tpu.memref_slice %arg13[%mul3A_1852, %dma_start3A_1857] : memref<512x108xf32, #tpu.memory_space<vmem>> -> memref<8x108xf32, #tpu.memory_space<vmem>>
        %dma_start3A_1859 = arith.constant 0 : i32
        %dma_start3A_1860 = tpu.memref_slice %arg3[%multiple_of3A, %dma_start3A_1859] : memref<221184x108xf32, #tpu.memory_space<hbm>> -> memref<8x108xf32, #tpu.memory_space<hbm>>
        tpu.enqueue_dma source(%dma_start3A_1860 : memref<8x108xf32, #tpu.memory_space<hbm>>) target(%dma_start3A_1858 : memref<8x108xf32, #tpu.memory_space<vmem>>) target_semaphore(%arg21 : memref<!tpu.dma_semaphore, #tpu.memory_space<semaphore_mem>>)
        %scan3A_1861 = arith.constant 0 : i32
        scf.yield %scan3A_1861 : i32
      }
      %scan3A_540 = arith.constant 64 : i32
      %dma_start3A = arith.constant 0 : i32
      %dma_start3A_541 = tpu.memref_slice %arg15[%dma_start3A] : memref<256xf32, #tpu.memory_space<vmem>> -> memref<128xf32, #tpu.memory_space<vmem>>
      %dma_start3A_542 = arith.constant 0 : i32
      %dma_start3A_543 = tpu.memref_slice %arg14[%dma_start3A_542] : memref<256xi32, #tpu.memory_space<vmem>> -> memref<128xi32, #tpu.memory_space<vmem>>
      %dma_start3A_544 = arith.constant 0 : i32
      %dma_start3A_545 = tpu.memref_slice %arg4[%dma_start3A_544] : memref<663552xf32, #tpu.memory_space<hbm>> -> memref<663552xf32, #tpu.memory_space<hbm>>
      tpu.enqueue_indirect_dma source(%dma_start3A_545 : memref<663552xf32, #tpu.memory_space<hbm>>) target(%dma_start3A_541 : memref<128xf32, #tpu.memory_space<vmem>>) offsets(%dma_start3A_543 : memref<128xi32, #tpu.memory_space<vmem>>) semaphore(%arg21 : memref<!tpu.dma_semaphore, #tpu.memory_space<semaphore_mem>>)
      %dma_start3A_546 = arith.constant 128 : i32
      %dma_start3A_547 = tpu.memref_slice %arg15[%dma_start3A_546] : memref<256xf32, #tpu.memory_space<vmem>> -> memref<128xf32, #tpu.memory_space<vmem>>
      %dma_start3A_548 = arith.constant 128 : i32
      %dma_start3A_549 = tpu.memref_slice %arg14[%dma_start3A_548] : memref<256xi32, #tpu.memory_space<vmem>> -> memref<128xi32, #tpu.memory_space<vmem>>
      %dma_start3A_550 = arith.constant 0 : i32
      %dma_start3A_551 = tpu.memref_slice %arg4[%dma_start3A_550] : memref<663552xf32, #tpu.memory_space<hbm>> -> memref<663552xf32, #tpu.memory_space<hbm>>
      tpu.enqueue_indirect_dma source(%dma_start3A_551 : memref<663552xf32, #tpu.memory_space<hbm>>) target(%dma_start3A_547 : memref<128xf32, #tpu.memory_space<vmem>>) offsets(%dma_start3A_549 : memref<128xi32, #tpu.memory_space<vmem>>) semaphore(%arg21 : memref<!tpu.dma_semaphore, #tpu.memory_space<semaphore_mem>>)
      %scan3A_552 = arith.constant 0 : i32
      %scan3A_553 = arith.constant 0 : i32
      %scan3A_554 = arith.constant 64 : i32
      %scan3A_555 = arith.addi %scan3A_553, %scan3A_554 : i32
      %scan3A_556 = arith.constant 1 : i32
      %scan3A_557 = scf.for %scan3A_1843 = %scan3A_553 to %scan3A_555 step %scan3A_556 iter_args(%scan3A_1844 = %scan3A_552) -> (i32)  : i32 {
        %get3A_1845 = arith.index_cast %scan3A_1843 : i32 to index
        %get3A_1846 = memref.load %arg11[%get3A_1845] : memref<64xi32, #tpu.memory_space<smem>>
        %shift_right_arithmetic3A_1847 = arith.constant 3 : i32
        %shift_right_arithmetic3A_1848 = arith.shrsi %get3A_1846, %shift_right_arithmetic3A_1847 : i32
        %shift_left3A = arith.constant 3 : i32
        %shift_left3A_1849 = arith.shli %shift_right_arithmetic3A_1848, %shift_left3A : i32
        %add3A_1850 = arith.addi %mul3A_533, %shift_left3A_1849 : i32
        %multiple_of3A = tpu.assume_multiple %add3A_1850, 8 : i32
        %mul3A_1851 = arith.constant 8 : i32
        %mul3A_1852 = arith.muli %scan3A_1843, %mul3A_1851 : i32
        %dma_wait3A_1853 = arith.constant 0 : i32
        %dma_wait3A_1854 = tpu.memref_slice %arg13[%mul3A_1852, %dma_wait3A_1853] : memref<512x108xf32, #tpu.memory_space<vmem>> -> memref<8x108xf32, #tpu.memory_space<vmem>>
        %dma_wait3A_1855 = arith.constant 0 : i32
        %dma_wait3A_1856 = tpu.memref_slice %arg3[%multiple_of3A, %dma_wait3A_1855] : memref<221184x108xf32, #tpu.memory_space<hbm>> -> memref<8x108xf32, #tpu.memory_space<hbm>>
        %dma_wait3A_1857 = arith.constant 0 : i32
        %dma_wait3A_1858 = tpu.memref_slice %arg13[%mul3A_1852, %dma_wait3A_1857] : memref<512x108xf32, #tpu.memory_space<vmem>> -> memref<8x108xf32, #tpu.memory_space<vmem>>
        %dma_wait3A_1859 = arith.constant 0 : i32
        %dma_wait3A_1860 = tpu.memref_slice %arg3[%multiple_of3A, %dma_wait3A_1859] : memref<221184x108xf32, #tpu.memory_space<hbm>> -> memref<8x108xf32, #tpu.memory_space<hbm>>
        tpu.wait_dma2 semaphore(%arg21 : memref<!tpu.dma_semaphore, #tpu.memory_space<semaphore_mem>>) src(%dma_wait3A_1860 : memref<8x108xf32, #tpu.memory_space<hbm>>) dst(%dma_wait3A_1858 : memref<8x108xf32, #tpu.memory_space<vmem>>)
        %scan3A_1861 = arith.constant 0 : i32
        scf.yield %scan3A_1861 : i32
      }
      %scan3A_558 = arith.constant 64 : i32
      %dma_wait3A = arith.constant 0 : i32
      %dma_wait3A_559 = tpu.memref_slice %arg15[%dma_wait3A] : memref<256xf32, #tpu.memory_space<vmem>> -> memref<128xf32, #tpu.memory_space<vmem>>
      %dma_wait3A_560 = arith.constant 0 : i32
      %dma_wait3A_561 = tpu.memref_slice %arg14[%dma_wait3A_560] : memref<256xi32, #tpu.memory_space<vmem>> -> memref<128xi32, #tpu.memory_space<vmem>>
      %dma_wait3A_562 = arith.constant 0 : i32
      %dma_wait3A_563 = tpu.memref_slice %arg4[%dma_wait3A_562] : memref<663552xf32, #tpu.memory_space<hbm>> -> memref<663552xf32, #tpu.memory_space<hbm>>
      tpu.wait_indirect_dma semaphore(%arg21 : memref<!tpu.dma_semaphore, #tpu.memory_space<semaphore_mem>>) src(%dma_wait3A_563 : memref<663552xf32, #tpu.memory_space<hbm>>) dst(%dma_wait3A_559 : memref<128xf32, #tpu.memory_space<vmem>>)
      %dma_wait3A_564 = arith.constant 128 : i32
      %dma_wait3A_565 = tpu.memref_slice %arg15[%dma_wait3A_564] : memref<256xf32, #tpu.memory_space<vmem>> -> memref<128xf32, #tpu.memory_space<vmem>>
      %dma_wait3A_566 = arith.constant 128 : i32
      %dma_wait3A_567 = tpu.memref_slice %arg14[%dma_wait3A_566] : memref<256xi32, #tpu.memory_space<vmem>> -> memref<128xi32, #tpu.memory_space<vmem>>
      %dma_wait3A_568 = arith.constant 0 : i32
      %dma_wait3A_569 = tpu.memref_slice %arg4[%dma_wait3A_568] : memref<663552xf32, #tpu.memory_space<hbm>> -> memref<663552xf32, #tpu.memory_space<hbm>>
      tpu.wait_indirect_dma semaphore(%arg21 : memref<!tpu.dma_semaphore, #tpu.memory_space<semaphore_mem>>) src(%dma_wait3A_569 : memref<663552xf32, #tpu.memory_space<hbm>>) dst(%dma_wait3A_565 : memref<128xf32, #tpu.memory_space<vmem>>)
      %get3A_570 = arith.constant 0 : index
      %get3A_571 = tpu.vector_load %arg9[%get3A_570] {strides = array<i32>} : memref<64xi32, #tpu.memory_space<vmem>>, vector<16xi32>,
      %get3A_572 = arith.constant 0 : index
      %get3A_573 = tpu.vector_load %arg10[%get3A_572] {strides = array<i32>} : memref<64xf32, #tpu.memory_space<vmem>>, vector<16xf32>,
      %neg3A = arith.constant 0.000000e+00 : f32
      %neg3A_574 = vector.broadcast %neg3A : f32 to vector<16xf32>
      %neg3A_575 = arith.subf %neg3A_574, %get3A_573 : vector<16xf32>
      %exp3A = math.exp %neg3A_575 : vector<16xf32>
      %add3A_576 = arith.constant 1.000000e+00 : f32
      %add3A_577 = vector.broadcast %add3A_576 : f32 to vector<16xf32>
      %add3A_578 = arith.addf %add3A_577, %exp3A : vector<16xf32>
      %div3A = arith.constant 1.000000e+00 : f32
      %div3A_579 = vector.broadcast %div3A : f32 to vector<16xf32>
      %div3A_580 = arith.divf %div3A_579, %add3A_578 : vector<16xf32>
      %jit3A_581 = arith.constant 576 : i32
      %div3A_582 = vector.broadcast %jit3A_581 : i32 to vector<16xi32>
      %div3A_583 = arith.divsi %get3A_571, %div3A_582 : vector<16xi32>
      %sign3A = arith.constant 0 : i32
      %sign3A_584 = vector.broadcast %sign3A : i32 to vector<16xi32>
      %sign3A_585 = arith.cmpi sgt, %get3A_571, %sign3A_584 : vector<16xi32>
      %sign3A_586 = arith.extui %sign3A_585 : vector<16xi1> to vector<16xi32>
      %sign3A_587 = arith.constant 0 : i32
      %sign3A_588 = vector.broadcast %sign3A_587 : i32 to vector<16xi32>
      %sign3A_589 = arith.cmpi slt, %get3A_571, %sign3A_588 : vector<16xi32>
      %sign3A_590 = arith.extui %sign3A_589 : vector<16xi1> to vector<16xi32>
      %sign3A_591 = arith.subi %sign3A_586, %sign3A_590 : vector<16xi32>
      %sign3A_592 = arith.constant 0 : i32
      %sign3A_593 = arith.cmpi sgt, %jit3A_581, %sign3A_592 : i32
      %sign3A_594 = arith.extui %sign3A_593 : i1 to i32
      %sign3A_595 = arith.constant 0 : i32
      %sign3A_596 = arith.cmpi slt, %jit3A_581, %sign3A_595 : i32
      %sign3A_597 = arith.extui %sign3A_596 : i1 to i32
      %sign3A_598 = arith.subi %sign3A_594, %sign3A_597 : i32
      %ne3A = vector.broadcast %sign3A_598 : i32 to vector<16xi32>
      %ne3A_599 = arith.cmpi ne, %sign3A_591, %ne3A : vector<16xi32>
      %rem3A = vector.broadcast %jit3A_581 : i32 to vector<16xi32>
      %rem3A_600 = arith.remsi %get3A_571, %rem3A : vector<16xi32>
      %ne3A_601 = arith.constant 0 : i32
      %ne3A_602 = vector.broadcast %ne3A_601 : i32 to vector<16xi32>
      %ne3A_603 = arith.cmpi ne, %rem3A_600, %ne3A_602 : vector<16xi32>
      %and3A_604 = arith.andi %ne3A_599, %ne3A_603 : vector<16xi1>
      %sub3A = arith.constant 1 : i32
      %sub3A_605 = vector.broadcast %sub3A : i32 to vector<16xi32>
      %sub3A_606 = arith.subi %div3A_583, %sub3A_605 : vector<16xi32>
      %select_n3A_607 = arith.select %and3A_604, %sub3A_606, %div3A_583 : vector<16xi1>, vector<16xi32>
      %convert_element_type3A_608 = arith.sitofp %select_n3A_607 : vector<16xi32> to vector<16xf32>
      %jit3A_609 = arith.constant 576 : i32
      %div3A_610 = vector.broadcast %jit3A_609 : i32 to vector<16xi32>
      %div3A_611 = arith.divsi %get3A_571, %div3A_610 : vector<16xi32>
      %sign3A_612 = arith.constant 0 : i32
      %sign3A_613 = vector.broadcast %sign3A_612 : i32 to vector<16xi32>
      %sign3A_614 = arith.cmpi sgt, %get3A_571, %sign3A_613 : vector<16xi32>
      %sign3A_615 = arith.extui %sign3A_614 : vector<16xi1> to vector<16xi32>
      %sign3A_616 = arith.constant 0 : i32
      %sign3A_617 = vector.broadcast %sign3A_616 : i32 to vector<16xi32>
      %sign3A_618 = arith.cmpi slt, %get3A_571, %sign3A_617 : vector<16xi32>
      %sign3A_619 = arith.extui %sign3A_618 : vector<16xi1> to vector<16xi32>
      %sign3A_620 = arith.subi %sign3A_615, %sign3A_619 : vector<16xi32>
      %sign3A_621 = arith.constant 0 : i32
      %sign3A_622 = arith.cmpi sgt, %jit3A_609, %sign3A_621 : i32
      %sign3A_623 = arith.extui %sign3A_622 : i1 to i32
      %sign3A_624 = arith.constant 0 : i32
      %sign3A_625 = arith.cmpi slt, %jit3A_609, %sign3A_624 : i32
      %sign3A_626 = arith.extui %sign3A_625 : i1 to i32
      %sign3A_627 = arith.subi %sign3A_623, %sign3A_626 : i32
      %ne3A_628 = vector.broadcast %sign3A_627 : i32 to vector<16xi32>
      %ne3A_629 = arith.cmpi ne, %sign3A_620, %ne3A_628 : vector<16xi32>
      %rem3A_630 = vector.broadcast %jit3A_609 : i32 to vector<16xi32>
      %rem3A_631 = arith.remsi %get3A_571, %rem3A_630 : vector<16xi32>
      %ne3A_632 = arith.constant 0 : i32
      %ne3A_633 = vector.broadcast %ne3A_632 : i32 to vector<16xi32>
      %ne3A_634 = arith.cmpi ne, %rem3A_631, %ne3A_633 : vector<16xi32>
      %and3A_635 = arith.andi %ne3A_629, %ne3A_634 : vector<16xi1>
      %sub3A_636 = arith.constant 1 : i32
      %sub3A_637 = vector.broadcast %sub3A_636 : i32 to vector<16xi32>
      %sub3A_638 = arith.subi %div3A_611, %sub3A_637 : vector<16xi32>
      %select_n3A_639 = arith.select %and3A_635, %sub3A_638, %div3A_611 : vector<16xi1>, vector<16xi32>
      %mul3A_640 = arith.constant 576 : i32
      %mul3A_641 = vector.broadcast %mul3A_640 : i32 to vector<16xi32>
      %mul3A_642 = arith.muli %select_n3A_639, %mul3A_641 : vector<16xi32>
      %sub3A_643 = arith.subi %get3A_571, %mul3A_642 : vector<16xi32>
      %jit3A_644 = arith.constant 24 : i32
      %div3A_645 = vector.broadcast %jit3A_644 : i32 to vector<16xi32>
      %div3A_646 = arith.divsi %sub3A_643, %div3A_645 : vector<16xi32>
      %sign3A_647 = arith.constant 0 : i32
      %sign3A_648 = vector.broadcast %sign3A_647 : i32 to vector<16xi32>
      %sign3A_649 = arith.cmpi sgt, %sub3A_643, %sign3A_648 : vector<16xi32>
      %sign3A_650 = arith.extui %sign3A_649 : vector<16xi1> to vector<16xi32>
      %sign3A_651 = arith.constant 0 : i32
      %sign3A_652 = vector.broadcast %sign3A_651 : i32 to vector<16xi32>
      %sign3A_653 = arith.cmpi slt, %sub3A_643, %sign3A_652 : vector<16xi32>
      %sign3A_654 = arith.extui %sign3A_653 : vector<16xi1> to vector<16xi32>
      %sign3A_655 = arith.subi %sign3A_650, %sign3A_654 : vector<16xi32>
      %sign3A_656 = arith.constant 0 : i32
      %sign3A_657 = arith.cmpi sgt, %jit3A_644, %sign3A_656 : i32
      %sign3A_658 = arith.extui %sign3A_657 : i1 to i32
      %sign3A_659 = arith.constant 0 : i32
      %sign3A_660 = arith.cmpi slt, %jit3A_644, %sign3A_659 : i32
      %sign3A_661 = arith.extui %sign3A_660 : i1 to i32
      %sign3A_662 = arith.subi %sign3A_658, %sign3A_661 : i32
      %ne3A_663 = vector.broadcast %sign3A_662 : i32 to vector<16xi32>
      %ne3A_664 = arith.cmpi ne, %sign3A_655, %ne3A_663 : vector<16xi32>
      %rem3A_665 = vector.broadcast %jit3A_644 : i32 to vector<16xi32>
      %rem3A_666 = arith.remsi %sub3A_643, %rem3A_665 : vector<16xi32>
      %ne3A_667 = arith.constant 0 : i32
      %ne3A_668 = vector.broadcast %ne3A_667 : i32 to vector<16xi32>
      %ne3A_669 = arith.cmpi ne, %rem3A_666, %ne3A_668 : vector<16xi32>
      %and3A_670 = arith.andi %ne3A_664, %ne3A_669 : vector<16xi1>
      %sub3A_671 = arith.constant 1 : i32
      %sub3A_672 = vector.broadcast %sub3A_671 : i32 to vector<16xi32>
      %sub3A_673 = arith.subi %div3A_646, %sub3A_672 : vector<16xi32>
      %select_n3A_674 = arith.select %and3A_670, %sub3A_673, %div3A_646 : vector<16xi1>, vector<16xi32>
      %convert_element_type3A_675 = arith.sitofp %select_n3A_674 : vector<16xi32> to vector<16xf32>
      %jit3A_676 = arith.constant 24 : i32
      %div3A_677 = vector.broadcast %jit3A_676 : i32 to vector<16xi32>
      %div3A_678 = arith.divsi %sub3A_643, %div3A_677 : vector<16xi32>
      %sign3A_679 = arith.constant 0 : i32
      %sign3A_680 = vector.broadcast %sign3A_679 : i32 to vector<16xi32>
      %sign3A_681 = arith.cmpi sgt, %sub3A_643, %sign3A_680 : vector<16xi32>
      %sign3A_682 = arith.extui %sign3A_681 : vector<16xi1> to vector<16xi32>
      %sign3A_683 = arith.constant 0 : i32
      %sign3A_684 = vector.broadcast %sign3A_683 : i32 to vector<16xi32>
      %sign3A_685 = arith.cmpi slt, %sub3A_643, %sign3A_684 : vector<16xi32>
      %sign3A_686 = arith.extui %sign3A_685 : vector<16xi1> to vector<16xi32>
      %sign3A_687 = arith.subi %sign3A_682, %sign3A_686 : vector<16xi32>
      %sign3A_688 = arith.constant 0 : i32
      %sign3A_689 = arith.cmpi sgt, %jit3A_676, %sign3A_688 : i32
      %sign3A_690 = arith.extui %sign3A_689 : i1 to i32
      %sign3A_691 = arith.constant 0 : i32
      %sign3A_692 = arith.cmpi slt, %jit3A_676, %sign3A_691 : i32
      %sign3A_693 = arith.extui %sign3A_692 : i1 to i32
      %sign3A_694 = arith.subi %sign3A_690, %sign3A_693 : i32
      %ne3A_695 = vector.broadcast %sign3A_694 : i32 to vector<16xi32>
      %ne3A_696 = arith.cmpi ne, %sign3A_687, %ne3A_695 : vector<16xi32>
      %rem3A_697 = vector.broadcast %jit3A_676 : i32 to vector<16xi32>
      %rem3A_698 = arith.remsi %sub3A_643, %rem3A_697 : vector<16xi32>
      %ne3A_699 = arith.constant 0 : i32
      %ne3A_700 = vector.broadcast %ne3A_699 : i32 to vector<16xi32>
      %ne3A_701 = arith.cmpi ne, %rem3A_698, %ne3A_700 : vector<16xi32>
      %and3A_702 = arith.andi %ne3A_696, %ne3A_701 : vector<16xi1>
      %sub3A_703 = arith.constant 1 : i32
      %sub3A_704 = vector.broadcast %sub3A_703 : i32 to vector<16xi32>
      %sub3A_705 = arith.subi %div3A_678, %sub3A_704 : vector<16xi32>
      %select_n3A_706 = arith.select %and3A_702, %sub3A_705, %div3A_678 : vector<16xi1>, vector<16xi32>
      %mul3A_707 = arith.constant 24 : i32
      %mul3A_708 = vector.broadcast %mul3A_707 : i32 to vector<16xi32>
      %mul3A_709 = arith.muli %select_n3A_706, %mul3A_708 : vector<16xi32>
      %sub3A_710 = arith.subi %sub3A_643, %mul3A_709 : vector<16xi32>
      %convert_element_type3A_711 = arith.sitofp %sub3A_710 : vector<16xi32> to vector<16xf32>
      %get3A_712 = arith.constant 0 : index
      %get3A_713 = tpu.vector_load %arg15[%get3A_712] {strides = array<i32>} : memref<256xf32, #tpu.memory_space<vmem>>, vector<16xf32>,
      %add3A_714 = arith.addf %convert_element_type3A_608, %get3A_713 : vector<16xf32>
      %mul3A_715 = arith.constant 4.000000e+00 : f32
      %mul3A_716 = vector.broadcast %mul3A_715 : f32 to vector<16xf32>
      %mul3A_717 = arith.mulf %add3A_714, %mul3A_716 : vector<16xf32>
      %get3A_718 = arith.constant 64 : index
      %get3A_719 = tpu.vector_load %arg15[%get3A_718] {strides = array<i32>} : memref<256xf32, #tpu.memory_space<vmem>>, vector<16xf32>,
      %add3A_720 = arith.addf %convert_element_type3A_675, %get3A_719 : vector<16xf32>
      %mul3A_721 = arith.constant 4.000000e+00 : f32
      %mul3A_722 = vector.broadcast %mul3A_721 : f32 to vector<16xf32>
      %mul3A_723 = arith.mulf %add3A_720, %mul3A_722 : vector<16xf32>
      %get3A_724 = arith.constant 128 : index
      %get3A_725 = tpu.vector_load %arg15[%get3A_724] {strides = array<i32>} : memref<256xf32, #tpu.memory_space<vmem>>, vector<16xf32>,
      %add3A_726 = arith.addf %convert_element_type3A_711, %get3A_725 : vector<16xf32>
      %mul3A_727 = arith.constant 4.000000e+00 : f32
      %mul3A_728 = vector.broadcast %mul3A_727 : f32 to vector<16xf32>
      %mul3A_729 = arith.mulf %add3A_726, %mul3A_728 : vector<16xf32>
      %get3A_730 = arith.constant 0 : index
      %get3A_731 = tpu.vector_load %arg12[%get3A_730] {strides = array<i32>} : memref<64xi32, #tpu.memory_space<vmem>>, vector<16xi32>,
      %broadcast_in_dim3A_732 = arith.constant 0xFF800000 : f32
      %broadcast_in_dim3A_733 = vector.broadcast %broadcast_in_dim3A_732 : f32 to vector<16xf32>
      %scan3A_734 = arith.constant 0 : i32
      %scan3A_735 = arith.constant 36 : i32
      %scan3A_736 = arith.addi %scan3A_734, %scan3A_735 : i32
      %scan3A_737 = arith.constant 1 : i32
      %scan3A_738 = scf.for %scan3A_1843 = %scan3A_734 to %scan3A_736 step %scan3A_737 iter_args(%scan3A_1844 = %broadcast_in_dim3A_733) -> (vector<16xf32>)  : i32 {
        %add3A_1845 = arith.constant 0 : i32
        %add3A_1846 = arith.addi %add3A_1845, %scan3A_1843 : i32
        %broadcast_in_dim3A_1847 = vector.broadcast %add3A_1846 : i32 to vector<16xi32>
        %gather3A_1848 = tpu.vector_load_idx %arg13[%get3A_731, %broadcast_in_dim3A_1847] : memref<512x108xf32, #tpu.memory_space<vmem>>[vector<16xi32>, vector<16xi32>], vector<16xf32>,
        %max3A = arith.maximumf %scan3A_1844, %gather3A_1848 : vector<16xf32>
        scf.yield %max3A : vector<16xf32>
      }
      %scan3A_739 = arith.constant 36 : i32
      %scan3A_740 = arith.constant 0 : i32
      %scan3A_741 = arith.constant 36 : i32
      %scan3A_742 = arith.addi %scan3A_740, %scan3A_741 : i32
      %scan3A_743 = arith.constant 1 : i32
      %scan3A_744:2 = scf.for %scan3A_1843 = %scan3A_740 to %scan3A_742 step %scan3A_743 iter_args(%scan3A_1844 = %broadcast_in_dim3A_3, %scan3A_1845 = %broadcast_in_dim3A_3) -> (vector<16xf32>, vector<16xf32>)  : i32 {
        %add3A_1846 = arith.constant 0 : i32
        %add3A_1847 = arith.addi %add3A_1846, %scan3A_1843 : i32
        %broadcast_in_dim3A_1848 = vector.broadcast %add3A_1847 : i32 to vector<16xi32>
        %gather3A_1849 = tpu.vector_load_idx %arg13[%get3A_731, %broadcast_in_dim3A_1848] : memref<512x108xf32, #tpu.memory_space<vmem>>[vector<16xi32>, vector<16xi32>], vector<16xf32>,
        %sub3A_1850 = arith.subf %gather3A_1849, %scan3A_738 : vector<16xf32>
        %exp3A_1851 = math.exp %sub3A_1850 : vector<16xf32>
        %add3A_1852 = arith.addf %scan3A_1844, %exp3A_1851 : vector<16xf32>
        %convert_element_type3A_1853 = arith.sitofp %scan3A_1843 : i32 to f32
        %mul3A_1854 = vector.broadcast %convert_element_type3A_1853 : f32 to vector<16xf32>
        %mul3A_1855 = arith.mulf %exp3A_1851, %mul3A_1854 : vector<16xf32>
        %add3A_1856 = arith.addf %scan3A_1845, %mul3A_1855 : vector<16xf32>
        scf.yield %add3A_1852, %add3A_1856 : vector<16xf32>, vector<16xf32>
      }
      %scan3A_745 = arith.constant 36 : i32
      %div3A_746 = arith.divf %scan3A_744#1, %scan3A_744#0 : vector<16xf32>
      %mul3A_747 = arith.constant 4.000000e+00 : f32
      %mul3A_748 = vector.broadcast %mul3A_747 : f32 to vector<16xf32>
      %mul3A_749 = arith.mulf %div3A_746, %mul3A_748 : vector<16xf32>
      %get3A_750 = arith.constant 0 : index
      %get3A_751 = tpu.vector_load %arg12[%get3A_750] {strides = array<i32>} : memref<64xi32, #tpu.memory_space<vmem>>, vector<16xi32>,
      %broadcast_in_dim3A_752 = arith.constant 0xFF800000 : f32
      %broadcast_in_dim3A_753 = vector.broadcast %broadcast_in_dim3A_752 : f32 to vector<16xf32>
      %scan3A_754 = arith.constant 0 : i32
      %scan3A_755 = arith.constant 36 : i32
      %scan3A_756 = arith.addi %scan3A_754, %scan3A_755 : i32
      %scan3A_757 = arith.constant 1 : i32
      %scan3A_758 = scf.for %scan3A_1843 = %scan3A_754 to %scan3A_756 step %scan3A_757 iter_args(%scan3A_1844 = %broadcast_in_dim3A_753) -> (vector<16xf32>)  : i32 {
        %add3A_1845 = arith.constant 36 : i32
        %add3A_1846 = arith.addi %add3A_1845, %scan3A_1843 : i32
        %broadcast_in_dim3A_1847 = vector.broadcast %add3A_1846 : i32 to vector<16xi32>
        %gather3A_1848 = tpu.vector_load_idx %arg13[%get3A_751, %broadcast_in_dim3A_1847] : memref<512x108xf32, #tpu.memory_space<vmem>>[vector<16xi32>, vector<16xi32>], vector<16xf32>,
        %max3A = arith.maximumf %scan3A_1844, %gather3A_1848 : vector<16xf32>
        scf.yield %max3A : vector<16xf32>
      }
      %scan3A_759 = arith.constant 36 : i32
      %scan3A_760 = arith.constant 0 : i32
      %scan3A_761 = arith.constant 36 : i32
      %scan3A_762 = arith.addi %scan3A_760, %scan3A_761 : i32
      %scan3A_763 = arith.constant 1 : i32
      %scan3A_764:2 = scf.for %scan3A_1843 = %scan3A_760 to %scan3A_762 step %scan3A_763 iter_args(%scan3A_1844 = %broadcast_in_dim3A_3, %scan3A_1845 = %broadcast_in_dim3A_3) -> (vector<16xf32>, vector<16xf32>)  : i32 {
        %add3A_1846 = arith.constant 36 : i32
        %add3A_1847 = arith.addi %add3A_1846, %scan3A_1843 : i32
        %broadcast_in_dim3A_1848 = vector.broadcast %add3A_1847 : i32 to vector<16xi32>
        %gather3A_1849 = tpu.vector_load_idx %arg13[%get3A_751, %broadcast_in_dim3A_1848] : memref<512x108xf32, #tpu.memory_space<vmem>>[vector<16xi32>, vector<16xi32>], vector<16xf32>,
        %sub3A_1850 = arith.subf %gather3A_1849, %scan3A_758 : vector<16xf32>
        %exp3A_1851 = math.exp %sub3A_1850 : vector<16xf32>
        %add3A_1852 = arith.addf %scan3A_1844, %exp3A_1851 : vector<16xf32>
        %convert_element_type3A_1853 = arith.sitofp %scan3A_1843 : i32 to f32
        %mul3A_1854 = vector.broadcast %convert_element_type3A_1853 : f32 to vector<16xf32>
        %mul3A_1855 = arith.mulf %exp3A_1851, %mul3A_1854 : vector<16xf32>
        %add3A_1856 = arith.addf %scan3A_1845, %mul3A_1855 : vector<16xf32>
        scf.yield %add3A_1852, %add3A_1856 : vector<16xf32>, vector<16xf32>
      }
      %scan3A_765 = arith.constant 36 : i32
      %div3A_766 = arith.divf %scan3A_764#1, %scan3A_764#0 : vector<16xf32>
      %mul3A_767 = arith.constant 4.000000e+00 : f32
      %mul3A_768 = vector.broadcast %mul3A_767 : f32 to vector<16xf32>
      %mul3A_769 = arith.mulf %div3A_766, %mul3A_768 : vector<16xf32>
      %get3A_770 = arith.constant 0 : index
      %get3A_771 = tpu.vector_load %arg12[%get3A_770] {strides = array<i32>} : memref<64xi32, #tpu.memory_space<vmem>>, vector<16xi32>,
      %broadcast_in_dim3A_772 = arith.constant 0xFF800000 : f32
      %broadcast_in_dim3A_773 = vector.broadcast %broadcast_in_dim3A_772 : f32 to vector<16xf32>
      %scan3A_774 = arith.constant 0 : i32
      %scan3A_775 = arith.constant 36 : i32
      %scan3A_776 = arith.addi %scan3A_774, %scan3A_775 : i32
      %scan3A_777 = arith.constant 1 : i32
      %scan3A_778 = scf.for %scan3A_1843 = %scan3A_774 to %scan3A_776 step %scan3A_777 iter_args(%scan3A_1844 = %broadcast_in_dim3A_773) -> (vector<16xf32>)  : i32 {
        %add3A_1845 = arith.constant 72 : i32
        %add3A_1846 = arith.addi %add3A_1845, %scan3A_1843 : i32
        %broadcast_in_dim3A_1847 = vector.broadcast %add3A_1846 : i32 to vector<16xi32>
        %gather3A_1848 = tpu.vector_load_idx %arg13[%get3A_771, %broadcast_in_dim3A_1847] : memref<512x108xf32, #tpu.memory_space<vmem>>[vector<16xi32>, vector<16xi32>], vector<16xf32>,
        %max3A = arith.maximumf %scan3A_1844, %gather3A_1848 : vector<16xf32>
        scf.yield %max3A : vector<16xf32>
      }
      %scan3A_779 = arith.constant 36 : i32
      %scan3A_780 = arith.constant 0 : i32
      %scan3A_781 = arith.constant 36 : i32
      %scan3A_782 = arith.addi %scan3A_780, %scan3A_781 : i32
      %scan3A_783 = arith.constant 1 : i32
      %scan3A_784:2 = scf.for %scan3A_1843 = %scan3A_780 to %scan3A_782 step %scan3A_783 iter_args(%scan3A_1844 = %broadcast_in_dim3A_3, %scan3A_1845 = %broadcast_in_dim3A_3) -> (vector<16xf32>, vector<16xf32>)  : i32 {
        %add3A_1846 = arith.constant 72 : i32
        %add3A_1847 = arith.addi %add3A_1846, %scan3A_1843 : i32
        %broadcast_in_dim3A_1848 = vector.broadcast %add3A_1847 : i32 to vector<16xi32>
        %gather3A_1849 = tpu.vector_load_idx %arg13[%get3A_771, %broadcast_in_dim3A_1848] : memref<512x108xf32, #tpu.memory_space<vmem>>[vector<16xi32>, vector<16xi32>], vector<16xf32>,
        %sub3A_1850 = arith.subf %gather3A_1849, %scan3A_778 : vector<16xf32>
        %exp3A_1851 = math.exp %sub3A_1850 : vector<16xf32>
        %add3A_1852 = arith.addf %scan3A_1844, %exp3A_1851 : vector<16xf32>
        %convert_element_type3A_1853 = arith.sitofp %scan3A_1843 : i32 to f32
        %mul3A_1854 = vector.broadcast %convert_element_type3A_1853 : f32 to vector<16xf32>
        %mul3A_1855 = arith.mulf %exp3A_1851, %mul3A_1854 : vector<16xf32>
        %add3A_1856 = arith.addf %scan3A_1845, %mul3A_1855 : vector<16xf32>
        scf.yield %add3A_1852, %add3A_1856 : vector<16xf32>, vector<16xf32>
      }
      %scan3A_785 = arith.constant 36 : i32
      %div3A_786 = arith.divf %scan3A_784#1, %scan3A_784#0 : vector<16xf32>
      %mul3A_787 = arith.constant 4.000000e+00 : f32
      %mul3A_788 = vector.broadcast %mul3A_787 : f32 to vector<16xf32>
      %mul3A_789 = arith.mulf %div3A_786, %mul3A_788 : vector<16xf32>
      %mul3A_790 = arith.constant 5.000000e-01 : f32
      %mul3A_791 = vector.broadcast %mul3A_790 : f32 to vector<16xf32>
      %mul3A_792 = arith.mulf %mul3A_749, %mul3A_791 : vector<16xf32>
      %mul3A_793 = arith.constant 5.000000e-01 : f32
      %mul3A_794 = vector.broadcast %mul3A_793 : f32 to vector<16xf32>
      %mul3A_795 = arith.mulf %mul3A_769, %mul3A_794 : vector<16xf32>
      %mul3A_796 = arith.constant 5.000000e-01 : f32
      %mul3A_797 = vector.broadcast %mul3A_796 : f32 to vector<16xf32>
      %mul3A_798 = arith.mulf %mul3A_789, %mul3A_797 : vector<16xf32>
      %sub3A_799 = arith.subf %mul3A_717, %mul3A_792 : vector<16xf32>
      %sub3A_800 = arith.subf %mul3A_723, %mul3A_795 : vector<16xf32>
      %sub3A_801 = arith.subf %mul3A_729, %mul3A_798 : vector<16xf32>
      %add3A_802 = arith.addf %mul3A_717, %mul3A_792 : vector<16xf32>
      %add3A_803 = arith.addf %mul3A_723, %mul3A_795 : vector<16xf32>
      %add3A_804 = arith.addf %mul3A_729, %mul3A_798 : vector<16xf32>
      %mul3A_805 = arith.mulf %mul3A_749, %mul3A_769 : vector<16xf32>
      %mul3A_806 = arith.mulf %mul3A_805, %mul3A_789 : vector<16xf32>
      %swap3A_807 = arith.constant 0 : index
      %swap3A_808 = tpu.vector_load %arg18[%swap3A_807] {strides = array<i32>} : memref<192xf32, #tpu.memory_space<vmem>>, vector<16xf32>,
      tpu.vector_store %arg18[%swap3A_807], %sub3A_799 {strides = array<i32>} : memref<192xf32, #tpu.memory_space<vmem>>, vector<16xf32>,
      %swap3A_809 = arith.constant 0 : index
      %swap3A_810 = tpu.vector_load %arg19[%swap3A_809] {strides = array<i32>} : memref<192xf32, #tpu.memory_space<vmem>>, vector<16xf32>,
      tpu.vector_store %arg19[%swap3A_809], %add3A_802 {strides = array<i32>} : memref<192xf32, #tpu.memory_space<vmem>>, vector<16xf32>,
      %swap3A_811 = arith.constant 64 : index
      %swap3A_812 = tpu.vector_load %arg18[%swap3A_811] {strides = array<i32>} : memref<192xf32, #tpu.memory_space<vmem>>, vector<16xf32>,
      tpu.vector_store %arg18[%swap3A_811], %sub3A_800 {strides = array<i32>} : memref<192xf32, #tpu.memory_space<vmem>>, vector<16xf32>,
      %swap3A_813 = arith.constant 64 : index
      %swap3A_814 = tpu.vector_load %arg19[%swap3A_813] {strides = array<i32>} : memref<192xf32, #tpu.memory_space<vmem>>, vector<16xf32>,
      tpu.vector_store %arg19[%swap3A_813], %add3A_803 {strides = array<i32>} : memref<192xf32, #tpu.memory_space<vmem>>, vector<16xf32>,
      %swap3A_815 = arith.constant 128 : index
      %swap3A_816 = tpu.vector_load %arg18[%swap3A_815] {strides = array<i32>} : memref<192xf32, #tpu.memory_space<vmem>>, vector<16xf32>,
      tpu.vector_store %arg18[%swap3A_815], %sub3A_801 {strides = array<i32>} : memref<192xf32, #tpu.memory_space<vmem>>, vector<16xf32>,
      %swap3A_817 = arith.constant 128 : index
      %swap3A_818 = tpu.vector_load %arg19[%swap3A_817] {strides = array<i32>} : memref<192xf32, #tpu.memory_space<vmem>>, vector<16xf32>,
      tpu.vector_store %arg19[%swap3A_817], %add3A_804 {strides = array<i32>} : memref<192xf32, #tpu.memory_space<vmem>>, vector<16xf32>,
      %swap3A_819 = arith.constant 0 : index
      %swap3A_820 = tpu.vector_load %arg20[%swap3A_819] {strides = array<i32>} : memref<64xf32, #tpu.memory_space<vmem>>, vector<16xf32>,
      tpu.vector_store %arg20[%swap3A_819], %mul3A_806 {strides = array<i32>} : memref<64xf32, #tpu.memory_space<vmem>>, vector<16xf32>,
      %add3A_821 = arith.constant 0 : i32
      %add3A_822 = vector.broadcast %add3A_821 : i32 to vector<16xi32>
      %add3A_823 = arith.addi %add3A_822, %iota3A : vector<16xi32>
      %mul3A_824 = arith.constant 16 : i32
      %mul3A_825 = vector.broadcast %mul3A_824 : i32 to vector<16xi32>
      %mul3A_826 = arith.muli %add3A_823, %mul3A_825 : vector<16xi32>
      %broadcast_in_dim3A_827 = arith.constant 1.000000e+00 : f32
      %broadcast_in_dim3A_828 = vector.broadcast %broadcast_in_dim3A_827 : f32 to vector<16xf32>
      %add3A_829 = arith.constant 0 : i32
      %add3A_830 = vector.broadcast %add3A_829 : i32 to vector<16xi32>
      %add3A_831 = arith.addi %mul3A_826, %add3A_830 : vector<16xi32>
      tpu.vector_store_idx %arg16[%add3A_831], %broadcast_in_dim3A_828 : memref<1024xf32, #tpu.memory_space<vmem>>[vector<16xi32>], vector<16xf32>,
      %add3A_832 = arith.constant 1 : i32
      %add3A_833 = vector.broadcast %add3A_832 : i32 to vector<16xi32>
      %add3A_834 = arith.addi %mul3A_826, %add3A_833 : vector<16xi32>
      tpu.vector_store_idx %arg16[%add3A_834], %div3A_580 : memref<1024xf32, #tpu.memory_space<vmem>>[vector<16xi32>], vector<16xf32>,
      %add3A_835 = arith.constant 2 : i32
      %add3A_836 = vector.broadcast %add3A_835 : i32 to vector<16xi32>
      %add3A_837 = arith.addi %mul3A_826, %add3A_836 : vector<16xi32>
      tpu.vector_store_idx %arg16[%add3A_837], %mul3A_717 : memref<1024xf32, #tpu.memory_space<vmem>>[vector<16xi32>], vector<16xf32>,
      %add3A_838 = arith.constant 3 : i32
      %add3A_839 = vector.broadcast %add3A_838 : i32 to vector<16xi32>
      %add3A_840 = arith.addi %mul3A_826, %add3A_839 : vector<16xi32>
      tpu.vector_store_idx %arg16[%add3A_840], %mul3A_723 : memref<1024xf32, #tpu.memory_space<vmem>>[vector<16xi32>], vector<16xf32>,
      %add3A_841 = arith.constant 4 : i32
      %add3A_842 = vector.broadcast %add3A_841 : i32 to vector<16xi32>
      %add3A_843 = arith.addi %mul3A_826, %add3A_842 : vector<16xi32>
      tpu.vector_store_idx %arg16[%add3A_843], %mul3A_729 : memref<1024xf32, #tpu.memory_space<vmem>>[vector<16xi32>], vector<16xf32>,
      %add3A_844 = arith.constant 5 : i32
      %add3A_845 = vector.broadcast %add3A_844 : i32 to vector<16xi32>
      %add3A_846 = arith.addi %mul3A_826, %add3A_845 : vector<16xi32>
      tpu.vector_store_idx %arg16[%add3A_846], %mul3A_749 : memref<1024xf32, #tpu.memory_space<vmem>>[vector<16xi32>], vector<16xf32>,
      %add3A_847 = arith.constant 6 : i32
      %add3A_848 = vector.broadcast %add3A_847 : i32 to vector<16xi32>
      %add3A_849 = arith.addi %mul3A_826, %add3A_848 : vector<16xi32>
      tpu.vector_store_idx %arg16[%add3A_849], %mul3A_769 : memref<1024xf32, #tpu.memory_space<vmem>>[vector<16xi32>], vector<16xf32>,
      %add3A_850 = arith.constant 7 : i32
      %add3A_851 = vector.broadcast %add3A_850 : i32 to vector<16xi32>
      %add3A_852 = arith.addi %mul3A_826, %add3A_851 : vector<16xi32>
      tpu.vector_store_idx %arg16[%add3A_852], %mul3A_789 : memref<1024xf32, #tpu.memory_space<vmem>>[vector<16xi32>], vector<16xf32>,
      %add3A_853 = arith.constant 8 : i32
      %add3A_854 = vector.broadcast %add3A_853 : i32 to vector<16xi32>
      %add3A_855 = arith.addi %mul3A_826, %add3A_854 : vector<16xi32>
      tpu.vector_store_idx %arg16[%add3A_855], %sub3A_799 : memref<1024xf32, #tpu.memory_space<vmem>>[vector<16xi32>], vector<16xf32>,
      %add3A_856 = arith.constant 9 : i32
      %add3A_857 = vector.broadcast %add3A_856 : i32 to vector<16xi32>
      %add3A_858 = arith.addi %mul3A_826, %add3A_857 : vector<16xi32>
      tpu.vector_store_idx %arg16[%add3A_858], %sub3A_800 : memref<1024xf32, #tpu.memory_space<vmem>>[vector<16xi32>], vector<16xf32>,
      %add3A_859 = arith.constant 10 : i32
      %add3A_860 = vector.broadcast %add3A_859 : i32 to vector<16xi32>
      %add3A_861 = arith.addi %mul3A_826, %add3A_860 : vector<16xi32>
      tpu.vector_store_idx %arg16[%add3A_861], %sub3A_801 : memref<1024xf32, #tpu.memory_space<vmem>>[vector<16xi32>], vector<16xf32>,
      %add3A_862 = arith.constant 11 : i32
      %add3A_863 = vector.broadcast %add3A_862 : i32 to vector<16xi32>
      %add3A_864 = arith.addi %mul3A_826, %add3A_863 : vector<16xi32>
      tpu.vector_store_idx %arg16[%add3A_864], %add3A_802 : memref<1024xf32, #tpu.memory_space<vmem>>[vector<16xi32>], vector<16xf32>,
      %add3A_865 = arith.constant 12 : i32
      %add3A_866 = vector.broadcast %add3A_865 : i32 to vector<16xi32>
      %add3A_867 = arith.addi %mul3A_826, %add3A_866 : vector<16xi32>
      tpu.vector_store_idx %arg16[%add3A_867], %add3A_803 : memref<1024xf32, #tpu.memory_space<vmem>>[vector<16xi32>], vector<16xf32>,
      %add3A_868 = arith.constant 13 : i32
      %add3A_869 = vector.broadcast %add3A_868 : i32 to vector<16xi32>
      %add3A_870 = arith.addi %mul3A_826, %add3A_869 : vector<16xi32>
      tpu.vector_store_idx %arg16[%add3A_870], %add3A_804 : memref<1024xf32, #tpu.memory_space<vmem>>[vector<16xi32>], vector<16xf32>,
      %add3A_871 = arith.constant 14 : i32
      %add3A_872 = vector.broadcast %add3A_871 : i32 to vector<16xi32>
      %add3A_873 = arith.addi %mul3A_826, %add3A_872 : vector<16xi32>
      tpu.vector_store_idx %arg16[%add3A_873], %mul3A_806 : memref<1024xf32, #tpu.memory_space<vmem>>[vector<16xi32>], vector<16xf32>,
      %gt3A = arith.constant 1.500000e-01 : f32
      %gt3A_874 = vector.broadcast %gt3A : f32 to vector<16xf32>
      %gt3A_875 = arith.cmpf ogt, %div3A_580, %gt3A_874 : vector<16xf32>
      %jit3A_876 = arith.constant 0xFF800000 : f32
      %broadcast_in_dim3A_877 = vector.broadcast %jit3A_876 : f32 to vector<16xf32>
      %select_n3A_878 = arith.select %gt3A_875, %div3A_580, %broadcast_in_dim3A_877 : vector<16xi1>, vector<16xf32>
      %get3A_879 = arith.constant 16 : index
      %get3A_880 = tpu.vector_load %arg9[%get3A_879] {strides = array<i32>} : memref<64xi32, #tpu.memory_space<vmem>>, vector<16xi32>,
      %get3A_881 = arith.constant 16 : index
      %get3A_882 = tpu.vector_load %arg10[%get3A_881] {strides = array<i32>} : memref<64xf32, #tpu.memory_space<vmem>>, vector<16xf32>,
      %neg3A_883 = arith.constant 0.000000e+00 : f32
      %neg3A_884 = vector.broadcast %neg3A_883 : f32 to vector<16xf32>
      %neg3A_885 = arith.subf %neg3A_884, %get3A_882 : vector<16xf32>
      %exp3A_886 = math.exp %neg3A_885 : vector<16xf32>
      %add3A_887 = arith.constant 1.000000e+00 : f32
      %add3A_888 = vector.broadcast %add3A_887 : f32 to vector<16xf32>
      %add3A_889 = arith.addf %add3A_888, %exp3A_886 : vector<16xf32>
      %div3A_890 = arith.constant 1.000000e+00 : f32
      %div3A_891 = vector.broadcast %div3A_890 : f32 to vector<16xf32>
      %div3A_892 = arith.divf %div3A_891, %add3A_889 : vector<16xf32>
      %jit3A_893 = arith.constant 576 : i32
      %div3A_894 = vector.broadcast %jit3A_893 : i32 to vector<16xi32>
      %div3A_895 = arith.divsi %get3A_880, %div3A_894 : vector<16xi32>
      %sign3A_896 = arith.constant 0 : i32
      %sign3A_897 = vector.broadcast %sign3A_896 : i32 to vector<16xi32>
      %sign3A_898 = arith.cmpi sgt, %get3A_880, %sign3A_897 : vector<16xi32>
      %sign3A_899 = arith.extui %sign3A_898 : vector<16xi1> to vector<16xi32>
      %sign3A_900 = arith.constant 0 : i32
      %sign3A_901 = vector.broadcast %sign3A_900 : i32 to vector<16xi32>
      %sign3A_902 = arith.cmpi slt, %get3A_880, %sign3A_901 : vector<16xi32>
      %sign3A_903 = arith.extui %sign3A_902 : vector<16xi1> to vector<16xi32>
      %sign3A_904 = arith.subi %sign3A_899, %sign3A_903 : vector<16xi32>
      %sign3A_905 = arith.constant 0 : i32
      %sign3A_906 = arith.cmpi sgt, %jit3A_893, %sign3A_905 : i32
      %sign3A_907 = arith.extui %sign3A_906 : i1 to i32
      %sign3A_908 = arith.constant 0 : i32
      %sign3A_909 = arith.cmpi slt, %jit3A_893, %sign3A_908 : i32
      %sign3A_910 = arith.extui %sign3A_909 : i1 to i32
      %sign3A_911 = arith.subi %sign3A_907, %sign3A_910 : i32
      %ne3A_912 = vector.broadcast %sign3A_911 : i32 to vector<16xi32>
      %ne3A_913 = arith.cmpi ne, %sign3A_904, %ne3A_912 : vector<16xi32>
      %rem3A_914 = vector.broadcast %jit3A_893 : i32 to vector<16xi32>
      %rem3A_915 = arith.remsi %get3A_880, %rem3A_914 : vector<16xi32>
      %ne3A_916 = arith.constant 0 : i32
      %ne3A_917 = vector.broadcast %ne3A_916 : i32 to vector<16xi32>
      %ne3A_918 = arith.cmpi ne, %rem3A_915, %ne3A_917 : vector<16xi32>
      %and3A_919 = arith.andi %ne3A_913, %ne3A_918 : vector<16xi1>
      %sub3A_920 = arith.constant 1 : i32
      %sub3A_921 = vector.broadcast %sub3A_920 : i32 to vector<16xi32>
      %sub3A_922 = arith.subi %div3A_895, %sub3A_921 : vector<16xi32>
      %select_n3A_923 = arith.select %and3A_919, %sub3A_922, %div3A_895 : vector<16xi1>, vector<16xi32>
      %convert_element_type3A_924 = arith.sitofp %select_n3A_923 : vector<16xi32> to vector<16xf32>
      %jit3A_925 = arith.constant 576 : i32
      %div3A_926 = vector.broadcast %jit3A_925 : i32 to vector<16xi32>
      %div3A_927 = arith.divsi %get3A_880, %div3A_926 : vector<16xi32>
      %sign3A_928 = arith.constant 0 : i32
      %sign3A_929 = vector.broadcast %sign3A_928 : i32 to vector<16xi32>
      %sign3A_930 = arith.cmpi sgt, %get3A_880, %sign3A_929 : vector<16xi32>
      %sign3A_931 = arith.extui %sign3A_930 : vector<16xi1> to vector<16xi32>
      %sign3A_932 = arith.constant 0 : i32
      %sign3A_933 = vector.broadcast %sign3A_932 : i32 to vector<16xi32>
      %sign3A_934 = arith.cmpi slt, %get3A_880, %sign3A_933 : vector<16xi32>
      %sign3A_935 = arith.extui %sign3A_934 : vector<16xi1> to vector<16xi32>
      %sign3A_936 = arith.subi %sign3A_931, %sign3A_935 : vector<16xi32>
      %sign3A_937 = arith.constant 0 : i32
      %sign3A_938 = arith.cmpi sgt, %jit3A_925, %sign3A_937 : i32
      %sign3A_939 = arith.extui %sign3A_938 : i1 to i32
      %sign3A_940 = arith.constant 0 : i32
      %sign3A_941 = arith.cmpi slt, %jit3A_925, %sign3A_940 : i32
      %sign3A_942 = arith.extui %sign3A_941 : i1 to i32
      %sign3A_943 = arith.subi %sign3A_939, %sign3A_942 : i32
      %ne3A_944 = vector.broadcast %sign3A_943 : i32 to vector<16xi32>
      %ne3A_945 = arith.cmpi ne, %sign3A_936, %ne3A_944 : vector<16xi32>
      %rem3A_946 = vector.broadcast %jit3A_925 : i32 to vector<16xi32>
      %rem3A_947 = arith.remsi %get3A_880, %rem3A_946 : vector<16xi32>
      %ne3A_948 = arith.constant 0 : i32
      %ne3A_949 = vector.broadcast %ne3A_948 : i32 to vector<16xi32>
      %ne3A_950 = arith.cmpi ne, %rem3A_947, %ne3A_949 : vector<16xi32>
      %and3A_951 = arith.andi %ne3A_945, %ne3A_950 : vector<16xi1>
      %sub3A_952 = arith.constant 1 : i32
      %sub3A_953 = vector.broadcast %sub3A_952 : i32 to vector<16xi32>
      %sub3A_954 = arith.subi %div3A_927, %sub3A_953 : vector<16xi32>
      %select_n3A_955 = arith.select %and3A_951, %sub3A_954, %div3A_927 : vector<16xi1>, vector<16xi32>
      %mul3A_956 = arith.constant 576 : i32
      %mul3A_957 = vector.broadcast %mul3A_956 : i32 to vector<16xi32>
      %mul3A_958 = arith.muli %select_n3A_955, %mul3A_957 : vector<16xi32>
      %sub3A_959 = arith.subi %get3A_880, %mul3A_958 : vector<16xi32>
      %jit3A_960 = arith.constant 24 : i32
      %div3A_961 = vector.broadcast %jit3A_960 : i32 to vector<16xi32>
      %div3A_962 = arith.divsi %sub3A_959, %div3A_961 : vector<16xi32>
      %sign3A_963 = arith.constant 0 : i32
      %sign3A_964 = vector.broadcast %sign3A_963 : i32 to vector<16xi32>
      %sign3A_965 = arith.cmpi sgt, %sub3A_959, %sign3A_964 : vector<16xi32>
      %sign3A_966 = arith.extui %sign3A_965 : vector<16xi1> to vector<16xi32>
      %sign3A_967 = arith.constant 0 : i32
      %sign3A_968 = vector.broadcast %sign3A_967 : i32 to vector<16xi32>
      %sign3A_969 = arith.cmpi slt, %sub3A_959, %sign3A_968 : vector<16xi32>
      %sign3A_970 = arith.extui %sign3A_969 : vector<16xi1> to vector<16xi32>
      %sign3A_971 = arith.subi %sign3A_966, %sign3A_970 : vector<16xi32>
      %sign3A_972 = arith.constant 0 : i32
      %sign3A_973 = arith.cmpi sgt, %jit3A_960, %sign3A_972 : i32
      %sign3A_974 = arith.extui %sign3A_973 : i1 to i32
      %sign3A_975 = arith.constant 0 : i32
      %sign3A_976 = arith.cmpi slt, %jit3A_960, %sign3A_975 : i32
      %sign3A_977 = arith.extui %sign3A_976 : i1 to i32
      %sign3A_978 = arith.subi %sign3A_974, %sign3A_977 : i32
      %ne3A_979 = vector.broadcast %sign3A_978 : i32 to vector<16xi32>
      %ne3A_980 = arith.cmpi ne, %sign3A_971, %ne3A_979 : vector<16xi32>
      %rem3A_981 = vector.broadcast %jit3A_960 : i32 to vector<16xi32>
      %rem3A_982 = arith.remsi %sub3A_959, %rem3A_981 : vector<16xi32>
      %ne3A_983 = arith.constant 0 : i32
      %ne3A_984 = vector.broadcast %ne3A_983 : i32 to vector<16xi32>
      %ne3A_985 = arith.cmpi ne, %rem3A_982, %ne3A_984 : vector<16xi32>
      %and3A_986 = arith.andi %ne3A_980, %ne3A_985 : vector<16xi1>
      %sub3A_987 = arith.constant 1 : i32
      %sub3A_988 = vector.broadcast %sub3A_987 : i32 to vector<16xi32>
      %sub3A_989 = arith.subi %div3A_962, %sub3A_988 : vector<16xi32>
      %select_n3A_990 = arith.select %and3A_986, %sub3A_989, %div3A_962 : vector<16xi1>, vector<16xi32>
      %convert_element_type3A_991 = arith.sitofp %select_n3A_990 : vector<16xi32> to vector<16xf32>
      %jit3A_992 = arith.constant 24 : i32
      %div3A_993 = vector.broadcast %jit3A_992 : i32 to vector<16xi32>
      %div3A_994 = arith.divsi %sub3A_959, %div3A_993 : vector<16xi32>
      %sign3A_995 = arith.constant 0 : i32
      %sign3A_996 = vector.broadcast %sign3A_995 : i32 to vector<16xi32>
      %sign3A_997 = arith.cmpi sgt, %sub3A_959, %sign3A_996 : vector<16xi32>
      %sign3A_998 = arith.extui %sign3A_997 : vector<16xi1> to vector<16xi32>
      %sign3A_999 = arith.constant 0 : i32
      %sign3A_1000 = vector.broadcast %sign3A_999 : i32 to vector<16xi32>
      %sign3A_1001 = arith.cmpi slt, %sub3A_959, %sign3A_1000 : vector<16xi32>
      %sign3A_1002 = arith.extui %sign3A_1001 : vector<16xi1> to vector<16xi32>
      %sign3A_1003 = arith.subi %sign3A_998, %sign3A_1002 : vector<16xi32>
      %sign3A_1004 = arith.constant 0 : i32
      %sign3A_1005 = arith.cmpi sgt, %jit3A_992, %sign3A_1004 : i32
      %sign3A_1006 = arith.extui %sign3A_1005 : i1 to i32
      %sign3A_1007 = arith.constant 0 : i32
      %sign3A_1008 = arith.cmpi slt, %jit3A_992, %sign3A_1007 : i32
      %sign3A_1009 = arith.extui %sign3A_1008 : i1 to i32
      %sign3A_1010 = arith.subi %sign3A_1006, %sign3A_1009 : i32
      %ne3A_1011 = vector.broadcast %sign3A_1010 : i32 to vector<16xi32>
      %ne3A_1012 = arith.cmpi ne, %sign3A_1003, %ne3A_1011 : vector<16xi32>
      %rem3A_1013 = vector.broadcast %jit3A_992 : i32 to vector<16xi32>
      %rem3A_1014 = arith.remsi %sub3A_959, %rem3A_1013 : vector<16xi32>
      %ne3A_1015 = arith.constant 0 : i32
      %ne3A_1016 = vector.broadcast %ne3A_1015 : i32 to vector<16xi32>
      %ne3A_1017 = arith.cmpi ne, %rem3A_1014, %ne3A_1016 : vector<16xi32>
      %and3A_1018 = arith.andi %ne3A_1012, %ne3A_1017 : vector<16xi1>
      %sub3A_1019 = arith.constant 1 : i32
      %sub3A_1020 = vector.broadcast %sub3A_1019 : i32 to vector<16xi32>
      %sub3A_1021 = arith.subi %div3A_994, %sub3A_1020 : vector<16xi32>
      %select_n3A_1022 = arith.select %and3A_1018, %sub3A_1021, %div3A_994 : vector<16xi1>, vector<16xi32>
      %mul3A_1023 = arith.constant 24 : i32
      %mul3A_1024 = vector.broadcast %mul3A_1023 : i32 to vector<16xi32>
      %mul3A_1025 = arith.muli %select_n3A_1022, %mul3A_1024 : vector<16xi32>
      %sub3A_1026 = arith.subi %sub3A_959, %mul3A_1025 : vector<16xi32>
      %convert_element_type3A_1027 = arith.sitofp %sub3A_1026 : vector<16xi32> to vector<16xf32>
      %get3A_1028 = arith.constant 16 : index
      %get3A_1029 = tpu.vector_load %arg15[%get3A_1028] {strides = array<i32>} : memref<256xf32, #tpu.memory_space<vmem>>, vector<16xf32>,
      %add3A_1030 = arith.addf %convert_element_type3A_924, %get3A_1029 : vector<16xf32>
      %mul3A_1031 = arith.constant 4.000000e+00 : f32
      %mul3A_1032 = vector.broadcast %mul3A_1031 : f32 to vector<16xf32>
      %mul3A_1033 = arith.mulf %add3A_1030, %mul3A_1032 : vector<16xf32>
      %get3A_1034 = arith.constant 80 : index
      %get3A_1035 = tpu.vector_load %arg15[%get3A_1034] {strides = array<i32>} : memref<256xf32, #tpu.memory_space<vmem>>, vector<16xf32>,
      %add3A_1036 = arith.addf %convert_element_type3A_991, %get3A_1035 : vector<16xf32>
      %mul3A_1037 = arith.constant 4.000000e+00 : f32
      %mul3A_1038 = vector.broadcast %mul3A_1037 : f32 to vector<16xf32>
      %mul3A_1039 = arith.mulf %add3A_1036, %mul3A_1038 : vector<16xf32>
      %get3A_1040 = arith.constant 144 : index
      %get3A_1041 = tpu.vector_load %arg15[%get3A_1040] {strides = array<i32>} : memref<256xf32, #tpu.memory_space<vmem>>, vector<16xf32>,
      %add3A_1042 = arith.addf %convert_element_type3A_1027, %get3A_1041 : vector<16xf32>
      %mul3A_1043 = arith.constant 4.000000e+00 : f32
      %mul3A_1044 = vector.broadcast %mul3A_1043 : f32 to vector<16xf32>
      %mul3A_1045 = arith.mulf %add3A_1042, %mul3A_1044 : vector<16xf32>
      %get3A_1046 = arith.constant 16 : index
      %get3A_1047 = tpu.vector_load %arg12[%get3A_1046] {strides = array<i32>} : memref<64xi32, #tpu.memory_space<vmem>>, vector<16xi32>,
      %broadcast_in_dim3A_1048 = arith.constant 0xFF800000 : f32
      %broadcast_in_dim3A_1049 = vector.broadcast %broadcast_in_dim3A_1048 : f32 to vector<16xf32>
      %scan3A_1050 = arith.constant 0 : i32
      %scan3A_1051 = arith.constant 36 : i32
      %scan3A_1052 = arith.addi %scan3A_1050, %scan3A_1051 : i32
      %scan3A_1053 = arith.constant 1 : i32
      %scan3A_1054 = scf.for %scan3A_1843 = %scan3A_1050 to %scan3A_1052 step %scan3A_1053 iter_args(%scan3A_1844 = %broadcast_in_dim3A_1049) -> (vector<16xf32>)  : i32 {
        %add3A_1845 = arith.constant 0 : i32
        %add3A_1846 = arith.addi %add3A_1845, %scan3A_1843 : i32
        %broadcast_in_dim3A_1847 = vector.broadcast %add3A_1846 : i32 to vector<16xi32>
        %gather3A_1848 = tpu.vector_load_idx %arg13[%get3A_1047, %broadcast_in_dim3A_1847] : memref<512x108xf32, #tpu.memory_space<vmem>>[vector<16xi32>, vector<16xi32>], vector<16xf32>,
        %max3A = arith.maximumf %scan3A_1844, %gather3A_1848 : vector<16xf32>
        scf.yield %max3A : vector<16xf32>
      }
      %scan3A_1055 = arith.constant 36 : i32
      %scan3A_1056 = arith.constant 0 : i32
      %scan3A_1057 = arith.constant 36 : i32
      %scan3A_1058 = arith.addi %scan3A_1056, %scan3A_1057 : i32
      %scan3A_1059 = arith.constant 1 : i32
      %scan3A_1060:2 = scf.for %scan3A_1843 = %scan3A_1056 to %scan3A_1058 step %scan3A_1059 iter_args(%scan3A_1844 = %broadcast_in_dim3A_3, %scan3A_1845 = %broadcast_in_dim3A_3) -> (vector<16xf32>, vector<16xf32>)  : i32 {
        %add3A_1846 = arith.constant 0 : i32
        %add3A_1847 = arith.addi %add3A_1846, %scan3A_1843 : i32
        %broadcast_in_dim3A_1848 = vector.broadcast %add3A_1847 : i32 to vector<16xi32>
        %gather3A_1849 = tpu.vector_load_idx %arg13[%get3A_1047, %broadcast_in_dim3A_1848] : memref<512x108xf32, #tpu.memory_space<vmem>>[vector<16xi32>, vector<16xi32>], vector<16xf32>,
        %sub3A_1850 = arith.subf %gather3A_1849, %scan3A_1054 : vector<16xf32>
        %exp3A_1851 = math.exp %sub3A_1850 : vector<16xf32>
        %add3A_1852 = arith.addf %scan3A_1844, %exp3A_1851 : vector<16xf32>
        %convert_element_type3A_1853 = arith.sitofp %scan3A_1843 : i32 to f32
        %mul3A_1854 = vector.broadcast %convert_element_type3A_1853 : f32 to vector<16xf32>
        %mul3A_1855 = arith.mulf %exp3A_1851, %mul3A_1854 : vector<16xf32>
        %add3A_1856 = arith.addf %scan3A_1845, %mul3A_1855 : vector<16xf32>
        scf.yield %add3A_1852, %add3A_1856 : vector<16xf32>, vector<16xf32>
      }
      %scan3A_1061 = arith.constant 36 : i32
      %div3A_1062 = arith.divf %scan3A_1060#1, %scan3A_1060#0 : vector<16xf32>
      %mul3A_1063 = arith.constant 4.000000e+00 : f32
      %mul3A_1064 = vector.broadcast %mul3A_1063 : f32 to vector<16xf32>
      %mul3A_1065 = arith.mulf %div3A_1062, %mul3A_1064 : vector<16xf32>
      %get3A_1066 = arith.constant 16 : index
      %get3A_1067 = tpu.vector_load %arg12[%get3A_1066] {strides = array<i32>} : memref<64xi32, #tpu.memory_space<vmem>>, vector<16xi32>,
      %broadcast_in_dim3A_1068 = arith.constant 0xFF800000 : f32
      %broadcast_in_dim3A_1069 = vector.broadcast %broadcast_in_dim3A_1068 : f32 to vector<16xf32>
      %scan3A_1070 = arith.constant 0 : i32
      %scan3A_1071 = arith.constant 36 : i32
      %scan3A_1072 = arith.addi %scan3A_1070, %scan3A_1071 : i32
      %scan3A_1073 = arith.constant 1 : i32
      %scan3A_1074 = scf.for %scan3A_1843 = %scan3A_1070 to %scan3A_1072 step %scan3A_1073 iter_args(%scan3A_1844 = %broadcast_in_dim3A_1069) -> (vector<16xf32>)  : i32 {
        %add3A_1845 = arith.constant 36 : i32
        %add3A_1846 = arith.addi %add3A_1845, %scan3A_1843 : i32
        %broadcast_in_dim3A_1847 = vector.broadcast %add3A_1846 : i32 to vector<16xi32>
        %gather3A_1848 = tpu.vector_load_idx %arg13[%get3A_1067, %broadcast_in_dim3A_1847] : memref<512x108xf32, #tpu.memory_space<vmem>>[vector<16xi32>, vector<16xi32>], vector<16xf32>,
        %max3A = arith.maximumf %scan3A_1844, %gather3A_1848 : vector<16xf32>
        scf.yield %max3A : vector<16xf32>
      }
      %scan3A_1075 = arith.constant 36 : i32
      %scan3A_1076 = arith.constant 0 : i32
      %scan3A_1077 = arith.constant 36 : i32
      %scan3A_1078 = arith.addi %scan3A_1076, %scan3A_1077 : i32
      %scan3A_1079 = arith.constant 1 : i32
      %scan3A_1080:2 = scf.for %scan3A_1843 = %scan3A_1076 to %scan3A_1078 step %scan3A_1079 iter_args(%scan3A_1844 = %broadcast_in_dim3A_3, %scan3A_1845 = %broadcast_in_dim3A_3) -> (vector<16xf32>, vector<16xf32>)  : i32 {
        %add3A_1846 = arith.constant 36 : i32
        %add3A_1847 = arith.addi %add3A_1846, %scan3A_1843 : i32
        %broadcast_in_dim3A_1848 = vector.broadcast %add3A_1847 : i32 to vector<16xi32>
        %gather3A_1849 = tpu.vector_load_idx %arg13[%get3A_1067, %broadcast_in_dim3A_1848] : memref<512x108xf32, #tpu.memory_space<vmem>>[vector<16xi32>, vector<16xi32>], vector<16xf32>,
        %sub3A_1850 = arith.subf %gather3A_1849, %scan3A_1074 : vector<16xf32>
        %exp3A_1851 = math.exp %sub3A_1850 : vector<16xf32>
        %add3A_1852 = arith.addf %scan3A_1844, %exp3A_1851 : vector<16xf32>
        %convert_element_type3A_1853 = arith.sitofp %scan3A_1843 : i32 to f32
        %mul3A_1854 = vector.broadcast %convert_element_type3A_1853 : f32 to vector<16xf32>
        %mul3A_1855 = arith.mulf %exp3A_1851, %mul3A_1854 : vector<16xf32>
        %add3A_1856 = arith.addf %scan3A_1845, %mul3A_1855 : vector<16xf32>
        scf.yield %add3A_1852, %add3A_1856 : vector<16xf32>, vector<16xf32>
      }
      %scan3A_1081 = arith.constant 36 : i32
      %div3A_1082 = arith.divf %scan3A_1080#1, %scan3A_1080#0 : vector<16xf32>
      %mul3A_1083 = arith.constant 4.000000e+00 : f32
      %mul3A_1084 = vector.broadcast %mul3A_1083 : f32 to vector<16xf32>
      %mul3A_1085 = arith.mulf %div3A_1082, %mul3A_1084 : vector<16xf32>
      %get3A_1086 = arith.constant 16 : index
      %get3A_1087 = tpu.vector_load %arg12[%get3A_1086] {strides = array<i32>} : memref<64xi32, #tpu.memory_space<vmem>>, vector<16xi32>,
      %broadcast_in_dim3A_1088 = arith.constant 0xFF800000 : f32
      %broadcast_in_dim3A_1089 = vector.broadcast %broadcast_in_dim3A_1088 : f32 to vector<16xf32>
      %scan3A_1090 = arith.constant 0 : i32
      %scan3A_1091 = arith.constant 36 : i32
      %scan3A_1092 = arith.addi %scan3A_1090, %scan3A_1091 : i32
      %scan3A_1093 = arith.constant 1 : i32
      %scan3A_1094 = scf.for %scan3A_1843 = %scan3A_1090 to %scan3A_1092 step %scan3A_1093 iter_args(%scan3A_1844 = %broadcast_in_dim3A_1089) -> (vector<16xf32>)  : i32 {
        %add3A_1845 = arith.constant 72 : i32
        %add3A_1846 = arith.addi %add3A_1845, %scan3A_1843 : i32
        %broadcast_in_dim3A_1847 = vector.broadcast %add3A_1846 : i32 to vector<16xi32>
        %gather3A_1848 = tpu.vector_load_idx %arg13[%get3A_1087, %broadcast_in_dim3A_1847] : memref<512x108xf32, #tpu.memory_space<vmem>>[vector<16xi32>, vector<16xi32>], vector<16xf32>,
        %max3A = arith.maximumf %scan3A_1844, %gather3A_1848 : vector<16xf32>
        scf.yield %max3A : vector<16xf32>
      }
      %scan3A_1095 = arith.constant 36 : i32
      %scan3A_1096 = arith.constant 0 : i32
      %scan3A_1097 = arith.constant 36 : i32
      %scan3A_1098 = arith.addi %scan3A_1096, %scan3A_1097 : i32
      %scan3A_1099 = arith.constant 1 : i32
      %scan3A_1100:2 = scf.for %scan3A_1843 = %scan3A_1096 to %scan3A_1098 step %scan3A_1099 iter_args(%scan3A_1844 = %broadcast_in_dim3A_3, %scan3A_1845 = %broadcast_in_dim3A_3) -> (vector<16xf32>, vector<16xf32>)  : i32 {
        %add3A_1846 = arith.constant 72 : i32
        %add3A_1847 = arith.addi %add3A_1846, %scan3A_1843 : i32
        %broadcast_in_dim3A_1848 = vector.broadcast %add3A_1847 : i32 to vector<16xi32>
        %gather3A_1849 = tpu.vector_load_idx %arg13[%get3A_1087, %broadcast_in_dim3A_1848] : memref<512x108xf32, #tpu.memory_space<vmem>>[vector<16xi32>, vector<16xi32>], vector<16xf32>,
        %sub3A_1850 = arith.subf %gather3A_1849, %scan3A_1094 : vector<16xf32>
        %exp3A_1851 = math.exp %sub3A_1850 : vector<16xf32>
        %add3A_1852 = arith.addf %scan3A_1844, %exp3A_1851 : vector<16xf32>
        %convert_element_type3A_1853 = arith.sitofp %scan3A_1843 : i32 to f32
        %mul3A_1854 = vector.broadcast %convert_element_type3A_1853 : f32 to vector<16xf32>
        %mul3A_1855 = arith.mulf %exp3A_1851, %mul3A_1854 : vector<16xf32>
        %add3A_1856 = arith.addf %scan3A_1845, %mul3A_1855 : vector<16xf32>
        scf.yield %add3A_1852, %add3A_1856 : vector<16xf32>, vector<16xf32>
      }
      %scan3A_1101 = arith.constant 36 : i32
      %div3A_1102 = arith.divf %scan3A_1100#1, %scan3A_1100#0 : vector<16xf32>
      %mul3A_1103 = arith.constant 4.000000e+00 : f32
      %mul3A_1104 = vector.broadcast %mul3A_1103 : f32 to vector<16xf32>
      %mul3A_1105 = arith.mulf %div3A_1102, %mul3A_1104 : vector<16xf32>
      %mul3A_1106 = arith.constant 5.000000e-01 : f32
      %mul3A_1107 = vector.broadcast %mul3A_1106 : f32 to vector<16xf32>
      %mul3A_1108 = arith.mulf %mul3A_1065, %mul3A_1107 : vector<16xf32>
      %mul3A_1109 = arith.constant 5.000000e-01 : f32
      %mul3A_1110 = vector.broadcast %mul3A_1109 : f32 to vector<16xf32>
      %mul3A_1111 = arith.mulf %mul3A_1085, %mul3A_1110 : vector<16xf32>
      %mul3A_1112 = arith.constant 5.000000e-01 : f32
      %mul3A_1113 = vector.broadcast %mul3A_1112 : f32 to vector<16xf32>
      %mul3A_1114 = arith.mulf %mul3A_1105, %mul3A_1113 : vector<16xf32>
      %sub3A_1115 = arith.subf %mul3A_1033, %mul3A_1108 : vector<16xf32>
      %sub3A_1116 = arith.subf %mul3A_1039, %mul3A_1111 : vector<16xf32>
      %sub3A_1117 = arith.subf %mul3A_1045, %mul3A_1114 : vector<16xf32>
      %add3A_1118 = arith.addf %mul3A_1033, %mul3A_1108 : vector<16xf32>
      %add3A_1119 = arith.addf %mul3A_1039, %mul3A_1111 : vector<16xf32>
      %add3A_1120 = arith.addf %mul3A_1045, %mul3A_1114 : vector<16xf32>
      %mul3A_1121 = arith.mulf %mul3A_1065, %mul3A_1085 : vector<16xf32>
      %mul3A_1122 = arith.mulf %mul3A_1121, %mul3A_1105 : vector<16xf32>
      %swap3A_1123 = arith.constant 16 : index
      %swap3A_1124 = tpu.vector_load %arg18[%swap3A_1123] {strides = array<i32>} : memref<192xf32, #tpu.memory_space<vmem>>, vector<16xf32>,
      tpu.vector_store %arg18[%swap3A_1123], %sub3A_1115 {strides = array<i32>} : memref<192xf32, #tpu.memory_space<vmem>>, vector<16xf32>,
      %swap3A_1125 = arith.constant 16 : index
      %swap3A_1126 = tpu.vector_load %arg19[%swap3A_1125] {strides = array<i32>} : memref<192xf32, #tpu.memory_space<vmem>>, vector<16xf32>,
      tpu.vector_store %arg19[%swap3A_1125], %add3A_1118 {strides = array<i32>} : memref<192xf32, #tpu.memory_space<vmem>>, vector<16xf32>,
      %swap3A_1127 = arith.constant 80 : index
      %swap3A_1128 = tpu.vector_load %arg18[%swap3A_1127] {strides = array<i32>} : memref<192xf32, #tpu.memory_space<vmem>>, vector<16xf32>,
      tpu.vector_store %arg18[%swap3A_1127], %sub3A_1116 {strides = array<i32>} : memref<192xf32, #tpu.memory_space<vmem>>, vector<16xf32>,
      %swap3A_1129 = arith.constant 80 : index
      %swap3A_1130 = tpu.vector_load %arg19[%swap3A_1129] {strides = array<i32>} : memref<192xf32, #tpu.memory_space<vmem>>, vector<16xf32>,
      tpu.vector_store %arg19[%swap3A_1129], %add3A_1119 {strides = array<i32>} : memref<192xf32, #tpu.memory_space<vmem>>, vector<16xf32>,
      %swap3A_1131 = arith.constant 144 : index
      %swap3A_1132 = tpu.vector_load %arg18[%swap3A_1131] {strides = array<i32>} : memref<192xf32, #tpu.memory_space<vmem>>, vector<16xf32>,
      tpu.vector_store %arg18[%swap3A_1131], %sub3A_1117 {strides = array<i32>} : memref<192xf32, #tpu.memory_space<vmem>>, vector<16xf32>,
      %swap3A_1133 = arith.constant 144 : index
      %swap3A_1134 = tpu.vector_load %arg19[%swap3A_1133] {strides = array<i32>} : memref<192xf32, #tpu.memory_space<vmem>>, vector<16xf32>,
      tpu.vector_store %arg19[%swap3A_1133], %add3A_1120 {strides = array<i32>} : memref<192xf32, #tpu.memory_space<vmem>>, vector<16xf32>,
      %swap3A_1135 = arith.constant 16 : index
      %swap3A_1136 = tpu.vector_load %arg20[%swap3A_1135] {strides = array<i32>} : memref<64xf32, #tpu.memory_space<vmem>>, vector<16xf32>,
      tpu.vector_store %arg20[%swap3A_1135], %mul3A_1122 {strides = array<i32>} : memref<64xf32, #tpu.memory_space<vmem>>, vector<16xf32>,
      %add3A_1137 = arith.constant 16 : i32
      %add3A_1138 = vector.broadcast %add3A_1137 : i32 to vector<16xi32>
      %add3A_1139 = arith.addi %add3A_1138, %iota3A : vector<16xi32>
      %mul3A_1140 = arith.constant 16 : i32
      %mul3A_1141 = vector.broadcast %mul3A_1140 : i32 to vector<16xi32>
      %mul3A_1142 = arith.muli %add3A_1139, %mul3A_1141 : vector<16xi32>
      %broadcast_in_dim3A_1143 = arith.constant 1.000000e+00 : f32
      %broadcast_in_dim3A_1144 = vector.broadcast %broadcast_in_dim3A_1143 : f32 to vector<16xf32>
      %add3A_1145 = arith.constant 0 : i32
      %add3A_1146 = vector.broadcast %add3A_1145 : i32 to vector<16xi32>
      %add3A_1147 = arith.addi %mul3A_1142, %add3A_1146 : vector<16xi32>
      tpu.vector_store_idx %arg16[%add3A_1147], %broadcast_in_dim3A_1144 : memref<1024xf32, #tpu.memory_space<vmem>>[vector<16xi32>], vector<16xf32>,
      %add3A_1148 = arith.constant 1 : i32
      %add3A_1149 = vector.broadcast %add3A_1148 : i32 to vector<16xi32>
      %add3A_1150 = arith.addi %mul3A_1142, %add3A_1149 : vector<16xi32>
      tpu.vector_store_idx %arg16[%add3A_1150], %div3A_892 : memref<1024xf32, #tpu.memory_space<vmem>>[vector<16xi32>], vector<16xf32>,
      %add3A_1151 = arith.constant 2 : i32
      %add3A_1152 = vector.broadcast %add3A_1151 : i32 to vector<16xi32>
      %add3A_1153 = arith.addi %mul3A_1142, %add3A_1152 : vector<16xi32>
      tpu.vector_store_idx %arg16[%add3A_1153], %mul3A_1033 : memref<1024xf32, #tpu.memory_space<vmem>>[vector<16xi32>], vector<16xf32>,
      %add3A_1154 = arith.constant 3 : i32
      %add3A_1155 = vector.broadcast %add3A_1154 : i32 to vector<16xi32>
      %add3A_1156 = arith.addi %mul3A_1142, %add3A_1155 : vector<16xi32>
      tpu.vector_store_idx %arg16[%add3A_1156], %mul3A_1039 : memref<1024xf32, #tpu.memory_space<vmem>>[vector<16xi32>], vector<16xf32>,
      %add3A_1157 = arith.constant 4 : i32
      %add3A_1158 = vector.broadcast %add3A_1157 : i32 to vector<16xi32>
      %add3A_1159 = arith.addi %mul3A_1142, %add3A_1158 : vector<16xi32>
      tpu.vector_store_idx %arg16[%add3A_1159], %mul3A_1045 : memref<1024xf32, #tpu.memory_space<vmem>>[vector<16xi32>], vector<16xf32>,
      %add3A_1160 = arith.constant 5 : i32
      %add3A_1161 = vector.broadcast %add3A_1160 : i32 to vector<16xi32>
      %add3A_1162 = arith.addi %mul3A_1142, %add3A_1161 : vector<16xi32>
      tpu.vector_store_idx %arg16[%add3A_1162], %mul3A_1065 : memref<1024xf32, #tpu.memory_space<vmem>>[vector<16xi32>], vector<16xf32>,
      %add3A_1163 = arith.constant 6 : i32
      %add3A_1164 = vector.broadcast %add3A_1163 : i32 to vector<16xi32>
      %add3A_1165 = arith.addi %mul3A_1142, %add3A_1164 : vector<16xi32>
      tpu.vector_store_idx %arg16[%add3A_1165], %mul3A_1085 : memref<1024xf32, #tpu.memory_space<vmem>>[vector<16xi32>], vector<16xf32>,
      %add3A_1166 = arith.constant 7 : i32
      %add3A_1167 = vector.broadcast %add3A_1166 : i32 to vector<16xi32>
      %add3A_1168 = arith.addi %mul3A_1142, %add3A_1167 : vector<16xi32>
      tpu.vector_store_idx %arg16[%add3A_1168], %mul3A_1105 : memref<1024xf32, #tpu.memory_space<vmem>>[vector<16xi32>], vector<16xf32>,
      %add3A_1169 = arith.constant 8 : i32
      %add3A_1170 = vector.broadcast %add3A_1169 : i32 to vector<16xi32>
      %add3A_1171 = arith.addi %mul3A_1142, %add3A_1170 : vector<16xi32>
      tpu.vector_store_idx %arg16[%add3A_1171], %sub3A_1115 : memref<1024xf32, #tpu.memory_space<vmem>>[vector<16xi32>], vector<16xf32>,
      %add3A_1172 = arith.constant 9 : i32
      %add3A_1173 = vector.broadcast %add3A_1172 : i32 to vector<16xi32>
      %add3A_1174 = arith.addi %mul3A_1142, %add3A_1173 : vector<16xi32>
      tpu.vector_store_idx %arg16[%add3A_1174], %sub3A_1116 : memref<1024xf32, #tpu.memory_space<vmem>>[vector<16xi32>], vector<16xf32>,
      %add3A_1175 = arith.constant 10 : i32
      %add3A_1176 = vector.broadcast %add3A_1175 : i32 to vector<16xi32>
      %add3A_1177 = arith.addi %mul3A_1142, %add3A_1176 : vector<16xi32>
      tpu.vector_store_idx %arg16[%add3A_1177], %sub3A_1117 : memref<1024xf32, #tpu.memory_space<vmem>>[vector<16xi32>], vector<16xf32>,
      %add3A_1178 = arith.constant 11 : i32
      %add3A_1179 = vector.broadcast %add3A_1178 : i32 to vector<16xi32>
      %add3A_1180 = arith.addi %mul3A_1142, %add3A_1179 : vector<16xi32>
      tpu.vector_store_idx %arg16[%add3A_1180], %add3A_1118 : memref<1024xf32, #tpu.memory_space<vmem>>[vector<16xi32>], vector<16xf32>,
      %add3A_1181 = arith.constant 12 : i32
      %add3A_1182 = vector.broadcast %add3A_1181 : i32 to vector<16xi32>
      %add3A_1183 = arith.addi %mul3A_1142, %add3A_1182 : vector<16xi32>
      tpu.vector_store_idx %arg16[%add3A_1183], %add3A_1119 : memref<1024xf32, #tpu.memory_space<vmem>>[vector<16xi32>], vector<16xf32>,
      %add3A_1184 = arith.constant 13 : i32
      %add3A_1185 = vector.broadcast %add3A_1184 : i32 to vector<16xi32>
      %add3A_1186 = arith.addi %mul3A_1142, %add3A_1185 : vector<16xi32>
      tpu.vector_store_idx %arg16[%add3A_1186], %add3A_1120 : memref<1024xf32, #tpu.memory_space<vmem>>[vector<16xi32>], vector<16xf32>,
      %add3A_1187 = arith.constant 14 : i32
      %add3A_1188 = vector.broadcast %add3A_1187 : i32 to vector<16xi32>
      %add3A_1189 = arith.addi %mul3A_1142, %add3A_1188 : vector<16xi32>
      tpu.vector_store_idx %arg16[%add3A_1189], %mul3A_1122 : memref<1024xf32, #tpu.memory_space<vmem>>[vector<16xi32>], vector<16xf32>,
      %gt3A_1190 = arith.constant 1.500000e-01 : f32
      %gt3A_1191 = vector.broadcast %gt3A_1190 : f32 to vector<16xf32>
      %gt3A_1192 = arith.cmpf ogt, %div3A_892, %gt3A_1191 : vector<16xf32>
      %jit3A_1193 = arith.constant 0xFF800000 : f32
      %broadcast_in_dim3A_1194 = vector.broadcast %jit3A_1193 : f32 to vector<16xf32>
      %select_n3A_1195 = arith.select %gt3A_1192, %div3A_892, %broadcast_in_dim3A_1194 : vector<16xi1>, vector<16xf32>
      %get3A_1196 = arith.constant 32 : index
      %get3A_1197 = tpu.vector_load %arg9[%get3A_1196] {strides = array<i32>} : memref<64xi32, #tpu.memory_space<vmem>>, vector<16xi32>,
      %get3A_1198 = arith.constant 32 : index
      %get3A_1199 = tpu.vector_load %arg10[%get3A_1198] {strides = array<i32>} : memref<64xf32, #tpu.memory_space<vmem>>, vector<16xf32>,
      %neg3A_1200 = arith.constant 0.000000e+00 : f32
      %neg3A_1201 = vector.broadcast %neg3A_1200 : f32 to vector<16xf32>
      %neg3A_1202 = arith.subf %neg3A_1201, %get3A_1199 : vector<16xf32>
      %exp3A_1203 = math.exp %neg3A_1202 : vector<16xf32>
      %add3A_1204 = arith.constant 1.000000e+00 : f32
      %add3A_1205 = vector.broadcast %add3A_1204 : f32 to vector<16xf32>
      %add3A_1206 = arith.addf %add3A_1205, %exp3A_1203 : vector<16xf32>
      %div3A_1207 = arith.constant 1.000000e+00 : f32
      %div3A_1208 = vector.broadcast %div3A_1207 : f32 to vector<16xf32>
      %div3A_1209 = arith.divf %div3A_1208, %add3A_1206 : vector<16xf32>
      %jit3A_1210 = arith.constant 576 : i32
      %div3A_1211 = vector.broadcast %jit3A_1210 : i32 to vector<16xi32>
      %div3A_1212 = arith.divsi %get3A_1197, %div3A_1211 : vector<16xi32>
      %sign3A_1213 = arith.constant 0 : i32
      %sign3A_1214 = vector.broadcast %sign3A_1213 : i32 to vector<16xi32>
      %sign3A_1215 = arith.cmpi sgt, %get3A_1197, %sign3A_1214 : vector<16xi32>
      %sign3A_1216 = arith.extui %sign3A_1215 : vector<16xi1> to vector<16xi32>
      %sign3A_1217 = arith.constant 0 : i32
      %sign3A_1218 = vector.broadcast %sign3A_1217 : i32 to vector<16xi32>
      %sign3A_1219 = arith.cmpi slt, %get3A_1197, %sign3A_1218 : vector<16xi32>
      %sign3A_1220 = arith.extui %sign3A_1219 : vector<16xi1> to vector<16xi32>
      %sign3A_1221 = arith.subi %sign3A_1216, %sign3A_1220 : vector<16xi32>
      %sign3A_1222 = arith.constant 0 : i32
      %sign3A_1223 = arith.cmpi sgt, %jit3A_1210, %sign3A_1222 : i32
      %sign3A_1224 = arith.extui %sign3A_1223 : i1 to i32
      %sign3A_1225 = arith.constant 0 : i32
      %sign3A_1226 = arith.cmpi slt, %jit3A_1210, %sign3A_1225 : i32
      %sign3A_1227 = arith.extui %sign3A_1226 : i1 to i32
      %sign3A_1228 = arith.subi %sign3A_1224, %sign3A_1227 : i32
      %ne3A_1229 = vector.broadcast %sign3A_1228 : i32 to vector<16xi32>
      %ne3A_1230 = arith.cmpi ne, %sign3A_1221, %ne3A_1229 : vector<16xi32>
      %rem3A_1231 = vector.broadcast %jit3A_1210 : i32 to vector<16xi32>
      %rem3A_1232 = arith.remsi %get3A_1197, %rem3A_1231 : vector<16xi32>
      %ne3A_1233 = arith.constant 0 : i32
      %ne3A_1234 = vector.broadcast %ne3A_1233 : i32 to vector<16xi32>
      %ne3A_1235 = arith.cmpi ne, %rem3A_1232, %ne3A_1234 : vector<16xi32>
      %and3A_1236 = arith.andi %ne3A_1230, %ne3A_1235 : vector<16xi1>
      %sub3A_1237 = arith.constant 1 : i32
      %sub3A_1238 = vector.broadcast %sub3A_1237 : i32 to vector<16xi32>
      %sub3A_1239 = arith.subi %div3A_1212, %sub3A_1238 : vector<16xi32>
      %select_n3A_1240 = arith.select %and3A_1236, %sub3A_1239, %div3A_1212 : vector<16xi1>, vector<16xi32>
      %convert_element_type3A_1241 = arith.sitofp %select_n3A_1240 : vector<16xi32> to vector<16xf32>
      %jit3A_1242 = arith.constant 576 : i32
      %div3A_1243 = vector.broadcast %jit3A_1242 : i32 to vector<16xi32>
      %div3A_1244 = arith.divsi %get3A_1197, %div3A_1243 : vector<16xi32>
      %sign3A_1245 = arith.constant 0 : i32
      %sign3A_1246 = vector.broadcast %sign3A_1245 : i32 to vector<16xi32>
      %sign3A_1247 = arith.cmpi sgt, %get3A_1197, %sign3A_1246 : vector<16xi32>
      %sign3A_1248 = arith.extui %sign3A_1247 : vector<16xi1> to vector<16xi32>
      %sign3A_1249 = arith.constant 0 : i32
      %sign3A_1250 = vector.broadcast %sign3A_1249 : i32 to vector<16xi32>
      %sign3A_1251 = arith.cmpi slt, %get3A_1197, %sign3A_1250 : vector<16xi32>
      %sign3A_1252 = arith.extui %sign3A_1251 : vector<16xi1> to vector<16xi32>
      %sign3A_1253 = arith.subi %sign3A_1248, %sign3A_1252 : vector<16xi32>
      %sign3A_1254 = arith.constant 0 : i32
      %sign3A_1255 = arith.cmpi sgt, %jit3A_1242, %sign3A_1254 : i32
      %sign3A_1256 = arith.extui %sign3A_1255 : i1 to i32
      %sign3A_1257 = arith.constant 0 : i32
      %sign3A_1258 = arith.cmpi slt, %jit3A_1242, %sign3A_1257 : i32
      %sign3A_1259 = arith.extui %sign3A_1258 : i1 to i32
      %sign3A_1260 = arith.subi %sign3A_1256, %sign3A_1259 : i32
      %ne3A_1261 = vector.broadcast %sign3A_1260 : i32 to vector<16xi32>
      %ne3A_1262 = arith.cmpi ne, %sign3A_1253, %ne3A_1261 : vector<16xi32>
      %rem3A_1263 = vector.broadcast %jit3A_1242 : i32 to vector<16xi32>
      %rem3A_1264 = arith.remsi %get3A_1197, %rem3A_1263 : vector<16xi32>
      %ne3A_1265 = arith.constant 0 : i32
      %ne3A_1266 = vector.broadcast %ne3A_1265 : i32 to vector<16xi32>
      %ne3A_1267 = arith.cmpi ne, %rem3A_1264, %ne3A_1266 : vector<16xi32>
      %and3A_1268 = arith.andi %ne3A_1262, %ne3A_1267 : vector<16xi1>
      %sub3A_1269 = arith.constant 1 : i32
      %sub3A_1270 = vector.broadcast %sub3A_1269 : i32 to vector<16xi32>
      %sub3A_1271 = arith.subi %div3A_1244, %sub3A_1270 : vector<16xi32>
      %select_n3A_1272 = arith.select %and3A_1268, %sub3A_1271, %div3A_1244 : vector<16xi1>, vector<16xi32>
      %mul3A_1273 = arith.constant 576 : i32
      %mul3A_1274 = vector.broadcast %mul3A_1273 : i32 to vector<16xi32>
      %mul3A_1275 = arith.muli %select_n3A_1272, %mul3A_1274 : vector<16xi32>
      %sub3A_1276 = arith.subi %get3A_1197, %mul3A_1275 : vector<16xi32>
      %jit3A_1277 = arith.constant 24 : i32
      %div3A_1278 = vector.broadcast %jit3A_1277 : i32 to vector<16xi32>
      %div3A_1279 = arith.divsi %sub3A_1276, %div3A_1278 : vector<16xi32>
      %sign3A_1280 = arith.constant 0 : i32
      %sign3A_1281 = vector.broadcast %sign3A_1280 : i32 to vector<16xi32>
      %sign3A_1282 = arith.cmpi sgt, %sub3A_1276, %sign3A_1281 : vector<16xi32>
      %sign3A_1283 = arith.extui %sign3A_1282 : vector<16xi1> to vector<16xi32>
      %sign3A_1284 = arith.constant 0 : i32
      %sign3A_1285 = vector.broadcast %sign3A_1284 : i32 to vector<16xi32>
      %sign3A_1286 = arith.cmpi slt, %sub3A_1276, %sign3A_1285 : vector<16xi32>
      %sign3A_1287 = arith.extui %sign3A_1286 : vector<16xi1> to vector<16xi32>
      %sign3A_1288 = arith.subi %sign3A_1283, %sign3A_1287 : vector<16xi32>
      %sign3A_1289 = arith.constant 0 : i32
      %sign3A_1290 = arith.cmpi sgt, %jit3A_1277, %sign3A_1289 : i32
      %sign3A_1291 = arith.extui %sign3A_1290 : i1 to i32
      %sign3A_1292 = arith.constant 0 : i32
      %sign3A_1293 = arith.cmpi slt, %jit3A_1277, %sign3A_1292 : i32
      %sign3A_1294 = arith.extui %sign3A_1293 : i1 to i32
      %sign3A_1295 = arith.subi %sign3A_1291, %sign3A_1294 : i32
      %ne3A_1296 = vector.broadcast %sign3A_1295 : i32 to vector<16xi32>
      %ne3A_1297 = arith.cmpi ne, %sign3A_1288, %ne3A_1296 : vector<16xi32>
      %rem3A_1298 = vector.broadcast %jit3A_1277 : i32 to vector<16xi32>
      %rem3A_1299 = arith.remsi %sub3A_1276, %rem3A_1298 : vector<16xi32>
      %ne3A_1300 = arith.constant 0 : i32
      %ne3A_1301 = vector.broadcast %ne3A_1300 : i32 to vector<16xi32>
      %ne3A_1302 = arith.cmpi ne, %rem3A_1299, %ne3A_1301 : vector<16xi32>
      %and3A_1303 = arith.andi %ne3A_1297, %ne3A_1302 : vector<16xi1>
      %sub3A_1304 = arith.constant 1 : i32
      %sub3A_1305 = vector.broadcast %sub3A_1304 : i32 to vector<16xi32>
      %sub3A_1306 = arith.subi %div3A_1279, %sub3A_1305 : vector<16xi32>
      %select_n3A_1307 = arith.select %and3A_1303, %sub3A_1306, %div3A_1279 : vector<16xi1>, vector<16xi32>
      %convert_element_type3A_1308 = arith.sitofp %select_n3A_1307 : vector<16xi32> to vector<16xf32>
      %jit3A_1309 = arith.constant 24 : i32
      %div3A_1310 = vector.broadcast %jit3A_1309 : i32 to vector<16xi32>
      %div3A_1311 = arith.divsi %sub3A_1276, %div3A_1310 : vector<16xi32>
      %sign3A_1312 = arith.constant 0 : i32
      %sign3A_1313 = vector.broadcast %sign3A_1312 : i32 to vector<16xi32>
      %sign3A_1314 = arith.cmpi sgt, %sub3A_1276, %sign3A_1313 : vector<16xi32>
      %sign3A_1315 = arith.extui %sign3A_1314 : vector<16xi1> to vector<16xi32>
      %sign3A_1316 = arith.constant 0 : i32
      %sign3A_1317 = vector.broadcast %sign3A_1316 : i32 to vector<16xi32>
      %sign3A_1318 = arith.cmpi slt, %sub3A_1276, %sign3A_1317 : vector<16xi32>
      %sign3A_1319 = arith.extui %sign3A_1318 : vector<16xi1> to vector<16xi32>
      %sign3A_1320 = arith.subi %sign3A_1315, %sign3A_1319 : vector<16xi32>
      %sign3A_1321 = arith.constant 0 : i32
      %sign3A_1322 = arith.cmpi sgt, %jit3A_1309, %sign3A_1321 : i32
      %sign3A_1323 = arith.extui %sign3A_1322 : i1 to i32
      %sign3A_1324 = arith.constant 0 : i32
      %sign3A_1325 = arith.cmpi slt, %jit3A_1309, %sign3A_1324 : i32
      %sign3A_1326 = arith.extui %sign3A_1325 : i1 to i32
      %sign3A_1327 = arith.subi %sign3A_1323, %sign3A_1326 : i32
      %ne3A_1328 = vector.broadcast %sign3A_1327 : i32 to vector<16xi32>
      %ne3A_1329 = arith.cmpi ne, %sign3A_1320, %ne3A_1328 : vector<16xi32>
      %rem3A_1330 = vector.broadcast %jit3A_1309 : i32 to vector<16xi32>
      %rem3A_1331 = arith.remsi %sub3A_1276, %rem3A_1330 : vector<16xi32>
      %ne3A_1332 = arith.constant 0 : i32
      %ne3A_1333 = vector.broadcast %ne3A_1332 : i32 to vector<16xi32>
      %ne3A_1334 = arith.cmpi ne, %rem3A_1331, %ne3A_1333 : vector<16xi32>
      %and3A_1335 = arith.andi %ne3A_1329, %ne3A_1334 : vector<16xi1>
      %sub3A_1336 = arith.constant 1 : i32
      %sub3A_1337 = vector.broadcast %sub3A_1336 : i32 to vector<16xi32>
      %sub3A_1338 = arith.subi %div3A_1311, %sub3A_1337 : vector<16xi32>
      %select_n3A_1339 = arith.select %and3A_1335, %sub3A_1338, %div3A_1311 : vector<16xi1>, vector<16xi32>
      %mul3A_1340 = arith.constant 24 : i32
      %mul3A_1341 = vector.broadcast %mul3A_1340 : i32 to vector<16xi32>
      %mul3A_1342 = arith.muli %select_n3A_1339, %mul3A_1341 : vector<16xi32>
      %sub3A_1343 = arith.subi %sub3A_1276, %mul3A_1342 : vector<16xi32>
      %convert_element_type3A_1344 = arith.sitofp %sub3A_1343 : vector<16xi32> to vector<16xf32>
      %get3A_1345 = arith.constant 32 : index
      %get3A_1346 = tpu.vector_load %arg15[%get3A_1345] {strides = array<i32>} : memref<256xf32, #tpu.memory_space<vmem>>, vector<16xf32>,
      %add3A_1347 = arith.addf %convert_element_type3A_1241, %get3A_1346 : vector<16xf32>
      %mul3A_1348 = arith.constant 4.000000e+00 : f32
      %mul3A_1349 = vector.broadcast %mul3A_1348 : f32 to vector<16xf32>
      %mul3A_1350 = arith.mulf %add3A_1347, %mul3A_1349 : vector<16xf32>
      %get3A_1351 = arith.constant 96 : index
      %get3A_1352 = tpu.vector_load %arg15[%get3A_1351] {strides = array<i32>} : memref<256xf32, #tpu.memory_space<vmem>>, vector<16xf32>,
      %add3A_1353 = arith.addf %convert_element_type3A_1308, %get3A_1352 : vector<16xf32>
      %mul3A_1354 = arith.constant 4.000000e+00 : f32
      %mul3A_1355 = vector.broadcast %mul3A_1354 : f32 to vector<16xf32>
      %mul3A_1356 = arith.mulf %add3A_1353, %mul3A_1355 : vector<16xf32>
      %get3A_1357 = arith.constant 160 : index
      %get3A_1358 = tpu.vector_load %arg15[%get3A_1357] {strides = array<i32>} : memref<256xf32, #tpu.memory_space<vmem>>, vector<16xf32>,
      %add3A_1359 = arith.addf %convert_element_type3A_1344, %get3A_1358 : vector<16xf32>
      %mul3A_1360 = arith.constant 4.000000e+00 : f32
      %mul3A_1361 = vector.broadcast %mul3A_1360 : f32 to vector<16xf32>
      %mul3A_1362 = arith.mulf %add3A_1359, %mul3A_1361 : vector<16xf32>
      %get3A_1363 = arith.constant 32 : index
      %get3A_1364 = tpu.vector_load %arg12[%get3A_1363] {strides = array<i32>} : memref<64xi32, #tpu.memory_space<vmem>>, vector<16xi32>,
      %broadcast_in_dim3A_1365 = arith.constant 0xFF800000 : f32
      %broadcast_in_dim3A_1366 = vector.broadcast %broadcast_in_dim3A_1365 : f32 to vector<16xf32>
      %scan3A_1367 = arith.constant 0 : i32
      %scan3A_1368 = arith.constant 36 : i32
      %scan3A_1369 = arith.addi %scan3A_1367, %scan3A_1368 : i32
      %scan3A_1370 = arith.constant 1 : i32
      %scan3A_1371 = scf.for %scan3A_1843 = %scan3A_1367 to %scan3A_1369 step %scan3A_1370 iter_args(%scan3A_1844 = %broadcast_in_dim3A_1366) -> (vector<16xf32>)  : i32 {
        %add3A_1845 = arith.constant 0 : i32
        %add3A_1846 = arith.addi %add3A_1845, %scan3A_1843 : i32
        %broadcast_in_dim3A_1847 = vector.broadcast %add3A_1846 : i32 to vector<16xi32>
        %gather3A_1848 = tpu.vector_load_idx %arg13[%get3A_1364, %broadcast_in_dim3A_1847] : memref<512x108xf32, #tpu.memory_space<vmem>>[vector<16xi32>, vector<16xi32>], vector<16xf32>,
        %max3A = arith.maximumf %scan3A_1844, %gather3A_1848 : vector<16xf32>
        scf.yield %max3A : vector<16xf32>
      }
      %scan3A_1372 = arith.constant 36 : i32
      %scan3A_1373 = arith.constant 0 : i32
      %scan3A_1374 = arith.constant 36 : i32
      %scan3A_1375 = arith.addi %scan3A_1373, %scan3A_1374 : i32
      %scan3A_1376 = arith.constant 1 : i32
      %scan3A_1377:2 = scf.for %scan3A_1843 = %scan3A_1373 to %scan3A_1375 step %scan3A_1376 iter_args(%scan3A_1844 = %broadcast_in_dim3A_3, %scan3A_1845 = %broadcast_in_dim3A_3) -> (vector<16xf32>, vector<16xf32>)  : i32 {
        %add3A_1846 = arith.constant 0 : i32
        %add3A_1847 = arith.addi %add3A_1846, %scan3A_1843 : i32
        %broadcast_in_dim3A_1848 = vector.broadcast %add3A_1847 : i32 to vector<16xi32>
        %gather3A_1849 = tpu.vector_load_idx %arg13[%get3A_1364, %broadcast_in_dim3A_1848] : memref<512x108xf32, #tpu.memory_space<vmem>>[vector<16xi32>, vector<16xi32>], vector<16xf32>,
        %sub3A_1850 = arith.subf %gather3A_1849, %scan3A_1371 : vector<16xf32>
        %exp3A_1851 = math.exp %sub3A_1850 : vector<16xf32>
        %add3A_1852 = arith.addf %scan3A_1844, %exp3A_1851 : vector<16xf32>
        %convert_element_type3A_1853 = arith.sitofp %scan3A_1843 : i32 to f32
        %mul3A_1854 = vector.broadcast %convert_element_type3A_1853 : f32 to vector<16xf32>
        %mul3A_1855 = arith.mulf %exp3A_1851, %mul3A_1854 : vector<16xf32>
        %add3A_1856 = arith.addf %scan3A_1845, %mul3A_1855 : vector<16xf32>
        scf.yield %add3A_1852, %add3A_1856 : vector<16xf32>, vector<16xf32>
      }
      %scan3A_1378 = arith.constant 36 : i32
      %div3A_1379 = arith.divf %scan3A_1377#1, %scan3A_1377#0 : vector<16xf32>
      %mul3A_1380 = arith.constant 4.000000e+00 : f32
      %mul3A_1381 = vector.broadcast %mul3A_1380 : f32 to vector<16xf32>
      %mul3A_1382 = arith.mulf %div3A_1379, %mul3A_1381 : vector<16xf32>
      %get3A_1383 = arith.constant 32 : index
      %get3A_1384 = tpu.vector_load %arg12[%get3A_1383] {strides = array<i32>} : memref<64xi32, #tpu.memory_space<vmem>>, vector<16xi32>,
      %broadcast_in_dim3A_1385 = arith.constant 0xFF800000 : f32
      %broadcast_in_dim3A_1386 = vector.broadcast %broadcast_in_dim3A_1385 : f32 to vector<16xf32>
      %scan3A_1387 = arith.constant 0 : i32
      %scan3A_1388 = arith.constant 36 : i32
      %scan3A_1389 = arith.addi %scan3A_1387, %scan3A_1388 : i32
      %scan3A_1390 = arith.constant 1 : i32
      %scan3A_1391 = scf.for %scan3A_1843 = %scan3A_1387 to %scan3A_1389 step %scan3A_1390 iter_args(%scan3A_1844 = %broadcast_in_dim3A_1386) -> (vector<16xf32>)  : i32 {
        %add3A_1845 = arith.constant 36 : i32
        %add3A_1846 = arith.addi %add3A_1845, %scan3A_1843 : i32
        %broadcast_in_dim3A_1847 = vector.broadcast %add3A_1846 : i32 to vector<16xi32>
        %gather3A_1848 = tpu.vector_load_idx %arg13[%get3A_1384, %broadcast_in_dim3A_1847] : memref<512x108xf32, #tpu.memory_space<vmem>>[vector<16xi32>, vector<16xi32>], vector<16xf32>,
        %max3A = arith.maximumf %scan3A_1844, %gather3A_1848 : vector<16xf32>
        scf.yield %max3A : vector<16xf32>
      }
      %scan3A_1392 = arith.constant 36 : i32
      %scan3A_1393 = arith.constant 0 : i32
      %scan3A_1394 = arith.constant 36 : i32
      %scan3A_1395 = arith.addi %scan3A_1393, %scan3A_1394 : i32
      %scan3A_1396 = arith.constant 1 : i32
      %scan3A_1397:2 = scf.for %scan3A_1843 = %scan3A_1393 to %scan3A_1395 step %scan3A_1396 iter_args(%scan3A_1844 = %broadcast_in_dim3A_3, %scan3A_1845 = %broadcast_in_dim3A_3) -> (vector<16xf32>, vector<16xf32>)  : i32 {
        %add3A_1846 = arith.constant 36 : i32
        %add3A_1847 = arith.addi %add3A_1846, %scan3A_1843 : i32
        %broadcast_in_dim3A_1848 = vector.broadcast %add3A_1847 : i32 to vector<16xi32>
        %gather3A_1849 = tpu.vector_load_idx %arg13[%get3A_1384, %broadcast_in_dim3A_1848] : memref<512x108xf32, #tpu.memory_space<vmem>>[vector<16xi32>, vector<16xi32>], vector<16xf32>,
        %sub3A_1850 = arith.subf %gather3A_1849, %scan3A_1391 : vector<16xf32>
        %exp3A_1851 = math.exp %sub3A_1850 : vector<16xf32>
        %add3A_1852 = arith.addf %scan3A_1844, %exp3A_1851 : vector<16xf32>
        %convert_element_type3A_1853 = arith.sitofp %scan3A_1843 : i32 to f32
        %mul3A_1854 = vector.broadcast %convert_element_type3A_1853 : f32 to vector<16xf32>
        %mul3A_1855 = arith.mulf %exp3A_1851, %mul3A_1854 : vector<16xf32>
        %add3A_1856 = arith.addf %scan3A_1845, %mul3A_1855 : vector<16xf32>
        scf.yield %add3A_1852, %add3A_1856 : vector<16xf32>, vector<16xf32>
      }
      %scan3A_1398 = arith.constant 36 : i32
      %div3A_1399 = arith.divf %scan3A_1397#1, %scan3A_1397#0 : vector<16xf32>
      %mul3A_1400 = arith.constant 4.000000e+00 : f32
      %mul3A_1401 = vector.broadcast %mul3A_1400 : f32 to vector<16xf32>
      %mul3A_1402 = arith.mulf %div3A_1399, %mul3A_1401 : vector<16xf32>
      %get3A_1403 = arith.constant 32 : index
      %get3A_1404 = tpu.vector_load %arg12[%get3A_1403] {strides = array<i32>} : memref<64xi32, #tpu.memory_space<vmem>>, vector<16xi32>,
      %broadcast_in_dim3A_1405 = arith.constant 0xFF800000 : f32
      %broadcast_in_dim3A_1406 = vector.broadcast %broadcast_in_dim3A_1405 : f32 to vector<16xf32>
      %scan3A_1407 = arith.constant 0 : i32
      %scan3A_1408 = arith.constant 36 : i32
      %scan3A_1409 = arith.addi %scan3A_1407, %scan3A_1408 : i32
      %scan3A_1410 = arith.constant 1 : i32
      %scan3A_1411 = scf.for %scan3A_1843 = %scan3A_1407 to %scan3A_1409 step %scan3A_1410 iter_args(%scan3A_1844 = %broadcast_in_dim3A_1406) -> (vector<16xf32>)  : i32 {
        %add3A_1845 = arith.constant 72 : i32
        %add3A_1846 = arith.addi %add3A_1845, %scan3A_1843 : i32
        %broadcast_in_dim3A_1847 = vector.broadcast %add3A_1846 : i32 to vector<16xi32>
        %gather3A_1848 = tpu.vector_load_idx %arg13[%get3A_1404, %broadcast_in_dim3A_1847] : memref<512x108xf32, #tpu.memory_space<vmem>>[vector<16xi32>, vector<16xi32>], vector<16xf32>,
        %max3A = arith.maximumf %scan3A_1844, %gather3A_1848 : vector<16xf32>
        scf.yield %max3A : vector<16xf32>
      }
      %scan3A_1412 = arith.constant 36 : i32
      %scan3A_1413 = arith.constant 0 : i32
      %scan3A_1414 = arith.constant 36 : i32
      %scan3A_1415 = arith.addi %scan3A_1413, %scan3A_1414 : i32
      %scan3A_1416 = arith.constant 1 : i32
      %scan3A_1417:2 = scf.for %scan3A_1843 = %scan3A_1413 to %scan3A_1415 step %scan3A_1416 iter_args(%scan3A_1844 = %broadcast_in_dim3A_3, %scan3A_1845 = %broadcast_in_dim3A_3) -> (vector<16xf32>, vector<16xf32>)  : i32 {
        %add3A_1846 = arith.constant 72 : i32
        %add3A_1847 = arith.addi %add3A_1846, %scan3A_1843 : i32
        %broadcast_in_dim3A_1848 = vector.broadcast %add3A_1847 : i32 to vector<16xi32>
        %gather3A_1849 = tpu.vector_load_idx %arg13[%get3A_1404, %broadcast_in_dim3A_1848] : memref<512x108xf32, #tpu.memory_space<vmem>>[vector<16xi32>, vector<16xi32>], vector<16xf32>,
        %sub3A_1850 = arith.subf %gather3A_1849, %scan3A_1411 : vector<16xf32>
        %exp3A_1851 = math.exp %sub3A_1850 : vector<16xf32>
        %add3A_1852 = arith.addf %scan3A_1844, %exp3A_1851 : vector<16xf32>
        %convert_element_type3A_1853 = arith.sitofp %scan3A_1843 : i32 to f32
        %mul3A_1854 = vector.broadcast %convert_element_type3A_1853 : f32 to vector<16xf32>
        %mul3A_1855 = arith.mulf %exp3A_1851, %mul3A_1854 : vector<16xf32>
        %add3A_1856 = arith.addf %scan3A_1845, %mul3A_1855 : vector<16xf32>
        scf.yield %add3A_1852, %add3A_1856 : vector<16xf32>, vector<16xf32>
      }
      %scan3A_1418 = arith.constant 36 : i32
      %div3A_1419 = arith.divf %scan3A_1417#1, %scan3A_1417#0 : vector<16xf32>
      %mul3A_1420 = arith.constant 4.000000e+00 : f32
      %mul3A_1421 = vector.broadcast %mul3A_1420 : f32 to vector<16xf32>
      %mul3A_1422 = arith.mulf %div3A_1419, %mul3A_1421 : vector<16xf32>
      %mul3A_1423 = arith.constant 5.000000e-01 : f32
      %mul3A_1424 = vector.broadcast %mul3A_1423 : f32 to vector<16xf32>
      %mul3A_1425 = arith.mulf %mul3A_1382, %mul3A_1424 : vector<16xf32>
      %mul3A_1426 = arith.constant 5.000000e-01 : f32
      %mul3A_1427 = vector.broadcast %mul3A_1426 : f32 to vector<16xf32>
      %mul3A_1428 = arith.mulf %mul3A_1402, %mul3A_1427 : vector<16xf32>
      %mul3A_1429 = arith.constant 5.000000e-01 : f32
      %mul3A_1430 = vector.broadcast %mul3A_1429 : f32 to vector<16xf32>
      %mul3A_1431 = arith.mulf %mul3A_1422, %mul3A_1430 : vector<16xf32>
      %sub3A_1432 = arith.subf %mul3A_1350, %mul3A_1425 : vector<16xf32>
      %sub3A_1433 = arith.subf %mul3A_1356, %mul3A_1428 : vector<16xf32>
      %sub3A_1434 = arith.subf %mul3A_1362, %mul3A_1431 : vector<16xf32>
      %add3A_1435 = arith.addf %mul3A_1350, %mul3A_1425 : vector<16xf32>
      %add3A_1436 = arith.addf %mul3A_1356, %mul3A_1428 : vector<16xf32>
      %add3A_1437 = arith.addf %mul3A_1362, %mul3A_1431 : vector<16xf32>
      %mul3A_1438 = arith.mulf %mul3A_1382, %mul3A_1402 : vector<16xf32>
      %mul3A_1439 = arith.mulf %mul3A_1438, %mul3A_1422 : vector<16xf32>
      %swap3A_1440 = arith.constant 32 : index
      %swap3A_1441 = tpu.vector_load %arg18[%swap3A_1440] {strides = array<i32>} : memref<192xf32, #tpu.memory_space<vmem>>, vector<16xf32>,
      tpu.vector_store %arg18[%swap3A_1440], %sub3A_1432 {strides = array<i32>} : memref<192xf32, #tpu.memory_space<vmem>>, vector<16xf32>,
      %swap3A_1442 = arith.constant 32 : index
      %swap3A_1443 = tpu.vector_load %arg19[%swap3A_1442] {strides = array<i32>} : memref<192xf32, #tpu.memory_space<vmem>>, vector<16xf32>,
      tpu.vector_store %arg19[%swap3A_1442], %add3A_1435 {strides = array<i32>} : memref<192xf32, #tpu.memory_space<vmem>>, vector<16xf32>,
      %swap3A_1444 = arith.constant 96 : index
      %swap3A_1445 = tpu.vector_load %arg18[%swap3A_1444] {strides = array<i32>} : memref<192xf32, #tpu.memory_space<vmem>>, vector<16xf32>,
      tpu.vector_store %arg18[%swap3A_1444], %sub3A_1433 {strides = array<i32>} : memref<192xf32, #tpu.memory_space<vmem>>, vector<16xf32>,
      %swap3A_1446 = arith.constant 96 : index
      %swap3A_1447 = tpu.vector_load %arg19[%swap3A_1446] {strides = array<i32>} : memref<192xf32, #tpu.memory_space<vmem>>, vector<16xf32>,
      tpu.vector_store %arg19[%swap3A_1446], %add3A_1436 {strides = array<i32>} : memref<192xf32, #tpu.memory_space<vmem>>, vector<16xf32>,
      %swap3A_1448 = arith.constant 160 : index
      %swap3A_1449 = tpu.vector_load %arg18[%swap3A_1448] {strides = array<i32>} : memref<192xf32, #tpu.memory_space<vmem>>, vector<16xf32>,
      tpu.vector_store %arg18[%swap3A_1448], %sub3A_1434 {strides = array<i32>} : memref<192xf32, #tpu.memory_space<vmem>>, vector<16xf32>,
      %swap3A_1450 = arith.constant 160 : index
      %swap3A_1451 = tpu.vector_load %arg19[%swap3A_1450] {strides = array<i32>} : memref<192xf32, #tpu.memory_space<vmem>>, vector<16xf32>,
      tpu.vector_store %arg19[%swap3A_1450], %add3A_1437 {strides = array<i32>} : memref<192xf32, #tpu.memory_space<vmem>>, vector<16xf32>,
      %swap3A_1452 = arith.constant 32 : index
      %swap3A_1453 = tpu.vector_load %arg20[%swap3A_1452] {strides = array<i32>} : memref<64xf32, #tpu.memory_space<vmem>>, vector<16xf32>,
      tpu.vector_store %arg20[%swap3A_1452], %mul3A_1439 {strides = array<i32>} : memref<64xf32, #tpu.memory_space<vmem>>, vector<16xf32>,
      %add3A_1454 = arith.constant 32 : i32
      %add3A_1455 = vector.broadcast %add3A_1454 : i32 to vector<16xi32>
      %add3A_1456 = arith.addi %add3A_1455, %iota3A : vector<16xi32>
      %mul3A_1457 = arith.constant 16 : i32
      %mul3A_1458 = vector.broadcast %mul3A_1457 : i32 to vector<16xi32>
      %mul3A_1459 = arith.muli %add3A_1456, %mul3A_1458 : vector<16xi32>
      %broadcast_in_dim3A_1460 = arith.constant 1.000000e+00 : f32
      %broadcast_in_dim3A_1461 = vector.broadcast %broadcast_in_dim3A_1460 : f32 to vector<16xf32>
      %add3A_1462 = arith.constant 0 : i32
      %add3A_1463 = vector.broadcast %add3A_1462 : i32 to vector<16xi32>
      %add3A_1464 = arith.addi %mul3A_1459, %add3A_1463 : vector<16xi32>
      tpu.vector_store_idx %arg16[%add3A_1464], %broadcast_in_dim3A_1461 : memref<1024xf32, #tpu.memory_space<vmem>>[vector<16xi32>], vector<16xf32>,
      %add3A_1465 = arith.constant 1 : i32
      %add3A_1466 = vector.broadcast %add3A_1465 : i32 to vector<16xi32>
      %add3A_1467 = arith.addi %mul3A_1459, %add3A_1466 : vector<16xi32>
      tpu.vector_store_idx %arg16[%add3A_1467], %div3A_1209 : memref<1024xf32, #tpu.memory_space<vmem>>[vector<16xi32>], vector<16xf32>,
      %add3A_1468 = arith.constant 2 : i32
      %add3A_1469 = vector.broadcast %add3A_1468 : i32 to vector<16xi32>
      %add3A_1470 = arith.addi %mul3A_1459, %add3A_1469 : vector<16xi32>
      tpu.vector_store_idx %arg16[%add3A_1470], %mul3A_1350 : memref<1024xf32, #tpu.memory_space<vmem>>[vector<16xi32>], vector<16xf32>,
      %add3A_1471 = arith.constant 3 : i32
      %add3A_1472 = vector.broadcast %add3A_1471 : i32 to vector<16xi32>
      %add3A_1473 = arith.addi %mul3A_1459, %add3A_1472 : vector<16xi32>
      tpu.vector_store_idx %arg16[%add3A_1473], %mul3A_1356 : memref<1024xf32, #tpu.memory_space<vmem>>[vector<16xi32>], vector<16xf32>,
      %add3A_1474 = arith.constant 4 : i32
      %add3A_1475 = vector.broadcast %add3A_1474 : i32 to vector<16xi32>
      %add3A_1476 = arith.addi %mul3A_1459, %add3A_1475 : vector<16xi32>
      tpu.vector_store_idx %arg16[%add3A_1476], %mul3A_1362 : memref<1024xf32, #tpu.memory_space<vmem>>[vector<16xi32>], vector<16xf32>,
      %add3A_1477 = arith.constant 5 : i32
      %add3A_1478 = vector.broadcast %add3A_1477 : i32 to vector<16xi32>
      %add3A_1479 = arith.addi %mul3A_1459, %add3A_1478 : vector<16xi32>
      tpu.vector_store_idx %arg16[%add3A_1479], %mul3A_1382 : memref<1024xf32, #tpu.memory_space<vmem>>[vector<16xi32>], vector<16xf32>,
      %add3A_1480 = arith.constant 6 : i32
      %add3A_1481 = vector.broadcast %add3A_1480 : i32 to vector<16xi32>
      %add3A_1482 = arith.addi %mul3A_1459, %add3A_1481 : vector<16xi32>
      tpu.vector_store_idx %arg16[%add3A_1482], %mul3A_1402 : memref<1024xf32, #tpu.memory_space<vmem>>[vector<16xi32>], vector<16xf32>,
      %add3A_1483 = arith.constant 7 : i32
      %add3A_1484 = vector.broadcast %add3A_1483 : i32 to vector<16xi32>
      %add3A_1485 = arith.addi %mul3A_1459, %add3A_1484 : vector<16xi32>
      tpu.vector_store_idx %arg16[%add3A_1485], %mul3A_1422 : memref<1024xf32, #tpu.memory_space<vmem>>[vector<16xi32>], vector<16xf32>,
      %add3A_1486 = arith.constant 8 : i32
      %add3A_1487 = vector.broadcast %add3A_1486 : i32 to vector<16xi32>
      %add3A_1488 = arith.addi %mul3A_1459, %add3A_1487 : vector<16xi32>
      tpu.vector_store_idx %arg16[%add3A_1488], %sub3A_1432 : memref<1024xf32, #tpu.memory_space<vmem>>[vector<16xi32>], vector<16xf32>,
      %add3A_1489 = arith.constant 9 : i32
      %add3A_1490 = vector.broadcast %add3A_1489 : i32 to vector<16xi32>
      %add3A_1491 = arith.addi %mul3A_1459, %add3A_1490 : vector<16xi32>
      tpu.vector_store_idx %arg16[%add3A_1491], %sub3A_1433 : memref<1024xf32, #tpu.memory_space<vmem>>[vector<16xi32>], vector<16xf32>,
      %add3A_1492 = arith.constant 10 : i32
      %add3A_1493 = vector.broadcast %add3A_1492 : i32 to vector<16xi32>
      %add3A_1494 = arith.addi %mul3A_1459, %add3A_1493 : vector<16xi32>
      tpu.vector_store_idx %arg16[%add3A_1494], %sub3A_1434 : memref<1024xf32, #tpu.memory_space<vmem>>[vector<16xi32>], vector<16xf32>,
      %add3A_1495 = arith.constant 11 : i32
      %add3A_1496 = vector.broadcast %add3A_1495 : i32 to vector<16xi32>
      %add3A_1497 = arith.addi %mul3A_1459, %add3A_1496 : vector<16xi32>
      tpu.vector_store_idx %arg16[%add3A_1497], %add3A_1435 : memref<1024xf32, #tpu.memory_space<vmem>>[vector<16xi32>], vector<16xf32>,
      %add3A_1498 = arith.constant 12 : i32
      %add3A_1499 = vector.broadcast %add3A_1498 : i32 to vector<16xi32>
      %add3A_1500 = arith.addi %mul3A_1459, %add3A_1499 : vector<16xi32>
      tpu.vector_store_idx %arg16[%add3A_1500], %add3A_1436 : memref<1024xf32, #tpu.memory_space<vmem>>[vector<16xi32>], vector<16xf32>,
      %add3A_1501 = arith.constant 13 : i32
      %add3A_1502 = vector.broadcast %add3A_1501 : i32 to vector<16xi32>
      %add3A_1503 = arith.addi %mul3A_1459, %add3A_1502 : vector<16xi32>
      tpu.vector_store_idx %arg16[%add3A_1503], %add3A_1437 : memref<1024xf32, #tpu.memory_space<vmem>>[vector<16xi32>], vector<16xf32>,
      %add3A_1504 = arith.constant 14 : i32
      %add3A_1505 = vector.broadcast %add3A_1504 : i32 to vector<16xi32>
      %add3A_1506 = arith.addi %mul3A_1459, %add3A_1505 : vector<16xi32>
      tpu.vector_store_idx %arg16[%add3A_1506], %mul3A_1439 : memref<1024xf32, #tpu.memory_space<vmem>>[vector<16xi32>], vector<16xf32>,
      %gt3A_1507 = arith.constant 1.500000e-01 : f32
      %gt3A_1508 = vector.broadcast %gt3A_1507 : f32 to vector<16xf32>
      %gt3A_1509 = arith.cmpf ogt, %div3A_1209, %gt3A_1508 : vector<16xf32>
      %jit3A_1510 = arith.constant 0xFF800000 : f32
      %broadcast_in_dim3A_1511 = vector.broadcast %jit3A_1510 : f32 to vector<16xf32>
      %select_n3A_1512 = arith.select %gt3A_1509, %div3A_1209, %broadcast_in_dim3A_1511 : vector<16xi1>, vector<16xf32>
      %get3A_1513 = arith.constant 48 : index
      %get3A_1514 = tpu.vector_load %arg9[%get3A_1513] {strides = array<i32>} : memref<64xi32, #tpu.memory_space<vmem>>, vector<16xi32>,
      %get3A_1515 = arith.constant 48 : index
      %get3A_1516 = tpu.vector_load %arg10[%get3A_1515] {strides = array<i32>} : memref<64xf32, #tpu.memory_space<vmem>>, vector<16xf32>,
      %neg3A_1517 = arith.constant 0.000000e+00 : f32
      %neg3A_1518 = vector.broadcast %neg3A_1517 : f32 to vector<16xf32>
      %neg3A_1519 = arith.subf %neg3A_1518, %get3A_1516 : vector<16xf32>
      %exp3A_1520 = math.exp %neg3A_1519 : vector<16xf32>
      %add3A_1521 = arith.constant 1.000000e+00 : f32
      %add3A_1522 = vector.broadcast %add3A_1521 : f32 to vector<16xf32>
      %add3A_1523 = arith.addf %add3A_1522, %exp3A_1520 : vector<16xf32>
      %div3A_1524 = arith.constant 1.000000e+00 : f32
      %div3A_1525 = vector.broadcast %div3A_1524 : f32 to vector<16xf32>
      %div3A_1526 = arith.divf %div3A_1525, %add3A_1523 : vector<16xf32>
      %jit3A_1527 = arith.constant 576 : i32
      %div3A_1528 = vector.broadcast %jit3A_1527 : i32 to vector<16xi32>
      %div3A_1529 = arith.divsi %get3A_1514, %div3A_1528 : vector<16xi32>
      %sign3A_1530 = arith.constant 0 : i32
      %sign3A_1531 = vector.broadcast %sign3A_1530 : i32 to vector<16xi32>
      %sign3A_1532 = arith.cmpi sgt, %get3A_1514, %sign3A_1531 : vector<16xi32>
      %sign3A_1533 = arith.extui %sign3A_1532 : vector<16xi1> to vector<16xi32>
      %sign3A_1534 = arith.constant 0 : i32
      %sign3A_1535 = vector.broadcast %sign3A_1534 : i32 to vector<16xi32>
      %sign3A_1536 = arith.cmpi slt, %get3A_1514, %sign3A_1535 : vector<16xi32>
      %sign3A_1537 = arith.extui %sign3A_1536 : vector<16xi1> to vector<16xi32>
      %sign3A_1538 = arith.subi %sign3A_1533, %sign3A_1537 : vector<16xi32>
      %sign3A_1539 = arith.constant 0 : i32
      %sign3A_1540 = arith.cmpi sgt, %jit3A_1527, %sign3A_1539 : i32
      %sign3A_1541 = arith.extui %sign3A_1540 : i1 to i32
      %sign3A_1542 = arith.constant 0 : i32
      %sign3A_1543 = arith.cmpi slt, %jit3A_1527, %sign3A_1542 : i32
      %sign3A_1544 = arith.extui %sign3A_1543 : i1 to i32
      %sign3A_1545 = arith.subi %sign3A_1541, %sign3A_1544 : i32
      %ne3A_1546 = vector.broadcast %sign3A_1545 : i32 to vector<16xi32>
      %ne3A_1547 = arith.cmpi ne, %sign3A_1538, %ne3A_1546 : vector<16xi32>
      %rem3A_1548 = vector.broadcast %jit3A_1527 : i32 to vector<16xi32>
      %rem3A_1549 = arith.remsi %get3A_1514, %rem3A_1548 : vector<16xi32>
      %ne3A_1550 = arith.constant 0 : i32
      %ne3A_1551 = vector.broadcast %ne3A_1550 : i32 to vector<16xi32>
      %ne3A_1552 = arith.cmpi ne, %rem3A_1549, %ne3A_1551 : vector<16xi32>
      %and3A_1553 = arith.andi %ne3A_1547, %ne3A_1552 : vector<16xi1>
      %sub3A_1554 = arith.constant 1 : i32
      %sub3A_1555 = vector.broadcast %sub3A_1554 : i32 to vector<16xi32>
      %sub3A_1556 = arith.subi %div3A_1529, %sub3A_1555 : vector<16xi32>
      %select_n3A_1557 = arith.select %and3A_1553, %sub3A_1556, %div3A_1529 : vector<16xi1>, vector<16xi32>
      %convert_element_type3A_1558 = arith.sitofp %select_n3A_1557 : vector<16xi32> to vector<16xf32>
      %jit3A_1559 = arith.constant 576 : i32
      %div3A_1560 = vector.broadcast %jit3A_1559 : i32 to vector<16xi32>
      %div3A_1561 = arith.divsi %get3A_1514, %div3A_1560 : vector<16xi32>
      %sign3A_1562 = arith.constant 0 : i32
      %sign3A_1563 = vector.broadcast %sign3A_1562 : i32 to vector<16xi32>
      %sign3A_1564 = arith.cmpi sgt, %get3A_1514, %sign3A_1563 : vector<16xi32>
      %sign3A_1565 = arith.extui %sign3A_1564 : vector<16xi1> to vector<16xi32>
      %sign3A_1566 = arith.constant 0 : i32
      %sign3A_1567 = vector.broadcast %sign3A_1566 : i32 to vector<16xi32>
      %sign3A_1568 = arith.cmpi slt, %get3A_1514, %sign3A_1567 : vector<16xi32>
      %sign3A_1569 = arith.extui %sign3A_1568 : vector<16xi1> to vector<16xi32>
      %sign3A_1570 = arith.subi %sign3A_1565, %sign3A_1569 : vector<16xi32>
      %sign3A_1571 = arith.constant 0 : i32
      %sign3A_1572 = arith.cmpi sgt, %jit3A_1559, %sign3A_1571 : i32
      %sign3A_1573 = arith.extui %sign3A_1572 : i1 to i32
      %sign3A_1574 = arith.constant 0 : i32
      %sign3A_1575 = arith.cmpi slt, %jit3A_1559, %sign3A_1574 : i32
      %sign3A_1576 = arith.extui %sign3A_1575 : i1 to i32
      %sign3A_1577 = arith.subi %sign3A_1573, %sign3A_1576 : i32
      %ne3A_1578 = vector.broadcast %sign3A_1577 : i32 to vector<16xi32>
      %ne3A_1579 = arith.cmpi ne, %sign3A_1570, %ne3A_1578 : vector<16xi32>
      %rem3A_1580 = vector.broadcast %jit3A_1559 : i32 to vector<16xi32>
      %rem3A_1581 = arith.remsi %get3A_1514, %rem3A_1580 : vector<16xi32>
      %ne3A_1582 = arith.constant 0 : i32
      %ne3A_1583 = vector.broadcast %ne3A_1582 : i32 to vector<16xi32>
      %ne3A_1584 = arith.cmpi ne, %rem3A_1581, %ne3A_1583 : vector<16xi32>
      %and3A_1585 = arith.andi %ne3A_1579, %ne3A_1584 : vector<16xi1>
      %sub3A_1586 = arith.constant 1 : i32
      %sub3A_1587 = vector.broadcast %sub3A_1586 : i32 to vector<16xi32>
      %sub3A_1588 = arith.subi %div3A_1561, %sub3A_1587 : vector<16xi32>
      %select_n3A_1589 = arith.select %and3A_1585, %sub3A_1588, %div3A_1561 : vector<16xi1>, vector<16xi32>
      %mul3A_1590 = arith.constant 576 : i32
      %mul3A_1591 = vector.broadcast %mul3A_1590 : i32 to vector<16xi32>
      %mul3A_1592 = arith.muli %select_n3A_1589, %mul3A_1591 : vector<16xi32>
      %sub3A_1593 = arith.subi %get3A_1514, %mul3A_1592 : vector<16xi32>
      %jit3A_1594 = arith.constant 24 : i32
      %div3A_1595 = vector.broadcast %jit3A_1594 : i32 to vector<16xi32>
      %div3A_1596 = arith.divsi %sub3A_1593, %div3A_1595 : vector<16xi32>
      %sign3A_1597 = arith.constant 0 : i32
      %sign3A_1598 = vector.broadcast %sign3A_1597 : i32 to vector<16xi32>
      %sign3A_1599 = arith.cmpi sgt, %sub3A_1593, %sign3A_1598 : vector<16xi32>
      %sign3A_1600 = arith.extui %sign3A_1599 : vector<16xi1> to vector<16xi32>
      %sign3A_1601 = arith.constant 0 : i32
      %sign3A_1602 = vector.broadcast %sign3A_1601 : i32 to vector<16xi32>
      %sign3A_1603 = arith.cmpi slt, %sub3A_1593, %sign3A_1602 : vector<16xi32>
      %sign3A_1604 = arith.extui %sign3A_1603 : vector<16xi1> to vector<16xi32>
      %sign3A_1605 = arith.subi %sign3A_1600, %sign3A_1604 : vector<16xi32>
      %sign3A_1606 = arith.constant 0 : i32
      %sign3A_1607 = arith.cmpi sgt, %jit3A_1594, %sign3A_1606 : i32
      %sign3A_1608 = arith.extui %sign3A_1607 : i1 to i32
      %sign3A_1609 = arith.constant 0 : i32
      %sign3A_1610 = arith.cmpi slt, %jit3A_1594, %sign3A_1609 : i32
      %sign3A_1611 = arith.extui %sign3A_1610 : i1 to i32
      %sign3A_1612 = arith.subi %sign3A_1608, %sign3A_1611 : i32
      %ne3A_1613 = vector.broadcast %sign3A_1612 : i32 to vector<16xi32>
      %ne3A_1614 = arith.cmpi ne, %sign3A_1605, %ne3A_1613 : vector<16xi32>
      %rem3A_1615 = vector.broadcast %jit3A_1594 : i32 to vector<16xi32>
      %rem3A_1616 = arith.remsi %sub3A_1593, %rem3A_1615 : vector<16xi32>
      %ne3A_1617 = arith.constant 0 : i32
      %ne3A_1618 = vector.broadcast %ne3A_1617 : i32 to vector<16xi32>
      %ne3A_1619 = arith.cmpi ne, %rem3A_1616, %ne3A_1618 : vector<16xi32>
      %and3A_1620 = arith.andi %ne3A_1614, %ne3A_1619 : vector<16xi1>
      %sub3A_1621 = arith.constant 1 : i32
      %sub3A_1622 = vector.broadcast %sub3A_1621 : i32 to vector<16xi32>
      %sub3A_1623 = arith.subi %div3A_1596, %sub3A_1622 : vector<16xi32>
      %select_n3A_1624 = arith.select %and3A_1620, %sub3A_1623, %div3A_1596 : vector<16xi1>, vector<16xi32>
      %convert_element_type3A_1625 = arith.sitofp %select_n3A_1624 : vector<16xi32> to vector<16xf32>
      %jit3A_1626 = arith.constant 24 : i32
      %div3A_1627 = vector.broadcast %jit3A_1626 : i32 to vector<16xi32>
      %div3A_1628 = arith.divsi %sub3A_1593, %div3A_1627 : vector<16xi32>
      %sign3A_1629 = arith.constant 0 : i32
      %sign3A_1630 = vector.broadcast %sign3A_1629 : i32 to vector<16xi32>
      %sign3A_1631 = arith.cmpi sgt, %sub3A_1593, %sign3A_1630 : vector<16xi32>
      %sign3A_1632 = arith.extui %sign3A_1631 : vector<16xi1> to vector<16xi32>
      %sign3A_1633 = arith.constant 0 : i32
      %sign3A_1634 = vector.broadcast %sign3A_1633 : i32 to vector<16xi32>
      %sign3A_1635 = arith.cmpi slt, %sub3A_1593, %sign3A_1634 : vector<16xi32>
      %sign3A_1636 = arith.extui %sign3A_1635 : vector<16xi1> to vector<16xi32>
      %sign3A_1637 = arith.subi %sign3A_1632, %sign3A_1636 : vector<16xi32>
      %sign3A_1638 = arith.constant 0 : i32
      %sign3A_1639 = arith.cmpi sgt, %jit3A_1626, %sign3A_1638 : i32
      %sign3A_1640 = arith.extui %sign3A_1639 : i1 to i32
      %sign3A_1641 = arith.constant 0 : i32
      %sign3A_1642 = arith.cmpi slt, %jit3A_1626, %sign3A_1641 : i32
      %sign3A_1643 = arith.extui %sign3A_1642 : i1 to i32
      %sign3A_1644 = arith.subi %sign3A_1640, %sign3A_1643 : i32
      %ne3A_1645 = vector.broadcast %sign3A_1644 : i32 to vector<16xi32>
      %ne3A_1646 = arith.cmpi ne, %sign3A_1637, %ne3A_1645 : vector<16xi32>
      %rem3A_1647 = vector.broadcast %jit3A_1626 : i32 to vector<16xi32>
      %rem3A_1648 = arith.remsi %sub3A_1593, %rem3A_1647 : vector<16xi32>
      %ne3A_1649 = arith.constant 0 : i32
      %ne3A_1650 = vector.broadcast %ne3A_1649 : i32 to vector<16xi32>
      %ne3A_1651 = arith.cmpi ne, %rem3A_1648, %ne3A_1650 : vector<16xi32>
      %and3A_1652 = arith.andi %ne3A_1646, %ne3A_1651 : vector<16xi1>
      %sub3A_1653 = arith.constant 1 : i32
      %sub3A_1654 = vector.broadcast %sub3A_1653 : i32 to vector<16xi32>
      %sub3A_1655 = arith.subi %div3A_1628, %sub3A_1654 : vector<16xi32>
      %select_n3A_1656 = arith.select %and3A_1652, %sub3A_1655, %div3A_1628 : vector<16xi1>, vector<16xi32>
      %mul3A_1657 = arith.constant 24 : i32
      %mul3A_1658 = vector.broadcast %mul3A_1657 : i32 to vector<16xi32>
      %mul3A_1659 = arith.muli %select_n3A_1656, %mul3A_1658 : vector<16xi32>
      %sub3A_1660 = arith.subi %sub3A_1593, %mul3A_1659 : vector<16xi32>
      %convert_element_type3A_1661 = arith.sitofp %sub3A_1660 : vector<16xi32> to vector<16xf32>
      %get3A_1662 = arith.constant 48 : index
      %get3A_1663 = tpu.vector_load %arg15[%get3A_1662] {strides = array<i32>} : memref<256xf32, #tpu.memory_space<vmem>>, vector<16xf32>,
      %add3A_1664 = arith.addf %convert_element_type3A_1558, %get3A_1663 : vector<16xf32>
      %mul3A_1665 = arith.constant 4.000000e+00 : f32
      %mul3A_1666 = vector.broadcast %mul3A_1665 : f32 to vector<16xf32>
      %mul3A_1667 = arith.mulf %add3A_1664, %mul3A_1666 : vector<16xf32>
      %get3A_1668 = arith.constant 112 : index
      %get3A_1669 = tpu.vector_load %arg15[%get3A_1668] {strides = array<i32>} : memref<256xf32, #tpu.memory_space<vmem>>, vector<16xf32>,
      %add3A_1670 = arith.addf %convert_element_type3A_1625, %get3A_1669 : vector<16xf32>
      %mul3A_1671 = arith.constant 4.000000e+00 : f32
      %mul3A_1672 = vector.broadcast %mul3A_1671 : f32 to vector<16xf32>
      %mul3A_1673 = arith.mulf %add3A_1670, %mul3A_1672 : vector<16xf32>
      %get3A_1674 = arith.constant 176 : index
      %get3A_1675 = tpu.vector_load %arg15[%get3A_1674] {strides = array<i32>} : memref<256xf32, #tpu.memory_space<vmem>>, vector<16xf32>,
      %add3A_1676 = arith.addf %convert_element_type3A_1661, %get3A_1675 : vector<16xf32>
      %mul3A_1677 = arith.constant 4.000000e+00 : f32
      %mul3A_1678 = vector.broadcast %mul3A_1677 : f32 to vector<16xf32>
      %mul3A_1679 = arith.mulf %add3A_1676, %mul3A_1678 : vector<16xf32>
      %get3A_1680 = arith.constant 48 : index
      %get3A_1681 = tpu.vector_load %arg12[%get3A_1680] {strides = array<i32>} : memref<64xi32, #tpu.memory_space<vmem>>, vector<16xi32>,
      %broadcast_in_dim3A_1682 = arith.constant 0xFF800000 : f32
      %broadcast_in_dim3A_1683 = vector.broadcast %broadcast_in_dim3A_1682 : f32 to vector<16xf32>
      %scan3A_1684 = arith.constant 0 : i32
      %scan3A_1685 = arith.constant 36 : i32
      %scan3A_1686 = arith.addi %scan3A_1684, %scan3A_1685 : i32
      %scan3A_1687 = arith.constant 1 : i32
      %scan3A_1688 = scf.for %scan3A_1843 = %scan3A_1684 to %scan3A_1686 step %scan3A_1687 iter_args(%scan3A_1844 = %broadcast_in_dim3A_1683) -> (vector<16xf32>)  : i32 {
        %add3A_1845 = arith.constant 0 : i32
        %add3A_1846 = arith.addi %add3A_1845, %scan3A_1843 : i32
        %broadcast_in_dim3A_1847 = vector.broadcast %add3A_1846 : i32 to vector<16xi32>
        %gather3A_1848 = tpu.vector_load_idx %arg13[%get3A_1681, %broadcast_in_dim3A_1847] : memref<512x108xf32, #tpu.memory_space<vmem>>[vector<16xi32>, vector<16xi32>], vector<16xf32>,
        %max3A = arith.maximumf %scan3A_1844, %gather3A_1848 : vector<16xf32>
        scf.yield %max3A : vector<16xf32>
      }
      %scan3A_1689 = arith.constant 36 : i32
      %scan3A_1690 = arith.constant 0 : i32
      %scan3A_1691 = arith.constant 36 : i32
      %scan3A_1692 = arith.addi %scan3A_1690, %scan3A_1691 : i32
      %scan3A_1693 = arith.constant 1 : i32
      %scan3A_1694:2 = scf.for %scan3A_1843 = %scan3A_1690 to %scan3A_1692 step %scan3A_1693 iter_args(%scan3A_1844 = %broadcast_in_dim3A_3, %scan3A_1845 = %broadcast_in_dim3A_3) -> (vector<16xf32>, vector<16xf32>)  : i32 {
        %add3A_1846 = arith.constant 0 : i32
        %add3A_1847 = arith.addi %add3A_1846, %scan3A_1843 : i32
        %broadcast_in_dim3A_1848 = vector.broadcast %add3A_1847 : i32 to vector<16xi32>
        %gather3A_1849 = tpu.vector_load_idx %arg13[%get3A_1681, %broadcast_in_dim3A_1848] : memref<512x108xf32, #tpu.memory_space<vmem>>[vector<16xi32>, vector<16xi32>], vector<16xf32>,
        %sub3A_1850 = arith.subf %gather3A_1849, %scan3A_1688 : vector<16xf32>
        %exp3A_1851 = math.exp %sub3A_1850 : vector<16xf32>
        %add3A_1852 = arith.addf %scan3A_1844, %exp3A_1851 : vector<16xf32>
        %convert_element_type3A_1853 = arith.sitofp %scan3A_1843 : i32 to f32
        %mul3A_1854 = vector.broadcast %convert_element_type3A_1853 : f32 to vector<16xf32>
        %mul3A_1855 = arith.mulf %exp3A_1851, %mul3A_1854 : vector<16xf32>
        %add3A_1856 = arith.addf %scan3A_1845, %mul3A_1855 : vector<16xf32>
        scf.yield %add3A_1852, %add3A_1856 : vector<16xf32>, vector<16xf32>
      }
      %scan3A_1695 = arith.constant 36 : i32
      %div3A_1696 = arith.divf %scan3A_1694#1, %scan3A_1694#0 : vector<16xf32>
      %mul3A_1697 = arith.constant 4.000000e+00 : f32
      %mul3A_1698 = vector.broadcast %mul3A_1697 : f32 to vector<16xf32>
      %mul3A_1699 = arith.mulf %div3A_1696, %mul3A_1698 : vector<16xf32>
      %get3A_1700 = arith.constant 48 : index
      %get3A_1701 = tpu.vector_load %arg12[%get3A_1700] {strides = array<i32>} : memref<64xi32, #tpu.memory_space<vmem>>, vector<16xi32>,
      %broadcast_in_dim3A_1702 = arith.constant 0xFF800000 : f32
      %broadcast_in_dim3A_1703 = vector.broadcast %broadcast_in_dim3A_1702 : f32 to vector<16xf32>
      %scan3A_1704 = arith.constant 0 : i32
      %scan3A_1705 = arith.constant 36 : i32
      %scan3A_1706 = arith.addi %scan3A_1704, %scan3A_1705 : i32
      %scan3A_1707 = arith.constant 1 : i32
      %scan3A_1708 = scf.for %scan3A_1843 = %scan3A_1704 to %scan3A_1706 step %scan3A_1707 iter_args(%scan3A_1844 = %broadcast_in_dim3A_1703) -> (vector<16xf32>)  : i32 {
        %add3A_1845 = arith.constant 36 : i32
        %add3A_1846 = arith.addi %add3A_1845, %scan3A_1843 : i32
        %broadcast_in_dim3A_1847 = vector.broadcast %add3A_1846 : i32 to vector<16xi32>
        %gather3A_1848 = tpu.vector_load_idx %arg13[%get3A_1701, %broadcast_in_dim3A_1847] : memref<512x108xf32, #tpu.memory_space<vmem>>[vector<16xi32>, vector<16xi32>], vector<16xf32>,
        %max3A = arith.maximumf %scan3A_1844, %gather3A_1848 : vector<16xf32>
        scf.yield %max3A : vector<16xf32>
      }
      %scan3A_1709 = arith.constant 36 : i32
      %scan3A_1710 = arith.constant 0 : i32
      %scan3A_1711 = arith.constant 36 : i32
      %scan3A_1712 = arith.addi %scan3A_1710, %scan3A_1711 : i32
      %scan3A_1713 = arith.constant 1 : i32
      %scan3A_1714:2 = scf.for %scan3A_1843 = %scan3A_1710 to %scan3A_1712 step %scan3A_1713 iter_args(%scan3A_1844 = %broadcast_in_dim3A_3, %scan3A_1845 = %broadcast_in_dim3A_3) -> (vector<16xf32>, vector<16xf32>)  : i32 {
        %add3A_1846 = arith.constant 36 : i32
        %add3A_1847 = arith.addi %add3A_1846, %scan3A_1843 : i32
        %broadcast_in_dim3A_1848 = vector.broadcast %add3A_1847 : i32 to vector<16xi32>
        %gather3A_1849 = tpu.vector_load_idx %arg13[%get3A_1701, %broadcast_in_dim3A_1848] : memref<512x108xf32, #tpu.memory_space<vmem>>[vector<16xi32>, vector<16xi32>], vector<16xf32>,
        %sub3A_1850 = arith.subf %gather3A_1849, %scan3A_1708 : vector<16xf32>
        %exp3A_1851 = math.exp %sub3A_1850 : vector<16xf32>
        %add3A_1852 = arith.addf %scan3A_1844, %exp3A_1851 : vector<16xf32>
        %convert_element_type3A_1853 = arith.sitofp %scan3A_1843 : i32 to f32
        %mul3A_1854 = vector.broadcast %convert_element_type3A_1853 : f32 to vector<16xf32>
        %mul3A_1855 = arith.mulf %exp3A_1851, %mul3A_1854 : vector<16xf32>
        %add3A_1856 = arith.addf %scan3A_1845, %mul3A_1855 : vector<16xf32>
        scf.yield %add3A_1852, %add3A_1856 : vector<16xf32>, vector<16xf32>
      }
      %scan3A_1715 = arith.constant 36 : i32
      %div3A_1716 = arith.divf %scan3A_1714#1, %scan3A_1714#0 : vector<16xf32>
      %mul3A_1717 = arith.constant 4.000000e+00 : f32
      %mul3A_1718 = vector.broadcast %mul3A_1717 : f32 to vector<16xf32>
      %mul3A_1719 = arith.mulf %div3A_1716, %mul3A_1718 : vector<16xf32>
      %get3A_1720 = arith.constant 48 : index
      %get3A_1721 = tpu.vector_load %arg12[%get3A_1720] {strides = array<i32>} : memref<64xi32, #tpu.memory_space<vmem>>, vector<16xi32>,
      %broadcast_in_dim3A_1722 = arith.constant 0xFF800000 : f32
      %broadcast_in_dim3A_1723 = vector.broadcast %broadcast_in_dim3A_1722 : f32 to vector<16xf32>
      %scan3A_1724 = arith.constant 0 : i32
      %scan3A_1725 = arith.constant 36 : i32
      %scan3A_1726 = arith.addi %scan3A_1724, %scan3A_1725 : i32
      %scan3A_1727 = arith.constant 1 : i32
      %scan3A_1728 = scf.for %scan3A_1843 = %scan3A_1724 to %scan3A_1726 step %scan3A_1727 iter_args(%scan3A_1844 = %broadcast_in_dim3A_1723) -> (vector<16xf32>)  : i32 {
        %add3A_1845 = arith.constant 72 : i32
        %add3A_1846 = arith.addi %add3A_1845, %scan3A_1843 : i32
        %broadcast_in_dim3A_1847 = vector.broadcast %add3A_1846 : i32 to vector<16xi32>
        %gather3A_1848 = tpu.vector_load_idx %arg13[%get3A_1721, %broadcast_in_dim3A_1847] : memref<512x108xf32, #tpu.memory_space<vmem>>[vector<16xi32>, vector<16xi32>], vector<16xf32>,
        %max3A = arith.maximumf %scan3A_1844, %gather3A_1848 : vector<16xf32>
        scf.yield %max3A : vector<16xf32>
      }
      %scan3A_1729 = arith.constant 36 : i32
      %scan3A_1730 = arith.constant 0 : i32
      %scan3A_1731 = arith.constant 36 : i32
      %scan3A_1732 = arith.addi %scan3A_1730, %scan3A_1731 : i32
      %scan3A_1733 = arith.constant 1 : i32
      %scan3A_1734:2 = scf.for %scan3A_1843 = %scan3A_1730 to %scan3A_1732 step %scan3A_1733 iter_args(%scan3A_1844 = %broadcast_in_dim3A_3, %scan3A_1845 = %broadcast_in_dim3A_3) -> (vector<16xf32>, vector<16xf32>)  : i32 {
        %add3A_1846 = arith.constant 72 : i32
        %add3A_1847 = arith.addi %add3A_1846, %scan3A_1843 : i32
        %broadcast_in_dim3A_1848 = vector.broadcast %add3A_1847 : i32 to vector<16xi32>
        %gather3A_1849 = tpu.vector_load_idx %arg13[%get3A_1721, %broadcast_in_dim3A_1848] : memref<512x108xf32, #tpu.memory_space<vmem>>[vector<16xi32>, vector<16xi32>], vector<16xf32>,
        %sub3A_1850 = arith.subf %gather3A_1849, %scan3A_1728 : vector<16xf32>
        %exp3A_1851 = math.exp %sub3A_1850 : vector<16xf32>
        %add3A_1852 = arith.addf %scan3A_1844, %exp3A_1851 : vector<16xf32>
        %convert_element_type3A_1853 = arith.sitofp %scan3A_1843 : i32 to f32
        %mul3A_1854 = vector.broadcast %convert_element_type3A_1853 : f32 to vector<16xf32>
        %mul3A_1855 = arith.mulf %exp3A_1851, %mul3A_1854 : vector<16xf32>
        %add3A_1856 = arith.addf %scan3A_1845, %mul3A_1855 : vector<16xf32>
        scf.yield %add3A_1852, %add3A_1856 : vector<16xf32>, vector<16xf32>
      }
      %scan3A_1735 = arith.constant 36 : i32
      %div3A_1736 = arith.divf %scan3A_1734#1, %scan3A_1734#0 : vector<16xf32>
      %mul3A_1737 = arith.constant 4.000000e+00 : f32
      %mul3A_1738 = vector.broadcast %mul3A_1737 : f32 to vector<16xf32>
      %mul3A_1739 = arith.mulf %div3A_1736, %mul3A_1738 : vector<16xf32>
      %mul3A_1740 = arith.constant 5.000000e-01 : f32
      %mul3A_1741 = vector.broadcast %mul3A_1740 : f32 to vector<16xf32>
      %mul3A_1742 = arith.mulf %mul3A_1699, %mul3A_1741 : vector<16xf32>
      %mul3A_1743 = arith.constant 5.000000e-01 : f32
      %mul3A_1744 = vector.broadcast %mul3A_1743 : f32 to vector<16xf32>
      %mul3A_1745 = arith.mulf %mul3A_1719, %mul3A_1744 : vector<16xf32>
      %mul3A_1746 = arith.constant 5.000000e-01 : f32
      %mul3A_1747 = vector.broadcast %mul3A_1746 : f32 to vector<16xf32>
      %mul3A_1748 = arith.mulf %mul3A_1739, %mul3A_1747 : vector<16xf32>
      %sub3A_1749 = arith.subf %mul3A_1667, %mul3A_1742 : vector<16xf32>
      %sub3A_1750 = arith.subf %mul3A_1673, %mul3A_1745 : vector<16xf32>
      %sub3A_1751 = arith.subf %mul3A_1679, %mul3A_1748 : vector<16xf32>
      %add3A_1752 = arith.addf %mul3A_1667, %mul3A_1742 : vector<16xf32>
      %add3A_1753 = arith.addf %mul3A_1673, %mul3A_1745 : vector<16xf32>
      %add3A_1754 = arith.addf %mul3A_1679, %mul3A_1748 : vector<16xf32>
      %mul3A_1755 = arith.mulf %mul3A_1699, %mul3A_1719 : vector<16xf32>
      %mul3A_1756 = arith.mulf %mul3A_1755, %mul3A_1739 : vector<16xf32>
      %swap3A_1757 = arith.constant 48 : index
      %swap3A_1758 = tpu.vector_load %arg18[%swap3A_1757] {strides = array<i32>} : memref<192xf32, #tpu.memory_space<vmem>>, vector<16xf32>,
      tpu.vector_store %arg18[%swap3A_1757], %sub3A_1749 {strides = array<i32>} : memref<192xf32, #tpu.memory_space<vmem>>, vector<16xf32>,
      %swap3A_1759 = arith.constant 48 : index
      %swap3A_1760 = tpu.vector_load %arg19[%swap3A_1759] {strides = array<i32>} : memref<192xf32, #tpu.memory_space<vmem>>, vector<16xf32>,
      tpu.vector_store %arg19[%swap3A_1759], %add3A_1752 {strides = array<i32>} : memref<192xf32, #tpu.memory_space<vmem>>, vector<16xf32>,
      %swap3A_1761 = arith.constant 112 : index
      %swap3A_1762 = tpu.vector_load %arg18[%swap3A_1761] {strides = array<i32>} : memref<192xf32, #tpu.memory_space<vmem>>, vector<16xf32>,
      tpu.vector_store %arg18[%swap3A_1761], %sub3A_1750 {strides = array<i32>} : memref<192xf32, #tpu.memory_space<vmem>>, vector<16xf32>,
      %swap3A_1763 = arith.constant 112 : index
      %swap3A_1764 = tpu.vector_load %arg19[%swap3A_1763] {strides = array<i32>} : memref<192xf32, #tpu.memory_space<vmem>>, vector<16xf32>,
      tpu.vector_store %arg19[%swap3A_1763], %add3A_1753 {strides = array<i32>} : memref<192xf32, #tpu.memory_space<vmem>>, vector<16xf32>,
      %swap3A_1765 = arith.constant 176 : index
      %swap3A_1766 = tpu.vector_load %arg18[%swap3A_1765] {strides = array<i32>} : memref<192xf32, #tpu.memory_space<vmem>>, vector<16xf32>,
      tpu.vector_store %arg18[%swap3A_1765], %sub3A_1751 {strides = array<i32>} : memref<192xf32, #tpu.memory_space<vmem>>, vector<16xf32>,
      %swap3A_1767 = arith.constant 176 : index
      %swap3A_1768 = tpu.vector_load %arg19[%swap3A_1767] {strides = array<i32>} : memref<192xf32, #tpu.memory_space<vmem>>, vector<16xf32>,
      tpu.vector_store %arg19[%swap3A_1767], %add3A_1754 {strides = array<i32>} : memref<192xf32, #tpu.memory_space<vmem>>, vector<16xf32>,
      %swap3A_1769 = arith.constant 48 : index
      %swap3A_1770 = tpu.vector_load %arg20[%swap3A_1769] {strides = array<i32>} : memref<64xf32, #tpu.memory_space<vmem>>, vector<16xf32>,
      tpu.vector_store %arg20[%swap3A_1769], %mul3A_1756 {strides = array<i32>} : memref<64xf32, #tpu.memory_space<vmem>>, vector<16xf32>,
      %add3A_1771 = arith.constant 48 : i32
      %add3A_1772 = vector.broadcast %add3A_1771 : i32 to vector<16xi32>
      %add3A_1773 = arith.addi %add3A_1772, %iota3A : vector<16xi32>
      %mul3A_1774 = arith.constant 16 : i32
      %mul3A_1775 = vector.broadcast %mul3A_1774 : i32 to vector<16xi32>
      %mul3A_1776 = arith.muli %add3A_1773, %mul3A_1775 : vector<16xi32>
      %broadcast_in_dim3A_1777 = arith.constant 1.000000e+00 : f32
      %broadcast_in_dim3A_1778 = vector.broadcast %broadcast_in_dim3A_1777 : f32 to vector<16xf32>
      %add3A_1779 = arith.constant 0 : i32
      %add3A_1780 = vector.broadcast %add3A_1779 : i32 to vector<16xi32>
      %add3A_1781 = arith.addi %mul3A_1776, %add3A_1780 : vector<16xi32>
      tpu.vector_store_idx %arg16[%add3A_1781], %broadcast_in_dim3A_1778 : memref<1024xf32, #tpu.memory_space<vmem>>[vector<16xi32>], vector<16xf32>,
      %add3A_1782 = arith.constant 1 : i32
      %add3A_1783 = vector.broadcast %add3A_1782 : i32 to vector<16xi32>
      %add3A_1784 = arith.addi %mul3A_1776, %add3A_1783 : vector<16xi32>
      tpu.vector_store_idx %arg16[%add3A_1784], %div3A_1526 : memref<1024xf32, #tpu.memory_space<vmem>>[vector<16xi32>], vector<16xf32>,
      %add3A_1785 = arith.constant 2 : i32
      %add3A_1786 = vector.broadcast %add3A_1785 : i32 to vector<16xi32>
      %add3A_1787 = arith.addi %mul3A_1776, %add3A_1786 : vector<16xi32>
      tpu.vector_store_idx %arg16[%add3A_1787], %mul3A_1667 : memref<1024xf32, #tpu.memory_space<vmem>>[vector<16xi32>], vector<16xf32>,
      %add3A_1788 = arith.constant 3 : i32
      %add3A_1789 = vector.broadcast %add3A_1788 : i32 to vector<16xi32>
      %add3A_1790 = arith.addi %mul3A_1776, %add3A_1789 : vector<16xi32>
      tpu.vector_store_idx %arg16[%add3A_1790], %mul3A_1673 : memref<1024xf32, #tpu.memory_space<vmem>>[vector<16xi32>], vector<16xf32>,
      %add3A_1791 = arith.constant 4 : i32
      %add3A_1792 = vector.broadcast %add3A_1791 : i32 to vector<16xi32>
      %add3A_1793 = arith.addi %mul3A_1776, %add3A_1792 : vector<16xi32>
      tpu.vector_store_idx %arg16[%add3A_1793], %mul3A_1679 : memref<1024xf32, #tpu.memory_space<vmem>>[vector<16xi32>], vector<16xf32>,
      %add3A_1794 = arith.constant 5 : i32
      %add3A_1795 = vector.broadcast %add3A_1794 : i32 to vector<16xi32>
      %add3A_1796 = arith.addi %mul3A_1776, %add3A_1795 : vector<16xi32>
      tpu.vector_store_idx %arg16[%add3A_1796], %mul3A_1699 : memref<1024xf32, #tpu.memory_space<vmem>>[vector<16xi32>], vector<16xf32>,
      %add3A_1797 = arith.constant 6 : i32
      %add3A_1798 = vector.broadcast %add3A_1797 : i32 to vector<16xi32>
      %add3A_1799 = arith.addi %mul3A_1776, %add3A_1798 : vector<16xi32>
      tpu.vector_store_idx %arg16[%add3A_1799], %mul3A_1719 : memref<1024xf32, #tpu.memory_space<vmem>>[vector<16xi32>], vector<16xf32>,
      %add3A_1800 = arith.constant 7 : i32
      %add3A_1801 = vector.broadcast %add3A_1800 : i32 to vector<16xi32>
      %add3A_1802 = arith.addi %mul3A_1776, %add3A_1801 : vector<16xi32>
      tpu.vector_store_idx %arg16[%add3A_1802], %mul3A_1739 : memref<1024xf32, #tpu.memory_space<vmem>>[vector<16xi32>], vector<16xf32>,
      %add3A_1803 = arith.constant 8 : i32
      %add3A_1804 = vector.broadcast %add3A_1803 : i32 to vector<16xi32>
      %add3A_1805 = arith.addi %mul3A_1776, %add3A_1804 : vector<16xi32>
      tpu.vector_store_idx %arg16[%add3A_1805], %sub3A_1749 : memref<1024xf32, #tpu.memory_space<vmem>>[vector<16xi32>], vector<16xf32>,
      %add3A_1806 = arith.constant 9 : i32
      %add3A_1807 = vector.broadcast %add3A_1806 : i32 to vector<16xi32>
      %add3A_1808 = arith.addi %mul3A_1776, %add3A_1807 : vector<16xi32>
      tpu.vector_store_idx %arg16[%add3A_1808], %sub3A_1750 : memref<1024xf32, #tpu.memory_space<vmem>>[vector<16xi32>], vector<16xf32>,
      %add3A_1809 = arith.constant 10 : i32
      %add3A_1810 = vector.broadcast %add3A_1809 : i32 to vector<16xi32>
      %add3A_1811 = arith.addi %mul3A_1776, %add3A_1810 : vector<16xi32>
      tpu.vector_store_idx %arg16[%add3A_1811], %sub3A_1751 : memref<1024xf32, #tpu.memory_space<vmem>>[vector<16xi32>], vector<16xf32>,
      %add3A_1812 = arith.constant 11 : i32
      %add3A_1813 = vector.broadcast %add3A_1812 : i32 to vector<16xi32>
      %add3A_1814 = arith.addi %mul3A_1776, %add3A_1813 : vector<16xi32>
      tpu.vector_store_idx %arg16[%add3A_1814], %add3A_1752 : memref<1024xf32, #tpu.memory_space<vmem>>[vector<16xi32>], vector<16xf32>,
      %add3A_1815 = arith.constant 12 : i32
      %add3A_1816 = vector.broadcast %add3A_1815 : i32 to vector<16xi32>
      %add3A_1817 = arith.addi %mul3A_1776, %add3A_1816 : vector<16xi32>
      tpu.vector_store_idx %arg16[%add3A_1817], %add3A_1753 : memref<1024xf32, #tpu.memory_space<vmem>>[vector<16xi32>], vector<16xf32>,
      %add3A_1818 = arith.constant 13 : i32
      %add3A_1819 = vector.broadcast %add3A_1818 : i32 to vector<16xi32>
      %add3A_1820 = arith.addi %mul3A_1776, %add3A_1819 : vector<16xi32>
      tpu.vector_store_idx %arg16[%add3A_1820], %add3A_1754 : memref<1024xf32, #tpu.memory_space<vmem>>[vector<16xi32>], vector<16xf32>,
      %add3A_1821 = arith.constant 14 : i32
      %add3A_1822 = vector.broadcast %add3A_1821 : i32 to vector<16xi32>
      %add3A_1823 = arith.addi %mul3A_1776, %add3A_1822 : vector<16xi32>
      tpu.vector_store_idx %arg16[%add3A_1823], %mul3A_1756 : memref<1024xf32, #tpu.memory_space<vmem>>[vector<16xi32>], vector<16xf32>,
      %gt3A_1824 = arith.constant 1.500000e-01 : f32
      %gt3A_1825 = vector.broadcast %gt3A_1824 : f32 to vector<16xf32>
      %gt3A_1826 = arith.cmpf ogt, %div3A_1526, %gt3A_1825 : vector<16xf32>
      %jit3A_1827 = arith.constant 0xFF800000 : f32
      %broadcast_in_dim3A_1828 = vector.broadcast %jit3A_1827 : f32 to vector<16xf32>
      %select_n3A_1829 = arith.select %gt3A_1826, %div3A_1526, %broadcast_in_dim3A_1828 : vector<16xi1>, vector<16xf32>
      %scan3A_1830 = arith.constant 0 : i32
      %scan3A_1831 = arith.constant 0 : i32
      %scan3A_1832 = arith.constant 30 : i32
      %scan3A_1833 = arith.addi %scan3A_1831, %scan3A_1832 : i32
      %scan3A_1834 = arith.constant 1 : i32
      %scan3A_1835 = scf.for %scan3A_1843 = %scan3A_1831 to %scan3A_1833 step %scan3A_1834 iter_args(%scan3A_1844 = %scan3A_1830) -> (i32)  : i32 {
        %broadcast_in_dim3A_1845 = arith.constant -1.000000e+00 : f32
        %broadcast_in_dim3A_1846 = vector.broadcast %broadcast_in_dim3A_1845 : f32 to vector<16xf32>
        %mul3A_1847 = arith.constant 16 : i32
        %mul3A_1848 = arith.muli %scan3A_1843, %mul3A_1847 : i32
        %swap3A_1849 = arith.index_cast %mul3A_1848 : i32 to index
        %swap3A_1850 = tpu.vector_load %arg17[%swap3A_1849] {strides = array<i32>} : memref<480xf32, #tpu.memory_space<vmem>>, vector<16xf32>,
        tpu.vector_store %arg17[%swap3A_1849], %broadcast_in_dim3A_1846 {strides = array<i32>} : memref<480xf32, #tpu.memory_space<vmem>>, vector<16xf32>,
        %scan3A_1851 = arith.constant 0 : i32
        scf.yield %scan3A_1851 : i32
      }
      %scan3A_1836 = arith.constant 30 : i32
      %scan3A_1837 = arith.constant 0 : i32
      %scan3A_1838 = arith.constant 20 : i32
      %scan3A_1839 = arith.addi %scan3A_1837, %scan3A_1838 : i32
      %scan3A_1840 = arith.constant 1 : i32
      %scan3A_1841:4 = scf.for %scan3A_1843 = %scan3A_1837 to %scan3A_1839 step %scan3A_1840 iter_args(%scan3A_1844 = %select_n3A_878, %scan3A_1845 = %select_n3A_1195, %scan3A_1846 = %select_n3A_1512, %scan3A_1847 = %select_n3A_1829) -> (vector<16xf32>, vector<16xf32>, vector<16xf32>, vector<16xf32>)  : i32 {
        %max3A = arith.maximumf %scan3A_1844, %scan3A_1845 : vector<16xf32>
        %max3A_1848 = arith.maximumf %scan3A_1846, %scan3A_1847 : vector<16xf32>
        %max3A_1849 = arith.maximumf %max3A, %max3A_1848 : vector<16xf32>
        %reduce_max3A = arith.constant true
        %reduce_max3A_1850 = vector.broadcast %reduce_max3A : i1 to vector<16xi1>
        %reduce_max3A_1851 = tpu.scan <max>, %max3A_1849 masked %reduce_max3A_1850 : vector<16xf32>, vector<16xi1> -> vector<16xf32>
        %reduce_max3A_1852 = vector.extract %reduce_max3A_1851[15] : f32 from vector<16xf32>
        %gt3A_1853 = arith.constant 0xFF800000 : f32
        %gt3A_1854 = arith.cmpf ogt, %reduce_max3A_1852, %gt3A_1853 : f32
        %ge3A = vector.broadcast %reduce_max3A_1852 : f32 to vector<16xf32>
        %ge3A_1855 = arith.cmpf oge, %scan3A_1844, %ge3A : vector<16xf32>
        %jit3A_1856 = arith.constant 64 : i32
        %broadcast_in_dim3A_1857 = vector.broadcast %jit3A_1856 : i32 to vector<16xi32>
        %select_n3A_1858 = arith.select %ge3A_1855, %iota3A, %broadcast_in_dim3A_1857 : vector<16xi1>, vector<16xi32>
        %reduce_min3A = arith.constant true
        %reduce_min3A_1859 = vector.broadcast %reduce_min3A : i1 to vector<16xi1>
        %reduce_min3A_1860 = arith.constant -2147483648 : i32
        %reduce_min3A_1861 = vector.broadcast %reduce_min3A_1860 : i32 to vector<16xi32>
        %reduce_min3A_1862 = arith.xori %select_n3A_1858, %reduce_min3A_1861 : vector<16xi32>
        %reduce_min3A_1863 = tpu.scan <min>, %reduce_min3A_1862 masked %reduce_min3A_1859 : vector<16xi32>, vector<16xi1> -> vector<16xi32>
        %reduce_min3A_1864 = arith.xori %reduce_min3A_1863, %reduce_min3A_1861 : vector<16xi32>
        %reduce_min3A_1865 = vector.extract %reduce_min3A_1864[15] : i32 from vector<16xi32>
        %ge3A_1866 = vector.broadcast %reduce_max3A_1852 : f32 to vector<16xf32>
        %ge3A_1867 = arith.cmpf oge, %scan3A_1845, %ge3A_1866 : vector<16xf32>
        %add3A_1868 = arith.constant 16 : i32
        %add3A_1869 = vector.broadcast %add3A_1868 : i32 to vector<16xi32>
        %add3A_1870 = arith.addi %iota3A, %add3A_1869 : vector<16xi32>
        %jit3A_1871 = arith.constant 64 : i32
        %broadcast_in_dim3A_1872 = vector.broadcast %jit3A_1871 : i32 to vector<16xi32>
        %select_n3A_1873 = arith.select %ge3A_1867, %add3A_1870, %broadcast_in_dim3A_1872 : vector<16xi1>, vector<16xi32>
        %reduce_min3A_1874 = arith.constant true
        %reduce_min3A_1875 = vector.broadcast %reduce_min3A_1874 : i1 to vector<16xi1>
        %reduce_min3A_1876 = arith.constant -2147483648 : i32
        %reduce_min3A_1877 = vector.broadcast %reduce_min3A_1876 : i32 to vector<16xi32>
        %reduce_min3A_1878 = arith.xori %select_n3A_1873, %reduce_min3A_1877 : vector<16xi32>
        %reduce_min3A_1879 = tpu.scan <min>, %reduce_min3A_1878 masked %reduce_min3A_1875 : vector<16xi32>, vector<16xi1> -> vector<16xi32>
        %reduce_min3A_1880 = arith.xori %reduce_min3A_1879, %reduce_min3A_1877 : vector<16xi32>
        %reduce_min3A_1881 = vector.extract %reduce_min3A_1880[15] : i32 from vector<16xi32>
        %ge3A_1882 = vector.broadcast %reduce_max3A_1852 : f32 to vector<16xf32>
        %ge3A_1883 = arith.cmpf oge, %scan3A_1846, %ge3A_1882 : vector<16xf32>
        %add3A_1884 = arith.constant 32 : i32
        %add3A_1885 = vector.broadcast %add3A_1884 : i32 to vector<16xi32>
        %add3A_1886 = arith.addi %iota3A, %add3A_1885 : vector<16xi32>
        %jit3A_1887 = arith.constant 64 : i32
        %broadcast_in_dim3A_1888 = vector.broadcast %jit3A_1887 : i32 to vector<16xi32>
        %select_n3A_1889 = arith.select %ge3A_1883, %add3A_1886, %broadcast_in_dim3A_1888 : vector<16xi1>, vector<16xi32>
        %reduce_min3A_1890 = arith.constant true
        %reduce_min3A_1891 = vector.broadcast %reduce_min3A_1890 : i1 to vector<16xi1>
        %reduce_min3A_1892 = arith.constant -2147483648 : i32
        %reduce_min3A_1893 = vector.broadcast %reduce_min3A_1892 : i32 to vector<16xi32>
        %reduce_min3A_1894 = arith.xori %select_n3A_1889, %reduce_min3A_1893 : vector<16xi32>
        %reduce_min3A_1895 = tpu.scan <min>, %reduce_min3A_1894 masked %reduce_min3A_1891 : vector<16xi32>, vector<16xi1> -> vector<16xi32>
        %reduce_min3A_1896 = arith.xori %reduce_min3A_1895, %reduce_min3A_1893 : vector<16xi32>
        %reduce_min3A_1897 = vector.extract %reduce_min3A_1896[15] : i32 from vector<16xi32>
        %ge3A_1898 = vector.broadcast %reduce_max3A_1852 : f32 to vector<16xf32>
        %ge3A_1899 = arith.cmpf oge, %scan3A_1847, %ge3A_1898 : vector<16xf32>
        %add3A_1900 = arith.constant 48 : i32
        %add3A_1901 = vector.broadcast %add3A_1900 : i32 to vector<16xi32>
        %add3A_1902 = arith.addi %iota3A, %add3A_1901 : vector<16xi32>
        %jit3A_1903 = arith.constant 64 : i32
        %broadcast_in_dim3A_1904 = vector.broadcast %jit3A_1903 : i32 to vector<16xi32>
        %select_n3A_1905 = arith.select %ge3A_1899, %add3A_1902, %broadcast_in_dim3A_1904 : vector<16xi1>, vector<16xi32>
        %reduce_min3A_1906 = arith.constant true
        %reduce_min3A_1907 = vector.broadcast %reduce_min3A_1906 : i1 to vector<16xi1>
        %reduce_min3A_1908 = arith.constant -2147483648 : i32
        %reduce_min3A_1909 = vector.broadcast %reduce_min3A_1908 : i32 to vector<16xi32>
        %reduce_min3A_1910 = arith.xori %select_n3A_1905, %reduce_min3A_1909 : vector<16xi32>
        %reduce_min3A_1911 = tpu.scan <min>, %reduce_min3A_1910 masked %reduce_min3A_1907 : vector<16xi32>, vector<16xi1> -> vector<16xi32>
        %reduce_min3A_1912 = arith.xori %reduce_min3A_1911, %reduce_min3A_1909 : vector<16xi32>
        %reduce_min3A_1913 = vector.extract %reduce_min3A_1912[15] : i32 from vector<16xi32>
        %min3A = arith.minsi %reduce_min3A_1865, %reduce_min3A_1881 : i32
        %min3A_1914 = arith.minsi %reduce_min3A_1897, %reduce_min3A_1913 : i32
        %min3A_1915 = arith.minsi %min3A, %min3A_1914 : i32
        %mul3A_1916 = arith.constant 16 : i32
        %mul3A_1917 = arith.muli %min3A_1915, %mul3A_1916 : i32
        %get3A_1918 = arith.index_cast %mul3A_1917 : i32 to index
        %get3A_1919 = tpu.vector_load %arg16[%get3A_1918] {strides = array<i32>} : memref<1024xf32, #tpu.memory_space<vmem>>, vector<16xf32>,
        %eq3A = arith.constant 8 : i32
        %eq3A_1920 = vector.broadcast %eq3A : i32 to vector<16xi32>
        %eq3A_1921 = arith.cmpi eq, %iota3A, %eq3A_1920 : vector<16xi32>
        %jit3A_1922 = arith.constant 0xFF800000 : f32
        %broadcast_in_dim3A_1923 = vector.broadcast %jit3A_1922 : f32 to vector<16xf32>
        %select_n3A_1924 = arith.select %eq3A_1921, %get3A_1919, %broadcast_in_dim3A_1923 : vector<16xi1>, vector<16xf32>
        %reduce_max3A_1925 = arith.constant true
        %reduce_max3A_1926 = vector.broadcast %reduce_max3A_1925 : i1 to vector<16xi1>
        %reduce_max3A_1927 = tpu.scan <max>, %select_n3A_1924 masked %reduce_max3A_1926 : vector<16xf32>, vector<16xi1> -> vector<16xf32>
        %reduce_max3A_1928 = vector.extract %reduce_max3A_1927[15] : f32 from vector<16xf32>
        %eq3A_1929 = arith.constant 9 : i32
        %eq3A_1930 = vector.broadcast %eq3A_1929 : i32 to vector<16xi32>
        %eq3A_1931 = arith.cmpi eq, %iota3A, %eq3A_1930 : vector<16xi32>
        %jit3A_1932 = arith.constant 0xFF800000 : f32
        %broadcast_in_dim3A_1933 = vector.broadcast %jit3A_1932 : f32 to vector<16xf32>
        %select_n3A_1934 = arith.select %eq3A_1931, %get3A_1919, %broadcast_in_dim3A_1933 : vector<16xi1>, vector<16xf32>
        %reduce_max3A_1935 = arith.constant true
        %reduce_max3A_1936 = vector.broadcast %reduce_max3A_1935 : i1 to vector<16xi1>
        %reduce_max3A_1937 = tpu.scan <max>, %select_n3A_1934 masked %reduce_max3A_1936 : vector<16xf32>, vector<16xi1> -> vector<16xf32>
        %reduce_max3A_1938 = vector.extract %reduce_max3A_1937[15] : f32 from vector<16xf32>
        %eq3A_1939 = arith.constant 10 : i32
        %eq3A_1940 = vector.broadcast %eq3A_1939 : i32 to vector<16xi32>
        %eq3A_1941 = arith.cmpi eq, %iota3A, %eq3A_1940 : vector<16xi32>
        %jit3A_1942 = arith.constant 0xFF800000 : f32
        %broadcast_in_dim3A_1943 = vector.broadcast %jit3A_1942 : f32 to vector<16xf32>
        %select_n3A_1944 = arith.select %eq3A_1941, %get3A_1919, %broadcast_in_dim3A_1943 : vector<16xi1>, vector<16xf32>
        %reduce_max3A_1945 = arith.constant true
        %reduce_max3A_1946 = vector.broadcast %reduce_max3A_1945 : i1 to vector<16xi1>
        %reduce_max3A_1947 = tpu.scan <max>, %select_n3A_1944 masked %reduce_max3A_1946 : vector<16xf32>, vector<16xi1> -> vector<16xf32>
        %reduce_max3A_1948 = vector.extract %reduce_max3A_1947[15] : f32 from vector<16xf32>
        %eq3A_1949 = arith.constant 11 : i32
        %eq3A_1950 = vector.broadcast %eq3A_1949 : i32 to vector<16xi32>
        %eq3A_1951 = arith.cmpi eq, %iota3A, %eq3A_1950 : vector<16xi32>
        %jit3A_1952 = arith.constant 0xFF800000 : f32
        %broadcast_in_dim3A_1953 = vector.broadcast %jit3A_1952 : f32 to vector<16xf32>
        %select_n3A_1954 = arith.select %eq3A_1951, %get3A_1919, %broadcast_in_dim3A_1953 : vector<16xi1>, vector<16xf32>
        %reduce_max3A_1955 = arith.constant true
        %reduce_max3A_1956 = vector.broadcast %reduce_max3A_1955 : i1 to vector<16xi1>
        %reduce_max3A_1957 = tpu.scan <max>, %select_n3A_1954 masked %reduce_max3A_1956 : vector<16xf32>, vector<16xi1> -> vector<16xf32>
        %reduce_max3A_1958 = vector.extract %reduce_max3A_1957[15] : f32 from vector<16xf32>
        %eq3A_1959 = arith.constant 12 : i32
        %eq3A_1960 = vector.broadcast %eq3A_1959 : i32 to vector<16xi32>
        %eq3A_1961 = arith.cmpi eq, %iota3A, %eq3A_1960 : vector<16xi32>
        %jit3A_1962 = arith.constant 0xFF800000 : f32
        %broadcast_in_dim3A_1963 = vector.broadcast %jit3A_1962 : f32 to vector<16xf32>
        %select_n3A_1964 = arith.select %eq3A_1961, %get3A_1919, %broadcast_in_dim3A_1963 : vector<16xi1>, vector<16xf32>
        %reduce_max3A_1965 = arith.constant true
        %reduce_max3A_1966 = vector.broadcast %reduce_max3A_1965 : i1 to vector<16xi1>
        %reduce_max3A_1967 = tpu.scan <max>, %select_n3A_1964 masked %reduce_max3A_1966 : vector<16xf32>, vector<16xi1> -> vector<16xf32>
        %reduce_max3A_1968 = vector.extract %reduce_max3A_1967[15] : f32 from vector<16xf32>
        %eq3A_1969 = arith.constant 13 : i32
        %eq3A_1970 = vector.broadcast %eq3A_1969 : i32 to vector<16xi32>
        %eq3A_1971 = arith.cmpi eq, %iota3A, %eq3A_1970 : vector<16xi32>
        %jit3A_1972 = arith.constant 0xFF800000 : f32
        %broadcast_in_dim3A_1973 = vector.broadcast %jit3A_1972 : f32 to vector<16xf32>
        %select_n3A_1974 = arith.select %eq3A_1971, %get3A_1919, %broadcast_in_dim3A_1973 : vector<16xi1>, vector<16xf32>
        %reduce_max3A_1975 = arith.constant true
        %reduce_max3A_1976 = vector.broadcast %reduce_max3A_1975 : i1 to vector<16xi1>
        %reduce_max3A_1977 = tpu.scan <max>, %select_n3A_1974 masked %reduce_max3A_1976 : vector<16xf32>, vector<16xi1> -> vector<16xf32>
        %reduce_max3A_1978 = vector.extract %reduce_max3A_1977[15] : f32 from vector<16xf32>
        %eq3A_1979 = arith.constant 14 : i32
        %eq3A_1980 = vector.broadcast %eq3A_1979 : i32 to vector<16xi32>
        %eq3A_1981 = arith.cmpi eq, %iota3A, %eq3A_1980 : vector<16xi32>
        %jit3A_1982 = arith.constant 0xFF800000 : f32
        %broadcast_in_dim3A_1983 = vector.broadcast %jit3A_1982 : f32 to vector<16xf32>
        %select_n3A_1984 = arith.select %eq3A_1981, %get3A_1919, %broadcast_in_dim3A_1983 : vector<16xi1>, vector<16xf32>
        %reduce_max3A_1985 = arith.constant true
        %reduce_max3A_1986 = vector.broadcast %reduce_max3A_1985 : i1 to vector<16xi1>
        %reduce_max3A_1987 = tpu.scan <max>, %select_n3A_1984 masked %reduce_max3A_1986 : vector<16xf32>, vector<16xi1> -> vector<16xf32>
        %reduce_max3A_1988 = vector.extract %reduce_max3A_1987[15] : f32 from vector<16xf32>
        %broadcast_in_dim3A_1989 = vector.broadcast %gt3A_1854 : i1 to vector<16xi1>
        %broadcast_in_dim3A_1990 = arith.constant 1.000000e+00 : f32
        %broadcast_in_dim3A_1991 = vector.broadcast %broadcast_in_dim3A_1990 : f32 to vector<16xf32>
        %get3A_1992 = arith.constant 0 : index
        %get3A_1993 = tpu.vector_load %arg18[%get3A_1992] {strides = array<i32>} : memref<192xf32, #tpu.memory_space<vmem>>, vector<16xf32>,
        %get3A_1994 = arith.constant 0 : index
        %get3A_1995 = tpu.vector_load %arg19[%get3A_1994] {strides = array<i32>} : memref<192xf32, #tpu.memory_space<vmem>>, vector<16xf32>,
        %min3A_1996 = vector.broadcast %reduce_max3A_1958 : f32 to vector<16xf32>
        %min3A_1997 = arith.minimumf %min3A_1996, %get3A_1995 : vector<16xf32>
        %max3A_1998 = vector.broadcast %reduce_max3A_1928 : f32 to vector<16xf32>
        %max3A_1999 = arith.maximumf %max3A_1998, %get3A_1993 : vector<16xf32>
        %sub3A_2000 = arith.subf %min3A_1997, %max3A_1999 : vector<16xf32>
        %max3A_2001 = arith.constant 0.000000e+00 : f32
        %max3A_2002 = vector.broadcast %max3A_2001 : f32 to vector<16xf32>
        %max3A_2003 = arith.maximumf %sub3A_2000, %max3A_2002 : vector<16xf32>
        %mul3A_2004 = arith.mulf %broadcast_in_dim3A_1991, %max3A_2003 : vector<16xf32>
        %get3A_2005 = arith.constant 64 : index
        %get3A_2006 = tpu.vector_load %arg18[%get3A_2005] {strides = array<i32>} : memref<192xf32, #tpu.memory_space<vmem>>, vector<16xf32>,
        %get3A_2007 = arith.constant 64 : index
        %get3A_2008 = tpu.vector_load %arg19[%get3A_2007] {strides = array<i32>} : memref<192xf32, #tpu.memory_space<vmem>>, vector<16xf32>,
        %min3A_2009 = vector.broadcast %reduce_max3A_1968 : f32 to vector<16xf32>
        %min3A_2010 = arith.minimumf %min3A_2009, %get3A_2008 : vector<16xf32>
        %max3A_2011 = vector.broadcast %reduce_max3A_1938 : f32 to vector<16xf32>
        %max3A_2012 = arith.maximumf %max3A_2011, %get3A_2006 : vector<16xf32>
        %sub3A_2013 = arith.subf %min3A_2010, %max3A_2012 : vector<16xf32>
        %max3A_2014 = arith.constant 0.000000e+00 : f32
        %max3A_2015 = vector.broadcast %max3A_2014 : f32 to vector<16xf32>
        %max3A_2016 = arith.maximumf %sub3A_2013, %max3A_2015 : vector<16xf32>
        %mul3A_2017 = arith.mulf %mul3A_2004, %max3A_2016 : vector<16xf32>
        %get3A_2018 = arith.constant 128 : index
        %get3A_2019 = tpu.vector_load %arg18[%get3A_2018] {strides = array<i32>} : memref<192xf32, #tpu.memory_space<vmem>>, vector<16xf32>,
        %get3A_2020 = arith.constant 128 : index
        %get3A_2021 = tpu.vector_load %arg19[%get3A_2020] {strides = array<i32>} : memref<192xf32, #tpu.memory_space<vmem>>, vector<16xf32>,
        %min3A_2022 = vector.broadcast %reduce_max3A_1978 : f32 to vector<16xf32>
        %min3A_2023 = arith.minimumf %min3A_2022, %get3A_2021 : vector<16xf32>
        %max3A_2024 = vector.broadcast %reduce_max3A_1948 : f32 to vector<16xf32>
        %max3A_2025 = arith.maximumf %max3A_2024, %get3A_2019 : vector<16xf32>
        %sub3A_2026 = arith.subf %min3A_2023, %max3A_2025 : vector<16xf32>
        %max3A_2027 = arith.constant 0.000000e+00 : f32
        %max3A_2028 = vector.broadcast %max3A_2027 : f32 to vector<16xf32>
        %max3A_2029 = arith.maximumf %sub3A_2026, %max3A_2028 : vector<16xf32>
        %mul3A_2030 = arith.mulf %mul3A_2017, %max3A_2029 : vector<16xf32>
        %get3A_2031 = arith.constant 0 : index
        %get3A_2032 = tpu.vector_load %arg20[%get3A_2031] {strides = array<i32>} : memref<64xf32, #tpu.memory_space<vmem>>, vector<16xf32>,
        %add3A_2033 = vector.broadcast %reduce_max3A_1988 : f32 to vector<16xf32>
        %add3A_2034 = arith.addf %add3A_2033, %get3A_2032 : vector<16xf32>
        %sub3A_2035 = arith.subf %add3A_2034, %mul3A_2030 : vector<16xf32>
        %add3A_2036 = arith.constant 9.99999993E-9 : f32
        %add3A_2037 = vector.broadcast %add3A_2036 : f32 to vector<16xf32>
        %add3A_2038 = arith.addf %sub3A_2035, %add3A_2037 : vector<16xf32>
        %div3A_2039 = arith.divf %mul3A_2030, %add3A_2038 : vector<16xf32>
        %gt3A_2040 = arith.constant 5.000000e-02 : f32
        %gt3A_2041 = vector.broadcast %gt3A_2040 : f32 to vector<16xf32>
        %gt3A_2042 = arith.cmpf ogt, %div3A_2039, %gt3A_2041 : vector<16xf32>
        %add3A_2043 = arith.constant 0 : i32
        %add3A_2044 = vector.broadcast %add3A_2043 : i32 to vector<16xi32>
        %add3A_2045 = arith.addi %iota3A, %add3A_2044 : vector<16xi32>
        %eq3A_2046 = vector.broadcast %min3A_1915 : i32 to vector<16xi32>
        %eq3A_2047 = arith.cmpi eq, %add3A_2045, %eq3A_2046 : vector<16xi32>
        %or3A = arith.ori %gt3A_2042, %eq3A_2047 : vector<16xi1>
        %jit3A_2048 = arith.constant 0xFF800000 : f32
        %broadcast_in_dim3A_2049 = vector.broadcast %jit3A_2048 : f32 to vector<16xf32>
        %select_n3A_2050 = arith.select %or3A, %broadcast_in_dim3A_2049, %scan3A_1844 : vector<16xi1>, vector<16xf32>
        %select_n3A_2051 = arith.select %broadcast_in_dim3A_1989, %select_n3A_2050, %scan3A_1844 : vector<16xi1>, vector<16xf32>
        %broadcast_in_dim3A_2052 = arith.constant 1.000000e+00 : f32
        %broadcast_in_dim3A_2053 = vector.broadcast %broadcast_in_dim3A_2052 : f32 to vector<16xf32>
        %get3A_2054 = arith.constant 16 : index
        %get3A_2055 = tpu.vector_load %arg18[%get3A_2054] {strides = array<i32>} : memref<192xf32, #tpu.memory_space<vmem>>, vector<16xf32>,
        %get3A_2056 = arith.constant 16 : index
        %get3A_2057 = tpu.vector_load %arg19[%get3A_2056] {strides = array<i32>} : memref<192xf32, #tpu.memory_space<vmem>>, vector<16xf32>,
        %min3A_2058 = vector.broadcast %reduce_max3A_1958 : f32 to vector<16xf32>
        %min3A_2059 = arith.minimumf %min3A_2058, %get3A_2057 : vector<16xf32>
        %max3A_2060 = vector.broadcast %reduce_max3A_1928 : f32 to vector<16xf32>
        %max3A_2061 = arith.maximumf %max3A_2060, %get3A_2055 : vector<16xf32>
        %sub3A_2062 = arith.subf %min3A_2059, %max3A_2061 : vector<16xf32>
        %max3A_2063 = arith.constant 0.000000e+00 : f32
        %max3A_2064 = vector.broadcast %max3A_2063 : f32 to vector<16xf32>
        %max3A_2065 = arith.maximumf %sub3A_2062, %max3A_2064 : vector<16xf32>
        %mul3A_2066 = arith.mulf %broadcast_in_dim3A_2053, %max3A_2065 : vector<16xf32>
        %get3A_2067 = arith.constant 80 : index
        %get3A_2068 = tpu.vector_load %arg18[%get3A_2067] {strides = array<i32>} : memref<192xf32, #tpu.memory_space<vmem>>, vector<16xf32>,
        %get3A_2069 = arith.constant 80 : index
        %get3A_2070 = tpu.vector_load %arg19[%get3A_2069] {strides = array<i32>} : memref<192xf32, #tpu.memory_space<vmem>>, vector<16xf32>,
        %min3A_2071 = vector.broadcast %reduce_max3A_1968 : f32 to vector<16xf32>
        %min3A_2072 = arith.minimumf %min3A_2071, %get3A_2070 : vector<16xf32>
        %max3A_2073 = vector.broadcast %reduce_max3A_1938 : f32 to vector<16xf32>
        %max3A_2074 = arith.maximumf %max3A_2073, %get3A_2068 : vector<16xf32>
        %sub3A_2075 = arith.subf %min3A_2072, %max3A_2074 : vector<16xf32>
        %max3A_2076 = arith.constant 0.000000e+00 : f32
        %max3A_2077 = vector.broadcast %max3A_2076 : f32 to vector<16xf32>
        %max3A_2078 = arith.maximumf %sub3A_2075, %max3A_2077 : vector<16xf32>
        %mul3A_2079 = arith.mulf %mul3A_2066, %max3A_2078 : vector<16xf32>
        %get3A_2080 = arith.constant 144 : index
        %get3A_2081 = tpu.vector_load %arg18[%get3A_2080] {strides = array<i32>} : memref<192xf32, #tpu.memory_space<vmem>>, vector<16xf32>,
        %get3A_2082 = arith.constant 144 : index
        %get3A_2083 = tpu.vector_load %arg19[%get3A_2082] {strides = array<i32>} : memref<192xf32, #tpu.memory_space<vmem>>, vector<16xf32>,
        %min3A_2084 = vector.broadcast %reduce_max3A_1978 : f32 to vector<16xf32>
        %min3A_2085 = arith.minimumf %min3A_2084, %get3A_2083 : vector<16xf32>
        %max3A_2086 = vector.broadcast %reduce_max3A_1948 : f32 to vector<16xf32>
        %max3A_2087 = arith.maximumf %max3A_2086, %get3A_2081 : vector<16xf32>
        %sub3A_2088 = arith.subf %min3A_2085, %max3A_2087 : vector<16xf32>
        %max3A_2089 = arith.constant 0.000000e+00 : f32
        %max3A_2090 = vector.broadcast %max3A_2089 : f32 to vector<16xf32>
        %max3A_2091 = arith.maximumf %sub3A_2088, %max3A_2090 : vector<16xf32>
        %mul3A_2092 = arith.mulf %mul3A_2079, %max3A_2091 : vector<16xf32>
        %get3A_2093 = arith.constant 16 : index
        %get3A_2094 = tpu.vector_load %arg20[%get3A_2093] {strides = array<i32>} : memref<64xf32, #tpu.memory_space<vmem>>, vector<16xf32>,
        %add3A_2095 = vector.broadcast %reduce_max3A_1988 : f32 to vector<16xf32>
        %add3A_2096 = arith.addf %add3A_2095, %get3A_2094 : vector<16xf32>
        %sub3A_2097 = arith.subf %add3A_2096, %mul3A_2092 : vector<16xf32>
        %add3A_2098 = arith.constant 9.99999993E-9 : f32
        %add3A_2099 = vector.broadcast %add3A_2098 : f32 to vector<16xf32>
        %add3A_2100 = arith.addf %sub3A_2097, %add3A_2099 : vector<16xf32>
        %div3A_2101 = arith.divf %mul3A_2092, %add3A_2100 : vector<16xf32>
        %gt3A_2102 = arith.constant 5.000000e-02 : f32
        %gt3A_2103 = vector.broadcast %gt3A_2102 : f32 to vector<16xf32>
        %gt3A_2104 = arith.cmpf ogt, %div3A_2101, %gt3A_2103 : vector<16xf32>
        %add3A_2105 = arith.constant 16 : i32
        %add3A_2106 = vector.broadcast %add3A_2105 : i32 to vector<16xi32>
        %add3A_2107 = arith.addi %iota3A, %add3A_2106 : vector<16xi32>
        %eq3A_2108 = vector.broadcast %min3A_1915 : i32 to vector<16xi32>
        %eq3A_2109 = arith.cmpi eq, %add3A_2107, %eq3A_2108 : vector<16xi32>
        %or3A_2110 = arith.ori %gt3A_2104, %eq3A_2109 : vector<16xi1>
        %jit3A_2111 = arith.constant 0xFF800000 : f32
        %broadcast_in_dim3A_2112 = vector.broadcast %jit3A_2111 : f32 to vector<16xf32>
        %select_n3A_2113 = arith.select %or3A_2110, %broadcast_in_dim3A_2112, %scan3A_1845 : vector<16xi1>, vector<16xf32>
        %select_n3A_2114 = arith.select %broadcast_in_dim3A_1989, %select_n3A_2113, %scan3A_1845 : vector<16xi1>, vector<16xf32>
        %broadcast_in_dim3A_2115 = arith.constant 1.000000e+00 : f32
        %broadcast_in_dim3A_2116 = vector.broadcast %broadcast_in_dim3A_2115 : f32 to vector<16xf32>
        %get3A_2117 = arith.constant 32 : index
        %get3A_2118 = tpu.vector_load %arg18[%get3A_2117] {strides = array<i32>} : memref<192xf32, #tpu.memory_space<vmem>>, vector<16xf32>,
        %get3A_2119 = arith.constant 32 : index
        %get3A_2120 = tpu.vector_load %arg19[%get3A_2119] {strides = array<i32>} : memref<192xf32, #tpu.memory_space<vmem>>, vector<16xf32>,
        %min3A_2121 = vector.broadcast %reduce_max3A_1958 : f32 to vector<16xf32>
        %min3A_2122 = arith.minimumf %min3A_2121, %get3A_2120 : vector<16xf32>
        %max3A_2123 = vector.broadcast %reduce_max3A_1928 : f32 to vector<16xf32>
        %max3A_2124 = arith.maximumf %max3A_2123, %get3A_2118 : vector<16xf32>
        %sub3A_2125 = arith.subf %min3A_2122, %max3A_2124 : vector<16xf32>
        %max3A_2126 = arith.constant 0.000000e+00 : f32
        %max3A_2127 = vector.broadcast %max3A_2126 : f32 to vector<16xf32>
        %max3A_2128 = arith.maximumf %sub3A_2125, %max3A_2127 : vector<16xf32>
        %mul3A_2129 = arith.mulf %broadcast_in_dim3A_2116, %max3A_2128 : vector<16xf32>
        %get3A_2130 = arith.constant 96 : index
        %get3A_2131 = tpu.vector_load %arg18[%get3A_2130] {strides = array<i32>} : memref<192xf32, #tpu.memory_space<vmem>>, vector<16xf32>,
        %get3A_2132 = arith.constant 96 : index
        %get3A_2133 = tpu.vector_load %arg19[%get3A_2132] {strides = array<i32>} : memref<192xf32, #tpu.memory_space<vmem>>, vector<16xf32>,
        %min3A_2134 = vector.broadcast %reduce_max3A_1968 : f32 to vector<16xf32>
        %min3A_2135 = arith.minimumf %min3A_2134, %get3A_2133 : vector<16xf32>
        %max3A_2136 = vector.broadcast %reduce_max3A_1938 : f32 to vector<16xf32>
        %max3A_2137 = arith.maximumf %max3A_2136, %get3A_2131 : vector<16xf32>
        %sub3A_2138 = arith.subf %min3A_2135, %max3A_2137 : vector<16xf32>
        %max3A_2139 = arith.constant 0.000000e+00 : f32
        %max3A_2140 = vector.broadcast %max3A_2139 : f32 to vector<16xf32>
        %max3A_2141 = arith.maximumf %sub3A_2138, %max3A_2140 : vector<16xf32>
        %mul3A_2142 = arith.mulf %mul3A_2129, %max3A_2141 : vector<16xf32>
        %get3A_2143 = arith.constant 160 : index
        %get3A_2144 = tpu.vector_load %arg18[%get3A_2143] {strides = array<i32>} : memref<192xf32, #tpu.memory_space<vmem>>, vector<16xf32>,
        %get3A_2145 = arith.constant 160 : index
        %get3A_2146 = tpu.vector_load %arg19[%get3A_2145] {strides = array<i32>} : memref<192xf32, #tpu.memory_space<vmem>>, vector<16xf32>,
        %min3A_2147 = vector.broadcast %reduce_max3A_1978 : f32 to vector<16xf32>
        %min3A_2148 = arith.minimumf %min3A_2147, %get3A_2146 : vector<16xf32>
        %max3A_2149 = vector.broadcast %reduce_max3A_1948 : f32 to vector<16xf32>
        %max3A_2150 = arith.maximumf %max3A_2149, %get3A_2144 : vector<16xf32>
        %sub3A_2151 = arith.subf %min3A_2148, %max3A_2150 : vector<16xf32>
        %max3A_2152 = arith.constant 0.000000e+00 : f32
        %max3A_2153 = vector.broadcast %max3A_2152 : f32 to vector<16xf32>
        %max3A_2154 = arith.maximumf %sub3A_2151, %max3A_2153 : vector<16xf32>
        %mul3A_2155 = arith.mulf %mul3A_2142, %max3A_2154 : vector<16xf32>
        %get3A_2156 = arith.constant 32 : index
        %get3A_2157 = tpu.vector_load %arg20[%get3A_2156] {strides = array<i32>} : memref<64xf32, #tpu.memory_space<vmem>>, vector<16xf32>,
        %add3A_2158 = vector.broadcast %reduce_max3A_1988 : f32 to vector<16xf32>
        %add3A_2159 = arith.addf %add3A_2158, %get3A_2157 : vector<16xf32>
        %sub3A_2160 = arith.subf %add3A_2159, %mul3A_2155 : vector<16xf32>
        %add3A_2161 = arith.constant 9.99999993E-9 : f32
        %add3A_2162 = vector.broadcast %add3A_2161 : f32 to vector<16xf32>
        %add3A_2163 = arith.addf %sub3A_2160, %add3A_2162 : vector<16xf32>
        %div3A_2164 = arith.divf %mul3A_2155, %add3A_2163 : vector<16xf32>
        %gt3A_2165 = arith.constant 5.000000e-02 : f32
        %gt3A_2166 = vector.broadcast %gt3A_2165 : f32 to vector<16xf32>
        %gt3A_2167 = arith.cmpf ogt, %div3A_2164, %gt3A_2166 : vector<16xf32>
        %add3A_2168 = arith.constant 32 : i32
        %add3A_2169 = vector.broadcast %add3A_2168 : i32 to vector<16xi32>
        %add3A_2170 = arith.addi %iota3A, %add3A_2169 : vector<16xi32>
        %eq3A_2171 = vector.broadcast %min3A_1915 : i32 to vector<16xi32>
        %eq3A_2172 = arith.cmpi eq, %add3A_2170, %eq3A_2171 : vector<16xi32>
        %or3A_2173 = arith.ori %gt3A_2167, %eq3A_2172 : vector<16xi1>
        %jit3A_2174 = arith.constant 0xFF800000 : f32
        %broadcast_in_dim3A_2175 = vector.broadcast %jit3A_2174 : f32 to vector<16xf32>
        %select_n3A_2176 = arith.select %or3A_2173, %broadcast_in_dim3A_2175, %scan3A_1846 : vector<16xi1>, vector<16xf32>
        %select_n3A_2177 = arith.select %broadcast_in_dim3A_1989, %select_n3A_2176, %scan3A_1846 : vector<16xi1>, vector<16xf32>
        %broadcast_in_dim3A_2178 = arith.constant 1.000000e+00 : f32
        %broadcast_in_dim3A_2179 = vector.broadcast %broadcast_in_dim3A_2178 : f32 to vector<16xf32>
        %get3A_2180 = arith.constant 48 : index
        %get3A_2181 = tpu.vector_load %arg18[%get3A_2180] {strides = array<i32>} : memref<192xf32, #tpu.memory_space<vmem>>, vector<16xf32>,
        %get3A_2182 = arith.constant 48 : index
        %get3A_2183 = tpu.vector_load %arg19[%get3A_2182] {strides = array<i32>} : memref<192xf32, #tpu.memory_space<vmem>>, vector<16xf32>,
        %min3A_2184 = vector.broadcast %reduce_max3A_1958 : f32 to vector<16xf32>
        %min3A_2185 = arith.minimumf %min3A_2184, %get3A_2183 : vector<16xf32>
        %max3A_2186 = vector.broadcast %reduce_max3A_1928 : f32 to vector<16xf32>
        %max3A_2187 = arith.maximumf %max3A_2186, %get3A_2181 : vector<16xf32>
        %sub3A_2188 = arith.subf %min3A_2185, %max3A_2187 : vector<16xf32>
        %max3A_2189 = arith.constant 0.000000e+00 : f32
        %max3A_2190 = vector.broadcast %max3A_2189 : f32 to vector<16xf32>
        %max3A_2191 = arith.maximumf %sub3A_2188, %max3A_2190 : vector<16xf32>
        %mul3A_2192 = arith.mulf %broadcast_in_dim3A_2179, %max3A_2191 : vector<16xf32>
        %get3A_2193 = arith.constant 112 : index
        %get3A_2194 = tpu.vector_load %arg18[%get3A_2193] {strides = array<i32>} : memref<192xf32, #tpu.memory_space<vmem>>, vector<16xf32>,
        %get3A_2195 = arith.constant 112 : index
        %get3A_2196 = tpu.vector_load %arg19[%get3A_2195] {strides = array<i32>} : memref<192xf32, #tpu.memory_space<vmem>>, vector<16xf32>,
        %min3A_2197 = vector.broadcast %reduce_max3A_1968 : f32 to vector<16xf32>
        %min3A_2198 = arith.minimumf %min3A_2197, %get3A_2196 : vector<16xf32>
        %max3A_2199 = vector.broadcast %reduce_max3A_1938 : f32 to vector<16xf32>
        %max3A_2200 = arith.maximumf %max3A_2199, %get3A_2194 : vector<16xf32>
        %sub3A_2201 = arith.subf %min3A_2198, %max3A_2200 : vector<16xf32>
        %max3A_2202 = arith.constant 0.000000e+00 : f32
        %max3A_2203 = vector.broadcast %max3A_2202 : f32 to vector<16xf32>
        %max3A_2204 = arith.maximumf %sub3A_2201, %max3A_2203 : vector<16xf32>
        %mul3A_2205 = arith.mulf %mul3A_2192, %max3A_2204 : vector<16xf32>
        %get3A_2206 = arith.constant 176 : index
        %get3A_2207 = tpu.vector_load %arg18[%get3A_2206] {strides = array<i32>} : memref<192xf32, #tpu.memory_space<vmem>>, vector<16xf32>,
        %get3A_2208 = arith.constant 176 : index
        %get3A_2209 = tpu.vector_load %arg19[%get3A_2208] {strides = array<i32>} : memref<192xf32, #tpu.memory_space<vmem>>, vector<16xf32>,
        %min3A_2210 = vector.broadcast %reduce_max3A_1978 : f32 to vector<16xf32>
        %min3A_2211 = arith.minimumf %min3A_2210, %get3A_2209 : vector<16xf32>
        %max3A_2212 = vector.broadcast %reduce_max3A_1948 : f32 to vector<16xf32>
        %max3A_2213 = arith.maximumf %max3A_2212, %get3A_2207 : vector<16xf32>
        %sub3A_2214 = arith.subf %min3A_2211, %max3A_2213 : vector<16xf32>
        %max3A_2215 = arith.constant 0.000000e+00 : f32
        %max3A_2216 = vector.broadcast %max3A_2215 : f32 to vector<16xf32>
        %max3A_2217 = arith.maximumf %sub3A_2214, %max3A_2216 : vector<16xf32>
        %mul3A_2218 = arith.mulf %mul3A_2205, %max3A_2217 : vector<16xf32>
        %get3A_2219 = arith.constant 48 : index
        %get3A_2220 = tpu.vector_load %arg20[%get3A_2219] {strides = array<i32>} : memref<64xf32, #tpu.memory_space<vmem>>, vector<16xf32>,
        %add3A_2221 = vector.broadcast %reduce_max3A_1988 : f32 to vector<16xf32>
        %add3A_2222 = arith.addf %add3A_2221, %get3A_2220 : vector<16xf32>
        %sub3A_2223 = arith.subf %add3A_2222, %mul3A_2218 : vector<16xf32>
        %add3A_2224 = arith.constant 9.99999993E-9 : f32
        %add3A_2225 = vector.broadcast %add3A_2224 : f32 to vector<16xf32>
        %add3A_2226 = arith.addf %sub3A_2223, %add3A_2225 : vector<16xf32>
        %div3A_2227 = arith.divf %mul3A_2218, %add3A_2226 : vector<16xf32>
        %gt3A_2228 = arith.constant 5.000000e-02 : f32
        %gt3A_2229 = vector.broadcast %gt3A_2228 : f32 to vector<16xf32>
        %gt3A_2230 = arith.cmpf ogt, %div3A_2227, %gt3A_2229 : vector<16xf32>
        %add3A_2231 = arith.constant 48 : i32
        %add3A_2232 = vector.broadcast %add3A_2231 : i32 to vector<16xi32>
        %add3A_2233 = arith.addi %iota3A, %add3A_2232 : vector<16xi32>
        %eq3A_2234 = vector.broadcast %min3A_1915 : i32 to vector<16xi32>
        %eq3A_2235 = arith.cmpi eq, %add3A_2233, %eq3A_2234 : vector<16xi32>
        %or3A_2236 = arith.ori %gt3A_2230, %eq3A_2235 : vector<16xi1>
        %jit3A_2237 = arith.constant 0xFF800000 : f32
        %broadcast_in_dim3A_2238 = vector.broadcast %jit3A_2237 : f32 to vector<16xf32>
        %select_n3A_2239 = arith.select %or3A_2236, %broadcast_in_dim3A_2238, %scan3A_1847 : vector<16xi1>, vector<16xf32>
        %select_n3A_2240 = arith.select %broadcast_in_dim3A_1989, %select_n3A_2239, %scan3A_1847 : vector<16xi1>, vector<16xf32>
        %lt3A_2241 = arith.constant 8 : i32
        %lt3A_2242 = vector.broadcast %lt3A_2241 : i32 to vector<16xi32>
        %lt3A_2243 = arith.cmpi slt, %iota3A, %lt3A_2242 : vector<16xi32>
        %and3A_2244 = arith.andi %lt3A_2243, %broadcast_in_dim3A_1989 : vector<16xi1>
        %jit3A_2245 = arith.constant -1.000000e+00 : f32
        %broadcast_in_dim3A_2246 = vector.broadcast %jit3A_2245 : f32 to vector<16xf32>
        %select_n3A_2247 = arith.select %and3A_2244, %get3A_1919, %broadcast_in_dim3A_2246 : vector<16xi1>, vector<16xf32>
        %mul3A_2248 = arith.constant 8 : i32
        %mul3A_2249 = arith.muli %scan3A_1843, %mul3A_2248 : i32
        %add3A_2250 = vector.broadcast %mul3A_2249 : i32 to vector<16xi32>
        %add3A_2251 = arith.addi %add3A_2250, %iota3A : vector<16xi32>
        %lt3A_2252 = arith.constant 8 : i32
        %lt3A_2253 = vector.broadcast %lt3A_2252 : i32 to vector<16xi32>
        %lt3A_2254 = arith.cmpi slt, %iota3A, %lt3A_2253 : vector<16xi32>
        tpu.vector_store_idx %arg17[%add3A_2251], %select_n3A_2247 masked %lt3A_2254 : memref<480xf32, #tpu.memory_space<vmem>>[vector<16xi32>], vector<16xf32>, vector<16xi1>
        scf.yield %select_n3A_2051, %select_n3A_2114, %select_n3A_2177, %select_n3A_2240 : vector<16xf32>, vector<16xf32>, vector<16xf32>, vector<16xf32>
      }
      %scan3A_1842 = arith.constant 20 : i32
      "tpu.region"() ({
        %run_scoped3A = tpu.sem_alloc : memref<!tpu.dma_semaphore, #tpu.memory_space<semaphore_mem>>
        %dma_start3A_1843 = arith.constant 0 : i32
        %dma_start3A_1844 = tpu.memref_slice %arg5[%add3A, %dma_start3A_1843] : memref<16x480xf32, #tpu.memory_space<hbm>> -> memref<1x480xf32, #tpu.memory_space<hbm>>
        %dma_start3A_1845 = tpu.memref_squeeze %dma_start3A_1844 : memref<1x480xf32, #tpu.memory_space<hbm>> -> memref<480xf32, #tpu.memory_space<hbm>>
        %dma_start3A_1846 = arith.constant 0 : i32
        %dma_start3A_1847 = tpu.memref_slice %arg5[%add3A, %dma_start3A_1846] : memref<16x480xf32, #tpu.memory_space<hbm>> -> memref<1x480xf32, #tpu.memory_space<hbm>>
        %dma_start3A_1848 = tpu.memref_squeeze %dma_start3A_1847 : memref<1x480xf32, #tpu.memory_space<hbm>> -> memref<480xf32, #tpu.memory_space<hbm>>
        tpu.enqueue_dma source(%arg17 : memref<480xf32, #tpu.memory_space<vmem>>) target(%dma_start3A_1848 : memref<480xf32, #tpu.memory_space<hbm>>) target_semaphore(%run_scoped3A : memref<!tpu.dma_semaphore, #tpu.memory_space<semaphore_mem>>)
        %dma_wait3A_1849 = arith.constant 0 : i32
        %dma_wait3A_1850 = tpu.memref_slice %arg5[%add3A, %dma_wait3A_1849] : memref<16x480xf32, #tpu.memory_space<hbm>> -> memref<1x480xf32, #tpu.memory_space<hbm>>
        %dma_wait3A_1851 = tpu.memref_squeeze %dma_wait3A_1850 : memref<1x480xf32, #tpu.memory_space<hbm>> -> memref<480xf32, #tpu.memory_space<hbm>>
        %dma_wait3A_1852 = arith.constant 0 : i32
        %dma_wait3A_1853 = tpu.memref_slice %arg5[%add3A, %dma_wait3A_1852] : memref<16x480xf32, #tpu.memory_space<hbm>> -> memref<1x480xf32, #tpu.memory_space<hbm>>
        %dma_wait3A_1854 = tpu.memref_squeeze %dma_wait3A_1853 : memref<1x480xf32, #tpu.memory_space<hbm>> -> memref<480xf32, #tpu.memory_space<hbm>>
        tpu.wait_dma2 semaphore(%run_scoped3A : memref<!tpu.dma_semaphore, #tpu.memory_space<semaphore_mem>>) src(%arg17 : memref<480xf32, #tpu.memory_space<vmem>>) dst(%dma_wait3A_1854 : memref<480xf32, #tpu.memory_space<hbm>>)
        tpu.yield
      }) : () -> ()
    } else {
    }
    return
  }
}

</mosaic_0001>

<sc_bundles>
// kernel: kernel.3.cloned.1.call-start
scs
__scs_entry_jumppad:
0x0: {  	(pc) =	sbr.rel $0x88, $3  }
0x1: {  	(tag) =	ssettag $0x0;
	lr =	simm.s32 $0x1  }
0x2: {  	[smem:$0x3F9E] =	sst lr;
	_ =	strace $0xD0000000  }
0x3: {  	_ = 	snop  }
0x4: {  	_ = 	snop  }
0x5: {  	_ = 	snop  }
0x6: {  	_ = 	snop  }
0x7: {  	_ = 	snop  }
__scs_overlays_trampoline_lowered:
0x8: {  	[smem:$0x3FAD] =	sst s0  }
0x9: {  	[smem:$0x3FAE] =	sst s1  }
0xa: {  	[smem:$0x3FAF] =	sst s2  }
0xb: {  	[smem:$0x3FB0] =	sst s3  }
0xc: {  	[smem:$0x3FB1] =	sst s4  }
0xd: {  	[smem:$0x3FB2] =	sst s5  }
0xe: {  	[smem:$0x3FB3] =	sst s6  }
0xf: {  	[smem:$0x3FB4] =	sst s7  }
0x10: {  	[smem:$0x3FB5] =	sst s8  }
0x11: {  	[smem:$0x3FB6] =	sst s9;
	s0 =	simm.s32 @!p0 $0x0  }
0x12: {  	s1 =	sld [smem:$0x3F9C];
	s0 =	simm.s32 @p0 $0x1  }
0x13: {  	[smem:$0x3FB7] =	sst s0;
	s0 =	simm.s32 @!p1 $0x0  }
0x14: {  	s2 =	sld [smem:$0x3F9B];
	s0 =	simm.s32 @p1 $0x1  }
0x15: {  	[smem:$0x3FB8] =	sst s0;
	s0 =	simm.s32 @!p2 $0x0  }
0x16: {  	s3 =	sld [smem:$0x3FDB];
	s0 =	simm.s32 @p2 $0x1  }
0x17: {  	s4 =	simm.s32 $0x1BF5;
	[smem:$0x3FBA] =	sst s0  }
0x18: {  	s0 =	sld [smem:$0x3F9D];
	_ =	swait.ge [sflag:s4], $0x0  }
0x19: {  	s7 =	sld [smem:$0x3F9E]  }
0x1a: {  	s8 =	sadd.s32 $0xFFFFE003, lr  }
0x1b: {  	s9 =	sadd.s32 $0xFFFFFEF7, lr;
	s5 =	simm.s32 $0xFFFFFFFF;
	p2 =	slt.u32 s8, $0xFFFFF086  }
0x1c: {  	p1 =	slt.u32 s9, $0xF7A;
	s5 =	simm.s32 @!p2 $0x0  }
0x1d: {  	s5 =	simm.s32 @p1 $0x1;
	p0 =	seq.s32 s7, s2  }
0x1e: {  	s7 =	smul.u32 @!p0 $0xF7A, s2;
	p2 =	seq.s32 @!p0 s5, $0x0  }
0x1f: {  	s9 =	smul.u32 $0xF7A, s1;
	s8 =	simm.s32 @!p0 $0x1BF5;
	p2 =	por !p2, p0  }
0x20: {  	[sflag:s8] =	ssyncset.s32 @!p0 $0xFFFFF086;
	s6 =	sadd.s32 @!p0 s3, s7;
	s7 =	simm.s32 @!p0 $0x108  }
0x21: {  	s3 =	sadd.s32 s3, s9;
	s6 =	sadd.s32 @!p0 $0x88, s6;
	s7 =	simm.s32 @p2 $0x1082  }
0x22: {  	[simem:s7], [sflag:s8] =	dma.local @!p0 [hbm:s6], $0xF7A  }
0x23: {  	s9 =	sor.u32 $0xD0000000, s2;
	s6 =	simm.s32 $0x108;
	_ =	swait.ge @!p0 [sflag:s8], $0x0  }
0x24: {  	s3 =	sadd.s32 $0x88, s3;
	s6 =	simm.s32 @!p1 $0x1082;
	[sflag:s4] =	ssyncset.s32 $0xFFFFF086  }
0x25: {  	[simem:s6], [sflag:s4] =	dma.local [hbm:s3], $0xF7A  }
0x26: {  	[smem:$0x3F9E] =	sst s1;
	(tag) =	ssettag s2;
	_ =	strace s9  }
0x27: {  	s1 =	sld [smem:$0x3FAE]  }
0x28: {  	s2 =	sld [smem:$0x3FAF]  }
0x29: {  	s4 =	sld [smem:$0x3FB1]  }
0x2a: {  	p0 =	seq.s32 s5, $0x0;
	s5 =	sld [smem:$0x3FB2]  }
0x2b: {  	s6 =	sld [smem:$0x3FB3]  }
0x2c: {  	s7 =	sld [smem:$0x3FB4]  }
0x2d: {  	s3 =	simm.s32 $0x108;
	s8 =	sld [smem:$0x3FB5]  }
0x2e: {  	s3 =	simm.s32 @!p0 $0x1082;
	s9 =	sld [smem:$0x3FB6]  }
0x2f: {  	lr =	sadd.s32 s0, s3;
	s0 =	sld [smem:$0x3FAD]  }
0x30: {  	s3 =	sld [smem:$0x3FB0]  }
0x31: {  	[smem:$0x3FB9] =	sst s10  }
0x32: {  	s10 =	sld [smem:$0x3FB7];
	_ =	sdelay $0x3  }
0x33: {  	p0 =	seq.s32 s10, $0x1;
	s10 =	sld [smem:$0x3FB9];
	_ =	sdelay $0x3  }
0x34: {  	[smem:$0x3FB9] =	sst s10  }
0x35: {  	s10 =	sld [smem:$0x3FB8];
	_ =	sdelay $0x3  }
0x36: {  	p1 =	seq.s32 s10, $0x1;
	s10 =	sld [smem:$0x3FB9];
	_ =	sdelay $0x3  }
0x37: {  	[smem:$0x3FB9] =	sst s10  }
0x38: {  	s10 =	sld [smem:$0x3FBA]  }
0x39: {  	_ = 	snop;
	(pc) =	sbr.ind lr, $3  }
0x3a: {  	_ = 	snop  }
0x3b: {  	_ = 	snop  }
0x3c: {  	p2 =	seq.s32 s10, $0x1;
	s10 =	sld [smem:$0x3FB9]  }
0x3d: {  	_ =	shalt  }
0x3e: {  	_ =	shalt  }
0x3f: {  	_ =	shalt  }
0x40: {  	_ =	shalt  }
0x41: {  	_ =	shalt  }
0x42: {  	_ =	shalt  }
0x43: {  	_ =	shalt  }
0x44: {  	_ =	shalt  }
0x45: {  	_ =	shalt  }
0x46: {  	_ =	shalt  }
0x47: {  	_ =	shalt  }
0x48: {  	_ =	shalt  }
0x49: {  	_ =	shalt  }
0x4a: {  	_ =	shalt  }
0x4b: {  	_ =	shalt  }
0x4c: {  	_ =	shalt  }
0x4d: {  	_ =	shalt  }
0x4e: {  	_ =	shalt  }
0x4f: {  	_ =	shalt  }
0x50: {  	_ =	shalt  }
0x51: {  	_ =	shalt  }
0x52: {  	_ =	shalt  }
0x53: {  	_ =	shalt  }
0x54: {  	_ =	shalt  }
0x55: {  	_ =	shalt  }
0x56: {  	_ =	shalt  }
0x57: {  	_ =	shalt  }
0x58: {  	_ =	shalt  }
0x59: {  	_ =	shalt  }
0x5a: {  	_ =	shalt  }
0x5b: {  	_ =	shalt  }
0x5c: {  	_ =	shalt  }
0x5d: {  	_ =	shalt  }
0x5e: {  	_ =	shalt  }
0x5f: {  	_ =	shalt  }
0x60: {  	_ =	shalt  }
0x61: {  	_ =	shalt  }
0x62: {  	_ =	shalt  }
0x63: {  	_ =	shalt  }
0x64: {  	_ =	shalt  }
0x65: {  	_ =	shalt  }
0x66: {  	_ =	shalt  }
0x67: {  	_ =	shalt  }
0x68: {  	_ =	shalt  }
0x69: {  	_ =	shalt  }
0x6a: {  	_ =	shalt  }
0x6b: {  	_ =	shalt  }
0x6c: {  	_ =	shalt  }
0x6d: {  	_ =	shalt  }
0x6e: {  	_ =	shalt  }
0x6f: {  	_ =	shalt  }
0x70: {  	_ =	shalt  }
0x71: {  	_ =	shalt  }
0x72: {  	_ =	shalt  }
0x73: {  	_ =	shalt  }
0x74: {  	_ =	shalt  }
0x75: {  	_ =	shalt  }
0x76: {  	_ =	shalt  }
0x77: {  	_ =	shalt  }
0x78: {  	_ =	shalt  }
0x79: {  	_ =	shalt  }
0x7a: {  	_ =	shalt  }
0x7b: {  	_ =	shalt  }
0x7c: {  	_ =	shalt  }
0x7d: {  	_ =	shalt  }
0x7e: {  	_ =	shalt  }
0x7f: {  	_ =	shalt  }
0x80: {  	_ =	shalt  }
0x81: {  	_ =	shalt  }
0x82: {  	_ =	shalt  }
0x83: {  	_ =	shalt  }
0x84: {  	_ =	shalt  }
0x85: {  	_ =	shalt  }
0x86: {  	_ =	shalt  }
0x87: {  	_ =	shalt  }
.Lfunc_end0:
.L_simem_size_0:
called_computation_lowered:
.L_overlay_start_0:
0x88: {  	s2 =	sld [smem:$0x3FD9]  }
0x89: {  	s3 =	sld [smem:$0x3FFE];
	_ =	sdelay $0x1  }
0x8a: {  	s1 =	srdreg.scid  }
0x8b: {  	s0 =	sand.u32 $0x1, s1  }
0x8c: {  	s17 =	sshll.u32 s0, $0xA;
	s2 =	sadd.s32 s3, s2  }
0x8d: {  	s2 =	sadd.s32 s2, s17  }
0x8e: {  	[smem:$0x3FC5] =	sst s2  }
0x8f: {  	_ = 	snop  }
0x90: {  	s2 =	sld [smem:$0x3FC8]  }
0x91: {  	s18 =	sld [smem:$0x3FD0];
	(tm) =	ssettm $0x1  }
0x92: {  	s4 =	sld [smem:$0x3FFB];
	_ =	sdelay $0x3  }
0x93: {  	_ =	strace s4  }
0x94: {  	s4 =	sld [smem:$0x3FFC];
	_ =	sdelay $0x3  }
0x95: {  	_ =	strace s4  }
0x96: {  	s4 =	sld [smem:$0x3FFD];
	_ =	sdelay $0x3  }
0x97: {  	_ =	strace s4  }
0x98: {  	_ =	strace $0x8FFFFFFF  }
0x99: {  	s19 =	sld [smem:$0x3FDB];
	_ =	sdelay $0x1  }
0x9a: {  	s5 =	simm.s32 $_scs_section_size  }
0x9b: {  	s6 =	simm.s32 $_size__tile_overlayer_lowered;
	s7 =	simm.s32 $_tile_overlayer_lowered  }
0x9c: {  	s22 =	simm.s32 $0x1BFF;
	s21 =	sshll.u32 s7, $0x1;
	s4 =	sadd.s32 s5, s19  }
0x9d: {  	s8 =	simm.s32 $0x0;
	s20 =	sshll.u32 s6, $0x1;
	s6 =	sadd.s32 s21, s4  }
0x9e: {  	[timem:s8], [sflag:s22] =	dma.local [hbm:s6], s20  }
0x9f: {  	_ =	swait.ge [sflag:s22], s20  }
0xa0: {  	s5 =	ssub.s32 $0x0, s20;
	[sflag:s22] =	ssyncset.done $0x0  }
0xa1: {  	[sflag:s22] =	ssyncadd.s32 s5;
	_ =	sdelay $0x1  }
0xa2: {  	s23 =	simm.s32 $0x1B8B  }
0xa3: {  	_ =	swait.ge [sflag:s23], $0x1  }
0xa4: {  	[sflag:s23] =	ssyncset.done $0x0  }
0xa5: {  	s25 =	simm.s32 $0x1B8E;
	s24 =	sld [smem:$0x3FFE];
	[sflag:s23] =	ssyncadd.s32 $0xFFFFFFFF  }
0xa6: {  	s26 =	simm.s32 $execute0_lowered;
	[smem:$0x3FD2] =	sst s25  }
0xa7: {  	s6 =	sshll.u32 s26, $0x1;
	_ =	strace $0x80000046;
	[dreg:$0x1] =	wrdreg $0xFFFFFFFF  }
0xa8: {  	s28 =	simm.s32 $_size_execute0_lowered;
	s4 =	sadd.s32 s4, s6;
	[dreg:$0x0] =	wrdreg $0x0  }
0xa9: {  	s6 =	sshll.u32 s28, $0x1;
	[dreg:$0x2] =	wrdreg s4  }
0xaa: {  	[dreg:$0x3] =	wrdreg s6  }
0xab: {  	[dreg:$0x4] =	wrdreg $0xC0  }
0xac: {  	_ =	task [dreg:s8], $0x5FFFF  }
0xad: {  	[dreg:$0x1] =	wrdreg $0xFFFFFFFF  }
0xae: {  	[dreg:$0x0] =	wrdreg $0x60  }
0xaf: {  	[dreg:$0x2] =	wrdreg s24  }
0xb0: {  	[dreg:$0x3] =	wrdreg s2  }
0xb1: {  	[dreg:$0x4] =	wrdreg s18  }
0xb2: {  	[dreg:$0x5] =	wrdreg $0x9  }
0xb3: {  	_ =	task.clear_ibuf [dreg:s8], $0x6FFFF;
	_ =	strace $0x90000046  }
0xb4: {  	s29 =	simm.s32 $0x9;
	_ =	strace $0x80000048  }
0xb5: {  	_ =	swait.ge [sflag:s29], $0x1  }
0xb6: {  	[sflag:s29] =	ssyncadd.s32 $0xFFFFFFFF  }
0xb7: {  	_ =	strace $0x90000048  }
0xb8: {  	_ =	sfence  }
0xb9: {  	s30 =	sld [smem:$0x0];
	_ =	sdelay $0x2  }
0xba: {  	s31 =	sshll.u32 s1, $0xD;
	s1 =	sshrl.u32 s1, $0x2  }
0xbb: {  	s3 =	sand.u32 $0x4000, s31;
	s1 =	sadd.s32 s1, s30  }
0xbc: {  	s0 =	sor.u32 s3, s0;
	s1 =	sshll.u32 s1, $0x11  }
0xbd: {  	s0 =	sor.u32 s1, s0  }
0xbe: {  	s0 =	sadd.s32 $0x8F2B, s0  }
0xbf: {  	[sflag:s0] =	ssyncadd.remote.s32 $0x1  }
0xc0: {  	_ =	sfence.sel $0xFFFF  }
0xc1: {  	[dreg:$0x0] =	wrdreg $0xFFFFFFFF;
	(pc) =	sbr.abs _section_cstart, $3  }
0xc2: {  	[dreg:$0x1] =	wrdreg $0xFFFFFFFF  }
0xc3: {  	_ =	task.clear_ibuf [dreg:s8], $0x2FFFF;
	_ =	strace $0x9FFFFFFF  }
0xc4: {  	(tm) =	ssettm $0x7FFFFFFF  }
0xc5: {  	_ =	shalt  }
tec
execute0_lowered:
.L_overlay_start_1:
0x0: {  	(tag) =	ssettag $0x1  }
0x1: {  	s4 =	stileid.u32  }
0x2: {  	p0 =	sgt.u32 s4, $0x7  }
.Ltmp0:
0x3: {  	_ = 	snop;
	(pc) =	sbr.rel @p0 .LBB2_63-.Ltmp0, $4  }
0x4: {  	s1 =	rddreg [dreg:$0x0]  }
0x5: {  	s2 =	rddreg [dreg:$0x1];
	s3 =	simm.s32 $0x0  }
0x6: {  	[smem:$0x7FF] =	sst s3  }
0x7: {  	s0 =	rddreg [dreg:$0x2];
	_ =	strace $0x80000047  }
0x8: {  	v0 =	vlaneseq.u32  }
0x9: {  	v35 =	vimm.s32 $0xECA86420;
	vm8 =	vmmov $0xff;
	vm9 =	vcmask $0x1F24  }
0xa: {  	vm10 =	vcmask $0x2328;
	vm11 =	vcmask $0x272C;
	vm12 =	vcmask $0x2B30  }
0xb: {  	s4 =	srdreg.scid;
	s8 =	stileid.u32;
	s7 =	sadd.s32 $0x400, s1;
	vm13 =	vcmask $0x2F34;
	vm14 =	vcmask $0x3338;
	vm15 =	vcmask $0x373C  }
0xc: {  	s26 =	sadd.s32 $0x7000, s1;
	s6 =	sand.u32 $0x1, s4;
	s25 =	sshll.u32 s8, $0x1;
	v4 =	vand.u32 $0x7, v0;
	v3 =	vmul.u32 $0x10, v0;
	v8 =	vmul.u32 $0x2, v0  }
0xd: {  	s12 =	simm.s32 $0x3600;
	s13 =	simm.s32 $0x3A80;
	vm0 =	vmxor vm0, vm0;
	v23 =	vor.u32 $0x80000000, v0;
	s5 =	sor.u32 s6, s25;
	v7 =	vmul.u32 $0x10, v4  }
0xe: {  	s14 =	simm.s32 $0x3B00;
	v25 =	vor.u32 $0x80000010, v0;
	v35 =	vunpack.c.l.s4.s8 v35;
	s4 =	smul.u32 $0xA200, s5;
	v5 =	vor.u32 $0x1, v3;
	[tilespmem:$0x1FFF0] =	vst v8  }
0xf: {  	v26 =	vor.u32 $0x80000020, v0;
	v27 =	vor.u32 $0x80000030, v0;
	v4 =	vor.u32 $0xFFFFFF80, v7;
	[tilespmem:$0x1FFD0] =	vst v5  }
0x10: {  	s19 =	simm.s32 $0x1;
	s20 =	simm.s32 $0x3C00;
	s8 =	sshrl.u32 s8, $0x2;
	v31 =	vor.u32 $0x10, v0;
	v7 =	vunpack.c.0.s8.s32 v35;
	v1 =	vmov s4;
	[tilespmem:$0x1FFC0] =	vst v4  }
0x11: {  	s22 =	simm.s32 $0x14200;
	v32 =	vor.u32 $0x20, v0;
	[dreg:$0x4] =	wrdreg s26;
	v33 =	vor.u32 $0x30, v0;
	s29 =	smul.u32 $0x1B000, s8;
	v9 =	vor.u32 $0x2, v3;
	[tilespmem:$0x1FF60] =	vst v1  }
0x12: {  	s8 =	sshll.u32 s8, $0xC;
	s6 =	ssub.s32 $0x2, s6;
	v10 =	vor.u32 $0x3, v3;
	s9 =	sshll.u32 s5, $0x7;
	v2 =	vadd.s32 $0x3600, v1;
	v1 =	vadd.s32 $0x6C00, v1;
	[tilespmem:$0x1FFE0] =	vst v7  }
0x13: {  	v11 =	vor.u32 $0x4, v3;
	v12 =	vor.u32 $0x5, v3;
	s5 =	smul.u32 $0x3600, s5;
	s10 =	sshrl.u32 s6, $0x1;
	s28 =	sand.u32 $0x380, s9;
	[tilespmem:$0x1FF70] =	vst v1;
	v1 =	vmul.u32 $0x8, v0  }
0x14: {  	v13 =	vor.u32 $0x6, v3;
	v14 =	vor.u32 $0x7, v3;
	v15 =	vor.u32 $0x8, v3;
	s6 =	ssub.s32 s6, s10;
	s8 =	sor.u32 s8, s28;
	s1 =	sor.u32 s29, s28;
	[tilespmem:$0x1FF50] =	vst v2  }
0x15: {  	v16 =	vor.u32 $0x9, v3;
	v17 =	vor.u32 $0xA, v3;
	s31 =	smax.u32 s6, $0x1;
	s4 =	simm.s32 $0x80;
	s8 =	sshrl.u32 s8, $0x3;
	v6 =	vor.u32 $0x80, v1;
	[tilespmem:$0x1FFA0] =	vst v1  }
0x16: {  	v18 =	vor.u32 $0xB, v3;
	v19 =	vor.u32 $0xC, v3;
	s1 =	sshrl.u32 s1, $0x3;
	[dreg:$0x7] =	wrdreg s31;
	s0 =	sadd.s32 s0, s8;
	[tilespmem:$0x1FF80] =	vst v6;
	v6 =	vor.u32 $0x100, v1  }
0x17: {  	v20 =	vor.u32 $0xD, v3;
	v21 =	vor.u32 $0xE, v3;
	s6 =	simm.s32 $0x2;
	s30 =	sadd.s32 s7, s1;
	[dreg:$0x5] =	wrdreg s0;
	v1 =	vor.u32 $0x180, v1;
	[tilespmem:$0x1FF90] =	vst v6  }
0x18: {  	v22 =	vor.u32 $0xF, v3;
	v2 =	vimm.s32 $0x0;
	s1 =	simm.s32 $0x400;
	s7 =	simm.s32 $0x0;
	[dreg:$0x6] =	wrdreg s30;
	[tilespmem:$0x1FFB0] =	vst v1;
	v6 =	vimm.f32 $1.000000000e+00  }
.LBB2_2:
0x19: {  	s24 =	simm.s32 $0x0;
	s0 =	rddreg [dreg:$0x6]  }
0x1a: {  	[tilespmem:s24], [sflag:$0x2] =	stream.strided.gather [hbm4b:s0+s4], $0x3600, s1, s4, $0x38;
	[tilespmem:$0x14680] =	vst v63  }
0x1b: {  	_ =	swait.ge [sflag:s6], $0x3600  }
0x1c: {  	[sflag:s6] =	ssyncset.done $0x0  }
0x1d: {  	[sflag:s6] =	ssyncadd.s32 $0xFFFFCA00  }
0x1e: {  	v1 =	vimm.f32 $-Inf;
	[tilespmem:$0x3A80] =	vst v2  }
0x1f: {  	[tilespmem:$0x3B00] =	vst v1  }
0x20: {  	[tilespmem:$0x3A00] =	vst v1  }
0x21: {  	[tilespmem:$0x3A90] =	vst v2  }
0x22: {  	[tilespmem:$0x3B10] =	vst v1  }
0x23: {  	[tilespmem:$0x3A10] =	vst v1  }
0x24: {  	[tilespmem:$0x3AA0] =	vst v2  }
0x25: {  	[tilespmem:$0x3B20] =	vst v1  }
0x26: {  	[tilespmem:$0x3A20] =	vst v1  }
0x27: {  	[tilespmem:$0x3AB0] =	vst v2  }
0x28: {  	[tilespmem:$0x3B30] =	vst v1  }
0x29: {  	[tilespmem:$0x3A30] =	vst v1  }
0x2a: {  	[tilespmem:$0x3960] =	vst v1  }
0x2b: {  	[tilespmem:$0x3970] =	vst v1  }
0x2c: {  	[tilespmem:$0x3980] =	vst v1  }
0x2d: {  	[tilespmem:$0x3990] =	vst v1  }
0x2e: {  	[tilespmem:$0x39A0] =	vst v1  }
0x2f: {  	v38 =	vor.u32 s24, v3;
	v39 =	vor.u32 s24, v5;
	[tilespmem:$0x39B0] =	vst v1  }
0x30: {  	v38 =	vand.u32 v4, v38;
	[tilespmem:$0x39C0] =	vst v1  }
0x31: {  	v40 =	vor.u32 s24, v9;
	[tilespmem:$0x39D0] =	vst v1  }
0x32: {  	v41 =	vor.u32 s24, v10;
	[tilespmem:$0x39E0] =	vst v1  }
0x33: {  	v42 =	vor.u32 s24, v11;
	[tilespmem:$0x39F0] =	vst v1  }
0x34: {  	v43 =	vor.u32 s24, v12;
	v39 =	vld.idx.msk [tilespmem:v39+s24+$0x0], $0xffff  }
0x35: {  	v44 =	vor.u32 s24, v13;
	v38 =	vld.idx.msk [tilespmem:v38+s24+$0x0], $0xffff  }
0x36: {  	v45 =	vor.u32 s24, v14;
	v40 =	vld.idx.msk [tilespmem:v40+s24+$0x0], $0xffff  }
0x37: {  	v46 =	vor.u32 s24, v15;
	v41 =	vld.idx.msk [tilespmem:v41+s24+$0x0], $0xffff  }
0x38: {  	v47 =	vor.u32 s24, v16;
	v42 =	vld.idx.msk [tilespmem:v42+s24+$0x0], $0xffff  }
0x39: {  	v48 =	vor.u32 s24, v17;
	v43 =	vld.idx.msk [tilespmem:v43+s24+$0x0], $0xffff  }
0x3a: {  	v49 =	vor.u32 s24, v18;
	v44 =	vld.idx.msk [tilespmem:v44+s24+$0x0], $0xffff;
	v38 =	vmax.f32 v38, v39  }
0x3b: {  	v59 =	vor.u32 s24, v19;
	v58 =	vld.idx.msk [tilespmem:v45+s24+$0x0], $0xffff;
	v38 =	vmax.f32 v38, v40  }
0x3c: {  	v61 =	vor.u32 s24, v20;
	v60 =	vld.idx.msk [tilespmem:v46+s24+$0x0], $0xffff;
	v38 =	vmax.f32 v38, v41  }
0x3d: {  	v63 =	vor.u32 s24, v21;
	v62 =	vld.idx.msk [tilespmem:v47+s24+$0x0], $0xffff;
	v38 =	vmax.f32 v38, v42  }
0x3e: {  	v35 =	vor.u32 s24, v22;
	v34 =	vld.idx.msk [tilespmem:v48+s24+$0x0], $0xffff;
	v38 =	vmax.f32 v38, v43  }
0x3f: {  	v51 =	vld.idx.msk [tilespmem:v49+s24+$0x0], $0xffff;
	v38 =	vmax.f32 v38, v44  }
0x40: {  	v52 =	vld.idx.msk [tilespmem:v59+s24+$0x0], $0xffff;
	v38 =	vmax.f32 v38, v58  }
0x41: {  	v53 =	vld.idx.msk [tilespmem:v61+s24+$0x0], $0xffff;
	v38 =	vmax.f32 v38, v60  }
0x42: {  	v54 =	vld.idx.msk [tilespmem:v63+s24+$0x0], $0xffff;
	v38 =	vmax.f32 v38, v62  }
0x43: {  	v55 =	vld.idx.msk [tilespmem:v35+s24+$0x0], $0xffff;
	v38 =	vmax.f32 v38, v34  }
0x44: {  	s31 =	simm.s32 $0x100;
	v38 =	vmax.f32 v38, v51  }
0x45: {  	v56 =	vor.u32 s31, v3;
	v57 =	vor.u32 s31, v5;
	v38 =	vmax.f32 v38, v52  }
0x46: {  	v42 =	vand.u32 v4, v56;
	v38 =	vmax.f32 v38, v53  }
0x47: {  	v58 =	vor.u32 s31, v9;
	v38 =	vmax.f32 v38, v54  }
0x48: {  	v59 =	vor.u32 s31, v10;
	v38 =	vmax.f32 v38, v55  }
0x49: {  	v60 =	vor.u32 s31, v11;
	[tilespmem:s12+$0x0] =	vst v38  }
0x4a: {  	v61 =	vor.u32 s31, v12;
	v38 =	vld.idx.msk [tilespmem:v57+s24+$0x0], $0xffff  }
0x4b: {  	v62 =	vor.u32 s31, v13;
	v42 =	vld.idx.msk [tilespmem:v42+s24+$0x0], $0xffff  }
0x4c: {  	v63 =	vor.u32 s31, v14;
	v39 =	vld.idx.msk [tilespmem:v58+s24+$0x0], $0xffff  }
0x4d: {  	v34 =	vor.u32 s31, v15;
	v40 =	vld.idx.msk [tilespmem:v59+s24+$0x0], $0xffff  }
0x4e: {  	v35 =	vor.u32 s31, v16;
	v41 =	vld.idx.msk [tilespmem:v60+s24+$0x0], $0xffff  }
0x4f: {  	v43 =	vld.idx.msk [tilespmem:v61+s24+$0x0], $0xffff  }
0x50: {  	v52 =	vor.u32 s31, v17;
	v44 =	vld.idx.msk [tilespmem:v62+s24+$0x0], $0xffff;
	v38 =	vmax.f32 v42, v38  }
0x51: {  	v53 =	vor.u32 s31, v18;
	v54 =	vld.idx.msk [tilespmem:v63+s24+$0x0], $0xffff;
	v38 =	vmax.f32 v38, v39  }
0x52: {  	v55 =	vor.u32 s31, v19;
	v56 =	vld.idx.msk [tilespmem:v34+s24+$0x0], $0xffff;
	v38 =	vmax.f32 v38, v40  }
0x53: {  	v57 =	vld.idx.msk [tilespmem:v35+s24+$0x0], $0xffff;
	v58 =	vor.u32 s31, v20;
	v38 =	vmax.f32 v38, v41  }
0x54: {  	v60 =	vor.u32 s31, v21;
	v38 =	vmax.f32 v38, v43  }
0x55: {  	v59 =	vld.idx.msk [tilespmem:v52+s24+$0x0], $0xffff;
	v62 =	vor.u32 s31, v22;
	v38 =	vmax.f32 v38, v44  }
0x56: {  	v61 =	vld.idx.msk [tilespmem:v53+s24+$0x0], $0xffff;
	v38 =	vmax.f32 v38, v54  }
0x57: {  	v45 =	vld.idx.msk [tilespmem:v55+s24+$0x0], $0xffff;
	v38 =	vmax.f32 v38, v56  }
0x58: {  	v39 =	vmax.f32 v38, v57;
	v38 =	vld.idx.msk [tilespmem:v58+s24+$0x0], $0xffff  }
0x59: {  	v40 =	vld.idx.msk [tilespmem:v60+s24+$0x0], $0xffff  }
0x5a: {  	v41 =	vld.idx.msk [tilespmem:v62+s24+$0x0], $0xffff;
	v39 =	vmax.f32 v39, v59  }
0x5b: {  	s25 =	simm.s32 $0x200;
	v63 =	vmax.f32 v39, v61  }
0x5c: {  	s1 =	simm.s32 $0x300;
	s0 =	simm.s32 $0x3600;
	v42 =	vor.u32 s25, v3;
	v39 =	vor.u32 s25, v5;
	v43 =	vmax.f32 v63, v45  }
.LBB2_3:
0x5d: {  	p0 =	sne.s32 s1, $0x3500;
	v42 =	vand.u32 v4, v42;
	v38 =	vmax.f32 v43, v38  }
0x5e: {  	v43 =	vor.u32 s25, v9;
	v38 =	vmax.f32 v38, v40  }
0x5f: {  	s0 =	sadd.s32 $0x10, s0;
	v40 =	vor.u32 s25, v10;
	v38 =	vmax.f32 v38, v41  }
0x60: {  	v41 =	vor.u32 s25, v11;
	[tilespmem:s0+$0x0] =	vst v38  }
0x61: {  	v38 =	vld.idx.msk [tilespmem:v39+s24+$0x0], $0xffff;
	v39 =	vor.u32 s25, v12  }
0x62: {  	v44 =	vor.u32 s25, v13;
	v42 =	vld.idx.msk [tilespmem:v42+s24+$0x0], $0xffff  }
0x63: {  	v45 =	vor.u32 s25, v14;
	v43 =	vld.idx.msk [tilespmem:v43+s24+$0x0], $0xffff  }
0x64: {  	v46 =	vor.u32 s25, v15;
	v40 =	vld.idx.msk [tilespmem:v40+s24+$0x0], $0xffff  }
0x65: {  	v47 =	vor.u32 s25, v16;
	v41 =	vld.idx.msk [tilespmem:v41+s24+$0x0], $0xffff  }
0x66: {  	v48 =	vor.u32 s25, v17;
	v39 =	vld.idx.msk [tilespmem:v39+s24+$0x0], $0xffff  }
0x67: {  	v49 =	vor.u32 s25, v18;
	v44 =	vld.idx.msk [tilespmem:v44+s24+$0x0], $0xffff  }
0x68: {  	v38 =	vmax.f32 v42, v38;
	v42 =	vld.idx.msk [tilespmem:v45+s24+$0x0], $0xffff;
	v45 =	vor.u32 s25, v19  }
0x69: {  	v38 =	vmax.f32 v38, v43;
	v43 =	vld.idx.msk [tilespmem:v46+s24+$0x0], $0xffff;
	v46 =	vor.u32 s25, v20  }
0x6a: {  	v38 =	vmax.f32 v38, v40;
	v40 =	vor.u32 s25, v21;
	v47 =	vld.idx.msk [tilespmem:v47+s24+$0x0], $0xffff  }
0x6b: {  	v38 =	vmax.f32 v38, v41;
	v41 =	vor.u32 s25, v22;
	s25 =	smov.u32 s1;
	v48 =	vld.idx.msk [tilespmem:v48+s24+$0x0], $0xffff  }
0x6c: {  	v38 =	vmax.f32 v38, v39;
	v39 =	vld.idx.msk [tilespmem:v49+s24+$0x0], $0xffff  }
0x6d: {  	v38 =	vmax.f32 v38, v44;
	v44 =	vld.idx.msk [tilespmem:v45+s24+$0x0], $0xffff  }
0x6e: {  	v42 =	vmax.f32 v38, v42;
	v38 =	vld.idx.msk [tilespmem:v46+s24+$0x0], $0xffff  }
.Ltmp1:
0x6f: {  	v42 =	vmax.f32 v42, v43;
	v40 =	vld.idx.msk [tilespmem:v40+s24+$0x0], $0xffff;
	(pc) =	sbr.rel @p0 .LBB2_3-.Ltmp1, $4  }
0x70: {  	v42 =	vmax.f32 v42, v47;
	v41 =	vld.idx.msk [tilespmem:v41+s24+$0x0], $0xffff  }
0x71: {  	v42 =	vmax.f32 v42, v48  }
0x72: {  	v43 =	vmax.f32 v42, v39  }
0x73: {  	s1 =	sadd.s32 $0x100, s1;
	v42 =	vor.u32 s25, v3;
	v39 =	vor.u32 s25, v5;
	v43 =	vmax.f32 v43, v44  }
0x74: {  	v42 =	vand.u32 v4, v42;
	v38 =	vmax.f32 v43, v38  }
0x75: {  	v54 =	vor.u32 s25, v9;
	v38 =	vmax.f32 v38, v40  }
0x76: {  	v55 =	vor.u32 s25, v10;
	s0 =	sadd.s32 $0x10, s0;
	v38 =	vmax.f32 v38, v41  }
0x77: {  	v56 =	vor.u32 s25, v11;
	[tilespmem:s0+$0x0] =	vst v38  }
0x78: {  	v57 =	vor.u32 s25, v12;
	v38 =	vld.idx.msk [tilespmem:v39+s24+$0x0], $0xffff  }
0x79: {  	v44 =	vor.u32 s25, v13;
	v42 =	vld.idx.msk [tilespmem:v42+s24+$0x0], $0xffff  }
0x7a: {  	v45 =	vor.u32 s25, v14;
	v43 =	vld.idx.msk [tilespmem:v54+s24+$0x0], $0xffff  }
0x7b: {  	v46 =	vor.u32 s25, v15;
	v40 =	vld.idx.msk [tilespmem:v55+s24+$0x0], $0xffff  }
0x7c: {  	v47 =	vor.u32 s25, v16;
	v41 =	vld.idx.msk [tilespmem:v56+s24+$0x0], $0xffff  }
0x7d: {  	v48 =	vor.u32 s25, v17;
	v39 =	vld.idx.msk [tilespmem:v57+s24+$0x0], $0xffff  }
0x7e: {  	v49 =	vor.u32 s25, v18;
	v44 =	vld.idx.msk [tilespmem:v44+s24+$0x0], $0xffff;
	v38 =	vmax.f32 v42, v38  }
0x7f: {  	v59 =	vor.u32 s25, v19;
	v58 =	vld.idx.msk [tilespmem:v45+s24+$0x0], $0xffff;
	v38 =	vmax.f32 v38, v43  }
0x80: {  	v61 =	vor.u32 s25, v20;
	v60 =	vld.idx.msk [tilespmem:v46+s24+$0x0], $0xffff;
	v38 =	vmax.f32 v38, v40  }
0x81: {  	v63 =	vor.u32 s25, v21;
	v62 =	vld.idx.msk [tilespmem:v47+s24+$0x0], $0xffff;
	v38 =	vmax.f32 v38, v41  }
0x82: {  	v35 =	vor.u32 s25, v22;
	v34 =	vld.idx.msk [tilespmem:v48+s24+$0x0], $0xffff;
	v38 =	vmax.f32 v38, v39  }
0x83: {  	v50 =	vld.idx.msk [tilespmem:v49+s24+$0x0], $0xffff;
	v38 =	vmax.f32 v38, v44  }
0x84: {  	v51 =	vld.idx.msk [tilespmem:v59+s24+$0x0], $0xffff;
	v38 =	vmax.f32 v38, v58  }
0x85: {  	v52 =	vld.idx.msk [tilespmem:v61+s24+$0x0], $0xffff;
	v38 =	vmax.f32 v38, v60  }
0x86: {  	v53 =	vld.idx.msk [tilespmem:v63+s24+$0x0], $0xffff;
	v38 =	vmax.f32 v38, v62  }
0x87: {  	v54 =	vld.idx.msk [tilespmem:v35+s24+$0x0], $0xffff;
	v55 =	vmov s24;
	v38 =	vmax.f32 v38, v34  }
0x88: {  	v56 =	vshll.u32 v55, $0x4;
	v38 =	vmax.f32 v38, v50  }
0x89: {  	v39 =	vor.u32 v3, v56;
	v38 =	vmax.f32 v38, v51  }
0x8a: {  	v57 =	vor.u32 $0x1, v39;
	v38 =	vmax.f32 v38, v52  }
0x8b: {  	v58 =	vor.u32 $0x2, v39;
	v38 =	vmax.f32 v38, v53  }
0x8c: {  	s0 =	sadd.s32 $0x10, s0;
	v59 =	vor.u32 $0x3, v39;
	v38 =	vmax.f32 v38, v54  }
0x8d: {  	v60 =	vor.u32 $0x4, v39;
	[tilespmem:s0+$0x0] =	vst v38  }
0x8e: {  	v61 =	vor.u32 $0x5, v39;
	v62 =	vld.idx.msk [tilespmem:v39+s12+$0x0], $0xffff  }
0x8f: {  	v63 =	vor.u32 $0x6, v39;
	v41 =	vld.idx.msk [tilespmem:v57+s12+$0x0], $0xffff  }
0x90: {  	v34 =	vor.u32 $0x7, v39;
	v42 =	vld.idx.msk [tilespmem:v58+s12+$0x0], $0xffff  }
0x91: {  	v35 =	vor.u32 $0x8, v39;
	v40 =	vld.idx.msk [tilespmem:v59+s12+$0x0], $0xffff  }
0x92: {  	v52 =	vor.u32 $0x9, v39;
	v38 =	vld.idx.msk [tilespmem:v60+s12+$0x0], $0xffff  }
0x93: {  	v53 =	vor.u32 $0xA, v39;
	v43 =	vld.idx.msk [tilespmem:v61+s12+$0x0], $0xffff  }
0x94: {  	v50 =	vor.u32 $0xB, v39;
	v45 =	vld.idx.msk [tilespmem:v63+s12+$0x0], $0xffff;
	v41 =	vmax.f32 v62, v41  }
0x95: {  	v54 =	vor.u32 $0xC, v39;
	v46 =	vld.idx.msk [tilespmem:v34+s12+$0x0], $0xffff;
	v41 =	vmax.f32 v41, v42  }
0x96: {  	v55 =	vor.u32 $0xD, v39;
	v47 =	vld.idx.msk [tilespmem:v35+s12+$0x0], $0xffff;
	v40 =	vmax.f32 v41, v40  }
0x97: {  	v56 =	vor.u32 $0xE, v39;
	v48 =	vld.idx.msk [tilespmem:v52+s12+$0x0], $0xffff;
	v38 =	vmax.f32 v40, v38  }
0x98: {  	v39 =	vor.u32 $0xF, v39;
	v57 =	vld.idx.msk [tilespmem:v53+s12+$0x0], $0xffff;
	v38 =	vmax.f32 v38, v43  }
0x99: {  	v58 =	vld.idx.msk [tilespmem:v50+s12+$0x0], $0xffff;
	v38 =	vmax.f32 v38, v45  }
0x9a: {  	v44 =	vld.idx.msk [tilespmem:v54+s12+$0x0], $0xffff;
	v38 =	vmax.f32 v38, v46  }
0x9b: {  	v42 =	vld.idx.msk [tilespmem:v55+s12+$0x0], $0xffff;
	v38 =	vmax.f32 v38, v47  }
0x9c: {  	s31 =	simm.s32 $0x10;
	v41 =	vld.idx.msk [tilespmem:v56+s12+$0x0], $0xffff;
	v38 =	vmax.f32 v38, v48  }
0x9d: {  	v60 =	vmov s31;
	v59 =	vld.idx.msk [tilespmem:v39+s12+$0x0], $0xffff;
	v38 =	vmax.f32 v38, v57  }
0x9e: {  	v39 =	vshll.u32 v60, $0x4;
	v40 =	vmax.f32 v38, v58  }
0x9f: {  	v38 =	vor.u32 v3, v39;
	v61 =	vmax.f32 v40, v44  }
0xa0: {  	v44 =	vor.u32 $0x1, v38;
	v40 =	vor.u32 $0x2, v38;
	v62 =	vmax.f32 v61, v42  }
0xa1: {  	v39 =	vor.u32 $0x4, v38;
	v43 =	vor.u32 $0x5, v38;
	v63 =	vmax.f32 v62, v41  }
0xa2: {  	s24 =	simm.s32 $0x3A00;
	s0 =	simm.s32 $0x20;
	v42 =	vor.u32 $0x3, v38;
	v41 =	vor.u32 $0x6, v38;
	v45 =	vmax.f32 v63, v59  }
.LBB2_5:
0xa3: {  	p0 =	sne.s32 s0, $0x30  }
0xa4: {  	v46 =	vor.u32 $0x7, v38;
	v47 =	vor.u32 $0x8, v38;
	v48 =	vor.u32 $0x9, v38;
	[tilespmem:s24+$0x0] =	vst v45;
	s24 =	sadd.s32 $0x10, s24;
	s1 =	smov.u32 s0;
	s0 =	sadd.s32 $0x10, s0  }
0xa5: {  	v49 =	vor.u32 $0xA, v38;
	v50 =	vor.u32 $0xB, v38;
	v51 =	vor.u32 $0xC, v38;
	v45 =	vld.idx.msk [tilespmem:v38+s12+$0x0], $0xffff  }
0xa6: {  	v52 =	vor.u32 $0xD, v38;
	v53 =	vor.u32 $0xE, v38;
	v38 =	vor.u32 $0xF, v38;
	v44 =	vld.idx.msk [tilespmem:v44+s12+$0x0], $0xffff  }
0xa7: {  	v40 =	vld.idx.msk [tilespmem:v40+s12+$0x0], $0xffff  }
0xa8: {  	v42 =	vld.idx.msk [tilespmem:v42+s12+$0x0], $0xffff  }
0xa9: {  	v39 =	vld.idx.msk [tilespmem:v39+s12+$0x0], $0xffff  }
0xaa: {  	v43 =	vld.idx.msk [tilespmem:v43+s12+$0x0], $0xffff  }
0xab: {  	v41 =	vld.idx.msk [tilespmem:v41+s12+$0x0], $0xffff  }
0xac: {  	v44 =	vmax.f32 v45, v44;
	v45 =	vld.idx.msk [tilespmem:v46+s12+$0x0], $0xffff  }
0xad: {  	v40 =	vmax.f32 v44, v40;
	v44 =	vld.idx.msk [tilespmem:v47+s12+$0x0], $0xffff  }
0xae: {  	v40 =	vmax.f32 v40, v42;
	v42 =	vld.idx.msk [tilespmem:v48+s12+$0x0], $0xffff  }
0xaf: {  	v39 =	vmax.f32 v40, v39;
	v40 =	vld.idx.msk [tilespmem:v49+s12+$0x0], $0xffff  }
0xb0: {  	v39 =	vmax.f32 v39, v43;
	v43 =	vld.idx.msk [tilespmem:v50+s12+$0x0], $0xffff  }
0xb1: {  	v39 =	vmax.f32 v39, v41;
	v41 =	vld.idx.msk [tilespmem:v51+s12+$0x0], $0xffff  }
0xb2: {  	v39 =	vmax.f32 v39, v45;
	v45 =	vld.idx.msk [tilespmem:v52+s12+$0x0], $0xffff  }
0xb3: {  	v39 =	vmax.f32 v39, v44;
	v46 =	vld.idx.msk [tilespmem:v53+s12+$0x0], $0xffff  }
0xb4: {  	v39 =	vmax.f32 v39, v42;
	v47 =	vld.idx.msk [tilespmem:v38+s12+$0x0], $0xffff  }
0xb5: {  	v38 =	vmov s1;
	v39 =	vmax.f32 v39, v40  }
.Ltmp2:
0xb6: {  	v38 =	vshll.u32 v38, $0x4;
	v39 =	vmax.f32 v39, v43;
	(pc) =	sbr.rel @p0 .LBB2_5-.Ltmp2, $4  }
0xb7: {  	v38 =	vor.u32 v3, v38;
	v39 =	vmax.f32 v39, v41  }
0xb8: {  	v44 =	vor.u32 $0x1, v38;
	v40 =	vor.u32 $0x2, v38;
	v41 =	vmax.f32 v39, v45  }
0xb9: {  	v42 =	vor.u32 $0x3, v38;
	v39 =	vor.u32 $0x4, v38;
	v45 =	vmax.f32 v41, v46  }
0xba: {  	v43 =	vor.u32 $0x5, v38;
	v41 =	vor.u32 $0x6, v38;
	v45 =	vmax.f32 v45, v47  }
0xbb: {  	_ =	sdelay $0x2  }
0xbc: {  	[tilespmem:s24+$0x0] =	vst v45  }
0xbd: {  	v45 =	vld.idx.msk [tilespmem:v38+s12+$0x0], $0xffff  }
0xbe: {  	v44 =	vld.idx.msk [tilespmem:v44+s12+$0x0], $0xffff  }
0xbf: {  	v46 =	vor.u32 $0x7, v38;
	v40 =	vld.idx.msk [tilespmem:v40+s12+$0x0], $0xffff  }
0xc0: {  	v47 =	vor.u32 $0x8, v38;
	v42 =	vld.idx.msk [tilespmem:v42+s12+$0x0], $0xffff  }
0xc1: {  	v48 =	vor.u32 $0x9, v38;
	v39 =	vld.idx.msk [tilespmem:v39+s12+$0x0], $0xffff  }
0xc2: {  	v49 =	vor.u32 $0xA, v38;
	v43 =	vld.idx.msk [tilespmem:v43+s12+$0x0], $0xffff  }
0xc3: {  	v50 =	vor.u32 $0xB, v38;
	v41 =	vld.idx.msk [tilespmem:v41+s12+$0x0], $0xffff;
	v44 =	vmax.f32 v45, v44  }
0xc4: {  	v57 =	vor.u32 $0xC, v38;
	v46 =	vld.idx.msk [tilespmem:v46+s12+$0x0], $0xffff;
	v40 =	vmax.f32 v44, v40  }
0xc5: {  	v58 =	vor.u32 $0xD, v38;
	v47 =	vld.idx.msk [tilespmem:v47+s12+$0x0], $0xffff;
	v40 =	vmax.f32 v40, v42  }
0xc6: {  	v59 =	vor.u32 $0xE, v38;
	v48 =	vld.idx.msk [tilespmem:v48+s12+$0x0], $0xffff;
	v39 =	vmax.f32 v40, v39  }
0xc7: {  	v60 =	vor.u32 $0xF, v38;
	v61 =	vld.idx.msk [tilespmem:v49+s12+$0x0], $0xffff;
	v39 =	vmax.f32 v39, v43  }
0xc8: {  	v62 =	vld.idx.msk [tilespmem:v50+s12+$0x0], $0xffff;
	v39 =	vmax.f32 v39, v41  }
0xc9: {  	v63 =	vld.idx.msk [tilespmem:v57+s12+$0x0], $0xffff;
	v39 =	vmax.f32 v39, v46  }
0xca: {  	v44 =	vld.idx.msk [tilespmem:v58+s12+$0x0], $0xffff;
	v39 =	vmax.f32 v39, v47  }
0xcb: {  	v42 =	vld.idx.msk [tilespmem:v59+s12+$0x0], $0xffff;
	v39 =	vmax.f32 v39, v48  }
0xcc: {  	v38 =	vld.idx.msk [tilespmem:v60+s12+$0x0], $0xffff;
	v39 =	vmax.f32 v39, v61  }
0xcd: {  	v39 =	vmax.f32 v39, v62  }
0xce: {  	v39 =	vmax.f32 v39, v63  }
0xcf: {  	v39 =	vmax.f32 v39, v44  }
0xd0: {  	v39 =	vmax.f32 v39, v42  }
0xd1: {  	s0 =	sadd.s32 $0x10, s24;
	v38 =	vmax.f32 v39, v38  }
0xd2: {  	[tilespmem:s0+$0x0] =	vst v38  }
0xd3: {  	v38 =	vld [tilespmem:$0x3A00]  }
0xd4: {  	v34 =	vld [tilespmem:$0x3A20]  }
0xd5: {  	v35 =	vld [tilespmem:$0x3A30]  }
0xd6: {  	v45 =	vld [tilespmem:$0x3A10];
	_ =	sdelay $0x4  }
0xd7: {  	v46 =	vmax.f32 v38, v45;
	v47 =	vmax.f32 v34, v35  }
0xd8: {  	v42 =	vmax.f32 v46, v47  }
0xd9: {  	(xrf0) =	vmax.scan.msk.f32 $0xffff, v42;
	_ =	sdelay $0x5  }
0xda: {  	v42, _, _ =	vpop (xrf0)  }
0xdb: {  	v42 =	vbroadcast v42, $0xF;
	_ =	sdelay $0x1  }
0xdc: {  	vm4 =	vge.f32 v34, v42  }
0xdd: {  	vm5 =	vge.f32 v45, v42;
	v39 =	vnsel vm4, $0x80000040, v26  }
0xde: {  	v41 =	vnsel vm5, $0x80000040, v25;
	vm4 =	vge.f32 v35, v42;
	(xrf0) =	vmin.scan.msk.u32 $0xffff, v39  }
0xdf: {  	vm5 =	vge.f32 v38, v42;
	v48 =	vnsel vm4, $0x80000040, v27;
	(xrf0) =	vmin.scan.msk.u32 $0xffff, v41  }
0xe0: {  	v49 =	vnsel vm5, $0x80000040, v23;
	(xrf0) =	vmin.scan.msk.u32 $0xffff, v48  }
0xe1: {  	(xrf0) =	vmin.scan.msk.u32 $0xffff, v49;
	_ =	sdelay $0x2  }
0xe2: {  	v50, _, _ =	vpop (xrf0)  }
0xe3: {  	v51, _, _ =	vpop (xrf0);
	(v2sf) =	vpush v50, $0xF  }
0xe4: {  	(v2sf) =	vpush v51, $0xF;
	v52, _, _ =	vpop (xrf0)  }
0xe5: {  	v53, _, _ =	vpop (xrf0);
	(v2sf) =	vpush v52, $0xF  }
0xe6: {  	(v2sf) =	vpush v53, $0xF;
	_ =	sdelay $0xb  }
0xe7: {  	s25 =	spop (v2sf)  }
0xe8: {  	s1 =	spop (v2sf)  }
0xe9: {  	s6 =	spop (v2sf)  }
0xea: {  	s0 =	sxor.u32 $0x80000000, s25;
	s10 =	spop (v2sf)  }
0xeb: {  	s1 =	sxor.u32 $0x80000000, s1;
	s6 =	sxor.u32 $0x80000000, s6;
	s10 =	sxor.u32 $0x80000000, s10  }
0xec: {  	p0 =	slt.s32 s0, s6;
	p1 =	slt.s32 s10, s1  }
0xed: {  	s6 =	smov.u32 @p0 s0;
	s1 =	smov.u32 @p1 s10  }
0xee: {  	p0 =	slt.s32 s1, s6  }
0xef: {  	s6 =	smov.u32 @p0 s1  }
0xf0: {  	s26 =	sshll.u32 s6, $0x4  }
0xf1: {  	v54 =	vld [tilespmem:s26+$0x3600];
	_ =	sdelay $0x4  }
0xf2: {  	vm4 =	vge.f32 v54, v42  }
0xf3: {  	v55 =	vnsel vm4, $0x80000010, v23  }
0xf4: {  	(xrf0) =	vmin.scan.msk.u32 $0xffff, v55;
	_ =	sdelay $0x5  }
0xf5: {  	v39, _, _ =	vpop (xrf0)  }
0xf6: {  	(v2sf) =	vpush v39, $0xF;
	_ =	sdelay $0xe  }
0xf7: {  	s28 =	spop (v2sf)  }
0xf8: {  	s29 =	sadd.s32 s28, s26  }
0xf9: {  	s10 =	sshll.u32 s29, $0x4  }
0xfa: {  	v56 =	vld [tilespmem:s10+$0x0];
	_ =	sdelay $0x4  }
0xfb: {  	vm4 =	vge.f32 v56, v42  }
0xfc: {  	v57 =	vnsel vm4, $0x80000010, v23  }
0xfd: {  	(xrf0) =	vmin.scan.msk.u32 $0xffff, v57;
	_ =	sdelay $0x5  }
0xfe: {  	v40, _, _ =	vpop (xrf0)  }
0xff: {  	(v2sf) =	vpush v40, $0xF;
	_ =	sdelay $0xe  }
0x100: {  	s15 =	spop (v2sf)  }
0x101: {  	s15 =	sxor.u32 $0x80000000, s15  }
0x102: {  	v58 =	vmov s15  }
0x103: {  	vm4 =	veq.s32 v58, v0  }
0x104: {  	v39 =	vsel vm4, $0xFF800000, v56  }
0x105: {  	(xrf0) =	vmax.scan.msk.f32 $0xffff, v39;
	_ =	sdelay $0x4  }
0x106: {  	s24 =	simm.s32 $0x0  }
0x107: {  	v61 =	vmov s24;
	s1 =	sxor.u32 $0x80000000, s28;
	v59, _, _ =	vpop (xrf0)  }
0x108: {  	v60 =	vmov s1;
	v40 =	vbroadcast v59, $0xF  }
0x109: {  	vm4 =	veq.s32 v60, v0  }
0x10a: {  	s30 =	sadd.s32 s15, s10;
	v38 =	vsel vm4, v40, v54  }
0x10b: {  	v62 =	vmov s30;
	(xrf0) =	vmax.scan.msk.f32 $0xffff, v38  }
0x10c: {  	[tilespmem:v61+s13+$0x0] =	vst.idx.msk $0x1, v62  }
0x10d: {  	[tilespmem:v61+s14+$0x0] =	vst.idx.msk $0x1, v42  }
0x10e: {  	[tilespmem:s10+$0x0] =	vst v39  }
0x10f: {  	s31 =	sand.u32 $0xF, s6;
	s0 =	sand.u32 $0xFFFFFFF0, s6;
	[tilespmem:s26+$0x3600] =	vst v38  }
0x110: {  	v63 =	vmov s31;
	v38 =	vld [tilespmem:s0+$0x3A00]  }
0x111: {  	s25 =	simm.s32 $0x1;
	[smem:s24] =	sst s30;
	vm4 =	veq.s32 v63, v0;
	v39, _, _ =	vpop (xrf0)  }
.LBB2_7:
0x112: {  	p0 =	sne.s32 s25, $0x3B  }
0x113: {  	v39 =	vbroadcast v39, $0xF;
	s24 =	sadd.s32 $0x1, s24;
	s26 =	smov.u32 s25;
	s25 =	sadd.s32 $0x1, s25  }
0x114: {  	_ = 	snop  }
0x115: {  	v38 =	vsel vm4, v39, v38  }
0x116: {  	[tilespmem:s0+$0x3A00] =	vst v38  }
0x117: {  	v39 =	vld [tilespmem:$0x3A00]  }
0x118: {  	v40 =	vld [tilespmem:$0x3A20]  }
0x119: {  	v41 =	vld [tilespmem:$0x3A30]  }
0x11a: {  	v42 =	vld [tilespmem:$0x3A10];
	_ =	sdelay $0x4  }
0x11b: {  	v43 =	vmax.f32 v40, v41;
	v38 =	vmax.f32 v39, v42  }
0x11c: {  	v38 =	vmax.f32 v38, v43  }
0x11d: {  	(xrf0) =	vmax.scan.msk.f32 $0xffff, v38;
	_ =	sdelay $0x5  }
0x11e: {  	v38, _, _ =	vpop (xrf0)  }
0x11f: {  	v38 =	vbroadcast v38, $0xF;
	_ =	sdelay $0x1  }
0x120: {  	vm4 =	vge.f32 v39, v38;
	vm5 =	vge.f32 v42, v38;
	vm6 =	vge.f32 v40, v38  }
0x121: {  	v39 =	vnsel vm4, $0x80000040, v23;
	v40 =	vnsel vm5, $0x80000040, v25;
	v42 =	vnsel vm6, $0x80000040, v26  }
0x122: {  	vm4 =	vge.f32 v41, v38;
	(xrf0) =	vmin.scan.msk.u32 $0xffff, v42  }
0x123: {  	v41 =	vnsel vm4, $0x80000040, v27;
	(xrf0) =	vmin.scan.msk.u32 $0xffff, v40  }
0x124: {  	(xrf0) =	vmin.scan.msk.u32 $0xffff, v41  }
0x125: {  	(xrf0) =	vmin.scan.msk.u32 $0xffff, v39;
	_ =	sdelay $0x2  }
0x126: {  	v39, _, _ =	vpop (xrf0)  }
0x127: {  	v40, _, _ =	vpop (xrf0);
	(v2sf) =	vpush v39, $0xF  }
0x128: {  	(v2sf) =	vpush v40, $0xF;
	v39, _, _ =	vpop (xrf0)  }
0x129: {  	v40, _, _ =	vpop (xrf0);
	(v2sf) =	vpush v39, $0xF  }
0x12a: {  	(v2sf) =	vpush v40, $0xF;
	_ =	sdelay $0xb  }
0x12b: {  	s0 =	spop (v2sf)  }
0x12c: {  	s1 =	spop (v2sf)  }
0x12d: {  	s0 =	sxor.u32 $0x80000000, s0;
	s6 =	spop (v2sf)  }
0x12e: {  	s1 =	sxor.u32 $0x80000000, s1;
	s28 =	sxor.u32 $0x80000000, s6;
	s6 =	spop (v2sf)  }
0x12f: {  	s6 =	sxor.u32 $0x80000000, s6;
	p1 =	slt.s32 s0, s28  }
0x130: {  	p2 =	slt.s32 s6, s1;
	s28 =	smov.u32 @p1 s0  }
0x131: {  	s1 =	smov.u32 @p2 s6  }
0x132: {  	p1 =	slt.s32 s1, s28  }
0x133: {  	s28 =	smov.u32 @p1 s1  }
0x134: {  	s29 =	sshll.u32 s28, $0x4;
	s0 =	sand.u32 $0xF, s28  }
0x135: {  	v39 =	vld [tilespmem:s29+$0x3600];
	v40 =	vmov s0  }
0x136: {  	vm4 =	veq.s32 v40, v0;
	_ =	sdelay $0x3  }
0x137: {  	vm5 =	vge.f32 v39, v38  }
0x138: {  	v40 =	vnsel vm5, $0x80000010, v23  }
0x139: {  	(xrf0) =	vmin.scan.msk.u32 $0xffff, v40;
	_ =	sdelay $0x5  }
0x13a: {  	v40, _, _ =	vpop (xrf0)  }
0x13b: {  	(v2sf) =	vpush v40, $0xF;
	_ =	sdelay $0xe  }
0x13c: {  	s0 =	spop (v2sf)  }
0x13d: {  	s1 =	sxor.u32 $0x80000000, s0;
	s0 =	sadd.s32 s0, s29  }
0x13e: {  	s0 =	sshll.u32 s0, $0x4;
	v40 =	vmov s1  }
0x13f: {  	v41 =	vld [tilespmem:s0+$0x0];
	_ =	sdelay $0x4  }
0x140: {  	vm5 =	vge.f32 v41, v38  }
0x141: {  	v42 =	vnsel vm5, $0x80000010, v23  }
0x142: {  	(xrf0) =	vmin.scan.msk.u32 $0xffff, v42;
	_ =	sdelay $0x5  }
0x143: {  	v42, _, _ =	vpop (xrf0)  }
0x144: {  	(v2sf) =	vpush v42, $0xF;
	_ =	sdelay $0xd  }
0x145: {  	v42 =	vmov s26  }
0x146: {  	s1 =	spop (v2sf)  }
0x147: {  	s1 =	sxor.u32 $0x80000000, s1  }
0x148: {  	s6 =	sadd.s32 s1, s0;
	v43 =	vmov s1  }
0x149: {  	v44 =	vmov s6;
	[smem:s24] =	sst s6;
	vm5 =	veq.s32 v43, v0  }
0x14a: {  	[tilespmem:v42+s13+$0x0] =	vst.idx.msk $0x1, v44;
	v41 =	vsel vm5, $0xFF800000, v41  }
0x14b: {  	[tilespmem:v42+s14+$0x0] =	vst.idx.msk $0x1, v38;
	(xrf0) =	vmax.scan.msk.f32 $0xffff, v41  }
0x14c: {  	[tilespmem:s0+$0x0] =	vst v41;
	_ =	sdelay $0x4  }
0x14d: {  	v38, _, _ =	vpop (xrf0)  }
0x14e: {  	vm5 =	veq.s32 v40, v0;
	v38 =	vbroadcast v38, $0xF;
	_ =	sdelay $0x1  }
0x14f: {  	v38 =	vsel vm5, v38, v39  }
0x150: {  	[tilespmem:s29+$0x3600] =	vst v38;
	(xrf0) =	vmax.scan.msk.f32 $0xffff, v38;
	_ =	sdelay $0x1  }
.Ltmp3:
0x151: {  	s0 =	sand.u32 $0xFFFFFFF0, s28;
	(pc) =	sbr.rel @p0 .LBB2_7-.Ltmp3, $2  }
0x152: {  	v38 =	vld [tilespmem:s0+$0x3A00];
	_ =	sdelay $0x2  }
0x153: {  	v39, _, _ =	vpop (xrf0)  }
0x154: {  	v39 =	vbroadcast v39, $0xF;
	_ =	sdelay $0x1  }
0x155: {  	v38 =	vsel vm4, v39, v38  }
0x156: {  	[tilespmem:s0+$0x3A00] =	vst v38  }
0x157: {  	v38 =	vld [tilespmem:$0x3A80]  }
0x158: {  	v1 =	vld [tilespmem:$0x1FFA0];
	_ =	sdelay $0x3  }
0x159: {  	v58 =	vld [tilespmem:$0x3A90];
	v38 =	vand.u32 $0x7, v38  }
0x15a: {  	v38 =	vor.u32 v1, v38;
	v1 =	vld [tilespmem:$0x1FF80];
	_ =	sdelay $0x3  }
0x15b: {  	v40 =	vld [tilespmem:$0x3AA0];
	v39 =	vand.u32 $0x7, v58  }
0x15c: {  	v59 =	vor.u32 v1, v39;
	v1 =	vld [tilespmem:$0x1FF90];
	_ =	sdelay $0x3  }
0x15d: {  	v41 =	vld [tilespmem:$0x3AB0];
	v60 =	vand.u32 $0x7, v40  }
0x15e: {  	v61 =	vor.u32 v1, v60;
	v1 =	vld [tilespmem:$0x1FFB0];
	_ =	sdelay $0x2  }
0x15f: {  	[tilespmem:$0x3B80] =	vst v38  }
0x160: {  	v62 =	vand.u32 $0x7, v41;
	[tilespmem:$0x3B90] =	vst v59  }
0x161: {  	[tilespmem:$0x3BA0] =	vst v61;
	v63 =	vor.u32 v1, v62  }
0x162: {  	v1 =	vld [tilespmem:$0x1FF60];
	[tilespmem:$0x3BB0] =	vst v63  }
0x163: {  	v38 =	vld.idx.msk [tilespmem:v0+s13+$0x0], $0xffff;
	_ =	sdelay $0x4  }
0x164: {  	v38 =	vadd.s32 v1, v38  }
0x165: {  	[tilespmem:$0x13C00] =	vst v38  }
0x166: {  	v38 =	vld.idx.msk [tilespmem:v31+s13+$0x0], $0xffff;
	_ =	sdelay $0x4  }
0x167: {  	v38 =	vadd.s32 v1, v38  }
0x168: {  	[tilespmem:$0x13C10] =	vst v38  }
0x169: {  	v38 =	vld.idx.msk [tilespmem:v32+s13+$0x0], $0xffff;
	_ =	sdelay $0x4  }
0x16a: {  	v38 =	vadd.s32 v1, v38  }
0x16b: {  	[tilespmem:$0x13C20] =	vst v38  }
0x16c: {  	v38 =	vld.idx.msk [tilespmem:v33+s13+$0x0], $0xffff;
	_ =	sdelay $0x4  }
0x16d: {  	v38 =	vadd.s32 v1, v38  }
0x16e: {  	v1 =	vld [tilespmem:$0x1FF50];
	[tilespmem:$0x13C30] =	vst v38  }
0x16f: {  	v38 =	vld.idx.msk [tilespmem:v0+s13+$0x0], $0xffff;
	_ =	sdelay $0x4  }
0x170: {  	v38 =	vadd.s32 v1, v38  }
0x171: {  	[tilespmem:$0x13C40] =	vst v38  }
0x172: {  	v38 =	vld.idx.msk [tilespmem:v31+s13+$0x0], $0xffff;
	_ =	sdelay $0x4  }
0x173: {  	v38 =	vadd.s32 v1, v38  }
0x174: {  	[tilespmem:$0x13C50] =	vst v38  }
0x175: {  	v38 =	vld.idx.msk [tilespmem:v32+s13+$0x0], $0xffff;
	_ =	sdelay $0x4  }
0x176: {  	v38 =	vadd.s32 v1, v38  }
0x177: {  	[tilespmem:$0x13C60] =	vst v38  }
0x178: {  	v38 =	vld.idx.msk [tilespmem:v33+s13+$0x0], $0xffff;
	_ =	sdelay $0x4  }
0x179: {  	v38 =	vadd.s32 v1, v38  }
0x17a: {  	v1 =	vld [tilespmem:$0x1FF70];
	[tilespmem:$0x13C70] =	vst v38  }
0x17b: {  	v38 =	vld.idx.msk [tilespmem:v0+s13+$0x0], $0xffff;
	_ =	sdelay $0x4  }
0x17c: {  	v38 =	vadd.s32 v1, v38  }
0x17d: {  	[tilespmem:$0x13C80] =	vst v38  }
0x17e: {  	v38 =	vld.idx.msk [tilespmem:v31+s13+$0x0], $0xffff;
	_ =	sdelay $0x4  }
0x17f: {  	v38 =	vadd.s32 v1, v38  }
0x180: {  	[tilespmem:$0x13C90] =	vst v38  }
0x181: {  	v38 =	vld.idx.msk [tilespmem:v32+s13+$0x0], $0xffff;
	_ =	sdelay $0x4  }
0x182: {  	v38 =	vadd.s32 v1, v38  }
0x183: {  	[tilespmem:$0x13CA0] =	vst v38  }
0x184: {  	v38 =	vld.idx.msk [tilespmem:v33+s13+$0x0], $0xffff;
	_ =	sdelay $0x1  }
0x185: {  	s31 =	simm.s32 $0x0;
	[tilespmem:$0x13CC0] =	vst v2  }
0x186: {  	[smem:$0x3C] =	sst s31;
	[tilespmem:$0x13CD0] =	vst v2  }
0x187: {  	[smem:$0x3D] =	sst s31;
	[tilespmem:$0x13CE0] =	vst v2  }
0x188: {  	[smem:$0x3E] =	sst s31;
	[tilespmem:$0x13CF0] =	vst v2;
	v38 =	vadd.s32 v1, v38  }
0x189: {  	[smem:$0x3F] =	sst s31;
	[tilespmem:$0x13CB0] =	vst v38  }
0x18a: {  	s0 =	sld [smem:$0x0];
	_ =	sdelay $0x2  }
0x18b: {  	s0 =	sand.u32 $0xFFFFFF8, s0  }
0x18c: {  	s0 =	sadd.s32 s5, s0  }
0x18d: {  	s6 =	sld [smem:$0x1];
	s1 =	sshll.u32 s0, $0x4  }
0x18e: {  	s0 =	simm.s32 $0x3C00;
	s1 =	sadd.s32 s2, s1  }
0x18f: {  	[tilespmem:s0], [sflag:$0x1] =	stream.linear.gather [hbm4b:s1+s3], $0x400, $0x38;
	[tilespmem:$0x14680] =	vst v63  }
0x190: {  	s6 =	sand.u32 $0xFFFFFF8, s6;
	s1 =	simm.s32 $0x8  }
.LBB2_9:
0x191: {  	s10 =	sshra.s32 s1, $0x2;
	s6 =	sadd.s32 s5, s6;
	p0 =	sne.s32 s1, $0xFC  }
.Ltmp4:
0x192: {  	s1 =	sadd.s32 $0x4, s1;
	s6 =	sshll.u32 s6, $0x4;
	(pc) =	sbr.rel @p0 .LBB2_9-.Ltmp4, $4  }
0x193: {  	s0 =	sadd.s32 $0x400, s0;
	s10 =	sld [smem:s10+$0x0];
	s6 =	sadd.s32 s2, s6  }
0x194: {  	[tilespmem:s0], [sflag:$0x1] =	stream.linear.gather [hbm4b:s6+s3], $0x400, $0x38;
	[tilespmem:$0x14680] =	vst v63  }
0x195: {  	_ = 	snop  }
0x196: {  	s6 =	sand.u32 $0xFFFFFF8, s10  }
0x197: {  	s1 =	sadd.s32 s5, s6  }
0x198: {  	s1 =	sshll.u32 s1, $0x4  }
0x199: {  	s0 =	sadd.s32 $0x400, s0;
	s1 =	sadd.s32 s2, s1  }
0x19a: {  	[tilespmem:s0], [sflag:$0x1] =	stream.linear.gather [hbm4b:s1+s3], $0x400, $0x38;
	[tilespmem:$0x14680] =	vst v63  }
0x19b: {  	s26 =	rddreg [dreg:$0x4];
	s28 =	simm.s32 $0x13C00;
	s29 =	simm.s32 $0x13D00  }
0x19c: {  	[tilespmem:s29], [sflag:$0x1] =	stream.indirect.gather [hbm4b:s26+s4], $0x1, s28, s4, $0xb8;
	[tilespmem:$0x14680] =	vst v63  }
0x19d: {  	s30 =	simm.s32 $0x13C80;
	s31 =	simm.s32 $0x13D80  }
0x19e: {  	[tilespmem:s31], [sflag:$0x1] =	stream.indirect.gather [hbm4b:s26+s4], $0x1, s30, s4, $0xb8;
	[tilespmem:$0x14680] =	vst v63  }
0x19f: {  	_ =	swait.ge [sflag:s19], $0x400  }
0x1a0: {  	s0 =	simm.s32 $0x3F;
	[sflag:s19] =	ssyncset.done $0x0  }
.LBB2_11:
0x1a1: {  	p0 =	sne.s32 s0, $0x1;
	s0 =	sadd.s32 $0xFFFFFFFF, s0;
	[sflag:s19] =	ssyncadd.s32 $0xFFFFFC00  }
.Ltmp5:
0x1a2: {  	(pc) =	sbr.rel @p0 .LBB2_11-.Ltmp5, $3  }
0x1a3: {  	_ =	sdelay $0x1  }
0x1a4: {  	_ =	swait.ge [sflag:s19], $0x400  }
0x1a5: {  	[sflag:s19] =	ssyncset.done $0x0  }
0x1a6: {  	[sflag:s19] =	ssyncadd.s32 $0xFFFFFC00  }
0x1a7: {  	_ =	swait.ge [sflag:s19], $0x80  }
0x1a8: {  	[sflag:s19] =	ssyncset.done $0x0  }
0x1a9: {  	[sflag:s19] =	ssyncadd.s32 $0xFFFFFF80  }
0x1aa: {  	_ =	swait.ge [sflag:s19], $0x80  }
0x1ab: {  	[sflag:s19] =	ssyncset.done $0x0  }
0x1ac: {  	[sflag:s19] =	ssyncadd.s32 $0xFFFFFF80  }
0x1ad: {  	v38 =	vld [tilespmem:$0x3B80]  }
0x1ae: {  	s6 =	simm.s32 $0x0  }
0x1af: {  	v39 =	vmov s6  }
0x1b0: {  	v39 =	vand.u32 $0x7F, v39  }
0x1b1: {  	v39 =	vbroadcast v39, $0x0  }
0x1b2: {  	v50 =	vshll.u32 v38, $0x7  }
0x1b3: {  	s0 =	simm.s32 $0x1;
	v44 =	vld [tilespmem:$0x3A80];
	v42 =	vor.u32 v50, v39  }
0x1b4: {  	v63 =	vmov s0;
	v41 =	vld [tilespmem:$0x13D00]  }
0x1b5: {  	v40 =	vld [tilespmem:$0x13D40];
	v39 =	vand.u32 $0x7F, v63  }
0x1b6: {  	v38 =	vld [tilespmem:$0x3B00];
	v43 =	vbroadcast v39, $0x0  }
0x1b7: {  	v39 =	vld [tilespmem:$0x13D80]  }
0x1b8: {  	v45 =	vimm.f32 $-Inf;
	s1 =	simm.s32 $0x2;
	v47 =	vor.u32 v50, v43;
	v46 =	vld.idx.msk [tilespmem:v42+s20+$0x0], $0xffff  }
.LBB2_13:
0x1b9: {  	p0 =	sne.s32 s1, $0x23  }
.Ltmp6:
0x1ba: {  	v48 =	vmov s1;
	s1 =	sadd.s32 $0x1, s1;
	(pc) =	sbr.rel @p0 .LBB2_13-.Ltmp6, $4  }
0x1bb: {  	v48 =	vand.u32 $0x7F, v48  }
0x1bc: {  	v48 =	vbroadcast v48, $0x0  }
0x1bd: {  	v45 =	vmax.f32 v45, v46;
	v46 =	vld.idx.msk [tilespmem:v47+s20+$0x0], $0xffff  }
0x1be: {  	v47 =	vor.u32 v50, v48  }
0x1bf: {  	_ =	sdelay $0x3  }
0x1c0: {  	v47 =	vld.idx.msk [tilespmem:v47+s20+$0x0], $0xffff  }
0x1c1: {  	v48 =	vld.idx.msk [tilespmem:v42+s20+$0x0], $0xffff  }
0x1c2: {  	v43 =	vor.u32 v50, v43  }
0x1c3: {  	s1 =	simm.s32 $0x2  }
0x1c4: {  	v58 =	vmov s1;
	v57 =	vmax.f32 v45, v46  }
0x1c5: {  	v45 =	vand.u32 $0x7F, v58;
	v42 =	vmax.f32 v57, v47  }
0x1c6: {  	v45 =	vbroadcast v45, $0x0;
	v59 =	vsub.f32 v48, v42  }
0x1c7: {  	v43 =	vld.idx.msk [tilespmem:v43+s20+$0x0], $0xffff  }
0x1c8: {  	v45 =	vor.u32 v50, v45;
	v46 =	vmul.f32 $1.442695020e+00, v59  }
0x1c9: {  	s15 =	simm.s32 $0x3  }
0x1ca: {  	v60 =	vmov s15;
	(erf) = vpow2.f32 v46  }
0x1cb: {  	v46 =	vand.u32 $0x7F, v60  }
0x1cc: {  	v43 =	vsub.f32 v43, v42;
	v46 =	vbroadcast v46, $0x0  }
0x1cd: {  	v45 =	vld.idx.msk [tilespmem:v45+s20+$0x0], $0xffff  }
0x1ce: {  	s10 =	simm.s32 $0x4;
	v62 =	vmul.f32 $1.442695020e+00, v43;
	v46 =	vor.u32 v50, v46  }
0x1cf: {  	v61 =	vmov s10  }
0x1d0: {  	v47 =	vand.u32 $0x7F, v61;
	(erf) = vpow2.f32 v62  }
0x1d1: {  	v47 =	vbroadcast v47, $0x0  }
0x1d2: {  	s16 =	scvt.s32.f32 s6;
	v45 =	vsub.f32 v45, v42  }
0x1d3: {  	v47 =	vor.u32 v50, v47;
	v43 =	vimm.f32 $0.0e+00;
	v46 =	vld.idx.msk [tilespmem:v46+s20+$0x0], $0xffff;
	v63 =	vpop (erf)  }
0x1d4: {  	s6 =	simm.s32 $0x5;
	v49 =	vmul.f32 $1.442695020e+00, v45;
	v45 =	vadd.f32 v63, v43;
	v48 =	vmul.f32 s16, v63  }
.LBB2_15:
0x1d5: {  	v51 =	vmov s6;
	p0 =	sne.s32 s6, $0x23;
	s16 =	smov.u32 s6;
	s6 =	sadd.s32 $0x1, s6  }
.Ltmp7:
0x1d6: {  	v51 =	vand.u32 $0x7F, v51;
	(erf) = vpow2.f32 v49;
	v43 =	vadd.f32 v48, v43;
	(pc) =	sbr.rel @p0 .LBB2_15-.Ltmp7, $4  }
0x1d7: {  	v1 =	vbroadcast v51, $0x0  }
0x1d8: {  	s17 =	scvt.s32.f32 s0;
	s0 =	smov.u32 s1;
	s1 =	smov.u32 s15;
	v49 =	vsub.f32 v46, v42;
	v46 =	vld.idx.msk [tilespmem:v47+s20+$0x0], $0xffff  }
0x1d9: {  	s15 =	smov.u32 s10;
	s10 =	smov.u32 s16;
	v47 =	vor.u32 v50, v1;
	v48 =	vpop (erf)  }
0x1da: {  	v49 =	vmul.f32 $1.442695020e+00, v49;
	v45 =	vadd.f32 v48, v45;
	v48 =	vmul.f32 s17, v48  }
0x1db: {  	_ =	sdelay $0x3  }
0x1dc: {  	v47 =	vld.idx.msk [tilespmem:v47+s20+$0x0], $0xffff;
	_ =	sdelay $0x2  }
0x1dd: {  	v46 =	vsub.f32 v46, v42;
	_ =	sdelay $0x1  }
0x1de: {  	(erf) = vpow2.f32 v49;
	v46 =	vmul.f32 $1.442695020e+00, v46;
	v51 =	vsub.f32 v47, v42;
	_ =	sdelay $0x1  }
0x1df: {  	(erf) = vpow2.f32 v46;
	v42 =	vmul.f32 $1.442695020e+00, v51;
	_ =	sdelay $0x1  }
0x1e0: {  	(erf) = vpow2.f32 v42;
	_ =	sdelay $0x1  }
0x1e1: {  	s0 =	scvt.s32.f32 s0;
	s6 =	simm.s32 $0x24  }
0x1e2: {  	v52 =	vmov s6;
	v53 =	vpop (erf)  }
0x1e3: {  	s28 =	scvt.s32.f32 s1;
	s30 =	simm.s32 $0x25;
	v43 =	vadd.f32 v48, v43;
	v54 =	vmul.f32 s0, v53;
	v42 =	vand.u32 $0x7F, v52  }
0x1e4: {  	v61 =	vmov s30;
	v55 =	vpop (erf);
	v42 =	vbroadcast v42, $0x0  }
0x1e5: {  	s29 =	scvt.s32.f32 s15;
	v45 =	vadd.f32 v53, v45;
	v43 =	vadd.f32 v54, v43;
	v56 =	vmul.f32 s28, v55  }
0x1e6: {  	v46 =	vand.u32 $0x7F, v61;
	v58 =	vor.u32 v50, v42;
	v57 =	vpop (erf)  }
0x1e7: {  	s31 =	scvt.s32.f32 s10;
	v45 =	vadd.f32 v55, v45;
	v59 =	vadd.f32 v56, v43;
	v60 =	vmul.f32 s29, v57  }
0x1e8: {  	v51 =	vbroadcast v46, $0x0;
	v62 =	vpop (erf)  }
0x1e9: {  	v45 =	vadd.f32 v57, v45;
	v42 =	vadd.f32 v60, v59;
	v63 =	vmul.f32 s31, v62  }
0x1ea: {  	v47 =	vor.u32 v50, v51  }
0x1eb: {  	s0 =	simm.s32 $0x26;
	v46 =	vld.idx.msk [tilespmem:v58+s20+$0x0], $0xffff;
	v43 =	vadd.f32 v62, v45;
	v45 =	vimm.f32 $-Inf;
	v42 =	vadd.f32 v63, v42  }
.LBB2_17:
0x1ec: {  	p0 =	sne.s32 s0, $0x47  }
.Ltmp8:
0x1ed: {  	v48 =	vmov s0;
	s0 =	sadd.s32 $0x1, s0;
	(pc) =	sbr.rel @p0 .LBB2_17-.Ltmp8, $4  }
0x1ee: {  	v48 =	vand.u32 $0x7F, v48  }
0x1ef: {  	v48 =	vbroadcast v48, $0x0  }
0x1f0: {  	v45 =	vmax.f32 v45, v46;
	v46 =	vld.idx.msk [tilespmem:v47+s20+$0x0], $0xffff  }
0x1f1: {  	v47 =	vor.u32 v50, v48  }
0x1f2: {  	s0 =	simm.s32 $0x24  }
0x1f3: {  	v48 =	vmov s0  }
0x1f4: {  	v48 =	vand.u32 $0x7F, v48  }
0x1f5: {  	v48 =	vbroadcast v48, $0x0;
	_ =	sdelay $0x1  }
0x1f6: {  	v48 =	vor.u32 v50, v48;
	_ =	sdelay $0x1  }
0x1f7: {  	s28 =	simm.s32 $0x25  }
0x1f8: {  	v49 =	vmov s28  }
0x1f9: {  	v47 =	vld.idx.msk [tilespmem:v47+s20+$0x0], $0xffff;
	v49 =	vand.u32 $0x7F, v49  }
0x1fa: {  	v49 =	vbroadcast v49, $0x0;
	v48 =	vld.idx.msk [tilespmem:v48+s20+$0x0], $0xffff;
	_ =	sdelay $0x1  }
0x1fb: {  	v58 =	vor.u32 v50, v49  }
0x1fc: {  	s29 =	simm.s32 $0x26;
	v45 =	vmax.f32 v45, v46  }
0x1fd: {  	v59 =	vmov s29;
	v45 =	vmax.f32 v45, v47  }
0x1fe: {  	v47 =	vand.u32 $0x7F, v59;
	v48 =	vsub.f32 v48, v45  }
0x1ff: {  	v47 =	vbroadcast v47, $0x0  }
0x200: {  	v46 =	vld.idx.msk [tilespmem:v58+s20+$0x0], $0xffff;
	v48 =	vmul.f32 $1.442695020e+00, v48  }
0x201: {  	s30 =	simm.s32 $0x27;
	v47 =	vor.u32 v50, v47  }
0x202: {  	v60 =	vmov s30;
	(erf) = vpow2.f32 v48  }
0x203: {  	v61 =	vand.u32 $0x7F, v60  }
0x204: {  	v48 =	vbroadcast v61, $0x0  }
0x205: {  	s31 =	simm.s32 $0x28;
	v46 =	vsub.f32 v46, v45  }
0x206: {  	v62 =	vmov s31;
	v47 =	vld.idx.msk [tilespmem:v47+s20+$0x0], $0xffff;
	v48 =	vor.u32 v50, v48  }
0x207: {  	v63 =	vand.u32 $0x7F, v62;
	v51 =	vmul.f32 $1.442695020e+00, v46  }
0x208: {  	v49 =	vbroadcast v63, $0x0  }
0x209: {  	s16 =	simm.s32 $0x0;
	(erf) = vpow2.f32 v51  }
0x20a: {  	s10 =	simm.s32 $0x1;
	s6 =	simm.s32 $0x2;
	s1 =	simm.s32 $0x3;
	v49 =	vor.u32 v50, v49  }
0x20b: {  	s15 =	simm.s32 $0x5;
	s0 =	simm.s32 $0x4;
	s16 =	scvt.s32.f32 s16;
	v46 =	vimm.f32 $0.0e+00;
	v52 =	vsub.f32 v47, v45;
	v47 =	vimm.f32 $0.0e+00;
	v48 =	vld.idx.msk [tilespmem:v48+s20+$0x0], $0xffff;
	v51 =	vpop (erf)  }
.LBB2_19:
0x20c: {  	s17 =	sadd.s32 $0x24, s15  }
0x20d: {  	p0 =	sne.s32 s15, $0x23;
	v52 =	vmul.f32 $1.442695020e+00, v52;
	v46 =	vadd.f32 v51, v46;
	v51 =	vmul.f32 s16, v51;
	s18 =	smov.u32 s15;
	s15 =	sadd.s32 $0x1, s15  }
.Ltmp9:
0x20e: {  	v53 =	vmov s17;
	(pc) =	sbr.rel @p0 .LBB2_19-.Ltmp9, $4  }
0x20f: {  	v53 =	vand.u32 $0x7F, v53;
	(erf) = vpow2.f32 v52;
	v47 =	vadd.f32 v51, v47  }
0x210: {  	v1 =	vbroadcast v53, $0x0  }
0x211: {  	s16 =	scvt.s32.f32 s10;
	s10 =	smov.u32 s6;
	s6 =	smov.u32 s1;
	v52 =	vsub.f32 v48, v45;
	v48 =	vld.idx.msk [tilespmem:v49+s20+$0x0], $0xffff  }
0x212: {  	s1 =	smov.u32 s0;
	s0 =	smov.u32 s18;
	v49 =	vor.u32 v50, v1;
	v51 =	vpop (erf)  }
0x213: {  	_ =	sdelay $0x3  }
0x214: {  	v49 =	vld.idx.msk [tilespmem:v49+s20+$0x0], $0xffff;
	_ =	sdelay $0x2  }
0x215: {  	v52 =	vmul.f32 $1.442695020e+00, v52;
	v48 =	vsub.f32 v48, v45;
	_ =	sdelay $0x1  }
0x216: {  	(erf) = vpow2.f32 v52;
	v48 =	vmul.f32 $1.442695020e+00, v48;
	v34 =	vsub.f32 v49, v45;
	_ =	sdelay $0x1  }
0x217: {  	(erf) = vpow2.f32 v48;
	v45 =	vmul.f32 $1.442695020e+00, v34;
	_ =	sdelay $0x1  }
0x218: {  	(erf) = vpow2.f32 v45;
	_ =	sdelay $0x1  }
0x219: {  	v35 =	vmul.f32 s16, v51;
	s10 =	scvt.s32.f32 s10  }
0x21a: {  	v46 =	vadd.f32 v51, v46;
	s30 =	simm.s32 $0x48;
	v36 =	vpop (erf)  }
0x21b: {  	s6 =	scvt.s32.f32 s6;
	v54 =	vmov s30;
	v37 =	vmul.f32 s10, v36;
	v45 =	vadd.f32 v35, v47  }
0x21c: {  	v56 =	vand.u32 $0x80, v54;
	v49 =	vand.u32 $0x7F, v54;
	v46 =	vadd.f32 v36, v46;
	v55 =	vpop (erf)  }
0x21d: {  	s1 =	scvt.s32.f32 s1;
	s31 =	simm.s32 $0x49;
	v47 =	vadd.s32 v50, v56;
	v45 =	vadd.f32 v37, v45;
	v57 =	vmul.f32 s6, v55  }
0x21e: {  	v61 =	vmov s31;
	v49 =	vor.u32 v49, v47;
	v58 =	vpop (erf)  }
0x21f: {  	s0 =	scvt.s32.f32 s0;
	v46 =	vadd.f32 v55, v46;
	v45 =	vadd.f32 v57, v45;
	v59 =	vmul.f32 s1, v58  }
0x220: {  	v63 =	vand.u32 $0x80, v61;
	v60 =	vpop (erf)  }
0x221: {  	v46 =	vadd.f32 v58, v46;
	v45 =	vadd.f32 v59, v45;
	v62 =	vmul.f32 s0, v60  }
0x222: {  	v51 =	vand.u32 $0x7F, v61;
	v52 =	vadd.s32 v50, v63;
	v47 =	vimm.f32 $-Inf  }
0x223: {  	v48 =	vld.idx.msk [tilespmem:v49+s20+$0x0], $0xffff;
	v49 =	vor.u32 v51, v52;
	v46 =	vadd.f32 v60, v46;
	s0 =	simm.s32 $0x4A;
	v45 =	vadd.f32 v62, v45  }
.LBB2_21:
0x224: {  	p0 =	sne.s32 s0, $0x6B  }
.Ltmp10:
0x225: {  	_ = 	snop;
	(pc) =	sbr.rel @p0 .LBB2_21-.Ltmp10, $4  }
0x226: {  	v51 =	vmov s0  }
0x227: {  	v52 =	vand.u32 $0x80, v51  }
0x228: {  	v51 =	vand.u32 $0x7F, v51;
	v52 =	vadd.s32 v50, v52  }
0x229: {  	s0 =	sadd.s32 $0x1, s0;
	v47 =	vmax.f32 v47, v48;
	v48 =	vld.idx.msk [tilespmem:v49+s20+$0x0], $0xffff;
	v49 =	vor.u32 v51, v52  }
0x22a: {  	s0 =	simm.s32 $0x48  }
0x22b: {  	v51 =	vmov s0  }
0x22c: {  	v52 =	vand.u32 $0x80, v51  }
0x22d: {  	v51 =	vand.u32 $0x7F, v51;
	v52 =	vadd.s32 v50, v52  }
0x22e: {  	v51 =	vor.u32 v51, v52;
	_ =	sdelay $0x2  }
0x22f: {  	s25 =	simm.s32 $0x49  }
0x230: {  	v49 =	vld.idx.msk [tilespmem:v49+s20+$0x0], $0xffff;
	v35 =	vmov s25  }
0x231: {  	v53 =	vand.u32 $0x80, v35;
	v52 =	vld.idx.msk [tilespmem:v51+s20+$0x0], $0xffff  }
0x232: {  	v36 =	vand.u32 $0x7F, v35;
	v53 =	vadd.s32 v50, v53  }
0x233: {  	v37 =	vor.u32 v36, v53  }
0x234: {  	s26 =	simm.s32 $0x4A;
	v47 =	vmax.f32 v47, v48  }
0x235: {  	v56 =	vmov s26;
	v51 =	vmax.f32 v47, v49  }
0x236: {  	v57 =	vand.u32 $0x80, v56;
	v52 =	vsub.f32 v52, v51  }
0x237: {  	v48 =	vand.u32 $0x7F, v56;
	v49 =	vadd.s32 v50, v57  }
0x238: {  	v47 =	vld.idx.msk [tilespmem:v37+s20+$0x0], $0xffff;
	v48 =	vor.u32 v48, v49;
	v58 =	vmul.f32 $1.442695020e+00, v52;
	_ =	sdelay $0x1  }
0x239: {  	(erf) = vpow2.f32 v58  }
0x23a: {  	s29 =	simm.s32 $0x4B  }
0x23b: {  	v59 =	vmov s29  }
0x23c: {  	v60 =	vand.u32 $0x80, v59;
	v47 =	vsub.f32 v47, v51;
	v48 =	vld.idx.msk [tilespmem:v48+s20+$0x0], $0xffff  }
0x23d: {  	v49 =	vand.u32 $0x7F, v59;
	v52 =	vadd.s32 v50, v60  }
0x23e: {  	s30 =	simm.s32 $0x4C;
	v62 =	vmul.f32 $1.442695020e+00, v47;
	v49 =	vor.u32 v49, v52  }
0x23f: {  	v61 =	vmov s30  }
0x240: {  	s31 =	simm.s32 $0x0;
	v63 =	vand.u32 $0x80, v61;
	(erf) = vpow2.f32 v62  }
0x241: {  	s1 =	scvt.s32.f32 s31;
	v54 =	vadd.s32 v50, v63;
	v52 =	vand.u32 $0x7F, v61;
	v48 =	vsub.f32 v48, v51  }
0x242: {  	[dreg:$0x8] =	wrdreg s7;
	s28 =	simm.s32 $0x1;
	s24 =	simm.s32 $0x4;
	v47 =	vimm.f32 $0.0e+00;
	v54 =	vor.u32 v52, v54;
	v55 =	vpop (erf)  }
0x243: {  	s26 =	simm.s32 $0x2;
	s25 =	simm.s32 $0x3;
	s0 =	simm.s32 $0x5;
	v52 =	vld.idx.msk [tilespmem:v49+s20+$0x0], $0xffff;
	v53 =	vmul.f32 $1.442695020e+00, v48;
	v49 =	vadd.f32 v55, v47;
	v48 =	vmul.f32 s1, v55  }
.LBB2_23:
0x244: {  	s1 =	sadd.s32 $0x48, s0  }
0x245: {  	p0 =	sne.s32 s0, $0x23;
	s6 =	smov.u32 s0;
	s0 =	sadd.s32 $0x1, s0  }
.Ltmp11:
0x246: {  	v55 =	vmov s1;
	(erf) = vpow2.f32 v53;
	v47 =	vadd.f32 v48, v47;
	(pc) =	sbr.rel @p0 .LBB2_23-.Ltmp11, $4  }
0x247: {  	v4 =	vand.u32 $0x80, v55  }
0x248: {  	s1 =	scvt.s32.f32 s28;
	s28 =	smov.u32 s26;
	s26 =	smov.u32 s25;
	v53 =	vand.u32 $0x7F, v55;
	v55 =	vsub.f32 v52, v51;
	v1 =	vadd.s32 v50, v4;
	v52 =	vld.idx.msk [tilespmem:v54+s20+$0x0], $0xffff  }
0x249: {  	s25 =	smov.u32 s24;
	s24 =	smov.u32 s6;
	v54 =	vor.u32 v53, v1;
	v48 =	vpop (erf)  }
0x24a: {  	v53 =	vmul.f32 $1.442695020e+00, v55;
	v49 =	vadd.f32 v48, v49;
	v48 =	vmul.f32 s1, v48  }
0x24b: {  	(v2sf) =	vpush v44, $0xD;
	_ =	sdelay $0x1  }
0x24c: {  	(v2sf) =	vpush v44, $0xC;
	_ =	sdelay $0x1  }
0x24d: {  	(v2sf) =	vpush v44, $0xE;
	_ =	sdelay $0x1  }
0x24e: {  	(v2sf) =	vpush v44, $0xF;
	_ =	sdelay $0x1  }
0x24f: {  	(v2sf) =	vpush v44, $0x9  }
0x250: {  	(v2sf) =	vpush v44, $0x8;
	_ =	sdelay $0x2  }
0x251: {  	(v2sf) =	vpush v44, $0xA;
	_ =	sdelay $0x1  }
0x252: {  	(v2sf) =	vpush v44, $0xB  }
0x253: {  	s0 =	spop (v2sf)  }
0x254: {  	s1 =	smulhi.u32 $0x38E38E39, s0;
	s0 =	sshra.s32 s0, $0x1F  }
0x255: {  	(v2sf) =	vpush v44, $0x0;
	s6 =	spop (v2sf);
	s0 =	smul.u32 $0x38E38E39, s0  }
0x256: {  	s9 =	smulhi.u32 $0x38E38E39, s6;
	s6 =	sshra.s32 s6, $0x1F  }
0x257: {  	(v2sf) =	vpush v44, $0x1;
	s15 =	spop (v2sf);
	s6 =	smul.u32 $0x38E38E39, s6  }
0x258: {  	s17 =	smulhi.u32 $0x38E38E39, s15;
	s15 =	sshra.s32 s15, $0x1F  }
0x259: {  	(v2sf) =	vpush v44, $0x2;
	s16 =	spop (v2sf);
	s4 =	smul.u32 $0x38E38E39, s15  }
0x25a: {  	s18 =	smulhi.u32 $0x38E38E39, s16;
	s16 =	sshra.s32 s16, $0x1F  }
0x25b: {  	(v2sf) =	vpush v44, $0x3;
	s8 =	spop (v2sf);
	s0 =	sadd.s32 s0, s1;
	s29 =	smul.u32 $0x38E38E39, s16  }
0x25c: {  	(v2sf) =	vpush v44, $0x4;
	s10 =	smulhi.u32 $0x38E38E39, s8;
	s16 =	sshra.s32 s8, $0x1F;
	s11 =	spop (v2sf)  }
0x25d: {  	(v2sf) =	vpush v44, $0x5;
	[dreg:$0xc] =	wrdreg s0;
	s31 =	smul.u32 $0x38E38E39, s16  }
0x25e: {  	s0 =	sshrl.u32 s0, $0x1F;
	s6 =	sadd.s32 s6, s9;
	(v2sf) =	vpush v44, $0x6;
	s7 =	smulhi.u32 $0x38E38E39, s11  }
0x25f: {  	s16 =	sshra.s32 s11, $0x1F;
	s15 =	spop (v2sf);
	[smem:$0x7E9] =	sst s0;
	(v2sf) =	vpush v44, $0x7  }
0x260: {  	[dreg:$0x10] =	wrdreg s6;
	s6 =	sshrl.u32 s6, $0x1F;
	s8 =	smul.u32 $0x38E38E39, s16  }
0x261: {  	s21 =	smulhi.u32 $0x38E38E39, s15;
	s23 =	sshra.s32 s15, $0x1F;
	s30 =	spop (v2sf)  }
0x262: {  	[smem:$0x7E8] =	sst s6;
	s11 =	smul.u32 $0x38E38E39, s23  }
0x263: {  	s15 =	sadd.s32 s29, s18;
	s0 =	smulhi.u32 $0x38E38E39, s30;
	s1 =	sshra.s32 s30, $0x1F  }
0x264: {  	s30 =	sadd.s32 s4, s17;
	s23 =	smul.u32 $0x38E38E39, s1;
	s6 =	spop (v2sf)  }
0x265: {  	[smem:$0x7EF] =	sst s15;
	s16 =	smulhi.u32 $0x38E38E39, s6;
	s9 =	sshra.s32 s6, $0x1F  }
0x266: {  	s10 =	sadd.s32 s31, s10;
	s17 =	spop (v2sf);
	s4 =	smul.u32 $0x38E38E39, s9  }
0x267: {  	[smem:$0x7EE] =	sst s30;
	s31 =	smulhi.u32 $0x38E38E39, s17;
	s18 =	sshra.s32 s17, $0x1F  }
0x268: {  	s29 =	sadd.s32 s8, s7;
	s6 =	spop (v2sf);
	s7 =	smul.u32 $0x38E38E39, s18  }
0x269: {  	[smem:$0x7EA] =	sst s29;
	s18 =	smulhi.u32 $0x38E38E39, s6;
	s8 =	sshra.s32 s6, $0x1F  }
0x26a: {  	s21 =	sadd.s32 s11, s21;
	s9 =	spop (v2sf);
	s11 =	smul.u32 $0x38E38E39, s8  }
0x26b: {  	s29 =	spop (v2sf);
	s6 =	smulhi.u32 $0x38E38E39, s9  }
0x26c: {  	s8 =	sshra.s32 s9, $0x1F;
	s9 =	sadd.s32 s23, s0;
	s1 =	spop (v2sf)  }
0x26d: {  	s4 =	sadd.s32 s4, s16;
	s16 =	smulhi.u32 $0x38E38E39, s29;
	s23 =	spop (v2sf)  }
0x26e: {  	s8 =	smul.u32 $0x38E38E39, s8;
	s17 =	spop (v2sf)  }
0x26f: {  	[smem:$0x7EB] =	sst s16;
	s16 =	smulhi.u32 $0x38E38E39, s17;
	s0 =	sshra.s32 s17, $0x1F  }
0x270: {  	[smem:$0x7ED] =	sst s10;
	s7 =	sadd.s32 s7, s31;
	s0 =	smul.u32 $0x38E38E39, s0  }
0x271: {  	s11 =	sadd.s32 s11, s18;
	s18 =	smulhi.u32 $0x38E38E39, s1;
	s1 =	sshra.s32 s1, $0x1F  }
0x272: {  	s6 =	sadd.s32 s8, s6;
	s17 =	sshra.s32 s29, $0x1F;
	s31 =	sadd.s32 s0, s16  }
0x273: {  	[smem:$0x7EC] =	sst s18;
	s18 =	smul.u32 $0x38E38E39, s1;
	s8 =	sshra.s32 s31, $0x1F  }
0x274: {  	vm4 =	vcmask $0x300;
	s1 =	sshra.s32 s4, $0x7;
	v50 =	vmov s8;
	s8 =	sshrl.u32 s15, $0x1F;
	s15 =	sld [smem:$0x7E8]  }
0x275: {  	vm1 =	vcmask $0x704;
	s29 =	sshrl.u32 s4, $0x1F;
	s4 =	sshra.s32 s4, $0x1F;
	s16 =	sshrl.u32 s30, $0x1F;
	v50 =	vsel vm4, s1, v50  }
0x276: {  	vm3 =	vcmask $0xB08;
	v56 =	vmov s29;
	s0 =	sshra.s32 s7, $0x7;
	s30 =	sld [smem:$0x7E9];
	s1 =	sshrl.u32 s10, $0x1F;
	v50 =	vsel vm1, s4, v50  }
0x277: {  	s10 =	sshrl.u32 s7, $0x1F;
	s4 =	sshra.s32 s7, $0x1F;
	vm1 =	vcmask $0xF0C;
	v55 =	vmov s15;
	s15 =	sld [smem:$0x7EA];
	v50 =	vsel vm3, s0, v50  }
0x278: {  	v56 =	vnsel vm4, $0x0, v56;
	s0 =	smulhi.u32 $0x38E38E39, s23;
	v50 =	vsel vm1, s4, v50;
	s4 =	sshra.s32 s23, $0x1F;
	s23 =	sld [smem:$0x7EB]  }
0x279: {  	vm2 =	vcmask $0x1310;
	s17 =	smul.u32 $0x38E38E39, s17;
	s29 =	sshrl.u32 s21, $0x1F;
	v56 =	vsel vm3, s10, v56;
	s10 =	sshra.s32 s11, $0x7;
	v55 =	vsel vm3, s30, v55  }
0x27a: {  	vm6 =	vcmask $0x1B18;
	vm5 =	vcmask $0x2320;
	s30 =	sshrl.u32 s9, $0x1F;
	v55 =	vsel vm2, s16, v55;
	s16 =	sshrl.u32 s11, $0x1F;
	s7 =	sshrl.u32 s15, $0x1F  }
0x27b: {  	vm7 =	vcmask $0x2B28;
	vm1 =	vcmask $0x1714;
	s4 =	smul.u32 $0x38E38E39, s4;
	v57 =	vmov s7;
	s7 =	sadd.s32 s17, s23;
	s17 =	sld [smem:$0x7EC]  }
0x27c: {  	v50 =	vsel vm2, s10, v50;
	s11 =	sshra.s32 s11, $0x1F;
	s10 =	rddreg [dreg:$0xc];
	v55 =	vsel vm6, s8, v55;
	s8 =	sshrl.u32 s6, $0x1F;
	v56 =	vsel vm2, s16, v56  }
0x27d: {  	v50 =	vsel vm1, s11, v50;
	vm1 =	vcmask $0x1F1C;
	v56 =	vsel vm6, s8, v56;
	s23 =	sshra.s32 s6, $0x7;
	s0 =	sadd.s32 s4, s0;
	s16 =	sshrl.u32 s7, $0x1F  }
0x27e: {  	v57 =	vsel vm3, s1, v57;
	v50 =	vsel vm6, s23, v50;
	s23 =	rddreg [dreg:$0x10];
	v56 =	vsel vm5, s16, v56;
	s16 =	sshra.s32 s6, $0x1F;
	s8 =	sadd.s32 s18, s17  }
0x27f: {  	vm4 =	vcmask $0x3330;
	v57 =	vsel vm2, s29, v57;
	s1 =	sshra.s32 s23, $0x7;
	v50 =	vsel vm1, s16, v50;
	s16 =	sld [smem:$0x7EE];
	s11 =	sshrl.u32 s8, $0x1F  }
0x280: {  	s29 =	sshra.s32 s15, $0x7;
	v57 =	vsel vm6, s30, v57;
	s18 =	sshra.s32 s7, $0x7;
	v35 =	vmov s1;
	v56 =	vsel vm7, s11, v56;
	s11 =	sld [smem:$0x7ED]  }
0x281: {  	s17 =	sshrl.u32 s0, $0x1F;
	s30 =	sshra.s32 s7, $0x1F;
	s7 =	sshra.s32 s10, $0x7;
	v58 =	vmov s29;
	vm1 =	vcmask $0x2724;
	v50 =	vsel vm5, s18, v50  }
0x282: {  	v55 =	vcombine.low v57, v55;
	s15 =	sshra.s32 s8, $0x7;
	v50 =	vsel vm1, s30, v50;
	v56 =	vsel vm4, s17, v56;
	s17 =	sshra.s32 s21, $0x7;
	s21 =	sld [smem:$0x7EF]  }
0x283: {  	v57 =	vsel vm3, s7, v35;
	s18 =	sshra.s32 s8, $0x1F;
	vm1 =	vcmask $0x2F2C;
	s6 =	sshra.s32 s16, $0x7;
	v50 =	vsel vm7, s15, v50;
	s1 =	sshra.s32 s11, $0x7  }
0x284: {  	s29 =	sshra.s32 s0, $0x7;
	v57 =	vsel vm2, s6, v57;
	v50 =	vsel vm1, s18, v50;
	v58 =	vsel vm3, s1, v58  }
0x285: {  	s23 =	sshra.s32 s9, $0x7;
	vm1 =	vcmask $0x3B38;
	v50 =	vsel vm4, s29, v50;
	s6 =	sshra.s32 s21, $0x7;
	v58 =	vsel vm2, s17, v58  }
0x286: {  	s0 =	sshra.s32 s0, $0x1F;
	s30 =	sshrl.u32 s31, $0x1F;
	vm4 =	vcmask $0x3734;
	v57 =	vsel vm6, s6, v57;
	v58 =	vsel vm6, s23, v58  }
0x287: {  	s8 =	sshra.s32 s31, $0x7;
	v56 =	vsel vm1, s30, v56;
	v50 =	vsel vm4, s0, v50;
	v57 =	vcombine.low v58, v57  }
0x288: {  	v55 =	vperm.xlane v55, v7;
	v56 =	vperm.xlane v56, v8;
	v50 =	vsel vm1, s8, v50  }
0x289: {  	v50 =	vperm.xlane v50, v8;
	v57 =	vperm.xlane v57, v7;
	_ =	sdelay $0x1  }
0x28a: {  	v55 =	vsel vm8, v56, v55;
	v50 =	vsel vm8, v50, v57  }
0x28b: {  	v50 =	vadd.s32 v55, v50  }
0x28c: {  	v55 =	vmul.u32 $0xFFFFFDC0, v50  }
0x28d: {  	v36 =	vsub.s32 $0x0, v44  }
0x28e: {  	vm4 =	vlt.s32 v44, $0x1;
	vm5 =	vne.s32 v55, v36  }
0x28f: {  	vm4 =	vmand vm4, vm5  }
0x290: {  	v37 =	vsel vm4, $0xFFFFFFFF, v2  }
0x291: {  	v50 =	vadd.s32 v37, v50  }
0x292: {  	v55 =	vmul.u32 $0xFFFFFDC0, v50;
	_ =	sdelay $0x1  }
0x293: {  	v44 =	vadd.s32 v44, v55  }
0x294: {  	(v2sf) =	vpush v44, $0xD;
	_ =	sdelay $0x1  }
0x295: {  	(v2sf) =	vpush v44, $0xC;
	_ =	sdelay $0x1  }
0x296: {  	(v2sf) =	vpush v44, $0xE;
	_ =	sdelay $0x1  }
0x297: {  	(v2sf) =	vpush v44, $0xF;
	_ =	sdelay $0x1  }
0x298: {  	(v2sf) =	vpush v44, $0x9;
	_ =	sdelay $0x1  }
0x299: {  	(v2sf) =	vpush v44, $0x8;
	_ =	sdelay $0x2  }
0x29a: {  	(v2sf) =	vpush v44, $0xA;
	_ =	sdelay $0x1  }
0x29b: {  	(v2sf) =	vpush v44, $0xB;
	s9 =	spop (v2sf)  }
0x29c: {  	s1 =	smulhi.u32 $0x2AAAAAAB, s9;
	s0 =	sshra.s32 s9, $0x1F  }
0x29d: {  	(v2sf) =	vpush v44, $0x0;
	s10 =	spop (v2sf);
	s0 =	smul.u32 $0x2AAAAAAB, s0  }
0x29e: {  	s29 =	smulhi.u32 $0x2AAAAAAB, s10;
	s4 =	sshra.s32 s10, $0x1F  }
0x29f: {  	s11 =	spop (v2sf);
	s4 =	smul.u32 $0x2AAAAAAB, s4  }
0x2a0: {  	s15 =	smulhi.u32 $0x2AAAAAAB, s11;
	s7 =	sshra.s32 s11, $0x1F  }
0x2a1: {  	(v2sf) =	vpush v44, $0x1;
	s16 =	spop (v2sf);
	s21 =	smul.u32 $0x2AAAAAAB, s7  }
0x2a2: {  	(v2sf) =	vpush v44, $0x2;
	s17 =	smulhi.u32 $0x2AAAAAAB, s16  }
0x2a3: {  	(v2sf) =	vpush v44, $0x3;
	s9 =	sshra.s32 s16, $0x1F;
	s18 =	spop (v2sf);
	[smem:$0x7F0] =	sst s4  }
0x2a4: {  	(v2sf) =	vpush v44, $0x4;
	s0 =	sadd.s32 s0, s1;
	[smem:$0x7F1] =	sst s15;
	s7 =	smul.u32 $0x2AAAAAAB, s9  }
0x2a5: {  	(v2sf) =	vpush v44, $0x5;
	s23 =	smulhi.u32 $0x2AAAAAAB, s18;
	s10 =	sshra.s32 s18, $0x1F;
	s30 =	spop (v2sf)  }
0x2a6: {  	(v2sf) =	vpush v44, $0x6;
	[dreg:$0x15] =	wrdreg s0;
	s18 =	smul.u32 $0x2AAAAAAB, s10  }
0x2a7: {  	s0 =	sshrl.u32 s0, $0x1F;
	[smem:$0x7F2] =	sst s17;
	s31 =	smulhi.u32 $0x2AAAAAAB, s30  }
0x2a8: {  	s4 =	sshra.s32 s30, $0x1F;
	s6 =	spop (v2sf);
	[smem:$0x7F8] =	sst s0  }
0x2a9: {  	[smem:$0x7F3] =	sst s23;
	s23 =	smul.u32 $0x2AAAAAAB, s4  }
0x2aa: {  	s8 =	spop (v2sf);
	s11 =	smulhi.u32 $0x2AAAAAAB, s6;
	s15 =	sshra.s32 s6, $0x1F  }
0x2ab: {  	[smem:$0x7F4] =	sst s31;
	s17 =	smul.u32 $0x2AAAAAAB, s15  }
0x2ac: {  	s9 =	spop (v2sf);
	s15 =	smulhi.u32 $0x2AAAAAAB, s8;
	s16 =	sshra.s32 s8, $0x1F  }
0x2ad: {  	[smem:$0x7F5] =	sst s11;
	s11 =	smul.u32 $0x2AAAAAAB, s16  }
0x2ae: {  	s16 =	smulhi.u32 $0x2AAAAAAB, s9;
	s10 =	sshra.s32 s9, $0x1F;
	[smem:$0x7F6] =	sst s15  }
0x2af: {  	s8 =	smul.u32 $0x2AAAAAAB, s10;
	s10 =	sld [smem:$0x7F0]  }
0x2b0: {  	(v2sf) =	vpush v44, $0x7;
	s30 =	spop (v2sf);
	s15 =	sld [smem:$0x7F1]  }
0x2b1: {  	s31 =	spop (v2sf);
	[smem:$0x7F7] =	sst s16  }
0x2b2: {  	s1 =	sadd.s32 s10, s29;
	s29 =	sld [smem:$0x7F2];
	s4 =	spop (v2sf)  }
0x2b3: {  	s10 =	sadd.s32 s21, s15;
	s15 =	sld [smem:$0x7F3];
	s6 =	spop (v2sf)  }
0x2b4: {  	[dreg:$0x19] =	wrdreg s1;
	s9 =	spop (v2sf)  }
0x2b5: {  	[smem:$0x7F9] =	sst s9;
	s21 =	spop (v2sf)  }
0x2b6: {  	v54 =	vld.idx.msk [tilespmem:v54+s20+$0x0], $0xffff;
	[smem:$0x7FB] =	sst s21  }
0x2b7: {  	s16 =	smulhi.u32 $0x2AAAAAAB, s30;
	s30 =	sshra.s32 s30, $0x1F;
	s21 =	sld [smem:$0x7F4]  }
0x2b8: {  	s9 =	sadd.s32 s7, s29;
	s29 =	smulhi.u32 $0x2AAAAAAB, s31;
	s31 =	sshra.s32 s31, $0x1F  }
0x2b9: {  	s7 =	sadd.s32 s18, s15;
	s18 =	smul.u32 $0x2AAAAAAB, s31;
	s31 =	sld [smem:$0x7F5]  }
0x2ba: {  	v52 =	vsub.f32 v52, v51;
	[dreg:$0x1f] =	wrdreg s10;
	s15 =	sadd.s32 s23, s21;
	s21 =	smulhi.u32 $0x2AAAAAAB, s4  }
0x2bb: {  	v57 =	vsub.f32 v54, v51;
	s23 =	sshra.s32 s4, $0x1F;
	s4 =	sshrl.u32 s1, $0x1F;
	s1 =	sld [smem:$0x7F6]  }
0x2bc: {  	v38 =	vsub.f32 $0.0e+00, v38;
	v52 =	vmul.f32 $1.442695020e+00, v52;
	s30 =	smul.u32 $0x2AAAAAAB, s30;
	[dreg:$0x1c] =	wrdreg s9;
	s0 =	sadd.s32 s17, s31  }
0x2bd: {  	(erf) = vpow2.f32 v53;
	v51 =	vmul.f32 $1.442695020e+00, v57;
	s17 =	sshra.s32 s6, $0x1F;
	[smem:$0x7FA] =	sst s0;
	s23 =	smul.u32 $0x2AAAAAAB, s23  }
0x2be: {  	v38 =	vmul.f32 $1.442695020e+00, v38;
	(erf) = vpow2.f32 v52;
	s0 =	smulhi.u32 $0x2AAAAAAB, s6;
	s31 =	sadd.s32 s11, s1;
	s11 =	sld [smem:$0x7F7]  }
0x2bf: {  	(erf) = vpow2.f32 v51;
	s1 =	smul.u32 $0x2AAAAAAB, s17;
	s17 =	spop (v2sf);
	s21 =	sadd.s32 s23, s21  }
0x2c0: {  	(erf) = vpow2.f32 v38;
	s23 =	sshrl.u32 s9, $0x1F;
	s9 =	sld [smem:$0x7F8];
	s6 =	sshra.s32 s17, $0x1F  }
0x2c1: {  	s11 =	sadd.s32 s8, s11;
	s8 =	sadd.s32 s30, s16;
	s16 =	smulhi.u32 $0x2AAAAAAB, s17  }
0x2c2: {  	[smem:$0x7FD] =	sst s7;
	s30 =	sshrl.u32 s10, $0x1F;
	s10 =	smul.u32 $0x2AAAAAAB, s6  }
0x2c3: {  	[smem:$0x7FC] =	sst s15;
	v58 =	vmov s4;
	s17 =	sadd.s32 s18, s29  }
0x2c4: {  	v52 =	vpop (erf);
	s29 =	sshrl.u32 s7, $0x1F;
	v38 =	vsel vm3, s9, v58;
	s18 =	sadd.s32 s10, s16;
	s10 =	sld [smem:$0x7F9]  }
0x2c5: {  	v49 =	vadd.f32 v52, v49;
	s6 =	sadd.s32 s1, s0;
	s1 =	sshrl.u32 s15, $0x1F;
	v38 =	vsel vm2, s30, v38;
	s30 =	sshrl.u32 s11, $0x1F  }
0x2c6: {  	v55 =	vpop (erf);
	s0 =	sshra.s32 s11, $0x2;
	s11 =	sshra.s32 s11, $0x1F;
	v38 =	vsel vm6, s23, v38;
	s23 =	sld [smem:$0x7FA]  }
0x2c7: {  	vm4 =	vcmask $0x300;
	v56 =	vpop (erf);
	v49 =	vadd.f32 v55, v49;
	v61 =	vmov s1;
	s16 =	sshra.s32 s18, $0x1F;
	s9 =	smulhi.u32 $0x2AAAAAAB, s10;
	s15 =	sshra.s32 s10, $0x1F  }
0x2c8: {  	v57 =	vpop (erf);
	v60 =	vmov s30;
	v54 =	vsel vm3, s29, v61;
	s29 =	sshrl.u32 s21, $0x1F;
	s30 =	sld [smem:$0x7FB];
	v59 =	vmov s16;
	s4 =	smul.u32 $0x2AAAAAAB, s15  }
0x2c9: {  	v62 =	vpop (erf);
	v53 =	vnsel vm4, $0x0, v60;
	s16 =	sshrl.u32 s17, $0x1F;
	s7 =	sshrl.u32 s23, $0x1F;
	v51 =	vsel vm4, s0, v59;
	s10 =	sshrl.u32 s31, $0x1F;
	vm4 =	vcmask $0x704  }
0x2ca: {  	v58 =	vadd.f32 $1.000000000e+00, v62;
	v51 =	vsel vm4, s11, v51;
	s11 =	sshra.s32 s8, $0x2;
	v54 =	vsel vm2, s7, v54;
	s1 =	sadd.s32 s4, s9;
	s9 =	sshrl.u32 s8, $0x1F  }
0x2cb: {  	s0 =	smulhi.u32 $0x2AAAAAAB, s30;
	vm4 =	vcmask $0xF0C;
	v51 =	vsel vm3, s11, v51;
	s11 =	sshra.s32 s17, $0x2;
	s8 =	sshra.s32 s8, $0x1F;
	v53 =	vsel vm3, s9, v53  }
0x2cc: {  	v54 =	vsel vm6, s10, v54;
	s10 =	sshra.s32 s21, $0x1F;
	v51 =	vsel vm4, s8, v51;
	s9 =	sshra.s32 s21, $0x2;
	s21 =	sld [smem:$0x7FD];
	v53 =	vsel vm2, s16, v53  }
0x2cd: {  	s7 =	sshra.s32 s30, $0x1F;
	s15 =	sshrl.u32 s6, $0x1F;
	vm4 =	vcmask $0x2320;
	v51 =	vsel vm2, s11, v51;
	s11 =	rddreg [dreg:$0x19];
	v53 =	vsel vm6, s29, v53  }
0x2ce: {  	vm5 =	vcmask $0x1714;
	(erf) = vrcp.f32 v58;
	s16 =	smul.u32 $0x2AAAAAAB, s7;
	s29 =	sshra.s32 s17, $0x1F;
	v53 =	vsel vm4, s15, v53;
	s15 =	sld [smem:$0x7FC]  }
0x2cf: {  	v35 =	vadd.f32 v56, v49;
	(erf) = vrcp.f32 v43;
	s30 =	sshrl.u32 s1, $0x1F;
	s7 =	sshra.s32 s11, $0x2;
	s17 =	rddreg [dreg:$0x15];
	v51 =	vsel vm5, s29, v51  }
0x2d0: {  	s0 =	sadd.s32 s16, s0;
	vm5 =	vcmask $0x1F1C;
	s16 =	sshra.s32 s6, $0x2;
	v63 =	vmov s7;
	s7 =	sshra.s32 s21, $0x2;
	v51 =	vsel vm6, s9, v51  }
0x2d1: {  	v38 =	vcombine.low v54, v38;
	v53 =	vsel vm7, s30, v53;
	s9 =	sshra.s32 s17, $0x2;
	s30 =	rddreg [dreg:$0x1f];
	v51 =	vsel vm5, s10, v51;
	s8 =	sshra.s32 s15, $0x2  }
0x2d2: {  	s29 =	sshra.s32 s6, $0x1F;
	v54 =	vsel vm3, s9, v63;
	s6 =	sshra.s32 s30, $0x2;
	s10 =	rddreg [dreg:$0x1c];
	v51 =	vsel vm4, s16, v51;
	v34 =	vmov s8  }
0x2d3: {  	v54 =	vsel vm2, s6, v54;
	s6 =	sshra.s32 s10, $0x2;
	s8 =	sshra.s32 s23, $0x2;
	v58 =	vsel vm3, s7, v34;
	vm3 =	vcmask $0x2724  }
0x2d4: {  	s11 =	sshra.s32 s31, $0x2;
	s9 =	sshra.s32 s1, $0x2;
	v54 =	vsel vm6, s6, v54;
	v51 =	vsel vm3, s29, v51;
	v58 =	vsel vm2, s8, v58  }
0x2d5: {  	s1 =	sshra.s32 s1, $0x1F;
	vm2 =	vcmask $0x2F2C;
	v51 =	vsel vm7, s9, v51;
	v58 =	vsel vm6, s11, v58  }
0x2d6: {  	s15 =	sshrl.u32 s0, $0x1F;
	s16 =	sshra.s32 s0, $0x2;
	v51 =	vsel vm2, s1, v51;
	v54 =	vcombine.low v58, v54;
	vm2 =	vcmask $0x3330  }
0x2d7: {  	s0 =	sshra.s32 s0, $0x1F;
	v53 =	vsel vm2, s15, v53;
	v51 =	vsel vm2, s16, v51;
	vm2 =	vcmask $0x3734  }
0x2d8: {  	(erf) = vrcp.f32 v46;
	v38 =	vperm.xlane v38, v7;
	s21 =	sshra.s32 s18, $0x2;
	s17 =	sshrl.u32 s18, $0x1F;
	v51 =	vsel vm2, s0, v51  }
0x2d9: {  	v53 =	vsel vm1, s17, v53;
	v54 =	vperm.xlane v54, v7;
	v51 =	vsel vm1, s21, v51  }
0x2da: {  	v43 =	vadd.f32 v57, v35;
	v53 =	vperm.xlane v53, v8;
	v51 =	vperm.xlane v51, v8  }
0x2db: {  	s23 =	scvt.s32.f32 s28  }
0x2dc: {  	(erf) = vrcp.f32 v43;
	v38 =	vsel vm8, v53, v38;
	v37 =	vsel vm8, v51, v54  }
0x2dd: {  	s28 =	scvt.s32.f32 s26;
	v59 =	vmul.f32 s23, v52;
	v54 =	vadd.f32 v48, v47;
	v53 =	vadd.s32 v38, v37  }
0x2de: {  	v50 =	vcvt.s32.f32 v50;
	s29 =	scvt.s32.f32 s25;
	v58 =	vmul.u32 $0xFFFFFFE8, v53  }
0x2df: {  	v60 =	vsub.s32 $0x0, v44;
	v62 =	vmul.f32 s28, v55;
	v61 =	vadd.f32 v59, v54;
	v38 =	vpop (erf)  }
0x2e0: {  	s30 =	scvt.s32.f32 s24;
	vm4 =	vlt.s32 v44, $0x1;
	v34 =	vmul.f32 s29, v56;
	v35 =	vpop (erf);
	vm5 =	vne.s32 v58, v60  }
0x2e1: {  	v43 =	vadd.f32 v62, v61;
	v42 =	vmul.f32 v35, v42;
	vm4 =	vmand vm4, vm5  }
0x2e2: {  	v41 =	vadd.f32 v50, v41;
	v36 =	vmul.f32 s30, v57;
	v63 =	vsel vm4, $0xFFFFFFFF, v2  }
0x2e3: {  	v43 =	vadd.f32 v34, v43;
	v42 =	vmul.f32 $4.000000000e+00, v42;
	v46 =	vadd.s32 v63, v53;
	v53 =	vpop (erf)  }
0x2e4: {  	v37 =	vmul.u32 $0xFFFFFFE8, v46;
	v46 =	vcvt.s32.f32 v46;
	v45 =	vmul.f32 v53, v45  }
0x2e5: {  	v41 =	vmul.f32 $4.000000000e+00, v41;
	v43 =	vadd.f32 v36, v43;
	v55 =	vmul.f32 $5.000000000e-01, v42  }
0x2e6: {  	v54 =	vpop (erf);
	v44 =	vadd.s32 v44, v37;
	v40 =	vadd.f32 v46, v40;
	v45 =	vmul.f32 $4.000000000e+00, v45  }
0x2e7: {  	v43 =	vmul.f32 v54, v43;
	v44 =	vcvt.s32.f32 v44  }
0x2e8: {  	v57 =	vsub.f32 v41, v55;
	v40 =	vmul.f32 $4.000000000e+00, v40;
	v56 =	vmul.f32 $5.000000000e-01, v45  }
0x2e9: {  	v46 =	vadd.f32 v55, v41;
	v43 =	vmul.f32 $4.000000000e+00, v43;
	v39 =	vadd.f32 v44, v39  }
0x2ea: {  	[tilespmem:$0x14400] =	vst v57;
	v61 =	vmul.f32 v45, v42;
	v59 =	vsub.f32 v40, v56  }
0x2eb: {  	[tilespmem:$0x14500] =	vst v46;
	v58 =	vmul.f32 $5.000000000e-01, v43;
	v44 =	vadd.f32 v56, v40;
	v39 =	vmul.f32 $4.000000000e+00, v39  }
0x2ec: {  	v51 =	vmul.f32 v43, v61;
	[tilespmem:$0x14440] =	vst v59  }
0x2ed: {  	[tilespmem:$0x14540] =	vst v44;
	v60 =	vsub.f32 v39, v58  }
0x2ee: {  	[tilespmem:$0x14600] =	vst v51;
	v48 =	vadd.f32 v58, v39  }
0x2ef: {  	[tilespmem:$0x14480] =	vst v60  }
0x2f0: {  	s31 =	simm.s32 $0x13E00;
	[tilespmem:$0x14580] =	vst v48  }
0x2f1: {  	[tilespmem:v3+s31+$0x0] =	vst.idx.msk $0xffff, v6  }
0x2f2: {  	[tilespmem:v5+s31+$0x0] =	vst.idx.msk $0xffff, v38  }
0x2f3: {  	[tilespmem:v9+s31+$0x0] =	vst.idx.msk $0xffff, v41  }
0x2f4: {  	[tilespmem:v10+s31+$0x0] =	vst.idx.msk $0xffff, v40  }
0x2f5: {  	[tilespmem:v11+s31+$0x0] =	vst.idx.msk $0xffff, v39  }
0x2f6: {  	[tilespmem:v12+s31+$0x0] =	vst.idx.msk $0xffff, v42  }
0x2f7: {  	[tilespmem:v13+s31+$0x0] =	vst.idx.msk $0xffff, v45  }
0x2f8: {  	[tilespmem:v14+s31+$0x0] =	vst.idx.msk $0xffff, v43  }
0x2f9: {  	[tilespmem:v15+s31+$0x0] =	vst.idx.msk $0xffff, v57  }
0x2fa: {  	[tilespmem:v16+s31+$0x0] =	vst.idx.msk $0xffff, v59  }
0x2fb: {  	[tilespmem:v17+s31+$0x0] =	vst.idx.msk $0xffff, v60  }
0x2fc: {  	[tilespmem:v18+s31+$0x0] =	vst.idx.msk $0xffff, v46  }
0x2fd: {  	[tilespmem:v19+s31+$0x0] =	vst.idx.msk $0xffff, v44  }
0x2fe: {  	[tilespmem:v20+s31+$0x0] =	vst.idx.msk $0xffff, v48  }
0x2ff: {  	[tilespmem:v21+s31+$0x0] =	vst.idx.msk $0xffff, v51  }
0x300: {  	v39 =	vld [tilespmem:$0x3B90]  }
0x301: {  	s6 =	simm.s32 $0x0  }
0x302: {  	v62 =	vmov s6  }
0x303: {  	v40 =	vand.u32 $0x7F, v62  }
0x304: {  	v40 =	vbroadcast v40, $0x0  }
0x305: {  	v51 =	vshll.u32 v39, $0x7  }
0x306: {  	s0 =	simm.s32 $0x1;
	v45 =	vld [tilespmem:$0x3A90];
	v43 =	vor.u32 v51, v40  }
0x307: {  	v63 =	vmov s0;
	v42 =	vld [tilespmem:$0x13D10]  }
0x308: {  	v41 =	vld [tilespmem:$0x13D50];
	v40 =	vand.u32 $0x7F, v63  }
0x309: {  	v39 =	vld [tilespmem:$0x3B10];
	v44 =	vbroadcast v40, $0x0  }
0x30a: {  	v40 =	vld [tilespmem:$0x13D90]  }
0x30b: {  	s1 =	simm.s32 $0x2;
	v46 =	vimm.f32 $-Inf;
	v48 =	vor.u32 v51, v44;
	v47 =	vld.idx.msk [tilespmem:v43+s20+$0x0], $0xffff  }
.LBB2_25:
0x30c: {  	p0 =	sne.s32 s1, $0x23  }
.Ltmp12:
0x30d: {  	v49 =	vmov s1;
	s1 =	sadd.s32 $0x1, s1;
	(pc) =	sbr.rel @p0 .LBB2_25-.Ltmp12, $4  }
0x30e: {  	v49 =	vand.u32 $0x7F, v49  }
0x30f: {  	v49 =	vbroadcast v49, $0x0  }
0x310: {  	v46 =	vmax.f32 v46, v47;
	v47 =	vld.idx.msk [tilespmem:v48+s20+$0x0], $0xffff  }
0x311: {  	v48 =	vor.u32 v51, v49  }
0x312: {  	_ =	sdelay $0x3  }
0x313: {  	v48 =	vld.idx.msk [tilespmem:v48+s20+$0x0], $0xffff  }
0x314: {  	v49 =	vld.idx.msk [tilespmem:v43+s20+$0x0], $0xffff  }
0x315: {  	v44 =	vor.u32 v51, v44  }
0x316: {  	s1 =	simm.s32 $0x2  }
0x317: {  	v58 =	vmov s1;
	v57 =	vmax.f32 v46, v47  }
0x318: {  	v46 =	vand.u32 $0x7F, v58;
	v43 =	vmax.f32 v57, v48  }
0x319: {  	v46 =	vbroadcast v46, $0x0;
	v59 =	vsub.f32 v49, v43  }
0x31a: {  	v44 =	vld.idx.msk [tilespmem:v44+s20+$0x0], $0xffff  }
0x31b: {  	v46 =	vor.u32 v51, v46;
	v47 =	vmul.f32 $1.442695020e+00, v59  }
0x31c: {  	s15 =	simm.s32 $0x3  }
0x31d: {  	v60 =	vmov s15;
	(erf) = vpow2.f32 v47  }
0x31e: {  	v47 =	vand.u32 $0x7F, v60  }
0x31f: {  	v44 =	vsub.f32 v44, v43;
	v47 =	vbroadcast v47, $0x0  }
0x320: {  	v46 =	vld.idx.msk [tilespmem:v46+s20+$0x0], $0xffff  }
0x321: {  	s10 =	simm.s32 $0x4;
	v62 =	vmul.f32 $1.442695020e+00, v44;
	v47 =	vor.u32 v51, v47  }
0x322: {  	v61 =	vmov s10  }
0x323: {  	v48 =	vand.u32 $0x7F, v61;
	(erf) = vpow2.f32 v62  }
0x324: {  	v48 =	vbroadcast v48, $0x0  }
0x325: {  	s4 =	scvt.s32.f32 s6;
	v46 =	vsub.f32 v46, v43  }
0x326: {  	v48 =	vor.u32 v51, v48;
	v44 =	vimm.f32 $0.0e+00;
	v47 =	vld.idx.msk [tilespmem:v47+s20+$0x0], $0xffff;
	v63 =	vpop (erf)  }
0x327: {  	s6 =	simm.s32 $0x5;
	v50 =	vmul.f32 $1.442695020e+00, v46;
	v46 =	vadd.f32 v63, v44;
	v49 =	vmul.f32 s4, v63  }
.LBB2_27:
0x328: {  	v52 =	vmov s6;
	p0 =	sne.s32 s6, $0x23;
	s4 =	smov.u32 s6;
	s6 =	sadd.s32 $0x1, s6  }
.Ltmp13:
0x329: {  	v52 =	vand.u32 $0x7F, v52;
	(erf) = vpow2.f32 v50;
	v44 =	vadd.f32 v49, v44;
	(pc) =	sbr.rel @p0 .LBB2_27-.Ltmp13, $4  }
0x32a: {  	v1 =	vbroadcast v52, $0x0  }
0x32b: {  	s7 =	scvt.s32.f32 s0;
	s0 =	smov.u32 s1;
	s1 =	smov.u32 s15;
	v50 =	vsub.f32 v47, v43;
	v47 =	vld.idx.msk [tilespmem:v48+s20+$0x0], $0xffff  }
0x32c: {  	s15 =	smov.u32 s10;
	s10 =	smov.u32 s4;
	v48 =	vor.u32 v51, v1;
	v49 =	vpop (erf)  }
0x32d: {  	v50 =	vmul.f32 $1.442695020e+00, v50;
	v46 =	vadd.f32 v49, v46;
	v49 =	vmul.f32 s7, v49  }
0x32e: {  	_ =	sdelay $0x3  }
0x32f: {  	v48 =	vld.idx.msk [tilespmem:v48+s20+$0x0], $0xffff;
	_ =	sdelay $0x2  }
0x330: {  	v47 =	vsub.f32 v47, v43;
	_ =	sdelay $0x1  }
0x331: {  	(erf) = vpow2.f32 v50;
	v47 =	vmul.f32 $1.442695020e+00, v47;
	v50 =	vsub.f32 v48, v43;
	_ =	sdelay $0x1  }
0x332: {  	(erf) = vpow2.f32 v47;
	v43 =	vmul.f32 $1.442695020e+00, v50;
	_ =	sdelay $0x1  }
0x333: {  	(erf) = vpow2.f32 v43;
	_ =	sdelay $0x1  }
0x334: {  	s0 =	scvt.s32.f32 s0;
	s4 =	simm.s32 $0x24  }
0x335: {  	v52 =	vmov s4;
	v53 =	vpop (erf)  }
0x336: {  	s28 =	scvt.s32.f32 s1;
	s30 =	simm.s32 $0x25;
	v44 =	vadd.f32 v49, v44;
	v54 =	vmul.f32 s0, v53;
	v43 =	vand.u32 $0x7F, v52  }
0x337: {  	v61 =	vmov s30;
	v55 =	vpop (erf);
	v43 =	vbroadcast v43, $0x0  }
0x338: {  	s29 =	scvt.s32.f32 s15;
	v46 =	vadd.f32 v53, v46;
	v44 =	vadd.f32 v54, v44;
	v56 =	vmul.f32 s28, v55  }
0x339: {  	v47 =	vand.u32 $0x7F, v61;
	v58 =	vor.u32 v51, v43;
	v57 =	vpop (erf)  }
0x33a: {  	s31 =	scvt.s32.f32 s10;
	v46 =	vadd.f32 v55, v46;
	v59 =	vadd.f32 v56, v44;
	v60 =	vmul.f32 s29, v57  }
0x33b: {  	v52 =	vbroadcast v47, $0x0;
	v62 =	vpop (erf)  }
0x33c: {  	v46 =	vadd.f32 v57, v46;
	v43 =	vadd.f32 v60, v59;
	v63 =	vmul.f32 s31, v62  }
0x33d: {  	v48 =	vor.u32 v51, v52  }
0x33e: {  	s0 =	simm.s32 $0x26;
	v47 =	vld.idx.msk [tilespmem:v58+s20+$0x0], $0xffff;
	v44 =	vadd.f32 v62, v46;
	v46 =	vimm.f32 $-Inf;
	v43 =	vadd.f32 v63, v43  }
.LBB2_29:
0x33f: {  	p0 =	sne.s32 s0, $0x47  }
.Ltmp14:
0x340: {  	v49 =	vmov s0;
	s0 =	sadd.s32 $0x1, s0;
	(pc) =	sbr.rel @p0 .LBB2_29-.Ltmp14, $4  }
0x341: {  	v49 =	vand.u32 $0x7F, v49  }
0x342: {  	v49 =	vbroadcast v49, $0x0  }
0x343: {  	v46 =	vmax.f32 v46, v47;
	v47 =	vld.idx.msk [tilespmem:v48+s20+$0x0], $0xffff  }
0x344: {  	v48 =	vor.u32 v51, v49  }
0x345: {  	s0 =	simm.s32 $0x24  }
0x346: {  	v49 =	vmov s0  }
0x347: {  	v49 =	vand.u32 $0x7F, v49  }
0x348: {  	v49 =	vbroadcast v49, $0x0;
	_ =	sdelay $0x1  }
0x349: {  	v49 =	vor.u32 v51, v49;
	_ =	sdelay $0x1  }
0x34a: {  	s28 =	simm.s32 $0x25  }
0x34b: {  	v50 =	vmov s28  }
0x34c: {  	v48 =	vld.idx.msk [tilespmem:v48+s20+$0x0], $0xffff;
	v50 =	vand.u32 $0x7F, v50  }
0x34d: {  	v50 =	vbroadcast v50, $0x0;
	v49 =	vld.idx.msk [tilespmem:v49+s20+$0x0], $0xffff;
	_ =	sdelay $0x1  }
0x34e: {  	v58 =	vor.u32 v51, v50  }
0x34f: {  	s29 =	simm.s32 $0x26;
	v46 =	vmax.f32 v46, v47  }
0x350: {  	v59 =	vmov s29;
	v46 =	vmax.f32 v46, v48  }
0x351: {  	v48 =	vand.u32 $0x7F, v59;
	v49 =	vsub.f32 v49, v46  }
0x352: {  	v48 =	vbroadcast v48, $0x0  }
0x353: {  	v47 =	vld.idx.msk [tilespmem:v58+s20+$0x0], $0xffff;
	v49 =	vmul.f32 $1.442695020e+00, v49  }
0x354: {  	s30 =	simm.s32 $0x27;
	v48 =	vor.u32 v51, v48  }
0x355: {  	v60 =	vmov s30;
	(erf) = vpow2.f32 v49  }
0x356: {  	v61 =	vand.u32 $0x7F, v60  }
0x357: {  	v49 =	vbroadcast v61, $0x0  }
0x358: {  	s31 =	simm.s32 $0x28;
	v47 =	vsub.f32 v47, v46  }
0x359: {  	v62 =	vmov s31;
	v48 =	vld.idx.msk [tilespmem:v48+s20+$0x0], $0xffff;
	v49 =	vor.u32 v51, v49  }
0x35a: {  	v63 =	vand.u32 $0x7F, v62;
	v52 =	vmul.f32 $1.442695020e+00, v47  }
0x35b: {  	v50 =	vbroadcast v63, $0x0  }
0x35c: {  	s4 =	simm.s32 $0x0;
	(erf) = vpow2.f32 v52  }
0x35d: {  	s10 =	simm.s32 $0x1;
	s6 =	simm.s32 $0x2;
	s1 =	simm.s32 $0x3;
	v50 =	vor.u32 v51, v50  }
0x35e: {  	s15 =	simm.s32 $0x5;
	s0 =	simm.s32 $0x4;
	s16 =	scvt.s32.f32 s4;
	v47 =	vimm.f32 $0.0e+00;
	v53 =	vsub.f32 v48, v46;
	v48 =	vimm.f32 $0.0e+00;
	v49 =	vld.idx.msk [tilespmem:v49+s20+$0x0], $0xffff;
	v52 =	vpop (erf)  }
.LBB2_31:
0x35f: {  	s4 =	sadd.s32 $0x24, s15  }
0x360: {  	p0 =	sne.s32 s15, $0x23;
	v53 =	vmul.f32 $1.442695020e+00, v53;
	v47 =	vadd.f32 v52, v47;
	v52 =	vmul.f32 s16, v52;
	s7 =	smov.u32 s15;
	s15 =	sadd.s32 $0x1, s15  }
.Ltmp15:
0x361: {  	v54 =	vmov s4;
	(pc) =	sbr.rel @p0 .LBB2_31-.Ltmp15, $4  }
0x362: {  	v54 =	vand.u32 $0x7F, v54;
	(erf) = vpow2.f32 v53;
	v48 =	vadd.f32 v52, v48  }
0x363: {  	v1 =	vbroadcast v54, $0x0  }
0x364: {  	s16 =	scvt.s32.f32 s10;
	s10 =	smov.u32 s6;
	s6 =	smov.u32 s1;
	v53 =	vsub.f32 v49, v46;
	v49 =	vld.idx.msk [tilespmem:v50+s20+$0x0], $0xffff  }
0x365: {  	s1 =	smov.u32 s0;
	s0 =	smov.u32 s7;
	v50 =	vor.u32 v51, v1;
	v52 =	vpop (erf)  }
0x366: {  	_ =	sdelay $0x3  }
0x367: {  	v50 =	vld.idx.msk [tilespmem:v50+s20+$0x0], $0xffff;
	_ =	sdelay $0x2  }
0x368: {  	v53 =	vmul.f32 $1.442695020e+00, v53;
	v49 =	vsub.f32 v49, v46;
	_ =	sdelay $0x1  }
0x369: {  	(erf) = vpow2.f32 v53;
	v49 =	vmul.f32 $1.442695020e+00, v49;
	v62 =	vsub.f32 v50, v46;
	_ =	sdelay $0x1  }
0x36a: {  	(erf) = vpow2.f32 v49;
	v46 =	vmul.f32 $1.442695020e+00, v62;
	_ =	sdelay $0x1  }
0x36b: {  	(erf) = vpow2.f32 v46;
	_ =	sdelay $0x1  }
0x36c: {  	v63 =	vmul.f32 s16, v52;
	s4 =	scvt.s32.f32 s10  }
0x36d: {  	v47 =	vadd.f32 v52, v47;
	s30 =	simm.s32 $0x48;
	v34 =	vpop (erf)  }
0x36e: {  	s6 =	scvt.s32.f32 s6;
	v36 =	vmov s30;
	v35 =	vmul.f32 s4, v34;
	v46 =	vadd.f32 v63, v48  }
0x36f: {  	v56 =	vand.u32 $0x80, v36;
	v50 =	vand.u32 $0x7F, v36;
	v47 =	vadd.f32 v34, v47;
	v37 =	vpop (erf)  }
0x370: {  	s1 =	scvt.s32.f32 s1;
	s31 =	simm.s32 $0x49;
	v48 =	vadd.s32 v51, v56;
	v46 =	vadd.f32 v35, v46;
	v57 =	vmul.f32 s6, v37  }
0x371: {  	v61 =	vmov s31;
	v50 =	vor.u32 v50, v48;
	v58 =	vpop (erf)  }
0x372: {  	s0 =	scvt.s32.f32 s0;
	v47 =	vadd.f32 v37, v47;
	v46 =	vadd.f32 v57, v46;
	v59 =	vmul.f32 s1, v58  }
0x373: {  	v63 =	vand.u32 $0x80, v61;
	v60 =	vpop (erf)  }
0x374: {  	v47 =	vadd.f32 v58, v47;
	v46 =	vadd.f32 v59, v46;
	v62 =	vmul.f32 s0, v60  }
0x375: {  	v52 =	vand.u32 $0x7F, v61;
	v53 =	vadd.s32 v51, v63;
	v48 =	vimm.f32 $-Inf  }
0x376: {  	v49 =	vld.idx.msk [tilespmem:v50+s20+$0x0], $0xffff;
	v50 =	vor.u32 v52, v53;
	v47 =	vadd.f32 v60, v47;
	s0 =	simm.s32 $0x4A;
	v46 =	vadd.f32 v62, v46  }
.LBB2_33:
0x377: {  	p0 =	sne.s32 s0, $0x6B  }
.Ltmp16:
0x378: {  	_ = 	snop;
	(pc) =	sbr.rel @p0 .LBB2_33-.Ltmp16, $4  }
0x379: {  	v52 =	vmov s0  }
0x37a: {  	v53 =	vand.u32 $0x80, v52  }
0x37b: {  	v52 =	vand.u32 $0x7F, v52;
	v53 =	vadd.s32 v51, v53  }
0x37c: {  	s0 =	sadd.s32 $0x1, s0;
	v48 =	vmax.f32 v48, v49;
	v49 =	vld.idx.msk [tilespmem:v50+s20+$0x0], $0xffff;
	v50 =	vor.u32 v52, v53  }
0x37d: {  	s0 =	simm.s32 $0x48  }
0x37e: {  	v52 =	vmov s0  }
0x37f: {  	v53 =	vand.u32 $0x80, v52  }
0x380: {  	v52 =	vand.u32 $0x7F, v52;
	v53 =	vadd.s32 v51, v53  }
0x381: {  	v52 =	vor.u32 v52, v53;
	_ =	sdelay $0x2  }
0x382: {  	s25 =	simm.s32 $0x49  }
0x383: {  	v50 =	vld.idx.msk [tilespmem:v50+s20+$0x0], $0xffff;
	v35 =	vmov s25  }
0x384: {  	v54 =	vand.u32 $0x80, v35;
	v53 =	vld.idx.msk [tilespmem:v52+s20+$0x0], $0xffff  }
0x385: {  	v36 =	vand.u32 $0x7F, v35;
	v54 =	vadd.s32 v51, v54  }
0x386: {  	v37 =	vor.u32 v36, v54  }
0x387: {  	s26 =	simm.s32 $0x4A;
	v48 =	vmax.f32 v48, v49  }
0x388: {  	v56 =	vmov s26;
	v52 =	vmax.f32 v48, v50  }
0x389: {  	v57 =	vand.u32 $0x80, v56;
	v53 =	vsub.f32 v53, v52  }
0x38a: {  	v49 =	vand.u32 $0x7F, v56;
	v50 =	vadd.s32 v51, v57  }
0x38b: {  	v48 =	vld.idx.msk [tilespmem:v37+s20+$0x0], $0xffff;
	v49 =	vor.u32 v49, v50;
	v58 =	vmul.f32 $1.442695020e+00, v53;
	_ =	sdelay $0x1  }
0x38c: {  	(erf) = vpow2.f32 v58  }
0x38d: {  	s29 =	simm.s32 $0x4B  }
0x38e: {  	v59 =	vmov s29  }
0x38f: {  	v60 =	vand.u32 $0x80, v59;
	v48 =	vsub.f32 v48, v52;
	v49 =	vld.idx.msk [tilespmem:v49+s20+$0x0], $0xffff  }
0x390: {  	v50 =	vand.u32 $0x7F, v59;
	v53 =	vadd.s32 v51, v60  }
0x391: {  	s30 =	simm.s32 $0x4C;
	v62 =	vmul.f32 $1.442695020e+00, v48;
	v50 =	vor.u32 v50, v53  }
0x392: {  	v61 =	vmov s30  }
0x393: {  	s31 =	simm.s32 $0x0;
	v63 =	vand.u32 $0x80, v61;
	(erf) = vpow2.f32 v62  }
0x394: {  	s1 =	scvt.s32.f32 s31;
	v55 =	vadd.s32 v51, v63;
	v53 =	vand.u32 $0x7F, v61;
	v49 =	vsub.f32 v49, v52  }
0x395: {  	s28 =	simm.s32 $0x1;
	s24 =	simm.s32 $0x4;
	v48 =	vimm.f32 $0.0e+00;
	v55 =	vor.u32 v53, v55;
	v56 =	vpop (erf)  }
0x396: {  	s26 =	simm.s32 $0x2;
	s25 =	simm.s32 $0x3;
	s0 =	simm.s32 $0x5;
	v53 =	vld.idx.msk [tilespmem:v50+s20+$0x0], $0xffff;
	v54 =	vmul.f32 $1.442695020e+00, v49;
	v50 =	vadd.f32 v56, v48;
	v49 =	vmul.f32 s1, v56  }
.LBB2_35:
0x397: {  	s1 =	sadd.s32 $0x48, s0  }
0x398: {  	p0 =	sne.s32 s0, $0x23;
	s4 =	smov.u32 s0;
	s0 =	sadd.s32 $0x1, s0  }
.Ltmp17:
0x399: {  	v56 =	vmov s1;
	(erf) = vpow2.f32 v54;
	v48 =	vadd.f32 v49, v48;
	(pc) =	sbr.rel @p0 .LBB2_35-.Ltmp17, $4  }
0x39a: {  	v4 =	vand.u32 $0x80, v56  }
0x39b: {  	s1 =	scvt.s32.f32 s28;
	s28 =	smov.u32 s26;
	s26 =	smov.u32 s25;
	v54 =	vand.u32 $0x7F, v56;
	v56 =	vsub.f32 v53, v52;
	v1 =	vadd.s32 v51, v4;
	v53 =	vld.idx.msk [tilespmem:v55+s20+$0x0], $0xffff  }
0x39c: {  	s25 =	smov.u32 s24;
	s24 =	smov.u32 s4;
	v55 =	vor.u32 v54, v1;
	v49 =	vpop (erf)  }
0x39d: {  	v54 =	vmul.f32 $1.442695020e+00, v56;
	v50 =	vadd.f32 v49, v50;
	v49 =	vmul.f32 s1, v49  }
0x39e: {  	(v2sf) =	vpush v45, $0xD;
	_ =	sdelay $0x1  }
0x39f: {  	(v2sf) =	vpush v45, $0xC;
	_ =	sdelay $0x1  }
0x3a0: {  	(v2sf) =	vpush v45, $0xE;
	_ =	sdelay $0x1  }
0x3a1: {  	(v2sf) =	vpush v45, $0xF;
	_ =	sdelay $0x1  }
0x3a2: {  	(v2sf) =	vpush v45, $0x9  }
0x3a3: {  	(v2sf) =	vpush v45, $0x8;
	_ =	sdelay $0x2  }
0x3a4: {  	(v2sf) =	vpush v45, $0xA;
	_ =	sdelay $0x2  }
0x3a5: {  	(v2sf) =	vpush v45, $0xB;
	s0 =	spop (v2sf)  }
0x3a6: {  	s1 =	smulhi.u32 $0x38E38E39, s0;
	s0 =	sshra.s32 s0, $0x1F  }
0x3a7: {  	s4 =	spop (v2sf);
	s0 =	smul.u32 $0x38E38E39, s0  }
0x3a8: {  	(v2sf) =	vpush v45, $0x0;
	s16 =	smulhi.u32 $0x38E38E39, s4;
	s4 =	sshra.s32 s4, $0x1F  }
0x3a9: {  	s7 =	spop (v2sf);
	s4 =	smul.u32 $0x38E38E39, s4  }
0x3aa: {  	(v2sf) =	vpush v45, $0x1;
	s8 =	smulhi.u32 $0x38E38E39, s7;
	s7 =	sshra.s32 s7, $0x1F  }
0x3ab: {  	s9 =	spop (v2sf);
	s7 =	smul.u32 $0x38E38E39, s7  }
0x3ac: {  	(v2sf) =	vpush v45, $0x2;
	s10 =	smulhi.u32 $0x38E38E39, s9;
	s9 =	sshra.s32 s9, $0x1F  }
0x3ad: {  	s11 =	spop (v2sf);
	s0 =	sadd.s32 s0, s1;
	s9 =	smul.u32 $0x38E38E39, s9  }
0x3ae: {  	(v2sf) =	vpush v45, $0x3;
	s6 =	smulhi.u32 $0x38E38E39, s11;
	s11 =	sshra.s32 s11, $0x1F;
	s15 =	spop (v2sf)  }
0x3af: {  	(v2sf) =	vpush v45, $0x4;
	[dreg:$0xd] =	wrdreg s0;
	s11 =	smul.u32 $0x38E38E39, s11  }
0x3b0: {  	(v2sf) =	vpush v45, $0x5;
	s0 =	sshrl.u32 s0, $0x1F;
	s17 =	sadd.s32 s4, s16;
	s18 =	smulhi.u32 $0x38E38E39, s15  }
0x3b1: {  	s15 =	sshra.s32 s15, $0x1F;
	s30 =	spop (v2sf);
	[smem:$0x7D0] =	sst s0  }
0x3b2: {  	(v2sf) =	vpush v45, $0x6;
	[dreg:$0x11] =	wrdreg s17;
	s21 =	smul.u32 $0x38E38E39, s15  }
0x3b3: {  	s0 =	sshrl.u32 s17, $0x1F;
	(v2sf) =	vpush v45, $0x7;
	s23 =	smulhi.u32 $0x38E38E39, s30;
	s31 =	sshra.s32 s30, $0x1F  }
0x3b4: {  	s17 =	sadd.s32 s7, s8;
	s15 =	spop (v2sf);
	s29 =	smul.u32 $0x38E38E39, s31  }
0x3b5: {  	[smem:$0x7CF] =	sst s0;
	s16 =	smulhi.u32 $0x38E38E39, s15;
	s1 =	sshra.s32 s15, $0x1F  }
0x3b6: {  	[smem:$0x7D5] =	sst s17;
	s15 =	sadd.s32 s9, s10;
	s31 =	smul.u32 $0x38E38E39, s1  }
0x3b7: {  	s8 =	sadd.s32 s11, s6;
	[smem:$0x7D7] =	sst s15;
	s30 =	spop (v2sf)  }
0x3b8: {  	[smem:$0x7D4] =	sst s8;
	s7 =	smulhi.u32 $0x38E38E39, s30;
	s0 =	sshra.s32 s30, $0x1F  }
0x3b9: {  	s4 =	sadd.s32 s21, s18;
	s1 =	spop (v2sf);
	s30 =	smul.u32 $0x38E38E39, s0  }
0x3ba: {  	[smem:$0x7D1] =	sst s4;
	s10 =	smulhi.u32 $0x38E38E39, s1;
	s9 =	sshra.s32 s1, $0x1F  }
0x3bb: {  	s4 =	sadd.s32 s31, s16;
	s6 =	spop (v2sf);
	s9 =	smul.u32 $0x38E38E39, s9  }
0x3bc: {  	[smem:$0x7D8] =	sst s4;
	s21 =	smulhi.u32 $0x38E38E39, s6;
	s11 =	sshra.s32 s6, $0x1F  }
0x3bd: {  	s18 =	spop (v2sf);
	s11 =	smul.u32 $0x38E38E39, s11  }
0x3be: {  	s6 =	sadd.s32 s29, s23;
	s23 =	spop (v2sf);
	s1 =	smulhi.u32 $0x38E38E39, s18  }
0x3bf: {  	s0 =	sshra.s32 s18, $0x1F;
	s7 =	sadd.s32 s30, s7;
	s29 =	spop (v2sf)  }
0x3c0: {  	s31 =	smulhi.u32 $0x38E38E39, s23;
	s9 =	sadd.s32 s9, s10;
	s30 =	sshra.s32 s23, $0x1F  }
0x3c1: {  	s16 =	spop (v2sf);
	s11 =	sadd.s32 s11, s21;
	s21 =	smul.u32 $0x38E38E39, s30  }
0x3c2: {  	s30 =	smulhi.u32 $0x38E38E39, s29;
	s29 =	sshra.s32 s29, $0x1F;
	s18 =	spop (v2sf)  }
0x3c3: {  	[smem:$0x7D2] =	sst s31;
	s10 =	smulhi.u32 $0x38E38E39, s18;
	s31 =	sshra.s32 s18, $0x1F  }
0x3c4: {  	[smem:$0x7D3] =	sst s30;
	s30 =	smul.u32 $0x38E38E39, s29;
	s29 =	sshrl.u32 s17, $0x1F  }
0x3c5: {  	s17 =	sshrl.u32 s15, $0x1F;
	s15 =	sld [smem:$0x7CF];
	s18 =	smul.u32 $0x38E38E39, s31  }
0x3c6: {  	[smem:$0x7D6] =	sst s6  }
0x3c7: {  	s0 =	smul.u32 $0x38E38E39, s0;
	s31 =	sshrl.u32 s7, $0x1F;
	s18 =	sadd.s32 s18, s10  }
0x3c8: {  	vm4 =	vcmask $0x300;
	vm3 =	vcmask $0xB08;
	v56 =	vmov s15;
	s15 =	sshrl.u32 s8, $0x1F;
	s8 =	sld [smem:$0x7D1];
	s10 =	sshra.s32 s18, $0x1F  }
0x3c9: {  	vm1 =	vcmask $0x704;
	s23 =	sshra.s32 s7, $0x7;
	v57 =	vmov s31;
	v51 =	vmov s10;
	s10 =	sld [smem:$0x7D0]  }
0x3ca: {  	vm2 =	vcmask $0x1310;
	s1 =	sadd.s32 s0, s1;
	s7 =	sshra.s32 s7, $0x1F;
	v57 =	vnsel vm4, $0x0, v57;
	v51 =	vsel vm4, s23, v51;
	s23 =	sshrl.u32 s9, $0x1F  }
0x3cb: {  	vm6 =	vcmask $0x1B18;
	s0 =	sshra.s32 s9, $0x7;
	s31 =	sshrl.u32 s6, $0x1F;
	s6 =	sshrl.u32 s11, $0x1F;
	v51 =	vsel vm1, s7, v51;
	v57 =	vsel vm3, s23, v57  }
0x3cc: {  	s7 =	sshra.s32 s9, $0x1F;
	s9 =	sshrl.u32 s8, $0x1F;
	vm1 =	vcmask $0xF0C;
	s23 =	sld [smem:$0x7D2];
	v56 =	vsel vm3, s10, v56;
	v51 =	vsel vm3, s0, v51  }
0x3cd: {  	s10 =	sshrl.u32 s4, $0x1F;
	s0 =	smulhi.u32 $0x38E38E39, s16;
	v58 =	vmov s9;
	v56 =	vsel vm2, s29, v56;
	v51 =	vsel vm1, s7, v51;
	s7 =	sshra.s32 s16, $0x1F  }
0x3ce: {  	s16 =	sshrl.u32 s1, $0x1F;
	s29 =	sshra.s32 s11, $0x1F;
	v58 =	vsel vm3, s15, v58;
	v56 =	vsel vm6, s17, v56;
	s17 =	sshra.s32 s11, $0x7  }
0x3cf: {  	v57 =	vsel vm2, s6, v57;
	s9 =	sadd.s32 s21, s23;
	s21 =	sshra.s32 s1, $0x7;
	v58 =	vsel vm2, s31, v58;
	v51 =	vsel vm2, s17, v51;
	s17 =	sld [smem:$0x7D3]  }
0x3d0: {  	vm1 =	vcmask $0x1714;
	v57 =	vsel vm6, s16, v57;
	s31 =	sshra.s32 s8, $0x7;
	s16 =	sshrl.u32 s9, $0x1F;
	v58 =	vsel vm6, s10, v58;
	s10 =	sld [smem:$0x7D4]  }
0x3d1: {  	vm5 =	vcmask $0x2320;
	s8 =	sshra.s32 s9, $0x1F;
	v51 =	vsel vm1, s29, v51;
	s29 =	sshra.s32 s9, $0x7;
	s9 =	rddreg [dreg:$0xd]  }
0x3d2: {  	s4 =	smul.u32 $0x38E38E39, s7;
	s1 =	sshra.s32 s1, $0x1F;
	v57 =	vsel vm5, s16, v57;
	vm1 =	vcmask $0x1F1C;
	s16 =	sld [smem:$0x7D5];
	v51 =	vsel vm6, s21, v51  }
0x3d3: {  	vm7 =	vcmask $0x2B28;
	s11 =	sadd.s32 s30, s17;
	v51 =	vsel vm1, s1, v51;
	s30 =	rddreg [dreg:$0x11]  }
0x3d4: {  	vm4 =	vcmask $0x3330;
	s0 =	sadd.s32 s4, s0;
	vm1 =	vcmask $0x2724;
	s17 =	sld [smem:$0x7D6];
	s23 =	sshrl.u32 s11, $0x1F;
	v51 =	vsel vm5, s29, v51  }
0x3d5: {  	v59 =	vmov s31;
	s4 =	sshrl.u32 s0, $0x1F;
	s15 =	sshra.s32 s11, $0x7;
	s29 =	sld [smem:$0x7D8];
	v57 =	vsel vm7, s23, v57;
	v51 =	vsel vm1, s8, v51  }
0x3d6: {  	s21 =	sshra.s32 s11, $0x1F;
	s23 =	sld [smem:$0x7D7];
	vm1 =	vcmask $0x2F2C;
	v57 =	vsel vm4, s4, v57;
	s4 =	sshra.s32 s30, $0x7;
	v51 =	vsel vm7, s15, v51  }
0x3d7: {  	v56 =	vcombine.low v58, v56;
	s7 =	sshra.s32 s9, $0x7;
	v35 =	vmov s4;
	s4 =	sshra.s32 s10, $0x7;
	v51 =	vsel vm1, s21, v51  }
0x3d8: {  	s6 =	sshra.s32 s16, $0x7;
	s30 =	sshra.s32 s0, $0x7;
	vm1 =	vcmask $0x3B38;
	v58 =	vsel vm3, s7, v35;
	v59 =	vsel vm3, s4, v59;
	s4 =	sshra.s32 s17, $0x7  }
0x3d9: {  	v51 =	vsel vm4, s30, v51;
	v58 =	vsel vm2, s6, v58;
	s6 =	sshra.s32 s23, $0x7;
	v59 =	vsel vm2, s4, v59;
	s4 =	sshra.s32 s29, $0x7  }
0x3da: {  	s31 =	sshrl.u32 s18, $0x1F;
	s0 =	sshra.s32 s0, $0x1F;
	vm4 =	vcmask $0x3734;
	v58 =	vsel vm6, s6, v58;
	v59 =	vsel vm6, s4, v59  }
0x3db: {  	s8 =	sshra.s32 s18, $0x7;
	v57 =	vsel vm1, s31, v57;
	v51 =	vsel vm4, s0, v51;
	v58 =	vcombine.low v59, v58  }
0x3dc: {  	v56 =	vperm.xlane v56, v7;
	v57 =	vperm.xlane v57, v8;
	v51 =	vsel vm1, s8, v51  }
0x3dd: {  	v51 =	vperm.xlane v51, v8;
	v58 =	vperm.xlane v58, v7;
	_ =	sdelay $0x1  }
0x3de: {  	v56 =	vsel vm8, v57, v56;
	v51 =	vsel vm8, v51, v58  }
0x3df: {  	v51 =	vadd.s32 v56, v51  }
0x3e0: {  	v56 =	vmul.u32 $0xFFFFFDC0, v51  }
0x3e1: {  	v36 =	vsub.s32 $0x0, v45  }
0x3e2: {  	vm4 =	vlt.s32 v45, $0x1;
	vm5 =	vne.s32 v56, v36  }
0x3e3: {  	vm4 =	vmand vm4, vm5  }
0x3e4: {  	v37 =	vsel vm4, $0xFFFFFFFF, v2  }
0x3e5: {  	v51 =	vadd.s32 v37, v51  }
0x3e6: {  	v56 =	vmul.u32 $0xFFFFFDC0, v51;
	_ =	sdelay $0x1  }
0x3e7: {  	v45 =	vadd.s32 v45, v56  }
0x3e8: {  	(v2sf) =	vpush v45, $0xD;
	_ =	sdelay $0x1  }
0x3e9: {  	(v2sf) =	vpush v45, $0xC;
	_ =	sdelay $0x1  }
0x3ea: {  	(v2sf) =	vpush v45, $0xE;
	_ =	sdelay $0x1  }
0x3eb: {  	(v2sf) =	vpush v45, $0xF;
	_ =	sdelay $0x1  }
0x3ec: {  	(v2sf) =	vpush v45, $0x9;
	_ =	sdelay $0x1  }
0x3ed: {  	(v2sf) =	vpush v45, $0x8;
	_ =	sdelay $0x2  }
0x3ee: {  	(v2sf) =	vpush v45, $0xA;
	_ =	sdelay $0x1  }
0x3ef: {  	(v2sf) =	vpush v45, $0xB;
	s9 =	spop (v2sf)  }
0x3f0: {  	s1 =	smulhi.u32 $0x2AAAAAAB, s9;
	s0 =	sshra.s32 s9, $0x1F  }
0x3f1: {  	(v2sf) =	vpush v45, $0x0;
	s10 =	spop (v2sf);
	s0 =	smul.u32 $0x2AAAAAAB, s0  }
0x3f2: {  	s29 =	smulhi.u32 $0x2AAAAAAB, s10;
	s4 =	sshra.s32 s10, $0x1F  }
0x3f3: {  	s11 =	spop (v2sf);
	s4 =	smul.u32 $0x2AAAAAAB, s4  }
0x3f4: {  	s15 =	smulhi.u32 $0x2AAAAAAB, s11;
	s7 =	sshra.s32 s11, $0x1F  }
0x3f5: {  	(v2sf) =	vpush v45, $0x1;
	s16 =	spop (v2sf);
	s21 =	smul.u32 $0x2AAAAAAB, s7  }
0x3f6: {  	(v2sf) =	vpush v45, $0x2;
	s17 =	smulhi.u32 $0x2AAAAAAB, s16  }
0x3f7: {  	(v2sf) =	vpush v45, $0x3;
	s9 =	sshra.s32 s16, $0x1F;
	s18 =	spop (v2sf);
	[smem:$0x7D9] =	sst s4  }
0x3f8: {  	(v2sf) =	vpush v45, $0x4;
	s0 =	sadd.s32 s0, s1;
	[smem:$0x7DA] =	sst s15;
	s7 =	smul.u32 $0x2AAAAAAB, s9  }
0x3f9: {  	(v2sf) =	vpush v45, $0x5;
	s23 =	smulhi.u32 $0x2AAAAAAB, s18;
	s10 =	sshra.s32 s18, $0x1F;
	s30 =	spop (v2sf)  }
0x3fa: {  	(v2sf) =	vpush v45, $0x6;
	[dreg:$0x16] =	wrdreg s0;
	s18 =	smul.u32 $0x2AAAAAAB, s10  }
0x3fb: {  	s0 =	sshrl.u32 s0, $0x1F;
	[smem:$0x7DB] =	sst s17;
	s31 =	smulhi.u32 $0x2AAAAAAB, s30  }
0x3fc: {  	s4 =	sshra.s32 s30, $0x1F;
	s6 =	spop (v2sf);
	[smem:$0x7E1] =	sst s0  }
0x3fd: {  	[smem:$0x7DC] =	sst s23;
	s23 =	smul.u32 $0x2AAAAAAB, s4  }
0x3fe: {  	s8 =	spop (v2sf);
	s11 =	smulhi.u32 $0x2AAAAAAB, s6;
	s15 =	sshra.s32 s6, $0x1F  }
0x3ff: {  	[smem:$0x7DD] =	sst s31;
	s17 =	smul.u32 $0x2AAAAAAB, s15  }
0x400: {  	s9 =	spop (v2sf);
	s15 =	smulhi.u32 $0x2AAAAAAB, s8;
	s16 =	sshra.s32 s8, $0x1F  }
0x401: {  	[smem:$0x7DE] =	sst s11;
	s11 =	smul.u32 $0x2AAAAAAB, s16  }
0x402: {  	s16 =	smulhi.u32 $0x2AAAAAAB, s9;
	s10 =	sshra.s32 s9, $0x1F;
	[smem:$0x7DF] =	sst s15  }
0x403: {  	s8 =	smul.u32 $0x2AAAAAAB, s10;
	s10 =	sld [smem:$0x7D9]  }
0x404: {  	(v2sf) =	vpush v45, $0x7;
	s30 =	spop (v2sf);
	s15 =	sld [smem:$0x7DA]  }
0x405: {  	s31 =	spop (v2sf);
	[smem:$0x7E0] =	sst s16  }
0x406: {  	s1 =	sadd.s32 s10, s29;
	s29 =	sld [smem:$0x7DB];
	s4 =	spop (v2sf)  }
0x407: {  	s10 =	sadd.s32 s21, s15;
	s15 =	sld [smem:$0x7DC];
	s6 =	spop (v2sf)  }
0x408: {  	[dreg:$0x1a] =	wrdreg s1;
	s9 =	spop (v2sf)  }
0x409: {  	[smem:$0x7E2] =	sst s9;
	s21 =	spop (v2sf)  }
0x40a: {  	v55 =	vld.idx.msk [tilespmem:v55+s20+$0x0], $0xffff;
	[smem:$0x7E4] =	sst s21  }
0x40b: {  	s16 =	smulhi.u32 $0x2AAAAAAB, s30;
	s30 =	sshra.s32 s30, $0x1F;
	s21 =	sld [smem:$0x7DD]  }
0x40c: {  	s9 =	sadd.s32 s7, s29;
	s29 =	smulhi.u32 $0x2AAAAAAB, s31;
	s31 =	sshra.s32 s31, $0x1F  }
0x40d: {  	s7 =	sadd.s32 s18, s15;
	s18 =	smul.u32 $0x2AAAAAAB, s31;
	s31 =	sld [smem:$0x7DE]  }
0x40e: {  	v53 =	vsub.f32 v53, v52;
	[smem:$0x7E7] =	sst s10;
	s15 =	sadd.s32 s23, s21;
	s21 =	smulhi.u32 $0x2AAAAAAB, s4  }
0x40f: {  	v57 =	vsub.f32 v55, v52;
	s23 =	sshra.s32 s4, $0x1F;
	s4 =	sshrl.u32 s1, $0x1F;
	s1 =	sld [smem:$0x7DF]  }
0x410: {  	v39 =	vsub.f32 $0.0e+00, v39;
	v53 =	vmul.f32 $1.442695020e+00, v53;
	s30 =	smul.u32 $0x2AAAAAAB, s30;
	[dreg:$0x1d] =	wrdreg s9;
	s0 =	sadd.s32 s17, s31  }
0x411: {  	(erf) = vpow2.f32 v54;
	v52 =	vmul.f32 $1.442695020e+00, v57;
	s17 =	sshra.s32 s6, $0x1F;
	[smem:$0x7E3] =	sst s0;
	s23 =	smul.u32 $0x2AAAAAAB, s23  }
0x412: {  	v39 =	vmul.f32 $1.442695020e+00, v39;
	(erf) = vpow2.f32 v53;
	s0 =	smulhi.u32 $0x2AAAAAAB, s6;
	s31 =	sadd.s32 s11, s1;
	s11 =	sld [smem:$0x7E0]  }
0x413: {  	(erf) = vpow2.f32 v52;
	s1 =	smul.u32 $0x2AAAAAAB, s17;
	s17 =	spop (v2sf);
	s21 =	sadd.s32 s23, s21  }
0x414: {  	(erf) = vpow2.f32 v39;
	s23 =	sshrl.u32 s9, $0x1F;
	s9 =	sld [smem:$0x7E1];
	s6 =	sshra.s32 s17, $0x1F  }
0x415: {  	s11 =	sadd.s32 s8, s11;
	s8 =	sadd.s32 s30, s16;
	s16 =	smulhi.u32 $0x2AAAAAAB, s17  }
0x416: {  	[smem:$0x7E6] =	sst s7;
	v58 =	vmov s4;
	s30 =	sshrl.u32 s10, $0x1F;
	s10 =	smul.u32 $0x2AAAAAAB, s6  }
0x417: {  	[smem:$0x7E5] =	sst s15;
	s17 =	sadd.s32 s18, s29;
	s29 =	sshrl.u32 s7, $0x1F;
	v39 =	vsel vm3, s9, v58  }
0x418: {  	s6 =	sadd.s32 s1, s0;
	v39 =	vsel vm2, s30, v39;
	s18 =	sadd.s32 s10, s16;
	s10 =	sld [smem:$0x7E2]  }
0x419: {  	v53 =	vpop (erf);
	s1 =	sshrl.u32 s15, $0x1F;
	s30 =	sshrl.u32 s11, $0x1F;
	v39 =	vsel vm6, s23, v39;
	s23 =	sld [smem:$0x7E3]  }
0x41a: {  	v50 =	vadd.f32 v53, v50;
	v56 =	vpop (erf);
	s0 =	sshra.s32 s11, $0x2;
	s11 =	sshra.s32 s11, $0x1F;
	v60 =	vmov s30;
	s30 =	sld [smem:$0x7E4]  }
0x41b: {  	vm5 =	vcmask $0x1714;
	vm4 =	vcmask $0x300;
	v57 =	vpop (erf);
	v61 =	vmov s1;
	s16 =	sshra.s32 s18, $0x1F;
	s9 =	smulhi.u32 $0x2AAAAAAB, s10;
	s15 =	sshra.s32 s10, $0x1F  }
0x41c: {  	v50 =	vadd.f32 v56, v50;
	v58 =	vpop (erf);
	v55 =	vsel vm3, s29, v61;
	s29 =	sshrl.u32 s21, $0x1F;
	v59 =	vmov s16;
	s16 =	sshrl.u32 s17, $0x1F;
	s4 =	smul.u32 $0x2AAAAAAB, s15  }
0x41d: {  	v62 =	vpop (erf);
	v54 =	vnsel vm4, $0x0, v60;
	s7 =	sshrl.u32 s23, $0x1F;
	v52 =	vsel vm4, s0, v59;
	s10 =	sshrl.u32 s31, $0x1F;
	vm4 =	vcmask $0x704;
	s0 =	smulhi.u32 $0x2AAAAAAB, s30  }
0x41e: {  	v59 =	vadd.f32 $1.000000000e+00, v62;
	v52 =	vsel vm4, s11, v52;
	s11 =	sshra.s32 s8, $0x2;
	v55 =	vsel vm2, s7, v55;
	s1 =	sadd.s32 s4, s9;
	s9 =	sshrl.u32 s8, $0x1F  }
0x41f: {  	s7 =	sshra.s32 s30, $0x1F;
	vm4 =	vcmask $0xF0C;
	v52 =	vsel vm3, s11, v52;
	s11 =	sshra.s32 s17, $0x2;
	s8 =	sshra.s32 s8, $0x1F;
	v54 =	vsel vm3, s9, v54  }
0x420: {  	v55 =	vsel vm6, s10, v55;
	s10 =	sshra.s32 s21, $0x1F;
	v52 =	vsel vm4, s8, v52;
	s9 =	sshra.s32 s21, $0x2;
	s21 =	sld [smem:$0x7E6];
	v54 =	vsel vm2, s16, v54  }
0x421: {  	s15 =	sshrl.u32 s6, $0x1F;
	vm4 =	vcmask $0x2320;
	s30 =	sshrl.u32 s1, $0x1F;
	v52 =	vsel vm2, s11, v52;
	s11 =	rddreg [dreg:$0x1a];
	v54 =	vsel vm6, s29, v54  }
0x422: {  	v35 =	vadd.f32 v57, v50;
	(erf) = vrcp.f32 v59;
	s16 =	smul.u32 $0x2AAAAAAB, s7;
	s29 =	sshra.s32 s17, $0x1F;
	v54 =	vsel vm4, s15, v54;
	s15 =	sld [smem:$0x7E5]  }
0x423: {  	v39 =	vcombine.low v55, v39;
	s7 =	sshra.s32 s11, $0x2;
	v52 =	vsel vm5, s29, v52;
	v54 =	vsel vm7, s30, v54;
	s30 =	sld [smem:$0x7E7]  }
0x424: {  	(erf) = vrcp.f32 v44;
	s17 =	rddreg [dreg:$0x16];
	s0 =	sadd.s32 s16, s0;
	vm5 =	vcmask $0x1F1C;
	s16 =	sshra.s32 s6, $0x2;
	v52 =	vsel vm6, s9, v52  }
0x425: {  	v44 =	vadd.f32 v58, v35;
	v63 =	vmov s7;
	s7 =	sshra.s32 s21, $0x2;
	s9 =	sshra.s32 s17, $0x2;
	v52 =	vsel vm5, s10, v52;
	s8 =	sshra.s32 s15, $0x2  }
0x426: {  	s29 =	sshra.s32 s6, $0x1F;
	v55 =	vsel vm3, s9, v63;
	s10 =	rddreg [dreg:$0x1d];
	v52 =	vsel vm4, s16, v52;
	v34 =	vmov s8;
	s6 =	sshra.s32 s30, $0x2  }
0x427: {  	s8 =	sshra.s32 s23, $0x2;
	v59 =	vsel vm3, s7, v34;
	vm3 =	vcmask $0x2724;
	v55 =	vsel vm2, s6, v55;
	s6 =	sshra.s32 s10, $0x2  }
0x428: {  	s11 =	sshra.s32 s31, $0x2;
	s9 =	sshra.s32 s1, $0x2;
	v52 =	vsel vm3, s29, v52;
	v59 =	vsel vm2, s8, v59;
	v55 =	vsel vm6, s6, v55  }
0x429: {  	s1 =	sshra.s32 s1, $0x1F;
	vm2 =	vcmask $0x2F2C;
	v52 =	vsel vm7, s9, v52;
	v59 =	vsel vm6, s11, v59  }
0x42a: {  	s15 =	sshrl.u32 s0, $0x1F;
	s16 =	sshra.s32 s0, $0x2;
	v52 =	vsel vm2, s1, v52;
	v55 =	vcombine.low v59, v55;
	vm2 =	vcmask $0x3330  }
0x42b: {  	s0 =	sshra.s32 s0, $0x1F;
	v54 =	vsel vm2, s15, v54;
	v52 =	vsel vm2, s16, v52;
	vm2 =	vcmask $0x3734  }
0x42c: {  	(erf) = vrcp.f32 v47;
	v39 =	vperm.xlane v39, v7;
	s21 =	sshra.s32 s18, $0x2;
	s17 =	sshrl.u32 s18, $0x1F;
	v52 =	vsel vm2, s0, v52  }
0x42d: {  	s23 =	scvt.s32.f32 s28;
	v54 =	vsel vm1, s17, v54;
	v55 =	vperm.xlane v55, v7;
	v52 =	vsel vm1, s21, v52  }
0x42e: {  	v54 =	vperm.xlane v54, v8;
	v52 =	vperm.xlane v52, v8  }
0x42f: {  	(erf) = vrcp.f32 v44;
	v59 =	vmul.f32 s23, v53  }
0x430: {  	s28 =	scvt.s32.f32 s26;
	v39 =	vsel vm8, v54, v39;
	v54 =	vadd.f32 v49, v48;
	v37 =	vsel vm8, v52, v55  }
0x431: {  	v52 =	vadd.s32 v39, v37  }
0x432: {  	v62 =	vmul.f32 s28, v56;
	s29 =	scvt.s32.f32 s25;
	v61 =	vadd.f32 v59, v54;
	v55 =	vmul.u32 $0xFFFFFFE8, v52  }
0x433: {  	v51 =	vcvt.s32.f32 v51;
	v60 =	vsub.s32 $0x0, v45;
	vm4 =	vlt.s32 v45, $0x1;
	s30 =	scvt.s32.f32 s24  }
0x434: {  	v34 =	vmul.f32 s29, v57;
	v39 =	vpop (erf);
	v44 =	vadd.f32 v62, v61;
	vm5 =	vne.s32 v55, v60  }
0x435: {  	v42 =	vadd.f32 v51, v42;
	v36 =	vmul.f32 s30, v58;
	v35 =	vpop (erf);
	vm4 =	vmand vm4, vm5  }
0x436: {  	v43 =	vmul.f32 v35, v43;
	v54 =	vpop (erf);
	v44 =	vadd.f32 v34, v44;
	v63 =	vsel vm4, $0xFFFFFFFF, v2  }
0x437: {  	v42 =	vmul.f32 $4.000000000e+00, v42;
	v46 =	vmul.f32 v54, v46;
	v47 =	vadd.s32 v63, v52  }
0x438: {  	v43 =	vmul.f32 $4.000000000e+00, v43;
	v44 =	vadd.f32 v36, v44;
	v37 =	vmul.u32 $0xFFFFFFE8, v47  }
0x439: {  	v55 =	vpop (erf);
	v46 =	vmul.f32 $4.000000000e+00, v46;
	v47 =	vcvt.s32.f32 v47  }
0x43a: {  	v56 =	vmul.f32 $5.000000000e-01, v43;
	v44 =	vmul.f32 v55, v44;
	v45 =	vadd.s32 v45, v37  }
0x43b: {  	v57 =	vmul.f32 $5.000000000e-01, v46;
	v41 =	vadd.f32 v47, v41;
	v45 =	vcvt.s32.f32 v45  }
0x43c: {  	v59 =	vmul.f32 v46, v43;
	v48 =	vsub.f32 v42, v56;
	v44 =	vmul.f32 $4.000000000e+00, v44  }
0x43d: {  	v47 =	vadd.f32 v56, v42;
	v41 =	vmul.f32 $4.000000000e+00, v41;
	v40 =	vadd.f32 v45, v40  }
0x43e: {  	[tilespmem:$0x14410] =	vst v48;
	v52 =	vmul.f32 v44, v59  }
0x43f: {  	[tilespmem:$0x14510] =	vst v47;
	v58 =	vmul.f32 $5.000000000e-01, v44;
	v50 =	vsub.f32 v41, v57;
	v40 =	vmul.f32 $4.000000000e+00, v40  }
0x440: {  	v60 =	vor.u32 $0x100, v3;
	v45 =	vadd.f32 v57, v41;
	[tilespmem:$0x14610] =	vst v52  }
0x441: {  	v61 =	vor.u32 $0x101, v3;
	[tilespmem:$0x14450] =	vst v50;
	v51 =	vsub.f32 v40, v58  }
0x442: {  	v62 =	vor.u32 $0x102, v3;
	[tilespmem:$0x14550] =	vst v45;
	v49 =	vadd.f32 v58, v40  }
0x443: {  	v63 =	vor.u32 $0x103, v3;
	[tilespmem:$0x14490] =	vst v51  }
0x444: {  	s31 =	simm.s32 $0x13E00;
	v34 =	vor.u32 $0x104, v3;
	[tilespmem:$0x14590] =	vst v49  }
0x445: {  	v35 =	vor.u32 $0x105, v3;
	[tilespmem:v60+s31+$0x0] =	vst.idx.msk $0xffff, v6  }
0x446: {  	v36 =	vor.u32 $0x106, v3;
	[tilespmem:v61+s31+$0x0] =	vst.idx.msk $0xffff, v39  }
0x447: {  	v37 =	vor.u32 $0x107, v3;
	[tilespmem:v62+s31+$0x0] =	vst.idx.msk $0xffff, v42  }
0x448: {  	v55 =	vor.u32 $0x108, v3;
	[tilespmem:v63+s31+$0x0] =	vst.idx.msk $0xffff, v41  }
0x449: {  	v56 =	vor.u32 $0x109, v3;
	[tilespmem:v34+s31+$0x0] =	vst.idx.msk $0xffff, v40  }
0x44a: {  	v57 =	vor.u32 $0x10A, v3;
	[tilespmem:v35+s31+$0x0] =	vst.idx.msk $0xffff, v43  }
0x44b: {  	v58 =	vor.u32 $0x10B, v3;
	[tilespmem:v36+s31+$0x0] =	vst.idx.msk $0xffff, v46  }
0x44c: {  	v59 =	vor.u32 $0x10C, v3;
	[tilespmem:v37+s31+$0x0] =	vst.idx.msk $0xffff, v44  }
0x44d: {  	v60 =	vor.u32 $0x10D, v3;
	[tilespmem:v55+s31+$0x0] =	vst.idx.msk $0xffff, v48  }
0x44e: {  	v61 =	vor.u32 $0x10E, v3;
	[tilespmem:v56+s31+$0x0] =	vst.idx.msk $0xffff, v50  }
0x44f: {  	[tilespmem:v57+s31+$0x0] =	vst.idx.msk $0xffff, v51  }
0x450: {  	[tilespmem:v58+s31+$0x0] =	vst.idx.msk $0xffff, v47  }
0x451: {  	[tilespmem:v59+s31+$0x0] =	vst.idx.msk $0xffff, v45  }
0x452: {  	[tilespmem:v60+s31+$0x0] =	vst.idx.msk $0xffff, v49  }
0x453: {  	[tilespmem:v61+s31+$0x0] =	vst.idx.msk $0xffff, v52  }
0x454: {  	v40 =	vld [tilespmem:$0x3BA0]  }
0x455: {  	s6 =	simm.s32 $0x0  }
0x456: {  	v62 =	vmov s6  }
0x457: {  	v41 =	vand.u32 $0x7F, v62  }
0x458: {  	v41 =	vbroadcast v41, $0x0  }
0x459: {  	v52 =	vshll.u32 v40, $0x7  }
0x45a: {  	s0 =	simm.s32 $0x1;
	v46 =	vld [tilespmem:$0x3AA0];
	v44 =	vor.u32 v52, v41  }
0x45b: {  	v63 =	vmov s0;
	v43 =	vld [tilespmem:$0x13D20]  }
0x45c: {  	v42 =	vld [tilespmem:$0x13D60];
	v41 =	vand.u32 $0x7F, v63  }
0x45d: {  	v40 =	vld [tilespmem:$0x3B20];
	v45 =	vbroadcast v41, $0x0  }
0x45e: {  	v41 =	vld [tilespmem:$0x13DA0]  }
0x45f: {  	s1 =	simm.s32 $0x2;
	v47 =	vimm.f32 $-Inf;
	v49 =	vor.u32 v52, v45;
	v48 =	vld.idx.msk [tilespmem:v44+s20+$0x0], $0xffff  }
.LBB2_37:
0x460: {  	p0 =	sne.s32 s1, $0x23  }
.Ltmp18:
0x461: {  	v50 =	vmov s1;
	s1 =	sadd.s32 $0x1, s1;
	(pc) =	sbr.rel @p0 .LBB2_37-.Ltmp18, $4  }
0x462: {  	v50 =	vand.u32 $0x7F, v50  }
0x463: {  	v50 =	vbroadcast v50, $0x0  }
0x464: {  	v47 =	vmax.f32 v47, v48;
	v48 =	vld.idx.msk [tilespmem:v49+s20+$0x0], $0xffff  }
0x465: {  	v49 =	vor.u32 v52, v50  }
0x466: {  	_ =	sdelay $0x3  }
0x467: {  	v49 =	vld.idx.msk [tilespmem:v49+s20+$0x0], $0xffff  }
0x468: {  	v50 =	vld.idx.msk [tilespmem:v44+s20+$0x0], $0xffff  }
0x469: {  	v45 =	vor.u32 v52, v45  }
0x46a: {  	s1 =	simm.s32 $0x2  }
0x46b: {  	v58 =	vmov s1;
	v57 =	vmax.f32 v47, v48  }
0x46c: {  	v47 =	vand.u32 $0x7F, v58;
	v44 =	vmax.f32 v57, v49  }
0x46d: {  	v47 =	vbroadcast v47, $0x0;
	v59 =	vsub.f32 v50, v44  }
0x46e: {  	v45 =	vld.idx.msk [tilespmem:v45+s20+$0x0], $0xffff  }
0x46f: {  	v47 =	vor.u32 v52, v47;
	v48 =	vmul.f32 $1.442695020e+00, v59  }
0x470: {  	s15 =	simm.s32 $0x3  }
0x471: {  	v60 =	vmov s15;
	(erf) = vpow2.f32 v48  }
0x472: {  	v48 =	vand.u32 $0x7F, v60  }
0x473: {  	v45 =	vsub.f32 v45, v44;
	v48 =	vbroadcast v48, $0x0  }
0x474: {  	v47 =	vld.idx.msk [tilespmem:v47+s20+$0x0], $0xffff  }
0x475: {  	s10 =	simm.s32 $0x4;
	v62 =	vmul.f32 $1.442695020e+00, v45;
	v48 =	vor.u32 v52, v48  }
0x476: {  	v61 =	vmov s10  }
0x477: {  	v49 =	vand.u32 $0x7F, v61;
	(erf) = vpow2.f32 v62  }
0x478: {  	v49 =	vbroadcast v49, $0x0  }
0x479: {  	s4 =	scvt.s32.f32 s6;
	v47 =	vsub.f32 v47, v44  }
0x47a: {  	v49 =	vor.u32 v52, v49;
	v45 =	vimm.f32 $0.0e+00;
	v48 =	vld.idx.msk [tilespmem:v48+s20+$0x0], $0xffff;
	v63 =	vpop (erf)  }
0x47b: {  	s6 =	simm.s32 $0x5;
	v51 =	vmul.f32 $1.442695020e+00, v47;
	v47 =	vadd.f32 v63, v45;
	v50 =	vmul.f32 s4, v63  }
.LBB2_39:
0x47c: {  	v53 =	vmov s6;
	p0 =	sne.s32 s6, $0x23;
	s4 =	smov.u32 s6;
	s6 =	sadd.s32 $0x1, s6  }
.Ltmp19:
0x47d: {  	v53 =	vand.u32 $0x7F, v53;
	(erf) = vpow2.f32 v51;
	v45 =	vadd.f32 v50, v45;
	(pc) =	sbr.rel @p0 .LBB2_39-.Ltmp19, $4  }
0x47e: {  	v1 =	vbroadcast v53, $0x0  }
0x47f: {  	s7 =	scvt.s32.f32 s0;
	s0 =	smov.u32 s1;
	s1 =	smov.u32 s15;
	v51 =	vsub.f32 v48, v44;
	v48 =	vld.idx.msk [tilespmem:v49+s20+$0x0], $0xffff  }
0x480: {  	s15 =	smov.u32 s10;
	s10 =	smov.u32 s4;
	v49 =	vor.u32 v52, v1;
	v50 =	vpop (erf)  }
0x481: {  	v51 =	vmul.f32 $1.442695020e+00, v51;
	v47 =	vadd.f32 v50, v47;
	v50 =	vmul.f32 s7, v50  }
0x482: {  	_ =	sdelay $0x3  }
0x483: {  	v49 =	vld.idx.msk [tilespmem:v49+s20+$0x0], $0xffff;
	_ =	sdelay $0x2  }
0x484: {  	v48 =	vsub.f32 v48, v44;
	_ =	sdelay $0x1  }
0x485: {  	(erf) = vpow2.f32 v51;
	v48 =	vmul.f32 $1.442695020e+00, v48;
	v36 =	vsub.f32 v49, v44;
	_ =	sdelay $0x1  }
0x486: {  	(erf) = vpow2.f32 v48;
	v44 =	vmul.f32 $1.442695020e+00, v36;
	_ =	sdelay $0x1  }
0x487: {  	(erf) = vpow2.f32 v44;
	_ =	sdelay $0x1  }
0x488: {  	s0 =	scvt.s32.f32 s0;
	s4 =	simm.s32 $0x24  }
0x489: {  	v37 =	vmov s4;
	v53 =	vpop (erf)  }
0x48a: {  	s28 =	scvt.s32.f32 s1;
	s30 =	simm.s32 $0x25;
	v45 =	vadd.f32 v50, v45;
	v54 =	vmul.f32 s0, v53;
	v44 =	vand.u32 $0x7F, v37  }
0x48b: {  	v61 =	vmov s30;
	v55 =	vpop (erf);
	v44 =	vbroadcast v44, $0x0  }
0x48c: {  	s29 =	scvt.s32.f32 s15;
	v47 =	vadd.f32 v53, v47;
	v45 =	vadd.f32 v54, v45;
	v56 =	vmul.f32 s28, v55  }
0x48d: {  	v48 =	vand.u32 $0x7F, v61;
	v58 =	vor.u32 v52, v44;
	v57 =	vpop (erf)  }
0x48e: {  	s31 =	scvt.s32.f32 s10;
	v47 =	vadd.f32 v55, v47;
	v59 =	vadd.f32 v56, v45;
	v60 =	vmul.f32 s29, v57  }
0x48f: {  	v53 =	vbroadcast v48, $0x0;
	v62 =	vpop (erf)  }
0x490: {  	v47 =	vadd.f32 v57, v47;
	v44 =	vadd.f32 v60, v59;
	v63 =	vmul.f32 s31, v62  }
0x491: {  	v49 =	vor.u32 v52, v53  }
0x492: {  	s0 =	simm.s32 $0x26;
	v48 =	vld.idx.msk [tilespmem:v58+s20+$0x0], $0xffff;
	v45 =	vadd.f32 v62, v47;
	v47 =	vimm.f32 $-Inf;
	v44 =	vadd.f32 v63, v44  }
.LBB2_41:
0x493: {  	p0 =	sne.s32 s0, $0x47  }
.Ltmp20:
0x494: {  	v50 =	vmov s0;
	s0 =	sadd.s32 $0x1, s0;
	(pc) =	sbr.rel @p0 .LBB2_41-.Ltmp20, $4  }
0x495: {  	v50 =	vand.u32 $0x7F, v50  }
0x496: {  	v50 =	vbroadcast v50, $0x0  }
0x497: {  	v47 =	vmax.f32 v47, v48;
	v48 =	vld.idx.msk [tilespmem:v49+s20+$0x0], $0xffff  }
0x498: {  	v49 =	vor.u32 v52, v50  }
0x499: {  	s0 =	simm.s32 $0x24  }
0x49a: {  	v50 =	vmov s0  }
0x49b: {  	v50 =	vand.u32 $0x7F, v50  }
0x49c: {  	v50 =	vbroadcast v50, $0x0;
	_ =	sdelay $0x1  }
0x49d: {  	v50 =	vor.u32 v52, v50;
	_ =	sdelay $0x1  }
0x49e: {  	s28 =	simm.s32 $0x25  }
0x49f: {  	v51 =	vmov s28  }
0x4a0: {  	v49 =	vld.idx.msk [tilespmem:v49+s20+$0x0], $0xffff;
	v51 =	vand.u32 $0x7F, v51  }
0x4a1: {  	v51 =	vbroadcast v51, $0x0;
	v50 =	vld.idx.msk [tilespmem:v50+s20+$0x0], $0xffff;
	_ =	sdelay $0x1  }
0x4a2: {  	v58 =	vor.u32 v52, v51  }
0x4a3: {  	s29 =	simm.s32 $0x26;
	v47 =	vmax.f32 v47, v48  }
0x4a4: {  	v59 =	vmov s29;
	v47 =	vmax.f32 v47, v49  }
0x4a5: {  	v49 =	vand.u32 $0x7F, v59;
	v50 =	vsub.f32 v50, v47  }
0x4a6: {  	v49 =	vbroadcast v49, $0x0  }
0x4a7: {  	v48 =	vld.idx.msk [tilespmem:v58+s20+$0x0], $0xffff;
	v50 =	vmul.f32 $1.442695020e+00, v50  }
0x4a8: {  	s30 =	simm.s32 $0x27;
	v49 =	vor.u32 v52, v49  }
0x4a9: {  	v60 =	vmov s30;
	(erf) = vpow2.f32 v50  }
0x4aa: {  	v61 =	vand.u32 $0x7F, v60  }
0x4ab: {  	v50 =	vbroadcast v61, $0x0  }
0x4ac: {  	s31 =	simm.s32 $0x28;
	v48 =	vsub.f32 v48, v47  }
0x4ad: {  	v62 =	vmov s31;
	v49 =	vld.idx.msk [tilespmem:v49+s20+$0x0], $0xffff;
	v50 =	vor.u32 v52, v50  }
0x4ae: {  	v63 =	vand.u32 $0x7F, v62;
	v53 =	vmul.f32 $1.442695020e+00, v48  }
0x4af: {  	v51 =	vbroadcast v63, $0x0  }
0x4b0: {  	s4 =	simm.s32 $0x0;
	(erf) = vpow2.f32 v53  }
0x4b1: {  	s10 =	simm.s32 $0x1;
	s6 =	simm.s32 $0x2;
	s1 =	simm.s32 $0x3;
	v51 =	vor.u32 v52, v51  }
0x4b2: {  	s15 =	simm.s32 $0x5;
	s0 =	simm.s32 $0x4;
	s16 =	scvt.s32.f32 s4;
	v48 =	vimm.f32 $0.0e+00;
	v54 =	vsub.f32 v49, v47;
	v49 =	vimm.f32 $0.0e+00;
	v50 =	vld.idx.msk [tilespmem:v50+s20+$0x0], $0xffff;
	v53 =	vpop (erf)  }
.LBB2_43:
0x4b3: {  	s4 =	sadd.s32 $0x24, s15  }
0x4b4: {  	p0 =	sne.s32 s15, $0x23;
	v54 =	vmul.f32 $1.442695020e+00, v54;
	v48 =	vadd.f32 v53, v48;
	v53 =	vmul.f32 s16, v53;
	s7 =	smov.u32 s15;
	s15 =	sadd.s32 $0x1, s15  }
.Ltmp21:
0x4b5: {  	v55 =	vmov s4;
	(pc) =	sbr.rel @p0 .LBB2_43-.Ltmp21, $4  }
0x4b6: {  	v55 =	vand.u32 $0x7F, v55;
	(erf) = vpow2.f32 v54;
	v49 =	vadd.f32 v53, v49  }
0x4b7: {  	v1 =	vbroadcast v55, $0x0  }
0x4b8: {  	s16 =	scvt.s32.f32 s10;
	s10 =	smov.u32 s6;
	s6 =	smov.u32 s1;
	v54 =	vsub.f32 v50, v47;
	v50 =	vld.idx.msk [tilespmem:v51+s20+$0x0], $0xffff  }
0x4b9: {  	s1 =	smov.u32 s0;
	s0 =	smov.u32 s7;
	v51 =	vor.u32 v52, v1;
	v53 =	vpop (erf)  }
0x4ba: {  	_ =	sdelay $0x3  }
0x4bb: {  	v51 =	vld.idx.msk [tilespmem:v51+s20+$0x0], $0xffff;
	_ =	sdelay $0x2  }
0x4bc: {  	v54 =	vmul.f32 $1.442695020e+00, v54;
	v50 =	vsub.f32 v50, v47;
	_ =	sdelay $0x1  }
0x4bd: {  	(erf) = vpow2.f32 v54;
	v50 =	vmul.f32 $1.442695020e+00, v50;
	v62 =	vsub.f32 v51, v47;
	_ =	sdelay $0x1  }
0x4be: {  	(erf) = vpow2.f32 v50;
	v47 =	vmul.f32 $1.442695020e+00, v62;
	_ =	sdelay $0x1  }
0x4bf: {  	(erf) = vpow2.f32 v47;
	_ =	sdelay $0x1  }
0x4c0: {  	v63 =	vmul.f32 s16, v53;
	s4 =	scvt.s32.f32 s10  }
0x4c1: {  	v48 =	vadd.f32 v53, v48;
	s30 =	simm.s32 $0x48;
	v34 =	vpop (erf)  }
0x4c2: {  	s6 =	scvt.s32.f32 s6;
	v36 =	vmov s30;
	v35 =	vmul.f32 s4, v34;
	v47 =	vadd.f32 v63, v49  }
0x4c3: {  	v56 =	vand.u32 $0x80, v36;
	v51 =	vand.u32 $0x7F, v36;
	v48 =	vadd.f32 v34, v48;
	v37 =	vpop (erf)  }
0x4c4: {  	s1 =	scvt.s32.f32 s1;
	s31 =	simm.s32 $0x49;
	v49 =	vadd.s32 v52, v56;
	v47 =	vadd.f32 v35, v47;
	v57 =	vmul.f32 s6, v37  }
0x4c5: {  	v61 =	vmov s31;
	v51 =	vor.u32 v51, v49;
	v58 =	vpop (erf)  }
0x4c6: {  	s0 =	scvt.s32.f32 s0;
	v48 =	vadd.f32 v37, v48;
	v47 =	vadd.f32 v57, v47;
	v59 =	vmul.f32 s1, v58  }
0x4c7: {  	v63 =	vand.u32 $0x80, v61;
	v60 =	vpop (erf)  }
0x4c8: {  	v48 =	vadd.f32 v58, v48;
	v47 =	vadd.f32 v59, v47;
	v62 =	vmul.f32 s0, v60  }
0x4c9: {  	v53 =	vand.u32 $0x7F, v61;
	v54 =	vadd.s32 v52, v63;
	v49 =	vimm.f32 $-Inf  }
0x4ca: {  	v50 =	vld.idx.msk [tilespmem:v51+s20+$0x0], $0xffff;
	v51 =	vor.u32 v53, v54;
	v48 =	vadd.f32 v60, v48;
	s0 =	simm.s32 $0x4A;
	v47 =	vadd.f32 v62, v47  }
.LBB2_45:
0x4cb: {  	p0 =	sne.s32 s0, $0x6B  }
.Ltmp22:
0x4cc: {  	_ = 	snop;
	(pc) =	sbr.rel @p0 .LBB2_45-.Ltmp22, $4  }
0x4cd: {  	v53 =	vmov s0  }
0x4ce: {  	v54 =	vand.u32 $0x80, v53  }
0x4cf: {  	v53 =	vand.u32 $0x7F, v53;
	v54 =	vadd.s32 v52, v54  }
0x4d0: {  	s0 =	sadd.s32 $0x1, s0;
	v49 =	vmax.f32 v49, v50;
	v50 =	vld.idx.msk [tilespmem:v51+s20+$0x0], $0xffff;
	v51 =	vor.u32 v53, v54  }
0x4d1: {  	s0 =	simm.s32 $0x48  }
0x4d2: {  	v53 =	vmov s0  }
0x4d3: {  	v54 =	vand.u32 $0x80, v53  }
0x4d4: {  	v53 =	vand.u32 $0x7F, v53;
	v54 =	vadd.s32 v52, v54  }
0x4d5: {  	v53 =	vor.u32 v53, v54;
	_ =	sdelay $0x2  }
0x4d6: {  	s25 =	simm.s32 $0x49  }
0x4d7: {  	v51 =	vld.idx.msk [tilespmem:v51+s20+$0x0], $0xffff;
	v34 =	vmov s25  }
0x4d8: {  	v55 =	vand.u32 $0x80, v34;
	v54 =	vld.idx.msk [tilespmem:v53+s20+$0x0], $0xffff  }
0x4d9: {  	v35 =	vand.u32 $0x7F, v34;
	v55 =	vadd.s32 v52, v55  }
0x4da: {  	v36 =	vor.u32 v35, v55  }
0x4db: {  	s26 =	simm.s32 $0x4A;
	v49 =	vmax.f32 v49, v50  }
0x4dc: {  	v37 =	vmov s26;
	v53 =	vmax.f32 v49, v51  }
0x4dd: {  	v57 =	vand.u32 $0x80, v37;
	v54 =	vsub.f32 v54, v53  }
0x4de: {  	v50 =	vand.u32 $0x7F, v37;
	v51 =	vadd.s32 v52, v57  }
0x4df: {  	v49 =	vld.idx.msk [tilespmem:v36+s20+$0x0], $0xffff;
	v50 =	vor.u32 v50, v51;
	v58 =	vmul.f32 $1.442695020e+00, v54;
	_ =	sdelay $0x1  }
0x4e0: {  	(erf) = vpow2.f32 v58  }
0x4e1: {  	s29 =	simm.s32 $0x4B  }
0x4e2: {  	v59 =	vmov s29  }
0x4e3: {  	v60 =	vand.u32 $0x80, v59;
	v49 =	vsub.f32 v49, v53;
	v50 =	vld.idx.msk [tilespmem:v50+s20+$0x0], $0xffff  }
0x4e4: {  	v51 =	vand.u32 $0x7F, v59;
	v54 =	vadd.s32 v52, v60  }
0x4e5: {  	s30 =	simm.s32 $0x4C;
	v62 =	vmul.f32 $1.442695020e+00, v49;
	v51 =	vor.u32 v51, v54  }
0x4e6: {  	v61 =	vmov s30  }
0x4e7: {  	s31 =	simm.s32 $0x0;
	v63 =	vand.u32 $0x80, v61;
	(erf) = vpow2.f32 v62  }
0x4e8: {  	s1 =	scvt.s32.f32 s31;
	v56 =	vadd.s32 v52, v63;
	v54 =	vand.u32 $0x7F, v61;
	v50 =	vsub.f32 v50, v53  }
0x4e9: {  	s28 =	simm.s32 $0x1;
	s24 =	simm.s32 $0x4;
	v49 =	vimm.f32 $0.0e+00;
	v56 =	vor.u32 v54, v56;
	v57 =	vpop (erf)  }
0x4ea: {  	s26 =	simm.s32 $0x2;
	s25 =	simm.s32 $0x3;
	s0 =	simm.s32 $0x5;
	v54 =	vld.idx.msk [tilespmem:v51+s20+$0x0], $0xffff;
	v55 =	vmul.f32 $1.442695020e+00, v50;
	v51 =	vadd.f32 v57, v49;
	v50 =	vmul.f32 s1, v57  }
.LBB2_47:
0x4eb: {  	s1 =	sadd.s32 $0x48, s0  }
0x4ec: {  	p0 =	sne.s32 s0, $0x23;
	s4 =	smov.u32 s0;
	s0 =	sadd.s32 $0x1, s0  }
.Ltmp23:
0x4ed: {  	v57 =	vmov s1;
	(erf) = vpow2.f32 v55;
	v49 =	vadd.f32 v50, v49;
	(pc) =	sbr.rel @p0 .LBB2_47-.Ltmp23, $4  }
0x4ee: {  	v4 =	vand.u32 $0x80, v57  }
0x4ef: {  	s1 =	scvt.s32.f32 s28;
	s28 =	smov.u32 s26;
	s26 =	smov.u32 s25;
	v55 =	vand.u32 $0x7F, v57;
	v57 =	vsub.f32 v54, v53;
	v1 =	vadd.s32 v52, v4;
	v54 =	vld.idx.msk [tilespmem:v56+s20+$0x0], $0xffff  }
0x4f0: {  	s25 =	smov.u32 s24;
	s24 =	smov.u32 s4;
	v56 =	vor.u32 v55, v1;
	v50 =	vpop (erf)  }
0x4f1: {  	v55 =	vmul.f32 $1.442695020e+00, v57;
	v51 =	vadd.f32 v50, v51;
	v50 =	vmul.f32 s1, v50  }
0x4f2: {  	(v2sf) =	vpush v46, $0xD;
	_ =	sdelay $0x1  }
0x4f3: {  	(v2sf) =	vpush v46, $0xC;
	_ =	sdelay $0x1  }
0x4f4: {  	(v2sf) =	vpush v46, $0xE;
	_ =	sdelay $0x1  }
0x4f5: {  	(v2sf) =	vpush v46, $0xF;
	_ =	sdelay $0x1  }
0x4f6: {  	(v2sf) =	vpush v46, $0x9  }
0x4f7: {  	(v2sf) =	vpush v46, $0x8;
	_ =	sdelay $0x2  }
0x4f8: {  	(v2sf) =	vpush v46, $0xA;
	_ =	sdelay $0x2  }
0x4f9: {  	(v2sf) =	vpush v46, $0xB;
	s0 =	spop (v2sf)  }
0x4fa: {  	s1 =	smulhi.u32 $0x38E38E39, s0;
	s0 =	sshra.s32 s0, $0x1F  }
0x4fb: {  	s4 =	spop (v2sf);
	s0 =	smul.u32 $0x38E38E39, s0  }
0x4fc: {  	(v2sf) =	vpush v46, $0x0;
	s16 =	smulhi.u32 $0x38E38E39, s4;
	s4 =	sshra.s32 s4, $0x1F  }
0x4fd: {  	s7 =	spop (v2sf);
	s4 =	smul.u32 $0x38E38E39, s4  }
0x4fe: {  	(v2sf) =	vpush v46, $0x1;
	s8 =	smulhi.u32 $0x38E38E39, s7;
	s7 =	sshra.s32 s7, $0x1F  }
0x4ff: {  	s9 =	spop (v2sf);
	s7 =	smul.u32 $0x38E38E39, s7  }
0x500: {  	(v2sf) =	vpush v46, $0x2;
	s10 =	smulhi.u32 $0x38E38E39, s9;
	s9 =	sshra.s32 s9, $0x1F  }
0x501: {  	s11 =	spop (v2sf);
	s0 =	sadd.s32 s0, s1;
	s9 =	smul.u32 $0x38E38E39, s9  }
0x502: {  	(v2sf) =	vpush v46, $0x3;
	s6 =	smulhi.u32 $0x38E38E39, s11;
	s11 =	sshra.s32 s11, $0x1F;
	s15 =	spop (v2sf)  }
0x503: {  	(v2sf) =	vpush v46, $0x4;
	[dreg:$0xe] =	wrdreg s0;
	s11 =	smul.u32 $0x38E38E39, s11  }
0x504: {  	(v2sf) =	vpush v46, $0x5;
	s0 =	sshrl.u32 s0, $0x1F;
	s17 =	sadd.s32 s4, s16;
	s18 =	smulhi.u32 $0x38E38E39, s15  }
0x505: {  	s15 =	sshra.s32 s15, $0x1F;
	s30 =	spop (v2sf);
	[smem:$0x7B7] =	sst s0  }
0x506: {  	(v2sf) =	vpush v46, $0x6;
	[dreg:$0x12] =	wrdreg s17;
	s21 =	smul.u32 $0x38E38E39, s15  }
0x507: {  	s0 =	sshrl.u32 s17, $0x1F;
	(v2sf) =	vpush v46, $0x7;
	s23 =	smulhi.u32 $0x38E38E39, s30;
	s31 =	sshra.s32 s30, $0x1F  }
0x508: {  	s17 =	sadd.s32 s7, s8;
	s15 =	spop (v2sf);
	s29 =	smul.u32 $0x38E38E39, s31  }
0x509: {  	[smem:$0x7B6] =	sst s0;
	s16 =	smulhi.u32 $0x38E38E39, s15;
	s1 =	sshra.s32 s15, $0x1F  }
0x50a: {  	[smem:$0x7BC] =	sst s17;
	s15 =	sadd.s32 s9, s10;
	s31 =	smul.u32 $0x38E38E39, s1  }
0x50b: {  	s8 =	sadd.s32 s11, s6;
	[smem:$0x7BE] =	sst s15;
	s30 =	spop (v2sf)  }
0x50c: {  	[smem:$0x7BB] =	sst s8;
	s7 =	smulhi.u32 $0x38E38E39, s30;
	s0 =	sshra.s32 s30, $0x1F  }
0x50d: {  	s4 =	sadd.s32 s21, s18;
	s1 =	spop (v2sf);
	s30 =	smul.u32 $0x38E38E39, s0  }
0x50e: {  	[smem:$0x7B8] =	sst s4;
	s10 =	smulhi.u32 $0x38E38E39, s1;
	s9 =	sshra.s32 s1, $0x1F  }
0x50f: {  	s4 =	sadd.s32 s31, s16;
	s6 =	spop (v2sf);
	s9 =	smul.u32 $0x38E38E39, s9  }
0x510: {  	[smem:$0x7BF] =	sst s4;
	s21 =	smulhi.u32 $0x38E38E39, s6;
	s11 =	sshra.s32 s6, $0x1F  }
0x511: {  	s18 =	spop (v2sf);
	s11 =	smul.u32 $0x38E38E39, s11  }
0x512: {  	s6 =	sadd.s32 s29, s23;
	s23 =	spop (v2sf);
	s1 =	smulhi.u32 $0x38E38E39, s18  }
0x513: {  	s0 =	sshra.s32 s18, $0x1F;
	s7 =	sadd.s32 s30, s7;
	s29 =	spop (v2sf)  }
0x514: {  	s31 =	smulhi.u32 $0x38E38E39, s23;
	s9 =	sadd.s32 s9, s10;
	s30 =	sshra.s32 s23, $0x1F  }
0x515: {  	s16 =	spop (v2sf);
	s11 =	sadd.s32 s11, s21;
	s21 =	smul.u32 $0x38E38E39, s30  }
0x516: {  	s30 =	smulhi.u32 $0x38E38E39, s29;
	s29 =	sshra.s32 s29, $0x1F;
	s18 =	spop (v2sf)  }
0x517: {  	[smem:$0x7B9] =	sst s31;
	s10 =	smulhi.u32 $0x38E38E39, s18;
	s31 =	sshra.s32 s18, $0x1F  }
0x518: {  	[smem:$0x7BA] =	sst s30;
	s30 =	smul.u32 $0x38E38E39, s29;
	s29 =	sshrl.u32 s17, $0x1F  }
0x519: {  	s17 =	sshrl.u32 s15, $0x1F;
	s15 =	sld [smem:$0x7B6];
	s18 =	smul.u32 $0x38E38E39, s31  }
0x51a: {  	[smem:$0x7BD] =	sst s6  }
0x51b: {  	s0 =	smul.u32 $0x38E38E39, s0;
	s31 =	sshrl.u32 s7, $0x1F;
	s18 =	sadd.s32 s18, s10  }
0x51c: {  	vm4 =	vcmask $0x300;
	vm3 =	vcmask $0xB08;
	v57 =	vmov s15;
	s15 =	sshrl.u32 s8, $0x1F;
	s8 =	sld [smem:$0x7B8];
	s10 =	sshra.s32 s18, $0x1F  }
0x51d: {  	vm1 =	vcmask $0x704;
	s23 =	sshra.s32 s7, $0x7;
	v58 =	vmov s31;
	v52 =	vmov s10;
	s10 =	sld [smem:$0x7B7]  }
0x51e: {  	vm2 =	vcmask $0x1310;
	s1 =	sadd.s32 s0, s1;
	s7 =	sshra.s32 s7, $0x1F;
	v58 =	vnsel vm4, $0x0, v58;
	v52 =	vsel vm4, s23, v52;
	s23 =	sshrl.u32 s9, $0x1F  }
0x51f: {  	vm6 =	vcmask $0x1B18;
	s0 =	sshra.s32 s9, $0x7;
	s31 =	sshrl.u32 s6, $0x1F;
	s6 =	sshrl.u32 s11, $0x1F;
	v52 =	vsel vm1, s7, v52;
	v58 =	vsel vm3, s23, v58  }
0x520: {  	s7 =	sshra.s32 s9, $0x1F;
	s9 =	sshrl.u32 s8, $0x1F;
	vm1 =	vcmask $0xF0C;
	s23 =	sld [smem:$0x7B9];
	v57 =	vsel vm3, s10, v57;
	v52 =	vsel vm3, s0, v52  }
0x521: {  	s10 =	sshrl.u32 s4, $0x1F;
	s0 =	smulhi.u32 $0x38E38E39, s16;
	v59 =	vmov s9;
	v57 =	vsel vm2, s29, v57;
	v52 =	vsel vm1, s7, v52;
	s7 =	sshra.s32 s16, $0x1F  }
0x522: {  	s16 =	sshrl.u32 s1, $0x1F;
	s29 =	sshra.s32 s11, $0x1F;
	v59 =	vsel vm3, s15, v59;
	v57 =	vsel vm6, s17, v57;
	s17 =	sshra.s32 s11, $0x7  }
0x523: {  	v58 =	vsel vm2, s6, v58;
	s9 =	sadd.s32 s21, s23;
	s21 =	sshra.s32 s1, $0x7;
	v59 =	vsel vm2, s31, v59;
	v52 =	vsel vm2, s17, v52;
	s17 =	sld [smem:$0x7BA]  }
0x524: {  	vm1 =	vcmask $0x1714;
	v58 =	vsel vm6, s16, v58;
	s31 =	sshra.s32 s8, $0x7;
	s16 =	sshrl.u32 s9, $0x1F;
	v59 =	vsel vm6, s10, v59;
	s10 =	sld [smem:$0x7BB]  }
0x525: {  	vm5 =	vcmask $0x2320;
	s8 =	sshra.s32 s9, $0x1F;
	v52 =	vsel vm1, s29, v52;
	s29 =	sshra.s32 s9, $0x7;
	s9 =	rddreg [dreg:$0xe]  }
0x526: {  	s4 =	smul.u32 $0x38E38E39, s7;
	s1 =	sshra.s32 s1, $0x1F;
	v58 =	vsel vm5, s16, v58;
	vm1 =	vcmask $0x1F1C;
	s16 =	sld [smem:$0x7BC];
	v52 =	vsel vm6, s21, v52  }
0x527: {  	vm7 =	vcmask $0x2B28;
	s11 =	sadd.s32 s30, s17;
	v52 =	vsel vm1, s1, v52;
	s30 =	rddreg [dreg:$0x12]  }
0x528: {  	vm4 =	vcmask $0x3330;
	s0 =	sadd.s32 s4, s0;
	vm1 =	vcmask $0x2724;
	s17 =	sld [smem:$0x7BD];
	s23 =	sshrl.u32 s11, $0x1F;
	v52 =	vsel vm5, s29, v52  }
0x529: {  	v60 =	vmov s31;
	s4 =	sshrl.u32 s0, $0x1F;
	s15 =	sshra.s32 s11, $0x7;
	s29 =	sld [smem:$0x7BF];
	v58 =	vsel vm7, s23, v58;
	v52 =	vsel vm1, s8, v52  }
0x52a: {  	s21 =	sshra.s32 s11, $0x1F;
	s23 =	sld [smem:$0x7BE];
	vm1 =	vcmask $0x2F2C;
	v58 =	vsel vm4, s4, v58;
	s4 =	sshra.s32 s30, $0x7;
	v52 =	vsel vm7, s15, v52  }
0x52b: {  	v57 =	vcombine.low v59, v57;
	s7 =	sshra.s32 s9, $0x7;
	v35 =	vmov s4;
	s4 =	sshra.s32 s10, $0x7;
	v52 =	vsel vm1, s21, v52  }
0x52c: {  	s6 =	sshra.s32 s16, $0x7;
	s30 =	sshra.s32 s0, $0x7;
	vm1 =	vcmask $0x3B38;
	v59 =	vsel vm3, s7, v35;
	v60 =	vsel vm3, s4, v60;
	s4 =	sshra.s32 s17, $0x7  }
0x52d: {  	v52 =	vsel vm4, s30, v52;
	v59 =	vsel vm2, s6, v59;
	s6 =	sshra.s32 s23, $0x7;
	v60 =	vsel vm2, s4, v60;
	s4 =	sshra.s32 s29, $0x7  }
0x52e: {  	s31 =	sshrl.u32 s18, $0x1F;
	s0 =	sshra.s32 s0, $0x1F;
	vm4 =	vcmask $0x3734;
	v59 =	vsel vm6, s6, v59;
	v60 =	vsel vm6, s4, v60  }
0x52f: {  	s8 =	sshra.s32 s18, $0x7;
	v58 =	vsel vm1, s31, v58;
	v52 =	vsel vm4, s0, v52;
	v59 =	vcombine.low v60, v59  }
0x530: {  	v57 =	vperm.xlane v57, v7;
	v58 =	vperm.xlane v58, v8;
	v52 =	vsel vm1, s8, v52  }
0x531: {  	v52 =	vperm.xlane v52, v8;
	v59 =	vperm.xlane v59, v7;
	_ =	sdelay $0x1  }
0x532: {  	v57 =	vsel vm8, v58, v57;
	v52 =	vsel vm8, v52, v59  }
0x533: {  	v52 =	vadd.s32 v57, v52  }
0x534: {  	v57 =	vmul.u32 $0xFFFFFDC0, v52  }
0x535: {  	v36 =	vsub.s32 $0x0, v46  }
0x536: {  	vm4 =	vlt.s32 v46, $0x1;
	vm5 =	vne.s32 v57, v36  }
0x537: {  	vm4 =	vmand vm4, vm5  }
0x538: {  	v37 =	vsel vm4, $0xFFFFFFFF, v2  }
0x539: {  	v52 =	vadd.s32 v37, v52  }
0x53a: {  	v57 =	vmul.u32 $0xFFFFFDC0, v52;
	_ =	sdelay $0x1  }
0x53b: {  	v46 =	vadd.s32 v46, v57  }
0x53c: {  	(v2sf) =	vpush v46, $0xD;
	_ =	sdelay $0x1  }
0x53d: {  	(v2sf) =	vpush v46, $0xC;
	_ =	sdelay $0x1  }
0x53e: {  	(v2sf) =	vpush v46, $0xE;
	_ =	sdelay $0x1  }
0x53f: {  	(v2sf) =	vpush v46, $0xF;
	_ =	sdelay $0x1  }
0x540: {  	(v2sf) =	vpush v46, $0x9;
	_ =	sdelay $0x1  }
0x541: {  	(v2sf) =	vpush v46, $0x8;
	_ =	sdelay $0x2  }
0x542: {  	(v2sf) =	vpush v46, $0xA;
	_ =	sdelay $0x1  }
0x543: {  	(v2sf) =	vpush v46, $0xB;
	s9 =	spop (v2sf)  }
0x544: {  	s1 =	smulhi.u32 $0x2AAAAAAB, s9;
	s0 =	sshra.s32 s9, $0x1F  }
0x545: {  	(v2sf) =	vpush v46, $0x0;
	s10 =	spop (v2sf);
	s0 =	smul.u32 $0x2AAAAAAB, s0  }
0x546: {  	s29 =	smulhi.u32 $0x2AAAAAAB, s10;
	s4 =	sshra.s32 s10, $0x1F  }
0x547: {  	s11 =	spop (v2sf);
	s4 =	smul.u32 $0x2AAAAAAB, s4  }
0x548: {  	s15 =	smulhi.u32 $0x2AAAAAAB, s11;
	s7 =	sshra.s32 s11, $0x1F  }
0x549: {  	(v2sf) =	vpush v46, $0x1;
	s16 =	spop (v2sf);
	s21 =	smul.u32 $0x2AAAAAAB, s7  }
0x54a: {  	(v2sf) =	vpush v46, $0x2;
	s17 =	smulhi.u32 $0x2AAAAAAB, s16  }
0x54b: {  	(v2sf) =	vpush v46, $0x3;
	s9 =	sshra.s32 s16, $0x1F;
	s18 =	spop (v2sf);
	[smem:$0x7C0] =	sst s4  }
0x54c: {  	(v2sf) =	vpush v46, $0x4;
	s0 =	sadd.s32 s0, s1;
	[smem:$0x7C1] =	sst s15;
	s7 =	smul.u32 $0x2AAAAAAB, s9  }
0x54d: {  	(v2sf) =	vpush v46, $0x5;
	s23 =	smulhi.u32 $0x2AAAAAAB, s18;
	s10 =	sshra.s32 s18, $0x1F;
	s30 =	spop (v2sf)  }
0x54e: {  	(v2sf) =	vpush v46, $0x6;
	[dreg:$0x17] =	wrdreg s0;
	s18 =	smul.u32 $0x2AAAAAAB, s10  }
0x54f: {  	s0 =	sshrl.u32 s0, $0x1F;
	[smem:$0x7C2] =	sst s17;
	s31 =	smulhi.u32 $0x2AAAAAAB, s30  }
0x550: {  	s4 =	sshra.s32 s30, $0x1F;
	s6 =	spop (v2sf);
	[smem:$0x7C8] =	sst s0  }
0x551: {  	[smem:$0x7C3] =	sst s23;
	s23 =	smul.u32 $0x2AAAAAAB, s4  }
0x552: {  	s8 =	spop (v2sf);
	s11 =	smulhi.u32 $0x2AAAAAAB, s6;
	s15 =	sshra.s32 s6, $0x1F  }
0x553: {  	[smem:$0x7C4] =	sst s31;
	s17 =	smul.u32 $0x2AAAAAAB, s15  }
0x554: {  	s9 =	spop (v2sf);
	s15 =	smulhi.u32 $0x2AAAAAAB, s8;
	s16 =	sshra.s32 s8, $0x1F  }
0x555: {  	[smem:$0x7C5] =	sst s11;
	s11 =	smul.u32 $0x2AAAAAAB, s16  }
0x556: {  	s16 =	smulhi.u32 $0x2AAAAAAB, s9;
	s10 =	sshra.s32 s9, $0x1F;
	[smem:$0x7C6] =	sst s15  }
0x557: {  	s8 =	smul.u32 $0x2AAAAAAB, s10;
	s10 =	sld [smem:$0x7C0]  }
0x558: {  	(v2sf) =	vpush v46, $0x7;
	s30 =	spop (v2sf);
	s15 =	sld [smem:$0x7C1]  }
0x559: {  	s31 =	spop (v2sf);
	[smem:$0x7C7] =	sst s16  }
0x55a: {  	s1 =	sadd.s32 s10, s29;
	s29 =	sld [smem:$0x7C2];
	s4 =	spop (v2sf)  }
0x55b: {  	s10 =	sadd.s32 s21, s15;
	s15 =	sld [smem:$0x7C3];
	s6 =	spop (v2sf)  }
0x55c: {  	v56 =	vld.idx.msk [tilespmem:v56+s20+$0x0], $0xffff;
	[dreg:$0x1b] =	wrdreg s1;
	s9 =	spop (v2sf)  }
0x55d: {  	[smem:$0x7C9] =	sst s9;
	s21 =	spop (v2sf)  }
0x55e: {  	[smem:$0x7CB] =	sst s21  }
0x55f: {  	s16 =	smulhi.u32 $0x2AAAAAAB, s30;
	s30 =	sshra.s32 s30, $0x1F;
	s21 =	sld [smem:$0x7C4]  }
0x560: {  	v54 =	vsub.f32 v54, v53;
	s9 =	sadd.s32 s7, s29;
	s29 =	smulhi.u32 $0x2AAAAAAB, s31;
	s31 =	sshra.s32 s31, $0x1F  }
0x561: {  	v60 =	vsub.f32 v56, v53;
	s7 =	sadd.s32 s18, s15;
	s18 =	smul.u32 $0x2AAAAAAB, s31;
	s31 =	sld [smem:$0x7C5]  }
0x562: {  	v40 =	vsub.f32 $0.0e+00, v40;
	v54 =	vmul.f32 $1.442695020e+00, v54;
	[smem:$0x7CE] =	sst s10;
	s15 =	sadd.s32 s23, s21;
	s21 =	smulhi.u32 $0x2AAAAAAB, s4  }
0x563: {  	(erf) = vpow2.f32 v55;
	v53 =	vmul.f32 $1.442695020e+00, v60;
	s23 =	sshra.s32 s4, $0x1F;
	s4 =	sshrl.u32 s1, $0x1F;
	s1 =	sld [smem:$0x7C6]  }
0x564: {  	v40 =	vmul.f32 $1.442695020e+00, v40;
	(erf) = vpow2.f32 v54;
	s30 =	smul.u32 $0x2AAAAAAB, s30;
	[dreg:$0x1e] =	wrdreg s9;
	s0 =	sadd.s32 s17, s31  }
0x565: {  	(erf) = vpow2.f32 v53;
	s17 =	sshra.s32 s6, $0x1F;
	[smem:$0x7CA] =	sst s0;
	s23 =	smul.u32 $0x2AAAAAAB, s23  }
0x566: {  	(erf) = vpow2.f32 v40;
	s0 =	smulhi.u32 $0x2AAAAAAB, s6;
	s31 =	sadd.s32 s11, s1;
	s11 =	sld [smem:$0x7C7]  }
0x567: {  	s1 =	smul.u32 $0x2AAAAAAB, s17;
	s17 =	spop (v2sf);
	s21 =	sadd.s32 s23, s21  }
0x568: {  	s23 =	sshrl.u32 s9, $0x1F;
	s9 =	sld [smem:$0x7C8];
	s6 =	sshra.s32 s17, $0x1F  }
0x569: {  	s11 =	sadd.s32 s8, s11;
	s8 =	sadd.s32 s30, s16;
	s16 =	smulhi.u32 $0x2AAAAAAB, s17  }
0x56a: {  	[smem:$0x7CD] =	sst s7;
	v61 =	vmov s4;
	s30 =	sshrl.u32 s10, $0x1F;
	s10 =	smul.u32 $0x2AAAAAAB, s6  }
0x56b: {  	v54 =	vpop (erf);
	[smem:$0x7CC] =	sst s15;
	s17 =	sadd.s32 s18, s29;
	s29 =	sshrl.u32 s7, $0x1F;
	v40 =	vsel vm3, s9, v61  }
0x56c: {  	v57 =	vpop (erf);
	s6 =	sadd.s32 s1, s0;
	v40 =	vsel vm2, s30, v40;
	s18 =	sadd.s32 s10, s16;
	s10 =	sld [smem:$0x7C9]  }
0x56d: {  	v58 =	vpop (erf);
	s1 =	sshrl.u32 s15, $0x1F;
	s30 =	sshrl.u32 s11, $0x1F;
	v40 =	vsel vm6, s23, v40;
	s23 =	sld [smem:$0x7CA]  }
0x56e: {  	v51 =	vadd.f32 v54, v51;
	v59 =	vpop (erf);
	s0 =	sshra.s32 s11, $0x2;
	s11 =	sshra.s32 s11, $0x1F;
	v63 =	vmov s30;
	s30 =	sld [smem:$0x7CB]  }
0x56f: {  	vm5 =	vcmask $0x1714;
	vm4 =	vcmask $0x300;
	v35 =	vpop (erf);
	v34 =	vmov s1;
	s16 =	sshra.s32 s18, $0x1F;
	s9 =	smulhi.u32 $0x2AAAAAAB, s10;
	s15 =	sshra.s32 s10, $0x1F  }
0x570: {  	v60 =	vadd.f32 $1.000000000e+00, v35;
	v56 =	vsel vm3, s29, v34;
	s29 =	sshrl.u32 s21, $0x1F;
	v62 =	vmov s16;
	s16 =	sshrl.u32 s17, $0x1F;
	s4 =	smul.u32 $0x2AAAAAAB, s15  }
0x571: {  	v55 =	vnsel vm4, $0x0, v63;
	s7 =	sshrl.u32 s23, $0x1F;
	v53 =	vsel vm4, s0, v62;
	s10 =	sshrl.u32 s31, $0x1F;
	vm4 =	vcmask $0x704;
	s0 =	smulhi.u32 $0x2AAAAAAB, s30  }
0x572: {  	(erf) = vrcp.f32 v60;
	v53 =	vsel vm4, s11, v53;
	s11 =	sshra.s32 s8, $0x2;
	v56 =	vsel vm2, s7, v56;
	s1 =	sadd.s32 s4, s9;
	s9 =	sshrl.u32 s8, $0x1F  }
0x573: {  	s7 =	sshra.s32 s30, $0x1F;
	vm4 =	vcmask $0xF0C;
	v53 =	vsel vm3, s11, v53;
	s11 =	sshra.s32 s17, $0x2;
	s8 =	sshra.s32 s8, $0x1F;
	v55 =	vsel vm3, s9, v55  }
0x574: {  	v56 =	vsel vm6, s10, v56;
	s10 =	sshra.s32 s21, $0x1F;
	v53 =	vsel vm4, s8, v53;
	s9 =	sshra.s32 s21, $0x2;
	s21 =	sld [smem:$0x7CD];
	v55 =	vsel vm2, s16, v55  }
0x575: {  	s15 =	sshrl.u32 s6, $0x1F;
	vm4 =	vcmask $0x2320;
	s30 =	sshrl.u32 s1, $0x1F;
	v53 =	vsel vm2, s11, v53;
	s11 =	rddreg [dreg:$0x1b];
	v55 =	vsel vm6, s29, v55  }
0x576: {  	v51 =	vadd.f32 v57, v51;
	(erf) = vrcp.f32 v45;
	s16 =	smul.u32 $0x2AAAAAAB, s7;
	s29 =	sshra.s32 s17, $0x1F;
	v55 =	vsel vm4, s15, v55;
	s15 =	sld [smem:$0x7CC]  }
0x577: {  	(erf) = vrcp.f32 v48;
	s7 =	sshra.s32 s11, $0x2;
	v53 =	vsel vm5, s29, v53;
	v55 =	vsel vm7, s30, v55;
	s30 =	sld [smem:$0x7CE]  }
0x578: {  	v61 =	vadd.f32 v58, v51;
	s17 =	rddreg [dreg:$0x17];
	s0 =	sadd.s32 s16, s0;
	vm5 =	vcmask $0x1F1C;
	s16 =	sshra.s32 s6, $0x2;
	v53 =	vsel vm6, s9, v53  }
0x579: {  	v40 =	vcombine.low v56, v40;
	v36 =	vmov s7;
	s7 =	sshra.s32 s21, $0x2;
	s9 =	sshra.s32 s17, $0x2;
	v53 =	vsel vm5, s10, v53;
	s8 =	sshra.s32 s15, $0x2  }
0x57a: {  	s29 =	sshra.s32 s6, $0x1F;
	v56 =	vsel vm3, s9, v36;
	s10 =	rddreg [dreg:$0x1e];
	v53 =	vsel vm4, s16, v53;
	v37 =	vmov s8;
	s6 =	sshra.s32 s30, $0x2  }
0x57b: {  	s8 =	sshra.s32 s23, $0x2;
	v60 =	vsel vm3, s7, v37;
	vm3 =	vcmask $0x2724;
	v56 =	vsel vm2, s6, v56;
	s6 =	sshra.s32 s10, $0x2  }
0x57c: {  	s11 =	sshra.s32 s31, $0x2;
	s9 =	sshra.s32 s1, $0x2;
	v53 =	vsel vm3, s29, v53;
	v60 =	vsel vm2, s8, v60;
	v56 =	vsel vm6, s6, v56  }
0x57d: {  	s1 =	sshra.s32 s1, $0x1F;
	vm2 =	vcmask $0x2F2C;
	v53 =	vsel vm7, s9, v53;
	v60 =	vsel vm6, s11, v60  }
0x57e: {  	s15 =	sshrl.u32 s0, $0x1F;
	s16 =	sshra.s32 s0, $0x2;
	v53 =	vsel vm2, s1, v53;
	v56 =	vcombine.low v60, v56;
	vm2 =	vcmask $0x3330  }
0x57f: {  	s0 =	sshra.s32 s0, $0x1F;
	v55 =	vsel vm2, s15, v55;
	v53 =	vsel vm2, s16, v53;
	vm2 =	vcmask $0x3734  }
0x580: {  	v45 =	vadd.f32 v59, v61;
	v40 =	vperm.xlane v40, v7;
	s21 =	sshra.s32 s18, $0x2;
	s17 =	sshrl.u32 s18, $0x1F;
	v53 =	vsel vm2, s0, v53  }
0x581: {  	v55 =	vsel vm1, s17, v55;
	v56 =	vperm.xlane v56, v7;
	v53 =	vsel vm1, s21, v53  }
0x582: {  	s23 =	scvt.s32.f32 s28;
	v55 =	vperm.xlane v55, v8;
	v53 =	vperm.xlane v53, v8  }
0x583: {  	v34 =	vadd.f32 v50, v49;
	(erf) = vrcp.f32 v45  }
0x584: {  	s28 =	scvt.s32.f32 s26;
	v36 =	vmul.f32 s23, v54;
	v40 =	vsel vm8, v55, v40;
	v62 =	vsel vm8, v53, v56  }
0x585: {  	v63 =	vadd.s32 v40, v62  }
0x586: {  	v54 =	vmul.f32 s28, v57;
	s29 =	scvt.s32.f32 s25;
	v53 =	vadd.f32 v36, v34;
	v35 =	vmul.u32 $0xFFFFFFE8, v63  }
0x587: {  	v52 =	vcvt.s32.f32 v52;
	vm4 =	vlt.s32 v46, $0x1;
	s30 =	scvt.s32.f32 s24;
	v37 =	vsub.s32 $0x0, v46  }
0x588: {  	v56 =	vmul.f32 s29, v58;
	v40 =	vpop (erf);
	v45 =	vadd.f32 v54, v53;
	vm5 =	vne.s32 v35, v37  }
0x589: {  	v43 =	vadd.f32 v52, v43;
	v58 =	vmul.f32 s30, v59;
	v57 =	vpop (erf);
	vm4 =	vmand vm4, vm5  }
0x58a: {  	v45 =	vadd.f32 v56, v45;
	v44 =	vmul.f32 v57, v44;
	v60 =	vpop (erf);
	v55 =	vsel vm4, $0xFFFFFFFF, v2  }
0x58b: {  	v43 =	vmul.f32 $4.000000000e+00, v43;
	v47 =	vmul.f32 v60, v47;
	v48 =	vadd.s32 v55, v63  }
0x58c: {  	v45 =	vadd.f32 v58, v45;
	v44 =	vmul.f32 $4.000000000e+00, v44;
	v59 =	vmul.u32 $0xFFFFFFE8, v48  }
0x58d: {  	v61 =	vpop (erf);
	v47 =	vmul.f32 $4.000000000e+00, v47;
	v48 =	vcvt.s32.f32 v48  }
0x58e: {  	v45 =	vmul.f32 v61, v45;
	v62 =	vmul.f32 $5.000000000e-01, v44;
	v46 =	vadd.s32 v46, v59  }
0x58f: {  	v63 =	vmul.f32 $5.000000000e-01, v47;
	v42 =	vadd.f32 v48, v42;
	v46 =	vcvt.s32.f32 v46  }
0x590: {  	v35 =	vmul.f32 v47, v44;
	v45 =	vmul.f32 $4.000000000e+00, v45;
	v49 =	vsub.f32 v43, v62  }
0x591: {  	v48 =	vadd.f32 v62, v43;
	v42 =	vmul.f32 $4.000000000e+00, v42;
	v41 =	vadd.f32 v46, v41  }
0x592: {  	[tilespmem:$0x14420] =	vst v49;
	v53 =	vmul.f32 v45, v35  }
0x593: {  	v34 =	vmul.f32 $5.000000000e-01, v45;
	[tilespmem:$0x14520] =	vst v48;
	v51 =	vsub.f32 v42, v63;
	v41 =	vmul.f32 $4.000000000e+00, v41  }
0x594: {  	v36 =	vor.u32 $0x200, v3;
	v46 =	vadd.f32 v63, v42;
	[tilespmem:$0x14620] =	vst v53  }
0x595: {  	v37 =	vor.u32 $0x201, v3;
	[tilespmem:$0x14460] =	vst v51;
	v52 =	vsub.f32 v41, v34  }
0x596: {  	v60 =	vor.u32 $0x202, v3;
	[tilespmem:$0x14560] =	vst v46;
	v50 =	vadd.f32 v34, v41  }
0x597: {  	v61 =	vor.u32 $0x203, v3;
	[tilespmem:$0x144A0] =	vst v52  }
0x598: {  	s31 =	simm.s32 $0x13E00;
	v62 =	vor.u32 $0x204, v3;
	[tilespmem:$0x145A0] =	vst v50  }
0x599: {  	v63 =	vor.u32 $0x205, v3;
	[tilespmem:v36+s31+$0x0] =	vst.idx.msk $0xffff, v6  }
0x59a: {  	v34 =	vor.u32 $0x206, v3;
	[tilespmem:v37+s31+$0x0] =	vst.idx.msk $0xffff, v40  }
0x59b: {  	v35 =	vor.u32 $0x207, v3;
	[tilespmem:v60+s31+$0x0] =	vst.idx.msk $0xffff, v43  }
0x59c: {  	v36 =	vor.u32 $0x208, v3;
	[tilespmem:v61+s31+$0x0] =	vst.idx.msk $0xffff, v42  }
0x59d: {  	v37 =	vor.u32 $0x209, v3;
	[tilespmem:v62+s31+$0x0] =	vst.idx.msk $0xffff, v41  }
0x59e: {  	v56 =	vor.u32 $0x20A, v3;
	[tilespmem:v63+s31+$0x0] =	vst.idx.msk $0xffff, v44  }
0x59f: {  	v57 =	vor.u32 $0x20B, v3;
	[tilespmem:v34+s31+$0x0] =	vst.idx.msk $0xffff, v47  }
0x5a0: {  	v58 =	vor.u32 $0x20C, v3;
	[tilespmem:v35+s31+$0x0] =	vst.idx.msk $0xffff, v45  }
0x5a1: {  	v59 =	vor.u32 $0x20D, v3;
	[tilespmem:v36+s31+$0x0] =	vst.idx.msk $0xffff, v49  }
0x5a2: {  	v60 =	vor.u32 $0x20E, v3;
	[tilespmem:v37+s31+$0x0] =	vst.idx.msk $0xffff, v51  }
0x5a3: {  	[tilespmem:v56+s31+$0x0] =	vst.idx.msk $0xffff, v52  }
0x5a4: {  	[tilespmem:v57+s31+$0x0] =	vst.idx.msk $0xffff, v48  }
0x5a5: {  	[tilespmem:v58+s31+$0x0] =	vst.idx.msk $0xffff, v46  }
0x5a6: {  	[tilespmem:v59+s31+$0x0] =	vst.idx.msk $0xffff, v50  }
0x5a7: {  	[tilespmem:v60+s31+$0x0] =	vst.idx.msk $0xffff, v53  }
0x5a8: {  	v41 =	vld [tilespmem:$0x3BB0]  }
0x5a9: {  	s6 =	simm.s32 $0x0  }
0x5aa: {  	v61 =	vmov s6  }
0x5ab: {  	v42 =	vand.u32 $0x7F, v61  }
0x5ac: {  	v42 =	vbroadcast v42, $0x0  }
0x5ad: {  	v52 =	vshll.u32 v41, $0x7  }
0x5ae: {  	s0 =	simm.s32 $0x1;
	v47 =	vld [tilespmem:$0x3AB0];
	v45 =	vor.u32 v52, v42  }
0x5af: {  	v62 =	vmov s0;
	v44 =	vld [tilespmem:$0x3B30]  }
0x5b0: {  	v63 =	vand.u32 $0x7F, v62;
	v43 =	vld [tilespmem:$0x13D30]  }
0x5b1: {  	v46 =	vbroadcast v63, $0x0;
	v41 =	vld [tilespmem:$0x13D70]  }
0x5b2: {  	v42 =	vld [tilespmem:$0x13DB0]  }
0x5b3: {  	s1 =	simm.s32 $0x2;
	v48 =	vimm.f32 $-Inf;
	v50 =	vor.u32 v52, v46;
	v49 =	vld.idx.msk [tilespmem:v45+s20+$0x0], $0xffff  }
.LBB2_49:
0x5b4: {  	p0 =	sne.s32 s1, $0x23  }
.Ltmp24:
0x5b5: {  	v51 =	vmov s1;
	s1 =	sadd.s32 $0x1, s1;
	(pc) =	sbr.rel @p0 .LBB2_49-.Ltmp24, $4  }
0x5b6: {  	v51 =	vand.u32 $0x7F, v51  }
0x5b7: {  	v51 =	vbroadcast v51, $0x0  }
0x5b8: {  	v48 =	vmax.f32 v48, v49;
	v49 =	vld.idx.msk [tilespmem:v50+s20+$0x0], $0xffff  }
0x5b9: {  	v50 =	vor.u32 v52, v51  }
0x5ba: {  	_ =	sdelay $0x3  }
0x5bb: {  	v50 =	vld.idx.msk [tilespmem:v50+s20+$0x0], $0xffff  }
0x5bc: {  	v51 =	vld.idx.msk [tilespmem:v45+s20+$0x0], $0xffff  }
0x5bd: {  	v46 =	vor.u32 v52, v46  }
0x5be: {  	s1 =	simm.s32 $0x2  }
0x5bf: {  	v58 =	vmov s1;
	v57 =	vmax.f32 v48, v49  }
0x5c0: {  	v48 =	vand.u32 $0x7F, v58;
	v45 =	vmax.f32 v57, v50  }
0x5c1: {  	v48 =	vbroadcast v48, $0x0;
	v59 =	vsub.f32 v51, v45  }
0x5c2: {  	v46 =	vld.idx.msk [tilespmem:v46+s20+$0x0], $0xffff  }
0x5c3: {  	v48 =	vor.u32 v52, v48;
	v49 =	vmul.f32 $1.442695020e+00, v59  }
0x5c4: {  	s15 =	simm.s32 $0x3  }
0x5c5: {  	v60 =	vmov s15;
	(erf) = vpow2.f32 v49  }
0x5c6: {  	v49 =	vand.u32 $0x7F, v60  }
0x5c7: {  	v46 =	vsub.f32 v46, v45;
	v49 =	vbroadcast v49, $0x0  }
0x5c8: {  	v48 =	vld.idx.msk [tilespmem:v48+s20+$0x0], $0xffff  }
0x5c9: {  	s10 =	simm.s32 $0x4;
	v62 =	vmul.f32 $1.442695020e+00, v46;
	v49 =	vor.u32 v52, v49  }
0x5ca: {  	v61 =	vmov s10  }
0x5cb: {  	v50 =	vand.u32 $0x7F, v61;
	(erf) = vpow2.f32 v62  }
0x5cc: {  	v50 =	vbroadcast v50, $0x0  }
0x5cd: {  	s4 =	scvt.s32.f32 s6;
	v48 =	vsub.f32 v48, v45  }
0x5ce: {  	v50 =	vor.u32 v52, v50;
	v46 =	vimm.f32 $0.0e+00;
	v49 =	vld.idx.msk [tilespmem:v49+s20+$0x0], $0xffff;
	v63 =	vpop (erf)  }
0x5cf: {  	s6 =	simm.s32 $0x5;
	v53 =	vmul.f32 $1.442695020e+00, v48;
	v48 =	vadd.f32 v63, v46;
	v51 =	vmul.f32 s4, v63  }
.LBB2_51:
0x5d0: {  	v54 =	vmov s6;
	p0 =	sne.s32 s6, $0x23;
	s4 =	smov.u32 s6;
	s6 =	sadd.s32 $0x1, s6  }
.Ltmp25:
0x5d1: {  	v54 =	vand.u32 $0x7F, v54;
	(erf) = vpow2.f32 v53;
	v46 =	vadd.f32 v51, v46;
	(pc) =	sbr.rel @p0 .LBB2_51-.Ltmp25, $4  }
0x5d2: {  	v1 =	vbroadcast v54, $0x0  }
0x5d3: {  	s7 =	scvt.s32.f32 s0;
	s0 =	smov.u32 s1;
	s1 =	smov.u32 s15;
	v53 =	vsub.f32 v49, v45;
	v49 =	vld.idx.msk [tilespmem:v50+s20+$0x0], $0xffff  }
0x5d4: {  	s15 =	smov.u32 s10;
	s10 =	smov.u32 s4;
	v50 =	vor.u32 v52, v1;
	v51 =	vpop (erf)  }
0x5d5: {  	v53 =	vmul.f32 $1.442695020e+00, v53;
	v48 =	vadd.f32 v51, v48;
	v51 =	vmul.f32 s7, v51  }
0x5d6: {  	_ =	sdelay $0x3  }
0x5d7: {  	v50 =	vld.idx.msk [tilespmem:v50+s20+$0x0], $0xffff;
	_ =	sdelay $0x2  }
0x5d8: {  	v49 =	vsub.f32 v49, v45;
	_ =	sdelay $0x1  }
0x5d9: {  	(erf) = vpow2.f32 v53;
	v49 =	vmul.f32 $1.442695020e+00, v49;
	v35 =	vsub.f32 v50, v45;
	_ =	sdelay $0x1  }
0x5da: {  	(erf) = vpow2.f32 v49;
	v45 =	vmul.f32 $1.442695020e+00, v35;
	_ =	sdelay $0x1  }
0x5db: {  	(erf) = vpow2.f32 v45;
	_ =	sdelay $0x1  }
0x5dc: {  	s0 =	scvt.s32.f32 s0;
	s4 =	simm.s32 $0x24  }
0x5dd: {  	v36 =	vmov s4;
	v37 =	vpop (erf)  }
0x5de: {  	s28 =	scvt.s32.f32 s1;
	s30 =	simm.s32 $0x25;
	v46 =	vadd.f32 v51, v46;
	v54 =	vmul.f32 s0, v37;
	v45 =	vand.u32 $0x7F, v36  }
0x5df: {  	v61 =	vmov s30;
	v55 =	vpop (erf);
	v45 =	vbroadcast v45, $0x0  }
0x5e0: {  	s29 =	scvt.s32.f32 s15;
	v48 =	vadd.f32 v37, v48;
	v46 =	vadd.f32 v54, v46;
	v56 =	vmul.f32 s28, v55  }
0x5e1: {  	v49 =	vand.u32 $0x7F, v61;
	v58 =	vor.u32 v52, v45;
	v57 =	vpop (erf)  }
0x5e2: {  	s31 =	scvt.s32.f32 s10;
	v48 =	vadd.f32 v55, v48;
	v59 =	vadd.f32 v56, v46;
	v60 =	vmul.f32 s29, v57  }
0x5e3: {  	v54 =	vbroadcast v49, $0x0;
	v62 =	vpop (erf)  }
0x5e4: {  	v48 =	vadd.f32 v57, v48;
	v45 =	vadd.f32 v60, v59;
	v63 =	vmul.f32 s31, v62  }
0x5e5: {  	v50 =	vor.u32 v52, v54  }
0x5e6: {  	s0 =	simm.s32 $0x26;
	v49 =	vld.idx.msk [tilespmem:v58+s20+$0x0], $0xffff;
	v46 =	vadd.f32 v62, v48;
	v48 =	vimm.f32 $-Inf;
	v45 =	vadd.f32 v63, v45  }
.LBB2_53:
0x5e7: {  	p0 =	sne.s32 s0, $0x47  }
.Ltmp26:
0x5e8: {  	v51 =	vmov s0;
	s0 =	sadd.s32 $0x1, s0;
	(pc) =	sbr.rel @p0 .LBB2_53-.Ltmp26, $4  }
0x5e9: {  	v51 =	vand.u32 $0x7F, v51  }
0x5ea: {  	v51 =	vbroadcast v51, $0x0  }
0x5eb: {  	v48 =	vmax.f32 v48, v49;
	v49 =	vld.idx.msk [tilespmem:v50+s20+$0x0], $0xffff  }
0x5ec: {  	v50 =	vor.u32 v52, v51  }
0x5ed: {  	s0 =	simm.s32 $0x24  }
0x5ee: {  	v51 =	vmov s0  }
0x5ef: {  	v51 =	vand.u32 $0x7F, v51  }
0x5f0: {  	v51 =	vbroadcast v51, $0x0;
	_ =	sdelay $0x1  }
0x5f1: {  	v51 =	vor.u32 v52, v51;
	_ =	sdelay $0x1  }
0x5f2: {  	s28 =	simm.s32 $0x25  }
0x5f3: {  	v53 =	vmov s28  }
0x5f4: {  	v50 =	vld.idx.msk [tilespmem:v50+s20+$0x0], $0xffff;
	v53 =	vand.u32 $0x7F, v53  }
0x5f5: {  	v53 =	vbroadcast v53, $0x0;
	v51 =	vld.idx.msk [tilespmem:v51+s20+$0x0], $0xffff;
	_ =	sdelay $0x1  }
0x5f6: {  	v58 =	vor.u32 v52, v53  }
0x5f7: {  	s29 =	simm.s32 $0x26;
	v48 =	vmax.f32 v48, v49  }
0x5f8: {  	v59 =	vmov s29;
	v48 =	vmax.f32 v48, v50  }
0x5f9: {  	v50 =	vand.u32 $0x7F, v59;
	v51 =	vsub.f32 v51, v48  }
0x5fa: {  	v50 =	vbroadcast v50, $0x0  }
0x5fb: {  	v49 =	vld.idx.msk [tilespmem:v58+s20+$0x0], $0xffff;
	v51 =	vmul.f32 $1.442695020e+00, v51  }
0x5fc: {  	s30 =	simm.s32 $0x27;
	v50 =	vor.u32 v52, v50  }
0x5fd: {  	v60 =	vmov s30;
	(erf) = vpow2.f32 v51  }
0x5fe: {  	v61 =	vand.u32 $0x7F, v60  }
0x5ff: {  	v51 =	vbroadcast v61, $0x0  }
0x600: {  	s31 =	simm.s32 $0x28;
	v49 =	vsub.f32 v49, v48  }
0x601: {  	v62 =	vmov s31;
	v50 =	vld.idx.msk [tilespmem:v50+s20+$0x0], $0xffff;
	v51 =	vor.u32 v52, v51  }
0x602: {  	v63 =	vand.u32 $0x7F, v62;
	v54 =	vmul.f32 $1.442695020e+00, v49  }
0x603: {  	v53 =	vbroadcast v63, $0x0  }
0x604: {  	s4 =	simm.s32 $0x0;
	(erf) = vpow2.f32 v54  }
0x605: {  	s10 =	simm.s32 $0x1;
	s6 =	simm.s32 $0x2;
	s1 =	simm.s32 $0x3;
	v53 =	vor.u32 v52, v53  }
0x606: {  	s15 =	simm.s32 $0x5;
	s0 =	simm.s32 $0x4;
	s16 =	scvt.s32.f32 s4;
	v49 =	vimm.f32 $0.0e+00;
	v55 =	vsub.f32 v50, v48;
	v50 =	vimm.f32 $0.0e+00;
	v51 =	vld.idx.msk [tilespmem:v51+s20+$0x0], $0xffff;
	v54 =	vpop (erf)  }
.LBB2_55:
0x607: {  	s4 =	sadd.s32 $0x24, s15  }
0x608: {  	p0 =	sne.s32 s15, $0x23;
	v55 =	vmul.f32 $1.442695020e+00, v55;
	v49 =	vadd.f32 v54, v49;
	v54 =	vmul.f32 s16, v54;
	s7 =	smov.u32 s15;
	s15 =	sadd.s32 $0x1, s15  }
.Ltmp27:
0x609: {  	v56 =	vmov s4;
	(pc) =	sbr.rel @p0 .LBB2_55-.Ltmp27, $4  }
0x60a: {  	v56 =	vand.u32 $0x7F, v56;
	(erf) = vpow2.f32 v55;
	v50 =	vadd.f32 v54, v50  }
0x60b: {  	v1 =	vbroadcast v56, $0x0  }
0x60c: {  	s16 =	scvt.s32.f32 s10;
	s10 =	smov.u32 s6;
	s6 =	smov.u32 s1;
	v55 =	vsub.f32 v51, v48;
	v51 =	vld.idx.msk [tilespmem:v53+s20+$0x0], $0xffff  }
0x60d: {  	s1 =	smov.u32 s0;
	s0 =	smov.u32 s7;
	v53 =	vor.u32 v52, v1;
	v54 =	vpop (erf)  }
0x60e: {  	_ =	sdelay $0x3  }
0x60f: {  	v53 =	vld.idx.msk [tilespmem:v53+s20+$0x0], $0xffff;
	_ =	sdelay $0x2  }
0x610: {  	v55 =	vmul.f32 $1.442695020e+00, v55;
	v51 =	vsub.f32 v51, v48;
	_ =	sdelay $0x1  }
0x611: {  	(erf) = vpow2.f32 v55;
	v51 =	vmul.f32 $1.442695020e+00, v51;
	v62 =	vsub.f32 v53, v48;
	_ =	sdelay $0x1  }
0x612: {  	(erf) = vpow2.f32 v51;
	v48 =	vmul.f32 $1.442695020e+00, v62;
	_ =	sdelay $0x1  }
0x613: {  	(erf) = vpow2.f32 v48;
	_ =	sdelay $0x1  }
0x614: {  	v63 =	vmul.f32 s16, v54;
	s4 =	scvt.s32.f32 s10  }
0x615: {  	v49 =	vadd.f32 v54, v49;
	s30 =	simm.s32 $0x48;
	v34 =	vpop (erf)  }
0x616: {  	s6 =	scvt.s32.f32 s6;
	v36 =	vmov s30;
	v35 =	vmul.f32 s4, v34;
	v48 =	vadd.f32 v63, v50  }
0x617: {  	v56 =	vand.u32 $0x80, v36;
	v53 =	vand.u32 $0x7F, v36;
	v49 =	vadd.f32 v34, v49;
	v37 =	vpop (erf)  }
0x618: {  	s1 =	scvt.s32.f32 s1;
	s31 =	simm.s32 $0x49;
	v50 =	vadd.s32 v52, v56;
	v48 =	vadd.f32 v35, v48;
	v57 =	vmul.f32 s6, v37  }
0x619: {  	v61 =	vmov s31;
	v53 =	vor.u32 v53, v50;
	v58 =	vpop (erf)  }
0x61a: {  	s0 =	scvt.s32.f32 s0;
	v49 =	vadd.f32 v37, v49;
	v48 =	vadd.f32 v57, v48;
	v59 =	vmul.f32 s1, v58  }
0x61b: {  	v63 =	vand.u32 $0x80, v61;
	v60 =	vpop (erf)  }
0x61c: {  	v49 =	vadd.f32 v58, v49;
	v48 =	vadd.f32 v59, v48;
	v62 =	vmul.f32 s0, v60  }
0x61d: {  	v54 =	vand.u32 $0x7F, v61;
	v55 =	vadd.s32 v52, v63;
	v50 =	vimm.f32 $-Inf  }
0x61e: {  	v51 =	vld.idx.msk [tilespmem:v53+s20+$0x0], $0xffff;
	v53 =	vor.u32 v54, v55;
	v49 =	vadd.f32 v60, v49;
	s0 =	simm.s32 $0x4A;
	v48 =	vadd.f32 v62, v48  }
.LBB2_57:
0x61f: {  	p0 =	sne.s32 s0, $0x6B  }
.Ltmp28:
0x620: {  	_ = 	snop;
	(pc) =	sbr.rel @p0 .LBB2_57-.Ltmp28, $4  }
0x621: {  	v54 =	vmov s0  }
0x622: {  	v55 =	vand.u32 $0x80, v54  }
0x623: {  	v54 =	vand.u32 $0x7F, v54;
	v55 =	vadd.s32 v52, v55  }
0x624: {  	s0 =	sadd.s32 $0x1, s0;
	v50 =	vmax.f32 v50, v51;
	v51 =	vld.idx.msk [tilespmem:v53+s20+$0x0], $0xffff;
	v53 =	vor.u32 v54, v55  }
0x625: {  	s0 =	simm.s32 $0x48  }
0x626: {  	v54 =	vmov s0  }
0x627: {  	v55 =	vand.u32 $0x80, v54  }
0x628: {  	v54 =	vand.u32 $0x7F, v54;
	v55 =	vadd.s32 v52, v55  }
0x629: {  	v54 =	vor.u32 v54, v55;
	_ =	sdelay $0x2  }
0x62a: {  	s25 =	simm.s32 $0x49  }
0x62b: {  	v53 =	vld.idx.msk [tilespmem:v53+s20+$0x0], $0xffff;
	v34 =	vmov s25  }
0x62c: {  	v56 =	vand.u32 $0x80, v34;
	v54 =	vld.idx.msk [tilespmem:v54+s20+$0x0], $0xffff  }
0x62d: {  	v35 =	vand.u32 $0x7F, v34;
	v36 =	vadd.s32 v52, v56  }
0x62e: {  	v37 =	vor.u32 v35, v36  }
0x62f: {  	s26 =	simm.s32 $0x4A;
	v50 =	vmax.f32 v50, v51  }
0x630: {  	v57 =	vmov s26;
	v53 =	vmax.f32 v50, v53  }
0x631: {  	v58 =	vand.u32 $0x80, v57;
	v54 =	vsub.f32 v54, v53  }
0x632: {  	v51 =	vand.u32 $0x7F, v57;
	v55 =	vadd.s32 v52, v58  }
0x633: {  	v51 =	vor.u32 v51, v55;
	v50 =	vld.idx.msk [tilespmem:v37+s20+$0x0], $0xffff;
	v54 =	vmul.f32 $1.442695020e+00, v54;
	_ =	sdelay $0x1  }
0x634: {  	(erf) = vpow2.f32 v54  }
0x635: {  	s29 =	simm.s32 $0x4B  }
0x636: {  	v59 =	vmov s29  }
0x637: {  	v60 =	vand.u32 $0x80, v59;
	v51 =	vld.idx.msk [tilespmem:v51+s20+$0x0], $0xffff;
	v50 =	vsub.f32 v50, v53  }
0x638: {  	v55 =	vadd.s32 v52, v60;
	v54 =	vand.u32 $0x7F, v59  }
0x639: {  	s30 =	simm.s32 $0x4C;
	v62 =	vmul.f32 $1.442695020e+00, v50;
	v54 =	vor.u32 v54, v55  }
0x63a: {  	v61 =	vmov s30  }
0x63b: {  	s31 =	simm.s32 $0x0;
	v63 =	vand.u32 $0x80, v61;
	(erf) = vpow2.f32 v62  }
0x63c: {  	s1 =	scvt.s32.f32 s31;
	v57 =	vadd.s32 v52, v63;
	v51 =	vsub.f32 v51, v53;
	v55 =	vand.u32 $0x7F, v61  }
0x63d: {  	s28 =	simm.s32 $0x1;
	s24 =	simm.s32 $0x4;
	v50 =	vimm.f32 $0.0e+00;
	v56 =	vor.u32 v55, v57;
	v58 =	vpop (erf)  }
0x63e: {  	s25 =	simm.s32 $0x2;
	s26 =	simm.s32 $0x3;
	s0 =	simm.s32 $0x5;
	v57 =	vmul.f32 $1.442695020e+00, v51;
	v55 =	vld.idx.msk [tilespmem:v54+s20+$0x0], $0xffff;
	v54 =	vadd.f32 v58, v50;
	v51 =	vmul.f32 s1, v58  }
.LBB2_59:
0x63f: {  	s1 =	sadd.s32 $0x48, s0  }
0x640: {  	p0 =	sne.s32 s0, $0x23;
	s4 =	smov.u32 s0;
	s0 =	sadd.s32 $0x1, s0  }
.Ltmp29:
0x641: {  	v58 =	vmov s1;
	(erf) = vpow2.f32 v57;
	v50 =	vadd.f32 v51, v50;
	(pc) =	sbr.rel @p0 .LBB2_59-.Ltmp29, $4  }
0x642: {  	v4 =	vand.u32 $0x80, v58  }
0x643: {  	s1 =	scvt.s32.f32 s28;
	s28 =	smov.u32 s25;
	s25 =	smov.u32 s26;
	v57 =	vand.u32 $0x7F, v58;
	v58 =	vsub.f32 v55, v53;
	v1 =	vadd.s32 v52, v4;
	v55 =	vld.idx.msk [tilespmem:v56+s20+$0x0], $0xffff  }
0x644: {  	s26 =	smov.u32 s24;
	s24 =	smov.u32 s4;
	v56 =	vor.u32 v57, v1;
	v51 =	vpop (erf)  }
0x645: {  	v57 =	vmul.f32 $1.442695020e+00, v58;
	v54 =	vadd.f32 v51, v54;
	v51 =	vmul.f32 s1, v51  }
0x646: {  	(v2sf) =	vpush v47, $0xD;
	_ =	sdelay $0x1  }
0x647: {  	(v2sf) =	vpush v47, $0xC;
	_ =	sdelay $0x1  }
0x648: {  	(v2sf) =	vpush v47, $0xE;
	_ =	sdelay $0x1  }
0x649: {  	(v2sf) =	vpush v47, $0xF;
	_ =	sdelay $0x1  }
0x64a: {  	(v2sf) =	vpush v47, $0x9  }
0x64b: {  	(v2sf) =	vpush v47, $0x8;
	_ =	sdelay $0x2  }
0x64c: {  	(v2sf) =	vpush v47, $0xA;
	_ =	sdelay $0x2  }
0x64d: {  	(v2sf) =	vpush v47, $0xB;
	s0 =	spop (v2sf)  }
0x64e: {  	s1 =	smulhi.u32 $0x38E38E39, s0;
	s0 =	sshra.s32 s0, $0x1F  }
0x64f: {  	s4 =	spop (v2sf);
	s0 =	smul.u32 $0x38E38E39, s0  }
0x650: {  	s16 =	smulhi.u32 $0x38E38E39, s4;
	s4 =	sshra.s32 s4, $0x1F  }
0x651: {  	(v2sf) =	vpush v47, $0x0;
	s7 =	spop (v2sf);
	s4 =	smul.u32 $0x38E38E39, s4  }
0x652: {  	s8 =	smulhi.u32 $0x38E38E39, s7;
	s7 =	sshra.s32 s7, $0x1F  }
0x653: {  	(v2sf) =	vpush v47, $0x1;
	s9 =	spop (v2sf);
	s7 =	smul.u32 $0x38E38E39, s7  }
0x654: {  	s10 =	smulhi.u32 $0x38E38E39, s9;
	s9 =	sshra.s32 s9, $0x1F  }
0x655: {  	(v2sf) =	vpush v47, $0x2;
	s11 =	spop (v2sf);
	s0 =	sadd.s32 s0, s1;
	s9 =	smul.u32 $0x38E38E39, s9  }
0x656: {  	(v2sf) =	vpush v47, $0x3;
	s6 =	smulhi.u32 $0x38E38E39, s11;
	s11 =	sshra.s32 s11, $0x1F;
	s15 =	spop (v2sf)  }
0x657: {  	(v2sf) =	vpush v47, $0x4;
	[dreg:$0xf] =	wrdreg s0;
	s11 =	smul.u32 $0x38E38E39, s11  }
0x658: {  	s0 =	sshrl.u32 s0, $0x1F;
	s17 =	sadd.s32 s4, s16;
	s18 =	smulhi.u32 $0x38E38E39, s15  }
0x659: {  	(v2sf) =	vpush v47, $0x5;
	s15 =	sshra.s32 s15, $0x1F;
	s30 =	spop (v2sf);
	[smem:$0x7AA] =	sst s0  }
0x65a: {  	(v2sf) =	vpush v47, $0x6;
	[dreg:$0x13] =	wrdreg s17;
	s21 =	smul.u32 $0x38E38E39, s15  }
0x65b: {  	s0 =	sshrl.u32 s17, $0x1F;
	s17 =	sadd.s32 s7, s8;
	(v2sf) =	vpush v47, $0x7;
	s23 =	smulhi.u32 $0x38E38E39, s30  }
0x65c: {  	s31 =	sshra.s32 s30, $0x1F;
	s15 =	spop (v2sf);
	[smem:$0x7A9] =	sst s0  }
0x65d: {  	[smem:$0x7AF] =	sst s17;
	s29 =	smul.u32 $0x38E38E39, s31  }
0x65e: {  	s16 =	smulhi.u32 $0x38E38E39, s15;
	s1 =	sshra.s32 s15, $0x1F;
	s15 =	sadd.s32 s9, s10  }
0x65f: {  	s8 =	sadd.s32 s11, s6;
	s31 =	smul.u32 $0x38E38E39, s1;
	[smem:$0x7B1] =	sst s15  }
0x660: {  	[smem:$0x7AE] =	sst s8;
	s4 =	sadd.s32 s21, s18;
	s30 =	spop (v2sf)  }
0x661: {  	[smem:$0x7AB] =	sst s4;
	s7 =	smulhi.u32 $0x38E38E39, s30;
	s0 =	sshra.s32 s30, $0x1F  }
0x662: {  	s4 =	sadd.s32 s31, s16;
	s1 =	spop (v2sf);
	s30 =	smul.u32 $0x38E38E39, s0  }
0x663: {  	[smem:$0x7B2] =	sst s4;
	s10 =	smulhi.u32 $0x38E38E39, s1;
	s9 =	sshra.s32 s1, $0x1F  }
0x664: {  	s6 =	spop (v2sf);
	s9 =	smul.u32 $0x38E38E39, s9  }
0x665: {  	s21 =	smulhi.u32 $0x38E38E39, s6;
	s11 =	sshra.s32 s6, $0x1F;
	s18 =	spop (v2sf)  }
0x666: {  	s6 =	sadd.s32 s29, s23;
	s11 =	smul.u32 $0x38E38E39, s11;
	s23 =	spop (v2sf)  }
0x667: {  	s1 =	smulhi.u32 $0x38E38E39, s18;
	s0 =	sshra.s32 s18, $0x1F;
	s7 =	sadd.s32 s30, s7  }
0x668: {  	s29 =	spop (v2sf);
	s31 =	smulhi.u32 $0x38E38E39, s23;
	s30 =	sshra.s32 s23, $0x1F  }
0x669: {  	s16 =	spop (v2sf);
	s11 =	sadd.s32 s11, s21;
	s21 =	smul.u32 $0x38E38E39, s30  }
0x66a: {  	s9 =	sadd.s32 s9, s10;
	s30 =	smulhi.u32 $0x38E38E39, s29;
	s18 =	spop (v2sf)  }
0x66b: {  	[smem:$0x7AC] =	sst s31;
	s10 =	smulhi.u32 $0x38E38E39, s18;
	s31 =	sshra.s32 s18, $0x1F  }
0x66c: {  	[smem:$0x7B0] =	sst s6;
	s18 =	smul.u32 $0x38E38E39, s31  }
0x66d: {  	s0 =	smul.u32 $0x38E38E39, s0;
	s29 =	sshra.s32 s29, $0x1F;
	[smem:$0x7AD] =	sst s30  }
0x66e: {  	s30 =	smul.u32 $0x38E38E39, s29;
	s29 =	sshrl.u32 s17, $0x1F;
	s18 =	sadd.s32 s18, s10  }
0x66f: {  	s17 =	sshrl.u32 s15, $0x1F;
	s15 =	sld [smem:$0x7A9];
	s10 =	sshra.s32 s18, $0x1F  }
0x670: {  	vm4 =	vcmask $0x300;
	v52 =	vmov s10;
	s10 =	sld [smem:$0x7AA]  }
0x671: {  	vm3 =	vcmask $0xB08;
	vm1 =	vcmask $0x704;
	vm2 =	vcmask $0x1310;
	s23 =	sshra.s32 s7, $0x7;
	s1 =	sadd.s32 s0, s1;
	s31 =	sshrl.u32 s7, $0x1F  }
0x672: {  	s0 =	sshra.s32 s9, $0x7;
	s7 =	sshra.s32 s7, $0x1F;
	v59 =	vmov s31;
	s31 =	sshrl.u32 s6, $0x1F;
	v58 =	vmov s15;
	v52 =	vsel vm4, s23, v52  }
0x673: {  	vm6 =	vcmask $0x1B18;
	s6 =	sshrl.u32 s11, $0x1F;
	s15 =	sshrl.u32 s8, $0x1F;
	s8 =	sld [smem:$0x7AB];
	v52 =	vsel vm1, s7, v52;
	v58 =	vsel vm3, s10, v58  }
0x674: {  	s23 =	sshrl.u32 s9, $0x1F;
	s7 =	sshra.s32 s9, $0x1F;
	vm1 =	vcmask $0xF0C;
	v52 =	vsel vm3, s0, v52;
	s10 =	sshrl.u32 s4, $0x1F;
	v58 =	vsel vm2, s29, v58  }
0x675: {  	s0 =	smulhi.u32 $0x38E38E39, s16;
	v52 =	vsel vm1, s7, v52;
	s7 =	sshra.s32 s16, $0x1F;
	v58 =	vsel vm6, s17, v58;
	s17 =	sld [smem:$0x7AC]  }
0x676: {  	v59 =	vnsel vm4, $0x0, v59;
	s16 =	sshra.s32 s11, $0x7;
	s29 =	sld [smem:$0x7AD];
	s4 =	smul.u32 $0x38E38E39, s7  }
0x677: {  	vm5 =	vcmask $0x2320;
	s9 =	sshrl.u32 s8, $0x1F;
	v59 =	vsel vm3, s23, v59;
	s23 =	sshrl.u32 s1, $0x1F;
	v52 =	vsel vm2, s16, v52;
	s16 =	rddreg [dreg:$0x13]  }
0x678: {  	vm7 =	vcmask $0x2B28;
	v60 =	vmov s9;
	v59 =	vsel vm2, s6, v59;
	s0 =	sadd.s32 s4, s0;
	s9 =	sadd.s32 s21, s17;
	s21 =	sshra.s32 s11, $0x1F  }
0x679: {  	vm4 =	vcmask $0x3330;
	v60 =	vsel vm3, s15, v60;
	v59 =	vsel vm6, s23, v59;
	s11 =	sadd.s32 s30, s29;
	s30 =	sshra.s32 s1, $0x7;
	s23 =	sshrl.u32 s9, $0x1F  }
0x67a: {  	vm1 =	vcmask $0x1714;
	v60 =	vsel vm2, s31, v60;
	s4 =	sshrl.u32 s0, $0x1F;
	s29 =	sld [smem:$0x7AE];
	s31 =	sshrl.u32 s11, $0x1F;
	v59 =	vsel vm5, s23, v59  }
0x67b: {  	v60 =	vsel vm6, s10, v60;
	v52 =	vsel vm1, s21, v52;
	s15 =	sshra.s32 s9, $0x7;
	s21 =	sshra.s32 s9, $0x1F;
	s9 =	sld [smem:$0x7B1];
	v59 =	vsel vm7, s31, v59  }
0x67c: {  	s1 =	sshra.s32 s1, $0x1F;
	vm1 =	vcmask $0x1F1C;
	v52 =	vsel vm6, s30, v52;
	s23 =	rddreg [dreg:$0xf];
	v59 =	vsel vm4, s4, v59;
	s4 =	sshra.s32 s16, $0x7  }
0x67d: {  	v58 =	vcombine.low v60, v58;
	v52 =	vsel vm1, s1, v52;
	s7 =	sshra.s32 s23, $0x7;
	s31 =	sld [smem:$0x7AF];
	v37 =	vmov s4  }
0x67e: {  	vm1 =	vcmask $0x2724;
	v52 =	vsel vm5, s15, v52;
	v60 =	vsel vm3, s7, v37;
	s7 =	sld [smem:$0x7B0]  }
0x67f: {  	s10 =	sld [smem:$0x7B2];
	s17 =	sshra.s32 s8, $0x7;
	s30 =	sshra.s32 s11, $0x7;
	v52 =	vsel vm1, s21, v52  }
0x680: {  	v61 =	vmov s17;
	s8 =	sshra.s32 s11, $0x1F;
	s4 =	sshra.s32 s29, $0x7;
	vm1 =	vcmask $0x2F2C;
	s6 =	sshra.s32 s31, $0x7;
	v52 =	vsel vm7, s30, v52  }
0x681: {  	v61 =	vsel vm3, s4, v61;
	v60 =	vsel vm2, s6, v60;
	s6 =	sshra.s32 s9, $0x7;
	v52 =	vsel vm1, s8, v52;
	s4 =	sshra.s32 s7, $0x7  }
0x682: {  	s11 =	sshra.s32 s0, $0x7;
	vm1 =	vcmask $0x3B38;
	v60 =	vsel vm6, s6, v60;
	v61 =	vsel vm2, s4, v61;
	s4 =	sshra.s32 s10, $0x7  }
0x683: {  	s0 =	sshra.s32 s0, $0x1F;
	s15 =	sshrl.u32 s18, $0x1F;
	v52 =	vsel vm4, s11, v52;
	vm4 =	vcmask $0x3734;
	v61 =	vsel vm6, s4, v61  }
0x684: {  	s16 =	sshra.s32 s18, $0x7;
	v59 =	vsel vm1, s15, v59;
	v52 =	vsel vm4, s0, v52;
	v60 =	vcombine.low v61, v60  }
0x685: {  	v58 =	vperm.xlane v58, v7;
	v59 =	vperm.xlane v59, v8;
	v52 =	vsel vm1, s16, v52  }
0x686: {  	v52 =	vperm.xlane v52, v8;
	v60 =	vperm.xlane v60, v7;
	_ =	sdelay $0x1  }
0x687: {  	v58 =	vsel vm8, v59, v58;
	v52 =	vsel vm8, v52, v60  }
0x688: {  	v52 =	vadd.s32 v58, v52  }
0x689: {  	v58 =	vmul.u32 $0xFFFFFDC0, v52  }
0x68a: {  	v62 =	vsub.s32 $0x0, v47  }
0x68b: {  	vm4 =	vlt.s32 v47, $0x1;
	vm5 =	vne.s32 v58, v62  }
0x68c: {  	vm4 =	vmand vm4, vm5  }
0x68d: {  	v63 =	vsel vm4, $0xFFFFFFFF, v2  }
0x68e: {  	v52 =	vadd.s32 v63, v52  }
0x68f: {  	v58 =	vmul.u32 $0xFFFFFDC0, v52;
	_ =	sdelay $0x1  }
0x690: {  	v47 =	vadd.s32 v47, v58  }
0x691: {  	(v2sf) =	vpush v47, $0xD;
	_ =	sdelay $0x1  }
0x692: {  	(v2sf) =	vpush v47, $0xC;
	_ =	sdelay $0x1  }
0x693: {  	(v2sf) =	vpush v47, $0xE;
	_ =	sdelay $0x1  }
0x694: {  	(v2sf) =	vpush v47, $0xF;
	_ =	sdelay $0x1  }
0x695: {  	(v2sf) =	vpush v47, $0x9  }
0x696: {  	(v2sf) =	vpush v47, $0x8;
	_ =	sdelay $0x1  }
0x697: {  	(v2sf) =	vpush v47, $0xA  }
0x698: {  	(v2sf) =	vpush v47, $0xB;
	_ =	sdelay $0x2  }
0x699: {  	(v2sf) =	vpush v47, $0x0;
	s17 =	spop (v2sf)  }
0x69a: {  	s1 =	smulhi.u32 $0x2AAAAAAB, s17;
	s0 =	sshra.s32 s17, $0x1F  }
0x69b: {  	(v2sf) =	vpush v47, $0x1;
	s18 =	spop (v2sf);
	s0 =	smul.u32 $0x2AAAAAAB, s0  }
0x69c: {  	s6 =	smulhi.u32 $0x2AAAAAAB, s18;
	s4 =	sshra.s32 s18, $0x1F  }
0x69d: {  	(v2sf) =	vpush v47, $0x2;
	s21 =	spop (v2sf);
	s31 =	smul.u32 $0x2AAAAAAB, s4  }
0x69e: {  	s8 =	smulhi.u32 $0x2AAAAAAB, s21;
	s7 =	sshra.s32 s21, $0x1F  }
0x69f: {  	s23 =	spop (v2sf);
	s4 =	smul.u32 $0x2AAAAAAB, s7  }
0x6a0: {  	s11 =	smulhi.u32 $0x2AAAAAAB, s23;
	s9 =	sshra.s32 s23, $0x1F  }
0x6a1: {  	(v2sf) =	vpush v47, $0x3;
	s29 =	spop (v2sf);
	s0 =	sadd.s32 s0, s1;
	s9 =	smul.u32 $0x2AAAAAAB, s9  }
0x6a2: {  	(v2sf) =	vpush v47, $0x4;
	s30 =	spop (v2sf);
	s17 =	smulhi.u32 $0x2AAAAAAB, s29;
	s10 =	sshra.s32 s29, $0x1F  }
0x6a3: {  	(v2sf) =	vpush v47, $0x5;
	[dreg:$0xa] =	wrdreg s0;
	s0 =	sshrl.u32 s0, $0x1F;
	s10 =	smul.u32 $0x2AAAAAAB, s10  }
0x6a4: {  	(v2sf) =	vpush v47, $0x6;
	s16 =	spop (v2sf);
	s29 =	smulhi.u32 $0x2AAAAAAB, s30;
	s15 =	sshra.s32 s30, $0x1F  }
0x6a5: {  	(v2sf) =	vpush v47, $0x7;
	[smem:$0x7B3] =	sst s0;
	s0 =	sadd.s32 s31, s6;
	s18 =	spop (v2sf)  }
0x6a6: {  	s31 =	sadd.s32 s4, s8;
	s15 =	smul.u32 $0x2AAAAAAB, s15;
	[dreg:$0xb] =	wrdreg s0  }
0x6a7: {  	s7 =	smulhi.u32 $0x2AAAAAAB, s16;
	s16 =	sshra.s32 s16, $0x1F;
	[dreg:$0x9] =	wrdreg s31  }
0x6a8: {  	s21 =	spop (v2sf);
	s6 =	smul.u32 $0x2AAAAAAB, s16  }
0x6a9: {  	s8 =	smulhi.u32 $0x2AAAAAAB, s18;
	s4 =	sshra.s32 s18, $0x1F;
	s18 =	sshrl.u32 s0, $0x1F  }
0x6aa: {  	s0 =	sadd.s32 s9, s11;
	s23 =	spop (v2sf);
	s16 =	smul.u32 $0x2AAAAAAB, s4  }
0x6ab: {  	s31 =	sshrl.u32 s31, $0x1F;
	[dreg:$0x14] =	wrdreg s0;
	s9 =	smulhi.u32 $0x2AAAAAAB, s21  }
0x6ac: {  	s21 =	sshra.s32 s21, $0x1F;
	s4 =	sadd.s32 s10, s17;
	s30 =	spop (v2sf)  }
0x6ad: {  	s15 =	sadd.s32 s15, s29;
	[smem:$0x7B5] =	sst s4;
	s21 =	smul.u32 $0x2AAAAAAB, s21  }
0x6ae: {  	s17 =	sadd.s32 s6, s7;
	s6 =	smulhi.u32 $0x2AAAAAAB, s23;
	s23 =	sshra.s32 s23, $0x1F  }
0x6af: {  	v34 =	vmov s18;
	s18 =	sshrl.u32 s4, $0x1F;
	s4 =	sld [smem:$0x7B3];
	s7 =	smul.u32 $0x2AAAAAAB, s23  }
0x6b0: {  	s29 =	sadd.s32 s16, s8;
	s23 =	smulhi.u32 $0x2AAAAAAB, s30;
	s10 =	spop (v2sf)  }
0x6b1: {  	s1 =	sshra.s32 s30, $0x1F;
	[dreg:$0x18] =	wrdreg s29;
	s30 =	spop (v2sf)  }
0x6b2: {  	s11 =	sadd.s32 s21, s9;
	s21 =	smul.u32 $0x2AAAAAAB, s1;
	s29 =	spop (v2sf)  }
0x6b3: {  	s9 =	smulhi.u32 $0x2AAAAAAB, s10;
	s16 =	sshra.s32 s10, $0x1F;
	s10 =	spop (v2sf)  }
0x6b4: {  	v56 =	vld.idx.msk [tilespmem:v56+s20+$0x0], $0xffff;
	s6 =	sadd.s32 s7, s6;
	s8 =	smul.u32 $0x2AAAAAAB, s16;
	s7 =	spop (v2sf)  }
0x6b5: {  	[smem:$0x7B4] =	sst s15;
	s1 =	smulhi.u32 $0x2AAAAAAB, s7;
	s16 =	sshra.s32 s7, $0x1F  }
0x6b6: {  	v55 =	vsub.f32 v55, v53;
	v58 =	vsel vm3, s4, v34;
	s7 =	sshrl.u32 s0, $0x1F;
	s0 =	sshrl.u32 s15, $0x1F;
	s16 =	smul.u32 $0x2AAAAAAB, s16  }
0x6b7: {  	v44 =	vsub.f32 $0.0e+00, v44;
	v58 =	vsel vm2, s31, v58;
	s15 =	sshra.s32 s30, $0x1F;
	v35 =	vmov s0;
	s0 =	sadd.s32 s21, s23;
	s21 =	smulhi.u32 $0x2AAAAAAB, s30  }
0x6b8: {  	(erf) = vpow2.f32 v57;
	v55 =	vmul.f32 $1.442695020e+00, v55;
	s4 =	sadd.s32 s8, s9;
	s31 =	smul.u32 $0x2AAAAAAB, s15;
	v58 =	vsel vm6, s7, v58;
	s7 =	sshrl.u32 s11, $0x1F  }
0x6b9: {  	vm1 =	vcmask $0x300;
	v62 =	vsub.f32 v56, v53;
	s8 =	smulhi.u32 $0x2AAAAAAB, s29;
	s30 =	sshrl.u32 s17, $0x1F;
	s15 =	sshrl.u32 s6, $0x1F;
	v36 =	vmov s7  }
0x6ba: {  	v44 =	vmul.f32 $1.442695020e+00, v44;
	v59 =	vsel vm3, s18, v35;
	s23 =	sshrl.u32 s0, $0x1F;
	s18 =	sadd.s32 s16, s1;
	s1 =	sadd.s32 s31, s21;
	v63 =	vnsel vm1, $0x0, v36  }
0x6bb: {  	(erf) = vpow2.f32 v55;
	v53 =	vmul.f32 $1.442695020e+00, v62;
	s16 =	sshra.s32 s11, $0x2;
	s21 =	sshra.s32 s29, $0x1F;
	s9 =	sshra.s32 s18, $0x1F;
	v56 =	vsel vm3, s15, v63  }
0x6bc: {  	v57 =	vsel vm2, s30, v59;
	s30 =	smulhi.u32 $0x2AAAAAAB, s10;
	s31 =	sshra.s32 s10, $0x1F;
	s10 =	sshrl.u32 s4, $0x1F;
	v37 =	vmov s9;
	v56 =	vsel vm2, s23, v56  }
0x6bd: {  	vm4 =	vcmask $0x704;
	s11 =	sshra.s32 s11, $0x1F;
	v34 =	vsel vm1, s16, v37;
	s16 =	smul.u32 $0x2AAAAAAB, s21;
	v56 =	vsel vm6, s10, v56  }
0x6be: {  	vm5 =	vcmask $0x2320;
	(erf) = vpow2.f32 v53;
	s29 =	sshra.s32 s6, $0x2;
	s6 =	sshra.s32 s6, $0x1F;
	s7 =	smul.u32 $0x2AAAAAAB, s31;
	v59 =	vsel vm4, s11, v34  }
0x6bf: {  	s9 =	rddreg [dreg:$0x18];
	vm1 =	vmmov vm7;
	vm4 =	vcmask $0xF0C;
	v35 =	vsel vm3, s29, v59;
	s8 =	sadd.s32 s16, s8;
	s16 =	sshrl.u32 s1, $0x1F  }
0x6c0: {  	s15 =	sshra.s32 s0, $0x2;
	s11 =	sld [smem:$0x7B4];
	s29 =	sshrl.u32 s9, $0x1F;
	v55 =	vsel vm4, s6, v35;
	v37 =	vsel vm5, s16, v56;
	v56 =	vpop (erf);
	(erf) = vpow2.f32 v44  }
0x6c1: {  	s0 =	sshra.s32 s0, $0x1F;
	s21 =	sshrl.u32 s8, $0x1F;
	vm4 =	vcmask $0x1714;
	v63 =	vsel vm6, s29, v57;
	v36 =	vsel vm2, s15, v55  }
0x6c2: {  	s23 =	sshra.s32 s4, $0x2;
	s10 =	rddreg [dreg:$0xb];
	s6 =	sadd.s32 s7, s30;
	v61 =	vadd.f32 v56, v54;
	v62 =	vsel vm7, s21, v37;
	vm7 =	vcmask $0x1F1C  }
0x6c3: {  	s30 =	sshrl.u32 s6, $0x1F;
	v55 =	vcombine.low v63, v58;
	s7 =	sshra.s32 s11, $0x2;
	s21 =	sld [smem:$0x7B5];
	v60 =	vsel vm4, s0, v36;
	vm4 =	vcmask $0x3330  }
0x6c4: {  	s31 =	sshra.s32 s1, $0x2;
	s4 =	sshra.s32 s4, $0x1F;
	s16 =	rddreg [dreg:$0xa];
	v57 =	vpop (erf);
	v35 =	vmov s7;
	v44 =	vsel vm6, s23, v60;
	v54 =	vsel vm4, s30, v62  }
0x6c5: {  	s29 =	rddreg [dreg:$0x9];
	s15 =	sshra.s32 s1, $0x1F;
	v53 =	vadd.f32 v57, v61;
	v55 =	vperm.xlane v55, v7;
	v44 =	vsel vm7, s4, v44;
	s4 =	sshra.s32 s10, $0x2  }
0x6c6: {  	s1 =	sshra.s32 s16, $0x2;
	s7 =	rddreg [dreg:$0x14];
	v44 =	vsel vm5, s31, v44;
	v34 =	vmov s4;
	s4 =	sshra.s32 s21, $0x2;
	vm5 =	vcmask $0x2724  }
0x6c7: {  	s23 =	sshra.s32 s8, $0x2;
	s30 =	sshra.s32 s17, $0x2;
	v36 =	vpop (erf);
	v44 =	vsel vm5, s15, v44;
	v58 =	vsel vm3, s1, v34;
	s1 =	sshra.s32 s29, $0x2;
	v59 =	vsel vm3, s4, v35  }
0x6c8: {  	s31 =	sshra.s32 s8, $0x1F;
	s8 =	sshra.s32 s9, $0x2;
	v61 =	vpop (erf);
	v44 =	vsel vm1, s23, v44;
	v58 =	vsel vm2, s1, v58;
	s1 =	sshra.s32 s7, $0x2;
	v59 =	vsel vm2, s30, v59  }
0x6c9: {  	vm2 =	vcmask $0x2F2C;
	v58 =	vsel vm6, s1, v58;
	v59 =	vsel vm6, s8, v59;
	v37 =	vpop (erf)  }
0x6ca: {  	s9 =	sshra.s32 s6, $0x2;
	v44 =	vsel vm2, s31, v44;
	v58 =	vcombine.low v59, v58;
	v59 =	vadd.f32 $1.000000000e+00, v37  }
0x6cb: {  	s11 =	sshra.s32 s6, $0x1F;
	s10 =	sshrl.u32 s18, $0x1F;
	vm1 =	vcmask $0x3B38;
	vm2 =	vcmask $0x3734;
	v44 =	vsel vm4, s9, v44  }
0x6cc: {  	s15 =	sshra.s32 s18, $0x2;
	v54 =	vsel vm1, s10, v54;
	v44 =	vsel vm2, s11, v44;
	(erf) = vrcp.f32 v59  }
0x6cd: {  	v54 =	vperm.xlane v54, v8;
	v44 =	vsel vm1, s15, v44;
	(erf) = vrcp.f32 v46  }
0x6ce: {  	v53 =	vadd.f32 v36, v53;
	v58 =	vperm.xlane v58, v7;
	v44 =	vperm.xlane v44, v8  }
0x6cf: {  	s16 =	scvt.s32.f32 s28;
	(erf) = vrcp.f32 v49  }
0x6d0: {  	v53 =	vadd.f32 v61, v53;
	v54 =	vsel vm8, v54, v55;
	v44 =	vsel vm8, v44, v58  }
0x6d1: {  	v63 =	vsub.s32 $0x0, v47;
	v62 =	vmul.f32 s16, v56;
	s18 =	scvt.s32.f32 s26;
	v44 =	vadd.s32 v54, v44  }
0x6d2: {  	s17 =	scvt.s32.f32 s25;
	v58 =	vadd.f32 v51, v50;
	(erf) = vrcp.f32 v53;
	v59 =	vmul.u32 $0xFFFFFFE8, v44  }
0x6d3: {  	v35 =	vmul.f32 s18, v36;
	v36 =	vcvt.s32.f32 v52;
	vm4 =	vlt.s32 v47, $0x1  }
0x6d4: {  	s21 =	scvt.s32.f32 s24;
	v7 =	vmul.f32 s17, v57;
	v46 =	vadd.f32 v62, v58;
	vm5 =	vne.s32 v59, v63  }
0x6d5: {  	v43 =	vadd.f32 v36, v43;
	vm4 =	vmand vm4, vm5;
	v52 =	vpop (erf)  }
0x6d6: {  	v56 =	vmul.f32 s21, v61;
	v46 =	vadd.f32 v7, v46;
	v34 =	vsel vm4, $0xFFFFFFFF, v2;
	v57 =	vpop (erf)  }
0x6d7: {  	v43 =	vmul.f32 $4.000000000e+00, v43;
	v44 =	vadd.s32 v34, v44;
	v45 =	vmul.f32 v57, v45  }
0x6d8: {  	v46 =	vadd.f32 v35, v46;
	v37 =	vmul.u32 $0xFFFFFFE8, v44;
	v44 =	vcvt.s32.f32 v44;
	v58 =	vpop (erf)  }
0x6d9: {  	v48 =	vmul.f32 v58, v48;
	v45 =	vmul.f32 $4.000000000e+00, v45  }
0x6da: {  	v7 =	vor.u32 $0x302, v3;
	v46 =	vadd.f32 v56, v46;
	v47 =	vadd.s32 v47, v37  }
0x6db: {  	v59 =	vpop (erf);
	v41 =	vadd.f32 v44, v41;
	v44 =	vmul.f32 $4.000000000e+00, v48;
	v60 =	vmul.f32 $5.000000000e-01, v45  }
0x6dc: {  	vm4 =	vgt.f32 v38, $1.500000060e-01;
	v47 =	vcvt.s32.f32 v47;
	v46 =	vmul.f32 v59, v46  }
0x6dd: {  	v48 =	vmul.f32 $4.000000000e+00, v41;
	v61 =	vmul.f32 $5.000000000e-01, v44;
	v50 =	vsub.f32 v43, v60  }
0x6de: {  	v42 =	vadd.f32 v47, v42;
	v46 =	vmul.f32 $4.000000000e+00, v46;
	v47 =	vadd.f32 v60, v43  }
0x6df: {  	v38 =	vnsel vm4, $0xFF800000, v38;
	v63 =	vmul.f32 v44, v45;
	v53 =	vsub.f32 v48, v61;
	[tilespmem:$0x14430] =	vst v50  }
0x6e0: {  	v42 =	vmul.f32 $4.000000000e+00, v42;
	v62 =	vmul.f32 $5.000000000e-01, v46;
	v55 =	vadd.f32 v61, v48;
	[tilespmem:$0x14530] =	vst v47  }
0x6e1: {  	vm4 =	vgt.f32 v39, $1.500000060e-01;
	v56 =	vor.u32 $0x300, v3;
	v51 =	vmul.f32 v46, v63;
	[tilespmem:$0x14470] =	vst v53  }
0x6e2: {  	v39 =	vnsel vm4, $0xFF800000, v39;
	v57 =	vor.u32 $0x301, v3;
	v54 =	vsub.f32 v42, v62;
	[tilespmem:$0x14570] =	vst v55  }
0x6e3: {  	vm4 =	vgt.f32 v40, $1.500000060e-01;
	vm5 =	vgt.f32 v52, $1.500000060e-01;
	v49 =	vadd.f32 v62, v42;
	[tilespmem:$0x14630] =	vst v51  }
0x6e4: {  	v34 =	vor.u32 $0x303, v3;
	v40 =	vnsel vm4, $0xFF800000, v40;
	v41 =	vnsel vm5, $0xFF800000, v52;
	[tilespmem:$0x144B0] =	vst v54  }
0x6e5: {  	s23 =	simm.s32 $0x13E00;
	v35 =	vor.u32 $0x304, v3;
	v36 =	vmax.f32 v38, v39;
	v62 =	vmax.f32 v40, v41;
	[tilespmem:$0x145B0] =	vst v49  }
0x6e6: {  	v37 =	vor.u32 $0x305, v3;
	v61 =	vmax.f32 v36, v62;
	[tilespmem:v56+s23+$0x0] =	vst.idx.msk $0xffff, v6  }
0x6e7: {  	(xrf0) =	vmax.scan.msk.f32 $0xffff, v61;
	[tilespmem:v57+s23+$0x0] =	vst.idx.msk $0xffff, v52;
	v57 =	vor.u32 $0x306, v3  }
0x6e8: {  	v62 =	vor.u32 $0x307, v3;
	[tilespmem:v7+s23+$0x0] =	vst.idx.msk $0xffff, v43  }
0x6e9: {  	v63 =	vor.u32 $0x308, v3;
	[tilespmem:v34+s23+$0x0] =	vst.idx.msk $0xffff, v48  }
0x6ea: {  	v6 =	vor.u32 $0x309, v3;
	[tilespmem:v35+s23+$0x0] =	vst.idx.msk $0xffff, v42  }
0x6eb: {  	v7 =	vor.u32 $0x30A, v3;
	[tilespmem:v37+s23+$0x0] =	vst.idx.msk $0xffff, v45  }
0x6ec: {  	v34 =	vor.u32 $0x30B, v3;
	[tilespmem:v57+s23+$0x0] =	vst.idx.msk $0xffff, v44  }
0x6ed: {  	v35 =	vor.u32 $0x30C, v3;
	v36, _, _ =	vpop (xrf0);
	[tilespmem:v62+s23+$0x0] =	vst.idx.msk $0xffff, v46  }
0x6ee: {  	v37 =	vor.u32 $0x30D, v3;
	v52 =	vbroadcast v36, $0xF;
	[tilespmem:v63+s23+$0x0] =	vst.idx.msk $0xffff, v50  }
0x6ef: {  	v56 =	vor.u32 $0x30E, v3;
	[tilespmem:v6+s23+$0x0] =	vst.idx.msk $0xffff, v53  }
0x6f0: {  	vm4 =	vge.f32 v40, v52;
	[tilespmem:v7+s23+$0x0] =	vst.idx.msk $0xffff, v54  }
0x6f1: {  	v57 =	vnsel vm4, $0x80000040, v26;
	vm4 =	vge.f32 v39, v52;
	[tilespmem:v34+s23+$0x0] =	vst.idx.msk $0xffff, v47  }
0x6f2: {  	v58 =	vnsel vm4, $0x80000040, v25;
	vm4 =	vge.f32 v41, v52;
	(xrf0) =	vmin.scan.msk.u32 $0xffff, v57;
	[tilespmem:v35+s23+$0x0] =	vst.idx.msk $0xffff, v55  }
0x6f3: {  	v59 =	vnsel vm4, $0x80000040, v27;
	vm4 =	vge.f32 v38, v52;
	(xrf0) =	vmin.scan.msk.u32 $0xffff, v58;
	[tilespmem:v37+s23+$0x0] =	vst.idx.msk $0xffff, v49  }
0x6f4: {  	v1 =	vimm.f32 $-1.000000000e+00;
	v60 =	vnsel vm4, $0x80000040, v23;
	(xrf0) =	vmin.scan.msk.u32 $0xffff, v59;
	[tilespmem:v56+s23+$0x0] =	vst.idx.msk $0xffff, v51  }
0x6f5: {  	(xrf0) =	vmin.scan.msk.u32 $0xffff, v60;
	[tilespmem:$0x14200] =	vst v1  }
0x6f6: {  	[tilespmem:$0x14210] =	vst v1  }
0x6f7: {  	[tilespmem:$0x14220] =	vst v1  }
0x6f8: {  	(v2sf) =	vpush v36, $0xF;
	[tilespmem:$0x14230] =	vst v1;
	v61, _, _ =	vpop (xrf0)  }
0x6f9: {  	[tilespmem:$0x14240] =	vst v1;
	v43, _, _ =	vpop (xrf0);
	(v2sf) =	vpush v61, $0xF  }
0x6fa: {  	[tilespmem:$0x14250] =	vst v1;
	(v2sf) =	vpush v43, $0xF;
	v62, _, _ =	vpop (xrf0)  }
0x6fb: {  	[tilespmem:$0x14260] =	vst v1;
	v63, _, _ =	vpop (xrf0);
	(v2sf) =	vpush v62, $0xF  }
0x6fc: {  	[tilespmem:$0x14270] =	vst v1;
	(v2sf) =	vpush v63, $0xF  }
0x6fd: {  	[tilespmem:$0x14280] =	vst v1  }
0x6fe: {  	[tilespmem:$0x14290] =	vst v1  }
0x6ff: {  	[tilespmem:$0x142A0] =	vst v1  }
0x700: {  	[tilespmem:$0x142B0] =	vst v1  }
0x701: {  	[tilespmem:$0x142C0] =	vst v1  }
0x702: {  	[tilespmem:$0x142D0] =	vst v1  }
0x703: {  	[tilespmem:$0x142E0] =	vst v1  }
0x704: {  	[tilespmem:$0x142F0] =	vst v1  }
0x705: {  	[tilespmem:$0x14300] =	vst v1  }
0x706: {  	[tilespmem:$0x14310] =	vst v1  }
0x707: {  	[tilespmem:$0x14320] =	vst v1;
	s24 =	spop (v2sf)  }
0x708: {  	[tilespmem:$0x14330] =	vst v1;
	s25 =	spop (v2sf)  }
0x709: {  	[tilespmem:$0x14340] =	vst v1;
	s26 =	spop (v2sf)  }
0x70a: {  	[tilespmem:$0x14350] =	vst v1;
	s28 =	spop (v2sf)  }
0x70b: {  	[tilespmem:$0x14360] =	vst v1;
	s1 =	sxor.u32 $0x80000000, s25;
	s29 =	spop (v2sf)  }
0x70c: {  	[tilespmem:$0x14370] =	vst v1;
	s4 =	sxor.u32 $0x80000000, s26;
	s6 =	sxor.u32 $0x80000000, s28;
	s7 =	sxor.u32 $0x80000000, s29  }
0x70d: {  	[tilespmem:$0x14380] =	vst v1;
	p0 =	slt.s32 s1, s6;
	p1 =	slt.s32 s7, s4  }
0x70e: {  	[tilespmem:$0x14390] =	vst v1;
	s6 =	smov.u32 @p0 s1;
	s4 =	smov.u32 @p1 s7  }
0x70f: {  	[tilespmem:$0x143A0] =	vst v1;
	p0 =	slt.s32 s4, s6  }
0x710: {  	[tilespmem:$0x143B0] =	vst v1;
	s6 =	smov.u32 @p0 s4  }
0x711: {  	[tilespmem:$0x143C0] =	vst v1;
	v44 =	vld [tilespmem:$0x14470];
	s30 =	sshll.u32 s6, $0x6  }
0x712: {  	[tilespmem:$0x143D0] =	vst v1;
	v46 =	vld [tilespmem:$0x14530];
	s1 =	sshra.s32 s30, $0x2  }
0x713: {  	v45 =	vld [tilespmem:s1+$0x13E00]  }
0x714: {  	v48 =	vld [tilespmem:$0x14430]  }
0x715: {  	v47 =	vld [tilespmem:$0x145A0]  }
0x716: {  	v49 =	vld [tilespmem:$0x144A0]  }
0x717: {  	v51 =	vld [tilespmem:$0x14540]  }
0x718: {  	v53 =	vld [tilespmem:$0x14420];
	v6 =	vsel vm9, $0xFF800000, v45  }
0x719: {  	v52 =	vld [tilespmem:$0x14590];
	v7 =	vsel vm14, $0xFF800000, v45;
	(xrf0) =	vmax.scan.msk.f32 $0xffff, v6  }
0x71a: {  	v37 =	vld [tilespmem:$0x14410];
	v34 =	vsel vm11, $0xFF800000, v45;
	(xrf0) =	vmax.scan.msk.f32 $0xffff, v7  }
0x71b: {  	v57 =	vld [tilespmem:$0x14580];
	v35 =	vsel vm10, $0xFF800000, v45;
	(xrf0) =	vmax.scan.msk.f32 $0xffff, v34  }
0x71c: {  	v29 =	vld [tilespmem:$0x14440];
	v36 =	vsel vm12, $0xFF800000, v45;
	(xrf0) =	vmax.scan.msk.f32 $0xffff, v35  }
0x71d: {  	v24 =	vld [tilespmem:$0x14400];
	p0 =	sgt.f32 s24, $-Inf;
	v6 =	vsel vm13, $0xFF800000, v45;
	(xrf0) =	vmax.scan.msk.f32 $0xffff, v36  }
0x71e: {  	s31 =	simm.s32 $0x0;
	vm4 =	vmmov vm0;
	v4 =	vld [tilespmem:$0x14490];
	(xrf0) =	vmax.scan.msk.f32 $0xffff, v6  }
0x71f: {  	v43 =	vld [tilespmem:$0x145B0];
	v62 =	vadd.s32 s31, v0;
	vm4 =	vmneg @p0 vm4;
	v34, _, _ =	vpop (xrf0)  }
0x720: {  	v42 =	vmov s6;
	vm4 =	vmand vm4, vm8;
	v7 =	vld [tilespmem:$0x14480];
	v58 =	vbroadcast v34, $0xF;
	v35, _, _ =	vpop (xrf0)  }
0x721: {  	v63 =	vld [tilespmem:$0x14500];
	v59 =	vnsel vm4, $0xBF800000, v45;
	v45 =	vsel vm15, $0xFF800000, v45;
	v61 =	vbroadcast v35, $0xF;
	v28, _, _ =	vpop (xrf0)  }
0x722: {  	(xrf0) =	vmax.scan.msk.f32 $0xffff, v45;
	v34 =	vld [tilespmem:$0x14450];
	v28 =	vbroadcast v28, $0xF;
	v54 =	vmax.f32 v58, v37;
	v53 =	vmax.f32 v58, v53;
	v30, _, _ =	vpop (xrf0)  }
0x723: {  	v60 =	vld [tilespmem:$0x14510];
	v24 =	vmax.f32 v58, v24;
	v30 =	vbroadcast v30, $0xF;
	v45 =	vmin.f32 v61, v57;
	v36, _, _ =	vpop (xrf0)  }
0x724: {  	v1 =	vld [tilespmem:$0x14520];
	v57 =	vmin.f32 v61, v47;
	v47 =	vmin.f32 v61, v43;
	v2 =	vbroadcast v36, $0xF;
	v37, _, _ =	vpop (xrf0)  }
0x725: {  	v55 =	vld [tilespmem:$0x14550];
	v56 =	vmax.f32 v28, v7;
	v4 =	vmax.f32 v28, v4;
	v43 =	vbroadcast v37, $0xF  }
0x726: {  	v50 =	vld [tilespmem:$0x14560];
	v45 =	vsub.f32 v45, v56;
	v56 =	vmax.f32 v28, v49;
	v44 =	vmax.f32 v30, v44  }
0x727: {  	v29 =	vmax.f32 v30, v29;
	v34 =	vmax.f32 v30, v34;
	v35 =	vmin.f32 v2, v63  }
0x728: {  	v36 =	vld [tilespmem:$0x14460];
	v5, _, _ =	vpop (xrf0);
	v60 =	vmin.f32 v2, v60;
	v63 =	vmax.f32 v58, v48;
	v58 =	vmin.f32 v2, v46  }
0x729: {  	v49 =	vbroadcast v5, $0xF;
	v5 =	vmin.f32 v61, v52;
	v1 =	vmin.f32 v2, v1  }
0x72a: {  	v37 =	vld [tilespmem:$0x14600];
	v51 =	vmin.f32 v43, v51;
	v55 =	vmin.f32 v43, v55;
	v24 =	vsub.f32 v35, v24  }
0x72b: {  	v6 =	vmin.f32 v43, v50;
	v60 =	vsub.f32 v60, v54;
	v4 =	vsub.f32 v5, v4  }
0x72c: {  	v2 =	vld [tilespmem:$0x14610];
	v45 =	vmax.f32 v45, $0.0e+00;
	v1 =	vsub.f32 v1, v53;
	v34 =	vsub.f32 v55, v34  }
0x72d: {  	v29 =	vsub.f32 v51, v29;
	v24 =	vmax.f32 v24, $0.0e+00;
	v5 =	vmax.f32 v30, v36;
	v30 =	vld [tilespmem:$0x14570]  }
0x72e: {  	v61 =	vmax.f32 v60, $0.0e+00;
	v36 =	vld [tilespmem:$0x14620];
	v4 =	vmax.f32 v4, $0.0e+00;
	v60 =	vsub.f32 v57, v56  }
0x72f: {  	v50 =	vadd.f32 v37, v49;
	v34 =	vmax.f32 v34, $0.0e+00;
	v37 =	vld [tilespmem:$0x144B0];
	v5 =	vsub.f32 v6, v5  }
0x730: {  	v1 =	vmax.f32 v1, $0.0e+00;
	v29 =	vmax.f32 v29, $0.0e+00;
	v34 =	vmul.f32 v34, v61  }
0x731: {  	v24 =	vmul.f32 v29, v24;
	v2 =	vadd.f32 v2, v49;
	v5 =	vmax.f32 v5, $0.0e+00  }
0x732: {  	v48 =	vmul.f32 v4, v34;
	v4 =	vmax.f32 v60, $0.0e+00;
	v1 =	vmul.f32 v5, v1  }
0x733: {  	v5 =	vsub.f32 v58, v63;
	v45 =	vmul.f32 v45, v24;
	v61 =	vmin.f32 v43, v30;
	v43 =	vld [tilespmem:$0x14630]  }
0x734: {  	v46 =	vadd.f32 v36, v49;
	v52 =	vsub.f32 v61, v44;
	v53 =	vmax.f32 v28, v37  }
0x735: {  	s24 =	simm.s32 $0x8;
	[tilespmem:v62+s22+$0x0] =	vst.idx.msk $0xff, v59;
	v51 =	vsub.f32 v2, v48;
	v44 =	vmul.f32 v4, v1;
	v54 =	vmax.f32 v5, $0.0e+00  }
.LBB2_61:
0x736: {  	p1 =	sne.s32 s24, $0x98;
	v1 =	vmax.f32 v52, $0.0e+00;
	v2 =	vsub.f32 v47, v53;
	s25 =	smov.u32 s24;
	s24 =	sadd.s32 $0x8, s24  }
0x737: {  	v4 =	vadd.f32 $9.999999930e-09, v51;
	v5 =	vsub.f32 v46, v44;
	v1 =	vmul.f32 v1, v54  }
0x738: {  	v6 =	vadd.f32 v43, v49;
	v2 =	vmax.f32 v2, $0.0e+00  }
0x739: {  	v24 =	vsub.f32 v50, v45;
	v5 =	vadd.f32 $9.999999930e-09, v5;
	v1 =	vmul.f32 v2, v1  }
0x73a: {  	(erf) = vrcp.f32 v4  }
0x73b: {  	v2 =	vadd.f32 $9.999999930e-09, v24;
	v4 =	vsub.f32 v6, v1;
	(erf) = vrcp.f32 v5;
	_ =	sdelay $0x1  }
0x73c: {  	v4 =	vadd.f32 $9.999999930e-09, v4;
	(erf) = vrcp.f32 v2;
	_ =	sdelay $0x1  }
0x73d: {  	(erf) = vrcp.f32 v4;
	_ =	sdelay $0x3  }
0x73e: {  	v2 =	vpop (erf)  }
0x73f: {  	v5 =	vmul.f32 v2, v48;
	v4 =	vpop (erf)  }
0x740: {  	v6 =	vmul.f32 v4, v44  }
0x741: {  	vm5 =	veq.s32 v42, v31;
	vm6 =	veq.s32 v42, v32;
	vm4 =	vgt.f32 v5, $5.000000070e-02;
	v2 =	vpop (erf)  }
0x742: {  	vm3 =	vmmov vm0;
	v2 =	vmul.f32 v2, v45;
	vm4 =	vmor vm5, vm4  }
0x743: {  	vm7 =	veq.s32 v42, v0;
	vm5 =	vgt.f32 v6, $5.000000070e-02;
	vm3 =	vmmov @p0 vm4  }
0x744: {  	vm4 =	vmor vm6, vm5;
	v4 =	vpop (erf);
	vm5 =	vgt.f32 v2, $5.000000070e-02;
	v39 =	vsel vm3, $0xFF800000, v39  }
0x745: {  	v1 =	vmul.f32 v4, v1;
	vm3 =	vmor vm7, vm5;
	vm5 =	vmmov vm0  }
0x746: {  	vm6 =	vmmov vm0;
	vm5 =	vmmov @p0 vm4;
	vm4 =	veq.s32 v42, v33  }
0x747: {  	vm6 =	vmmov @p0 vm3;
	vm3 =	vgt.f32 v1, $5.000000070e-02;
	v40 =	vsel vm5, $0xFF800000, v40  }
0x748: {  	v38 =	vsel vm6, $0xFF800000, v38;
	vm3 =	vmor vm4, vm3;
	vm4 =	vmmov vm0  }
0x749: {  	v1 =	vmax.f32 v38, v39;
	vm4 =	vmmov @p0 vm3  }
0x74a: {  	v41 =	vsel vm4, $0xFF800000, v41  }
0x74b: {  	v2 =	vmax.f32 v40, v41  }
0x74c: {  	v1 =	vmax.f32 v1, v2  }
0x74d: {  	(xrf0) =	vmax.scan.msk.f32 $0xffff, v1;
	_ =	sdelay $0x5  }
0x74e: {  	v1, _, _ =	vpop (xrf0)  }
0x74f: {  	v2 =	vbroadcast v1, $0xF;
	(v2sf) =	vpush v1, $0xF;
	_ =	sdelay $0x1  }
0x750: {  	vm3 =	vge.f32 v39, v2;
	vm4 =	vge.f32 v40, v2;
	vm5 =	vge.f32 v41, v2  }
0x751: {  	v1 =	vnsel vm3, $0x80000040, v25;
	v4 =	vnsel vm4, $0x80000040, v26;
	v5 =	vnsel vm5, $0x80000040, v27  }
0x752: {  	vm3 =	vge.f32 v38, v2;
	(xrf0) =	vmin.scan.msk.u32 $0xffff, v4  }
0x753: {  	v2 =	vnsel vm3, $0x80000040, v23;
	(xrf0) =	vmin.scan.msk.u32 $0xffff, v1  }
0x754: {  	(xrf0) =	vmin.scan.msk.u32 $0xffff, v5  }
0x755: {  	(xrf0) =	vmin.scan.msk.u32 $0xffff, v2;
	_ =	sdelay $0x2  }
0x756: {  	v1, _, _ =	vpop (xrf0)  }
0x757: {  	v2, _, _ =	vpop (xrf0);
	(v2sf) =	vpush v1, $0xF  }
0x758: {  	(v2sf) =	vpush v2, $0xF;
	v1, _, _ =	vpop (xrf0)  }
0x759: {  	v2, _, _ =	vpop (xrf0);
	(v2sf) =	vpush v1, $0xF  }
0x75a: {  	(v2sf) =	vpush v2, $0xF  }
0x75b: {  	s0 =	spop (v2sf)  }
0x75c: {  	p0 =	sgt.f32 s0, $-Inf;
	v43 =	vld [tilespmem:$0x14630]  }
0x75d: {  	vm4 =	vmmov vm0;
	v1 =	vld [tilespmem:$0x145B0]  }
0x75e: {  	vm4 =	vmneg @p0 vm4;
	v44 =	vld [tilespmem:$0x144B0]  }
0x75f: {  	v45 =	vld [tilespmem:$0x14570]  }
0x760: {  	v2 =	vld [tilespmem:$0x14470]  }
0x761: {  	v4 =	vld [tilespmem:$0x14530]  }
0x762: {  	v5 =	vld [tilespmem:$0x14430]  }
0x763: {  	v46 =	vld [tilespmem:$0x14620]  }
0x764: {  	v6 =	vld [tilespmem:$0x145A0]  }
0x765: {  	v24 =	vld [tilespmem:$0x144A0]  }
0x766: {  	v28 =	vld [tilespmem:$0x14560];
	s0 =	spop (v2sf)  }
0x767: {  	v29 =	vld [tilespmem:$0x14460];
	s1 =	spop (v2sf)  }
0x768: {  	v30 =	vld [tilespmem:$0x14520];
	s4 =	spop (v2sf)  }
0x769: {  	s0 =	sxor.u32 $0x80000000, s0;
	s4 =	sxor.u32 $0x80000000, s4;
	v34 =	vld [tilespmem:$0x14540];
	s6 =	spop (v2sf)  }
0x76a: {  	s1 =	sxor.u32 $0x80000000, s1;
	s6 =	sxor.u32 $0x80000000, s6;
	p2 =	slt.s32 s0, s4;
	v47 =	vld [tilespmem:$0x14420]  }
0x76b: {  	p3 =	slt.s32 s6, s1;
	v48 =	vld [tilespmem:$0x14610]  }
0x76c: {  	s4 =	smov.u32 @p2 s0;
	s1 =	smov.u32 @p3 s6;
	v50 =	vld [tilespmem:$0x14590]  }
0x76d: {  	p2 =	slt.s32 s1, s4;
	v51 =	vld [tilespmem:$0x14490]  }
0x76e: {  	s4 =	smov.u32 @p2 s1;
	v49 =	vld [tilespmem:$0x14550]  }
0x76f: {  	s0 =	sshll.u32 s4, $0x6;
	v42 =	vmov s4;
	v52 =	vld [tilespmem:$0x14450]  }
0x770: {  	s0 =	sshra.s32 s0, $0x2;
	v53 =	vld [tilespmem:$0x14440]  }
0x771: {  	v54 =	vld [tilespmem:s0+$0x13E00]  }
0x772: {  	v55 =	vld [tilespmem:$0x14510]  }
0x773: {  	v56 =	vld [tilespmem:$0x14410]  }
0x774: {  	v58 =	vadd.s32 s25, v0;
	v57 =	vld [tilespmem:$0x14600]  }
0x775: {  	vm3 =	vmand vm4, vm8;
	v59 =	vld [tilespmem:$0x14400]  }
0x776: {  	v60 =	vsel vm9, $0xFF800000, v54;
	v61 =	vsel vm10, $0xFF800000, v54;
	v62 =	vsel vm11, $0xFF800000, v54;
	v63 =	vld [tilespmem:$0x14580]  }
0x777: {  	v37 =	vsel vm13, $0xFF800000, v54;
	v35 =	vsel vm14, $0xFF800000, v54;
	v36 =	vsel vm15, $0xFF800000, v54;
	v7 =	vld [tilespmem:$0x14480];
	(xrf0) =	vmax.scan.msk.f32 $0xffff, v60  }
0x778: {  	v8 =	vnsel vm3, $0xBF800000, v54;
	v60 =	vld [tilespmem:$0x14500];
	(xrf0) =	vmax.scan.msk.f32 $0xffff, v35  }
0x779: {  	[tilespmem:v58+s22+$0x0] =	vst.idx.msk $0xff, v8;
	(xrf0) =	vmax.scan.msk.f32 $0xffff, v62  }
0x77a: {  	v8 =	vsel vm12, $0xFF800000, v54;
	(xrf0) =	vmax.scan.msk.f32 $0xffff, v61  }
0x77b: {  	(xrf0) =	vmax.scan.msk.f32 $0xffff, v8  }
0x77c: {  	(xrf0) =	vmax.scan.msk.f32 $0xffff, v37  }
0x77d: {  	v8, _, _ =	vpop (xrf0);
	(xrf0) =	vmax.scan.msk.f32 $0xffff, v36  }
0x77e: {  	v8 =	vbroadcast v8, $0xF;
	v35, _, _ =	vpop (xrf0)  }
0x77f: {  	v35 =	vbroadcast v35, $0xF;
	v36, _, _ =	vpop (xrf0)  }
0x780: {  	v36 =	vbroadcast v36, $0xF;
	v37 =	vmax.f32 v8, v56;
	v54 =	vmax.f32 v8, v47;
	v47, _, _ =	vpop (xrf0)  }
0x781: {  	v56 =	vbroadcast v47, $0xF;
	v62 =	vmin.f32 v35, v63;
	v6 =	vmin.f32 v35, v6;
	v47, _, _ =	vpop (xrf0)  }
0x782: {  	v61 =	vbroadcast v47, $0xF;
	v7 =	vmax.f32 v36, v7;
	v47 =	vmin.f32 v35, v1;
	v1, _, _ =	vpop (xrf0)  }
0x783: {  	v24 =	vmax.f32 v36, v24;
	v1 =	vbroadcast v1, $0xF;
	v7 =	vsub.f32 v62, v7;
	v58, _, _ =	vpop (xrf0)  }
0x784: {  	v5 =	vmax.f32 v8, v5;
	v60 =	vmin.f32 v61, v60;
	v55 =	vmin.f32 v61, v55  }
0x785: {  	v2 =	vmax.f32 v56, v2;
	v34 =	vmin.f32 v1, v34;
	v62 =	vmin.f32 v1, v49  }
0x786: {  	v8 =	vmax.f32 v8, v59;
	v53 =	vmax.f32 v56, v53;
	v4 =	vmin.f32 v61, v4  }
0x787: {  	v52 =	vmax.f32 v56, v52;
	v8 =	vsub.f32 v60, v8;
	v28 =	vmin.f32 v1, v28  }
0x788: {  	v35 =	vmin.f32 v35, v50;
	v50 =	vmax.f32 v36, v51;
	v49 =	vbroadcast v58, $0xF  }
0x789: {  	v30 =	vmin.f32 v61, v30;
	v37 =	vsub.f32 v55, v37;
	v8 =	vmax.f32 v8, $0.0e+00  }
0x78a: {  	v35 =	vsub.f32 v35, v50;
	v29 =	vmax.f32 v56, v29;
	v51 =	vsub.f32 v62, v52  }
0x78b: {  	v7 =	vmax.f32 v7, $0.0e+00;
	v30 =	vsub.f32 v30, v54;
	v37 =	vmax.f32 v37, $0.0e+00  }
0x78c: {  	v34 =	vsub.f32 v34, v53;
	v50 =	vadd.f32 v57, v49;
	v51 =	vmax.f32 v51, $0.0e+00  }
0x78d: {  	v6 =	vsub.f32 v6, v24;
	v35 =	vmax.f32 v35, $0.0e+00;
	v28 =	vsub.f32 v28, v29  }
0x78e: {  	v30 =	vmax.f32 v30, $0.0e+00;
	v24 =	vmax.f32 v34, $0.0e+00;
	v29 =	vmul.f32 v51, v37  }
.Ltmp30:
0x78f: {  	v28 =	vmax.f32 v28, $0.0e+00;
	v8 =	vmul.f32 v24, v8;
	v24 =	vadd.f32 v48, v49;
	(pc) =	sbr.rel @p1 .LBB2_61-.Ltmp30, $4  }
0x790: {  	v6 =	vmax.f32 v6, $0.0e+00;
	v1 =	vmin.f32 v1, v45;
	v48 =	vmul.f32 v35, v29  }
0x791: {  	v4 =	vsub.f32 v4, v5;
	v46 =	vadd.f32 v46, v49;
	v28 =	vmul.f32 v28, v30  }
0x792: {  	v52 =	vsub.f32 v1, v2;
	v53 =	vmax.f32 v36, v44;
	v45 =	vmul.f32 v7, v8  }
0x793: {  	v54 =	vmax.f32 v4, $0.0e+00;
	v44 =	vmul.f32 v6, v28;
	v51 =	vsub.f32 v24, v48  }
0x794: {  	v1 =	vmax.f32 v52, $0.0e+00;
	v2 =	vsub.f32 v47, v53  }
0x795: {  	v1 =	vmul.f32 v1, v54  }
0x796: {  	v2 =	vmax.f32 v2, $0.0e+00  }
0x797: {  	v5 =	vadd.f32 v43, v49;
	v4 =	vsub.f32 v46, v44;
	v1 =	vmul.f32 v2, v1  }
0x798: {  	v6 =	vsub.f32 v50, v45;
	v2 =	vadd.f32 $9.999999930e-09, v51  }
0x799: {  	v4 =	vadd.f32 $9.999999930e-09, v4;
	v1 =	vsub.f32 v5, v1  }
0x79a: {  	(erf) = vrcp.f32 v2;
	v2 =	vadd.f32 $9.999999930e-09, v6  }
0x79b: {  	(erf) = vrcp.f32 v4;
	v1 =	vadd.f32 $9.999999930e-09, v1  }
0x79c: {  	(erf) = vrcp.f32 v2  }
0x79d: {  	(erf) = vrcp.f32 v1;
	_ =	sdelay $0x5  }
0x79e: {  	v1 =	vpop (erf)  }
0x79f: {  	s0 =	rddreg [dreg:$0x5];
	v1 =	vpop (erf)  }
0x7a0: {  	s4 =	simm.s32 $0x80;
	s1 =	simm.s32 $0x400;
	s6 =	simm.s32 $0x2;
	v1 =	vpop (erf)  }
0x7a1: {  	[hbm4b:s0+s4] =	stream.strided.scatter [tilespmem:s22], [sflag:$0x2], $0x200, s1, s4, $0x38;
	v1 =	vpop (erf);
	[tilespmem:$0x14680] =	vst v63  }
0x7a2: {  	_ =	swait.ge [sflag:s6], $0x200  }
0x7a3: {  	s7 =	rddreg [dreg:$0x8]  }
0x7a4: {  	s31 =	rddreg [dreg:$0x7];
	s7 =	sadd.s32 $0x1, s7  }
0x7a5: {  	p0 =	sne.s32 s7, s31  }
.Ltmp31:
0x7a6: {  	v4 =	vld [tilespmem:$0x1FFC0];
	(pc) =	sbr.rel @p0 .LBB2_2-.Ltmp31, $4  }
0x7a7: {  	_ = 	snop  }
0x7a8: {  	v5 =	vld [tilespmem:$0x1FFD0]  }
0x7a9: {  	[sflag:s6] =	ssyncset.done $0x0;
	v7 =	vld [tilespmem:$0x1FFE0]  }
0x7aa: {  	v6 =	vimm.f32 $1.000000000e+00;
	v2 =	vimm.s32 $0x0;
	v8 =	vld [tilespmem:$0x1FFF0];
	[sflag:s6] =	ssyncadd.s32 $0xFFFFFE00  }
.LBB2_63:
0x7ab: {  	_ =	sfence.sel $0x180000  }
0x7ac: {  	[bflag:$0x0] =	sbarrier.arrive $0xFFFF  }
0x7ad: {  	_ =	strace $0x90000047  }
0x7ae: {  	s0 =	stileid.u32;
	[bflag:$0x2] =	sbarrier.arrive $0xFFFF  }
0x7af: {  	p0 =	sne.s32 s0, $0x0;
	s0 =	rddreg [dreg:$0x3]  }
0x7b0: {  	s0 =	sadd.s32 @!p0 $0x100000, s0  }
0x7b1: {  	[sflag:s0] =	ssyncadd.tile.s32 @!p0 $0x1;
	_ =	shalt  }
.Lfunc_end2:
_tile_overlayer_lowered:
.L_overlay_start_2:
0x7b2: {  	(tag) =	ssettag $0x2  }
0x7b3: {  	s0 =	rddreg [dreg:$0x0];
	s2 =	stileid.u32  }
0x7b4: {  	s1 =	rddreg [dreg:$0x1];
	p0 =	sne.s32 s2, $0x0  }
0x7b5: {  	s3 =	rddreg [dreg:$0x2];
	[bflag:$0x3] =	sbarrier.arrive $0xFFFF;
	s2 =	simm.s32 @!p0 $0x1C02  }
0x7b6: {  	[timem:s3], [sflag:s2] =	dma.local @!p0 [hbm:s0], s1  }
0x7b7: {  	s0 =	simm.s32 @!p0 $0x2  }
0x7b8: {  	_ =	swait.ge @!p0 [sflag:s0], s1  }
0x7b9: {  	s1 =	ssub.s32 @!p0 $0x0, s1;
	[sflag:s0] =	ssyncset.done @!p0 $0x0  }
0x7ba: {  	[sflag:s0] =	ssyncadd.s32 @!p0 s1  }
0x7bb: {  	[bflag:$0x3] =	sbarrier.arrive $0xFFFF  }
0x7bc: {  	_ =	shalt  }

</sc_bundles>
